<compile_context>
chip_gen: v7x
topology: tpu7x:2x2x1
jax: 0.10.2.dev20260603
libtpu: 0.0.44.dev20260713+nightly
codegen_flags: <defaults>
</compile_context>

<pallas_src>
import jax
import jax.numpy as jnp
import numpy as np
from jax import lax
from jax.experimental import pallas as pl
from jax.experimental.pallas import tpu as pltpu
from jax.experimental.pallas import tpu_sc as plsc

NUM_ADAPTERS = 16
RANK = 16
D_IN = 1024
D_OUT = 1024
TOPK = 4
TOKEN_TILE = 1024
LANES = 16
TOK_PER_W = 64
W_PER_TILE = TOKEN_TILE // TOK_PER_W


def _vn_kernel(x_ref, a2_ref, s_ref, v_ref, n2t_ref):
    xb = x_ref[:].astype(jnp.bfloat16)
    ab = a2_ref[:].astype(jnp.bfloat16)
    V = lax.dot_general(xb, ab, dimension_numbers=(((1,), (1,)), ((), ())),
                        preferred_element_type=jnp.float32)
    v_ref[:] = V.astype(jnp.bfloat16)
    VV = V * V
    for w in range(W_PER_TILE):
        n2t_ref[w] = lax.dot_general(
            s_ref[:], VV[w * TOK_PER_W:(w + 1) * TOK_PER_W, :],
            dimension_numbers=(((0,), (1,)), ((), ())),
            preferred_element_type=jnp.float32)


def _max_tree(vs):
    while len(vs) > 1:
        vs = [jnp.maximum(vs[i], vs[i + 1]) for i in range(0, len(vs) - 1, 2)] \
            + ([vs[-1]] if len(vs) % 2 else [])
    return vs[0]


def _sc_routes(n2t_hbm, routes_hbm, n2_v, r_v):
    c = lax.axis_index("c")
    s = lax.axis_index("s")
    wid = s * 2 + c
    pltpu.sync_copy(n2t_hbm.at[wid], n2_v)
    for g in range(TOK_PER_W // LANES):
        sl = pl.ds(g * LANES, LANES)
        keys = []
        for a in range(NUM_ADAPTERS):
            row = n2_v[a, sl]
            k = (lax.bitcast_convert_type(row, jnp.int32) & -16) | (15 - a)
            keys.append(k)
        cur = keys
        for _ in range(TOPK - 1):
            m = _max_tree(cur)
            cur = [jnp.where(k == m, -1, k) for k in cur]
        thr = _max_tree(cur)
        for a in range(NUM_ADAPTERS):
            r_v[a, sl] = jnp.where(keys[a] >= thr, 1.0 / TOPK, 0.0)
    pltpu.sync_copy(r_v, routes_hbm.at[wid])


def _out_kernel(x_ref, w_ref, bft_ref, bias_ref, v_ref, rt_ref, st_ref,
                t_ref, t2_ref, out_ref):
    xb = x_ref[:].astype(jnp.bfloat16)
    V = v_ref[:]
    M = jnp.concatenate(
        [lax.dot_general(rt_ref[w], st_ref[:],
                         dimension_numbers=(((0,), (0,)), ((), ())),
                         preferred_element_type=jnp.float32)
         for w in range(W_PER_TILE)], axis=0).astype(jnp.bfloat16)
    vs = jnp.dot(M * V, t_ref[:], preferred_element_type=jnp.float32)
    U = M * jnp.dot(vs.astype(jnp.bfloat16), t2_ref[:],
                    preferred_element_type=jnp.float32).astype(jnp.bfloat16)
    wb = w_ref[:].astype(jnp.bfloat16)
    acc = lax.dot_general(xb, wb, dimension_numbers=(((1,), (1,)), ((), ())),
                          preferred_element_type=jnp.float32)
    acc = acc + jnp.dot(U, bft_ref[:].astype(jnp.bfloat16),
                        preferred_element_type=jnp.float32)
    out_ref[:] = acc + bias_ref[:]


@jax.jit
def kernel(x, A, B, W, bias):
    b, s, _ = x.shape
    tokens = b * s
    n_workers = tokens // TOK_PER_W
    x2d = x.reshape(tokens, D_IN)
    a2 = A.reshape(NUM_ADAPTERS * RANK, D_IN)
    bft = B.transpose(0, 2, 1).reshape(NUM_ADAPTERS * RANK, D_OUT)
    bias2d = bias.reshape(1, D_OUT)

    blk = np.zeros((NUM_ADAPTERS * RANK, NUM_ADAPTERS), dtype=np.float32)
    blk[np.arange(NUM_ADAPTERS * RANK), np.arange(NUM_ADAPTERS * RANK) // RANK] = 1.0
    rnk = np.zeros((NUM_ADAPTERS * RANK, RANK), dtype=np.float32)
    rnk[np.arange(NUM_ADAPTERS * RANK), np.arange(NUM_ADAPTERS * RANK) % RANK] = 1.0
    S = jnp.asarray(blk)
    St = jnp.asarray(blk.T)
    T = jnp.asarray(rnk, dtype=jnp.bfloat16)
    T2 = jnp.asarray(rnk.T, dtype=jnp.bfloat16)

    n_tiles = tokens // TOKEN_TILE
    const = lambda i: (0, 0)

    V, n2t = pl.pallas_call(
        _vn_kernel,
        grid=(n_tiles,),
        in_specs=[
            pl.BlockSpec((TOKEN_TILE, D_IN), lambda i: (i, 0)),
            pl.BlockSpec((NUM_ADAPTERS * RANK, D_IN), const),
            pl.BlockSpec((NUM_ADAPTERS * RANK, NUM_ADAPTERS), const),
        ],
        out_specs=[
            pl.BlockSpec((TOKEN_TILE, NUM_ADAPTERS * RANK), lambda i: (i, 0)),
            pl.BlockSpec((W_PER_TILE, NUM_ADAPTERS, TOK_PER_W),
                         lambda i: (i, 0, 0)),
        ],
        out_shape=[
            jax.ShapeDtypeStruct((tokens, NUM_ADAPTERS * RANK), jnp.bfloat16),
            jax.ShapeDtypeStruct((n_workers, NUM_ADAPTERS, TOK_PER_W),
                                 jnp.float32),
        ],
    )(x2d, a2, S)

    routes_t = pl.kernel(
        _sc_routes,
        out_type=jax.ShapeDtypeStruct((n_workers, NUM_ADAPTERS, TOK_PER_W),
                                      jnp.float32),
        mesh=plsc.VectorSubcoreMesh(core_axis_name="c", subcore_axis_name="s",
                                    num_cores=2, num_subcores=16),
        scratch_types=[
            pltpu.VMEM((NUM_ADAPTERS, TOK_PER_W), jnp.float32),
            pltpu.VMEM((NUM_ADAPTERS, TOK_PER_W), jnp.float32),
        ],
    )(n2t)

    out = pl.pallas_call(
        _out_kernel,
        grid=(n_tiles,),
        in_specs=[
            pl.BlockSpec((TOKEN_TILE, D_IN), lambda i: (i, 0)),
            pl.BlockSpec((D_OUT, D_IN), const),
            pl.BlockSpec((NUM_ADAPTERS * RANK, D_OUT), const),
            pl.BlockSpec((1, D_OUT), const),
            pl.BlockSpec((TOKEN_TILE, NUM_ADAPTERS * RANK), lambda i: (i, 0)),
            pl.BlockSpec((W_PER_TILE, NUM_ADAPTERS, TOK_PER_W),
                         lambda i: (i, 0, 0)),
            pl.BlockSpec((NUM_ADAPTERS, NUM_ADAPTERS * RANK), const),
            pl.BlockSpec((NUM_ADAPTERS * RANK, RANK), const),
            pl.BlockSpec((RANK, NUM_ADAPTERS * RANK), const),
        ],
        out_specs=pl.BlockSpec((TOKEN_TILE, D_OUT), lambda i: (i, 0)),
        out_shape=jax.ShapeDtypeStruct((tokens, D_OUT), jnp.float32),
    )(x2d, W, bft, bias2d, V, routes_t, St, T, T2)
    return out.reshape(b, s, D_OUT)

# --- scband reference (transcript-rebuilt; emitter-appended) ---
"""Pipeline reference for scband-route-wrap-72275709657448 (READ-ONLY COPY).

The authoritative reference and input builder live on the scoring server;
editing this copy changes nothing except your own understanding.
"""

import jax, jax.numpy as jnp
import numpy as np

NUM_ADAPTERS = 16
RANK = 16
D_IN = 1024
D_OUT = 1024
TOPK = 4


def setup_inputs(seed: int = 0) -> dict:
    key = jax.random.key(seed)
    k1, k2, k3, k4, k5 = jax.random.split(key, 5)
    x = jax.random.normal(k1, (1, 2048, D_IN), dtype=jnp.float32)
    A = jax.random.normal(k2, (NUM_ADAPTERS, RANK, D_IN), dtype=jnp.float32) * 0.02
    B = jax.random.normal(k3, (NUM_ADAPTERS, D_OUT, RANK), dtype=jnp.float32) * 0.02
    W = jax.random.normal(k4, (D_OUT, D_IN), dtype=jnp.float32) * 0.02
    bias = jax.random.normal(k5, (D_OUT,), dtype=jnp.float32) * 0.02
    return {"x": x, "A": A, "B": B, "W": W, "bias": bias}


def reference(x, A, B, W, bias):
    topk = TOPK
    n_adapters = A.shape[0]
    # vecs = einsum('arh,bsh->absr', A, x)
    vecs = jnp.einsum('arh,bsh->absr', A, x)
    # arrows = ||vecs||_2 over r  -> [a, b, s]
    arrows = jnp.linalg.norm(vecs, axis=-1)
    # top-k over adapter axis (dim 0). lax.top_k works on last axis -> transpose.
    arrows_t = jnp.transpose(arrows, (1, 2, 0))  # [b, s, a]
    _, idx = jax.lax.top_k(arrows_t, topk)  # [b, s, topk]
    # routes.scatter_(0, idx, 1/topk): top-k indices are distinct, so one-hot sum is exact.
    routes_t = jnp.sum(jax.nn.one_hot(idx, n_adapters, dtype=vecs.dtype), axis=-2) / topk  # [b, s, a]
    routes = jnp.transpose(routes_t, (2, 0, 1))  # [a, b, s]
    # vecs = (routes[..., None] * vecs).sum(0)  -> [b, s, r]
    vecs_sel = jnp.sum(routes[..., None] * vecs, axis=0)
    # B_mixed = einsum('abs,ajr->bsjr', routes, B)
    Bmix = jnp.einsum('abs,ajr->bsjr', routes, B)
    # delta = einsum('bsjr,bsr->bsj', B_mixed, vecs)
    delta = jnp.einsum('bsjr,bsr->bsj', Bmix, vecs_sel)
    # base linear: module(x) = x @ W.T + bias
    base = jnp.einsum('bsh,jh->bsj', x, W) + bias
    return base + delta

if __name__ == "__main__":
    import jax
    _d = setup_inputs()
    print(jax.jit(kernel)(*tuple(_d.values())))

</pallas_src>

<mosaic_0001>
#map = affine_map<(d0, d1) -> (0, 0, 0)>
module attributes {stable_mosaic.version = 14 : i64} {
  func.func @_sc_routes(%arg0: i32, %arg1: i32, %arg2: memref<32x16x64xf32, #tpu.memory_space<hbm>>, %arg3: memref<32x16x64xf32, #tpu.memory_space<hbm>>, %arg4: memref<16x64xf32, #tpu.memory_space<vmem>>, %arg5: memref<16x64xf32, #tpu.memory_space<vmem>>) attributes {dimension_semantics = [#tpu.dimension_semantics<core_parallel>, #tpu.dimension_semantics<subcore_parallel>], iteration_bounds = array<i64: 2, 16>, scalar_prefetch = 0 : i64, scratch_operands = 2 : i64, tpu.core_type = #tpu.core_type<sc_vector_subcore>, window_params = [{transform_indices = #map}, {transform_indices = #map}]} {
    %mul3A = arith.constant 2 : i32
    %mul3A_0 = arith.muli %arg1, %mul3A : i32
    %add3A = arith.addi %mul3A_0, %arg0 : i32
    "tpu.region"() ({
      %run_scoped3A = tpu.sem_alloc : memref<!tpu.dma_semaphore, #tpu.memory_space<semaphore_mem>>
      %dma_start3A = arith.constant 0 : i32
      %dma_start3A_2534 = arith.constant 0 : i32
      %dma_start3A_2535 = tpu.memref_slice %arg2[%add3A, %dma_start3A, %dma_start3A_2534] : memref<32x16x64xf32, #tpu.memory_space<hbm>> -> memref<1x16x64xf32, #tpu.memory_space<hbm>>
      %dma_start3A_2536 = tpu.memref_squeeze %dma_start3A_2535 : memref<1x16x64xf32, #tpu.memory_space<hbm>> -> memref<16x64xf32, #tpu.memory_space<hbm>>
      %dma_start3A_2537 = arith.constant 0 : i32
      %dma_start3A_2538 = arith.constant 0 : i32
      %dma_start3A_2539 = tpu.memref_slice %arg2[%add3A, %dma_start3A_2537, %dma_start3A_2538] : memref<32x16x64xf32, #tpu.memory_space<hbm>> -> memref<1x16x64xf32, #tpu.memory_space<hbm>>
      %dma_start3A_2540 = tpu.memref_squeeze %dma_start3A_2539 : memref<1x16x64xf32, #tpu.memory_space<hbm>> -> memref<16x64xf32, #tpu.memory_space<hbm>>
      tpu.enqueue_dma source(%dma_start3A_2540 : memref<16x64xf32, #tpu.memory_space<hbm>>) target(%arg4 : memref<16x64xf32, #tpu.memory_space<vmem>>) target_semaphore(%run_scoped3A : memref<!tpu.dma_semaphore, #tpu.memory_space<semaphore_mem>>)
      %dma_wait3A = arith.constant 0 : i32
      %dma_wait3A_2541 = arith.constant 0 : i32
      %dma_wait3A_2542 = tpu.memref_slice %arg2[%add3A, %dma_wait3A, %dma_wait3A_2541] : memref<32x16x64xf32, #tpu.memory_space<hbm>> -> memref<1x16x64xf32, #tpu.memory_space<hbm>>
      %dma_wait3A_2543 = tpu.memref_squeeze %dma_wait3A_2542 : memref<1x16x64xf32, #tpu.memory_space<hbm>> -> memref<16x64xf32, #tpu.memory_space<hbm>>
      %dma_wait3A_2544 = arith.constant 0 : i32
      %dma_wait3A_2545 = arith.constant 0 : i32
      %dma_wait3A_2546 = tpu.memref_slice %arg2[%add3A, %dma_wait3A_2544, %dma_wait3A_2545] : memref<32x16x64xf32, #tpu.memory_space<hbm>> -> memref<1x16x64xf32, #tpu.memory_space<hbm>>
      %dma_wait3A_2547 = tpu.memref_squeeze %dma_wait3A_2546 : memref<1x16x64xf32, #tpu.memory_space<hbm>> -> memref<16x64xf32, #tpu.memory_space<hbm>>
      tpu.wait_dma2 semaphore(%run_scoped3A : memref<!tpu.dma_semaphore, #tpu.memory_space<semaphore_mem>>) src(%dma_wait3A_2547 : memref<16x64xf32, #tpu.memory_space<hbm>>) dst(%arg4 : memref<16x64xf32, #tpu.memory_space<vmem>>)
      tpu.yield
    }) : () -> ()
    %get3A = arith.constant 0 : i32
    %get3A_1 = arith.index_cast %get3A : i32 to index
    %get3A_2 = arith.constant 0 : index
    %get3A_3 = tpu.vector_load %arg4[%get3A_1, %get3A_2] {strides = array<i32>} : memref<16x64xf32, #tpu.memory_space<vmem>>, vector<1x16xf32>,
    %get3A_4 = vector.shape_cast %get3A_3 : vector<1x16xf32> to vector<16xf32>
    %bitcast_convert_type3A = tpu.bitcast %get3A_4 : vector<16xf32> -> vector<16xi32>
    %and3A = arith.constant -16 : i32
    %and3A_5 = vector.broadcast %and3A : i32 to vector<16xi32>
    %and3A_6 = arith.andi %bitcast_convert_type3A, %and3A_5 : vector<16xi32>
    %or3A = arith.constant 15 : i32
    %or3A_7 = vector.broadcast %or3A : i32 to vector<16xi32>
    %or3A_8 = arith.ori %and3A_6, %or3A_7 : vector<16xi32>
    %get3A_9 = arith.constant 1 : i32
    %get3A_10 = arith.index_cast %get3A_9 : i32 to index
    %get3A_11 = arith.constant 0 : index
    %get3A_12 = tpu.vector_load %arg4[%get3A_10, %get3A_11] {strides = array<i32>} : memref<16x64xf32, #tpu.memory_space<vmem>>, vector<1x16xf32>,
    %get3A_13 = vector.shape_cast %get3A_12 : vector<1x16xf32> to vector<16xf32>
    %bitcast_convert_type3A_14 = tpu.bitcast %get3A_13 : vector<16xf32> -> vector<16xi32>
    %and3A_15 = arith.constant -16 : i32
    %and3A_16 = vector.broadcast %and3A_15 : i32 to vector<16xi32>
    %and3A_17 = arith.andi %bitcast_convert_type3A_14, %and3A_16 : vector<16xi32>
    %or3A_18 = arith.constant 14 : i32
    %or3A_19 = vector.broadcast %or3A_18 : i32 to vector<16xi32>
    %or3A_20 = arith.ori %and3A_17, %or3A_19 : vector<16xi32>
    %get3A_21 = arith.constant 2 : i32
    %get3A_22 = arith.index_cast %get3A_21 : i32 to index
    %get3A_23 = arith.constant 0 : index
    %get3A_24 = tpu.vector_load %arg4[%get3A_22, %get3A_23] {strides = array<i32>} : memref<16x64xf32, #tpu.memory_space<vmem>>, vector<1x16xf32>,
    %get3A_25 = vector.shape_cast %get3A_24 : vector<1x16xf32> to vector<16xf32>
    %bitcast_convert_type3A_26 = tpu.bitcast %get3A_25 : vector<16xf32> -> vector<16xi32>
    %and3A_27 = arith.constant -16 : i32
    %and3A_28 = vector.broadcast %and3A_27 : i32 to vector<16xi32>
    %and3A_29 = arith.andi %bitcast_convert_type3A_26, %and3A_28 : vector<16xi32>
    %or3A_30 = arith.constant 13 : i32
    %or3A_31 = vector.broadcast %or3A_30 : i32 to vector<16xi32>
    %or3A_32 = arith.ori %and3A_29, %or3A_31 : vector<16xi32>
    %get3A_33 = arith.constant 3 : i32
    %get3A_34 = arith.index_cast %get3A_33 : i32 to index
    %get3A_35 = arith.constant 0 : index
    %get3A_36 = tpu.vector_load %arg4[%get3A_34, %get3A_35] {strides = array<i32>} : memref<16x64xf32, #tpu.memory_space<vmem>>, vector<1x16xf32>,
    %get3A_37 = vector.shape_cast %get3A_36 : vector<1x16xf32> to vector<16xf32>
    %bitcast_convert_type3A_38 = tpu.bitcast %get3A_37 : vector<16xf32> -> vector<16xi32>
    %and3A_39 = arith.constant -16 : i32
    %and3A_40 = vector.broadcast %and3A_39 : i32 to vector<16xi32>
    %and3A_41 = arith.andi %bitcast_convert_type3A_38, %and3A_40 : vector<16xi32>
    %or3A_42 = arith.constant 12 : i32
    %or3A_43 = vector.broadcast %or3A_42 : i32 to vector<16xi32>
    %or3A_44 = arith.ori %and3A_41, %or3A_43 : vector<16xi32>
    %get3A_45 = arith.constant 4 : i32
    %get3A_46 = arith.index_cast %get3A_45 : i32 to index
    %get3A_47 = arith.constant 0 : index
    %get3A_48 = tpu.vector_load %arg4[%get3A_46, %get3A_47] {strides = array<i32>} : memref<16x64xf32, #tpu.memory_space<vmem>>, vector<1x16xf32>,
    %get3A_49 = vector.shape_cast %get3A_48 : vector<1x16xf32> to vector<16xf32>
    %bitcast_convert_type3A_50 = tpu.bitcast %get3A_49 : vector<16xf32> -> vector<16xi32>
    %and3A_51 = arith.constant -16 : i32
    %and3A_52 = vector.broadcast %and3A_51 : i32 to vector<16xi32>
    %and3A_53 = arith.andi %bitcast_convert_type3A_50, %and3A_52 : vector<16xi32>
    %or3A_54 = arith.constant 11 : i32
    %or3A_55 = vector.broadcast %or3A_54 : i32 to vector<16xi32>
    %or3A_56 = arith.ori %and3A_53, %or3A_55 : vector<16xi32>
    %get3A_57 = arith.constant 5 : i32
    %get3A_58 = arith.index_cast %get3A_57 : i32 to index
    %get3A_59 = arith.constant 0 : index
    %get3A_60 = tpu.vector_load %arg4[%get3A_58, %get3A_59] {strides = array<i32>} : memref<16x64xf32, #tpu.memory_space<vmem>>, vector<1x16xf32>,
    %get3A_61 = vector.shape_cast %get3A_60 : vector<1x16xf32> to vector<16xf32>
    %bitcast_convert_type3A_62 = tpu.bitcast %get3A_61 : vector<16xf32> -> vector<16xi32>
    %and3A_63 = arith.constant -16 : i32
    %and3A_64 = vector.broadcast %and3A_63 : i32 to vector<16xi32>
    %and3A_65 = arith.andi %bitcast_convert_type3A_62, %and3A_64 : vector<16xi32>
    %or3A_66 = arith.constant 10 : i32
    %or3A_67 = vector.broadcast %or3A_66 : i32 to vector<16xi32>
    %or3A_68 = arith.ori %and3A_65, %or3A_67 : vector<16xi32>
    %get3A_69 = arith.constant 6 : i32
    %get3A_70 = arith.index_cast %get3A_69 : i32 to index
    %get3A_71 = arith.constant 0 : index
    %get3A_72 = tpu.vector_load %arg4[%get3A_70, %get3A_71] {strides = array<i32>} : memref<16x64xf32, #tpu.memory_space<vmem>>, vector<1x16xf32>,
    %get3A_73 = vector.shape_cast %get3A_72 : vector<1x16xf32> to vector<16xf32>
    %bitcast_convert_type3A_74 = tpu.bitcast %get3A_73 : vector<16xf32> -> vector<16xi32>
    %and3A_75 = arith.constant -16 : i32
    %and3A_76 = vector.broadcast %and3A_75 : i32 to vector<16xi32>
    %and3A_77 = arith.andi %bitcast_convert_type3A_74, %and3A_76 : vector<16xi32>
    %or3A_78 = arith.constant 9 : i32
    %or3A_79 = vector.broadcast %or3A_78 : i32 to vector<16xi32>
    %or3A_80 = arith.ori %and3A_77, %or3A_79 : vector<16xi32>
    %get3A_81 = arith.constant 7 : i32
    %get3A_82 = arith.index_cast %get3A_81 : i32 to index
    %get3A_83 = arith.constant 0 : index
    %get3A_84 = tpu.vector_load %arg4[%get3A_82, %get3A_83] {strides = array<i32>} : memref<16x64xf32, #tpu.memory_space<vmem>>, vector<1x16xf32>,
    %get3A_85 = vector.shape_cast %get3A_84 : vector<1x16xf32> to vector<16xf32>
    %bitcast_convert_type3A_86 = tpu.bitcast %get3A_85 : vector<16xf32> -> vector<16xi32>
    %and3A_87 = arith.constant -16 : i32
    %and3A_88 = vector.broadcast %and3A_87 : i32 to vector<16xi32>
    %and3A_89 = arith.andi %bitcast_convert_type3A_86, %and3A_88 : vector<16xi32>
    %or3A_90 = arith.constant 8 : i32
    %or3A_91 = vector.broadcast %or3A_90 : i32 to vector<16xi32>
    %or3A_92 = arith.ori %and3A_89, %or3A_91 : vector<16xi32>
    %get3A_93 = arith.constant 8 : i32
    %get3A_94 = arith.index_cast %get3A_93 : i32 to index
    %get3A_95 = arith.constant 0 : index
    %get3A_96 = tpu.vector_load %arg4[%get3A_94, %get3A_95] {strides = array<i32>} : memref<16x64xf32, #tpu.memory_space<vmem>>, vector<1x16xf32>,
    %get3A_97 = vector.shape_cast %get3A_96 : vector<1x16xf32> to vector<16xf32>
    %bitcast_convert_type3A_98 = tpu.bitcast %get3A_97 : vector<16xf32> -> vector<16xi32>
    %and3A_99 = arith.constant -16 : i32
    %and3A_100 = vector.broadcast %and3A_99 : i32 to vector<16xi32>
    %and3A_101 = arith.andi %bitcast_convert_type3A_98, %and3A_100 : vector<16xi32>
    %or3A_102 = arith.constant 7 : i32
    %or3A_103 = vector.broadcast %or3A_102 : i32 to vector<16xi32>
    %or3A_104 = arith.ori %and3A_101, %or3A_103 : vector<16xi32>
    %get3A_105 = arith.constant 9 : i32
    %get3A_106 = arith.index_cast %get3A_105 : i32 to index
    %get3A_107 = arith.constant 0 : index
    %get3A_108 = tpu.vector_load %arg4[%get3A_106, %get3A_107] {strides = array<i32>} : memref<16x64xf32, #tpu.memory_space<vmem>>, vector<1x16xf32>,
    %get3A_109 = vector.shape_cast %get3A_108 : vector<1x16xf32> to vector<16xf32>
    %bitcast_convert_type3A_110 = tpu.bitcast %get3A_109 : vector<16xf32> -> vector<16xi32>
    %and3A_111 = arith.constant -16 : i32
    %and3A_112 = vector.broadcast %and3A_111 : i32 to vector<16xi32>
    %and3A_113 = arith.andi %bitcast_convert_type3A_110, %and3A_112 : vector<16xi32>
    %or3A_114 = arith.constant 6 : i32
    %or3A_115 = vector.broadcast %or3A_114 : i32 to vector<16xi32>
    %or3A_116 = arith.ori %and3A_113, %or3A_115 : vector<16xi32>
    %get3A_117 = arith.constant 10 : i32
    %get3A_118 = arith.index_cast %get3A_117 : i32 to index
    %get3A_119 = arith.constant 0 : index
    %get3A_120 = tpu.vector_load %arg4[%get3A_118, %get3A_119] {strides = array<i32>} : memref<16x64xf32, #tpu.memory_space<vmem>>, vector<1x16xf32>,
    %get3A_121 = vector.shape_cast %get3A_120 : vector<1x16xf32> to vector<16xf32>
    %bitcast_convert_type3A_122 = tpu.bitcast %get3A_121 : vector<16xf32> -> vector<16xi32>
    %and3A_123 = arith.constant -16 : i32
    %and3A_124 = vector.broadcast %and3A_123 : i32 to vector<16xi32>
    %and3A_125 = arith.andi %bitcast_convert_type3A_122, %and3A_124 : vector<16xi32>
    %or3A_126 = arith.constant 5 : i32
    %or3A_127 = vector.broadcast %or3A_126 : i32 to vector<16xi32>
    %or3A_128 = arith.ori %and3A_125, %or3A_127 : vector<16xi32>
    %get3A_129 = arith.constant 11 : i32
    %get3A_130 = arith.index_cast %get3A_129 : i32 to index
    %get3A_131 = arith.constant 0 : index
    %get3A_132 = tpu.vector_load %arg4[%get3A_130, %get3A_131] {strides = array<i32>} : memref<16x64xf32, #tpu.memory_space<vmem>>, vector<1x16xf32>,
    %get3A_133 = vector.shape_cast %get3A_132 : vector<1x16xf32> to vector<16xf32>
    %bitcast_convert_type3A_134 = tpu.bitcast %get3A_133 : vector<16xf32> -> vector<16xi32>
    %and3A_135 = arith.constant -16 : i32
    %and3A_136 = vector.broadcast %and3A_135 : i32 to vector<16xi32>
    %and3A_137 = arith.andi %bitcast_convert_type3A_134, %and3A_136 : vector<16xi32>
    %or3A_138 = arith.constant 4 : i32
    %or3A_139 = vector.broadcast %or3A_138 : i32 to vector<16xi32>
    %or3A_140 = arith.ori %and3A_137, %or3A_139 : vector<16xi32>
    %get3A_141 = arith.constant 12 : i32
    %get3A_142 = arith.index_cast %get3A_141 : i32 to index
    %get3A_143 = arith.constant 0 : index
    %get3A_144 = tpu.vector_load %arg4[%get3A_142, %get3A_143] {strides = array<i32>} : memref<16x64xf32, #tpu.memory_space<vmem>>, vector<1x16xf32>,
    %get3A_145 = vector.shape_cast %get3A_144 : vector<1x16xf32> to vector<16xf32>
    %bitcast_convert_type3A_146 = tpu.bitcast %get3A_145 : vector<16xf32> -> vector<16xi32>
    %and3A_147 = arith.constant -16 : i32
    %and3A_148 = vector.broadcast %and3A_147 : i32 to vector<16xi32>
    %and3A_149 = arith.andi %bitcast_convert_type3A_146, %and3A_148 : vector<16xi32>
    %or3A_150 = arith.constant 3 : i32
    %or3A_151 = vector.broadcast %or3A_150 : i32 to vector<16xi32>
    %or3A_152 = arith.ori %and3A_149, %or3A_151 : vector<16xi32>
    %get3A_153 = arith.constant 13 : i32
    %get3A_154 = arith.index_cast %get3A_153 : i32 to index
    %get3A_155 = arith.constant 0 : index
    %get3A_156 = tpu.vector_load %arg4[%get3A_154, %get3A_155] {strides = array<i32>} : memref<16x64xf32, #tpu.memory_space<vmem>>, vector<1x16xf32>,
    %get3A_157 = vector.shape_cast %get3A_156 : vector<1x16xf32> to vector<16xf32>
    %bitcast_convert_type3A_158 = tpu.bitcast %get3A_157 : vector<16xf32> -> vector<16xi32>
    %and3A_159 = arith.constant -16 : i32
    %and3A_160 = vector.broadcast %and3A_159 : i32 to vector<16xi32>
    %and3A_161 = arith.andi %bitcast_convert_type3A_158, %and3A_160 : vector<16xi32>
    %or3A_162 = arith.constant 2 : i32
    %or3A_163 = vector.broadcast %or3A_162 : i32 to vector<16xi32>
    %or3A_164 = arith.ori %and3A_161, %or3A_163 : vector<16xi32>
    %get3A_165 = arith.constant 14 : i32
    %get3A_166 = arith.index_cast %get3A_165 : i32 to index
    %get3A_167 = arith.constant 0 : index
    %get3A_168 = tpu.vector_load %arg4[%get3A_166, %get3A_167] {strides = array<i32>} : memref<16x64xf32, #tpu.memory_space<vmem>>, vector<1x16xf32>,
    %get3A_169 = vector.shape_cast %get3A_168 : vector<1x16xf32> to vector<16xf32>
    %bitcast_convert_type3A_170 = tpu.bitcast %get3A_169 : vector<16xf32> -> vector<16xi32>
    %and3A_171 = arith.constant -16 : i32
    %and3A_172 = vector.broadcast %and3A_171 : i32 to vector<16xi32>
    %and3A_173 = arith.andi %bitcast_convert_type3A_170, %and3A_172 : vector<16xi32>
    %or3A_174 = arith.constant 1 : i32
    %or3A_175 = vector.broadcast %or3A_174 : i32 to vector<16xi32>
    %or3A_176 = arith.ori %and3A_173, %or3A_175 : vector<16xi32>
    %get3A_177 = arith.constant 15 : i32
    %get3A_178 = arith.index_cast %get3A_177 : i32 to index
    %get3A_179 = arith.constant 0 : index
    %get3A_180 = tpu.vector_load %arg4[%get3A_178, %get3A_179] {strides = array<i32>} : memref<16x64xf32, #tpu.memory_space<vmem>>, vector<1x16xf32>,
    %get3A_181 = vector.shape_cast %get3A_180 : vector<1x16xf32> to vector<16xf32>
    %bitcast_convert_type3A_182 = tpu.bitcast %get3A_181 : vector<16xf32> -> vector<16xi32>
    %and3A_183 = arith.constant -16 : i32
    %and3A_184 = vector.broadcast %and3A_183 : i32 to vector<16xi32>
    %and3A_185 = arith.andi %bitcast_convert_type3A_182, %and3A_184 : vector<16xi32>
    %or3A_186 = arith.constant 0 : i32
    %or3A_187 = vector.broadcast %or3A_186 : i32 to vector<16xi32>
    %or3A_188 = arith.ori %and3A_185, %or3A_187 : vector<16xi32>
    %max3A = arith.maxsi %or3A_8, %or3A_20 : vector<16xi32>
    %max3A_189 = arith.maxsi %or3A_32, %or3A_44 : vector<16xi32>
    %max3A_190 = arith.maxsi %or3A_56, %or3A_68 : vector<16xi32>
    %max3A_191 = arith.maxsi %or3A_80, %or3A_92 : vector<16xi32>
    %max3A_192 = arith.maxsi %or3A_104, %or3A_116 : vector<16xi32>
    %max3A_193 = arith.maxsi %or3A_128, %or3A_140 : vector<16xi32>
    %max3A_194 = arith.maxsi %or3A_152, %or3A_164 : vector<16xi32>
    %max3A_195 = arith.maxsi %or3A_176, %or3A_188 : vector<16xi32>
    %max3A_196 = arith.maxsi %max3A, %max3A_189 : vector<16xi32>
    %max3A_197 = arith.maxsi %max3A_190, %max3A_191 : vector<16xi32>
    %max3A_198 = arith.maxsi %max3A_192, %max3A_193 : vector<16xi32>
    %max3A_199 = arith.maxsi %max3A_194, %max3A_195 : vector<16xi32>
    %max3A_200 = arith.maxsi %max3A_196, %max3A_197 : vector<16xi32>
    %max3A_201 = arith.maxsi %max3A_198, %max3A_199 : vector<16xi32>
    %max3A_202 = arith.maxsi %max3A_200, %max3A_201 : vector<16xi32>
    %eq3A = arith.cmpi eq, %or3A_8, %max3A_202 : vector<16xi32>
    %jit3A = arith.constant -1 : i32
    %broadcast_in_dim3A = vector.broadcast %jit3A : i32 to vector<16xi32>
    %select_n3A = arith.select %eq3A, %broadcast_in_dim3A, %or3A_8 : vector<16xi1>, vector<16xi32>
    %eq3A_203 = arith.cmpi eq, %or3A_20, %max3A_202 : vector<16xi32>
    %jit3A_204 = arith.constant -1 : i32
    %broadcast_in_dim3A_205 = vector.broadcast %jit3A_204 : i32 to vector<16xi32>
    %select_n3A_206 = arith.select %eq3A_203, %broadcast_in_dim3A_205, %or3A_20 : vector<16xi1>, vector<16xi32>
    %eq3A_207 = arith.cmpi eq, %or3A_32, %max3A_202 : vector<16xi32>
    %jit3A_208 = arith.constant -1 : i32
    %broadcast_in_dim3A_209 = vector.broadcast %jit3A_208 : i32 to vector<16xi32>
    %select_n3A_210 = arith.select %eq3A_207, %broadcast_in_dim3A_209, %or3A_32 : vector<16xi1>, vector<16xi32>
    %eq3A_211 = arith.cmpi eq, %or3A_44, %max3A_202 : vector<16xi32>
    %jit3A_212 = arith.constant -1 : i32
    %broadcast_in_dim3A_213 = vector.broadcast %jit3A_212 : i32 to vector<16xi32>
    %select_n3A_214 = arith.select %eq3A_211, %broadcast_in_dim3A_213, %or3A_44 : vector<16xi1>, vector<16xi32>
    %eq3A_215 = arith.cmpi eq, %or3A_56, %max3A_202 : vector<16xi32>
    %jit3A_216 = arith.constant -1 : i32
    %broadcast_in_dim3A_217 = vector.broadcast %jit3A_216 : i32 to vector<16xi32>
    %select_n3A_218 = arith.select %eq3A_215, %broadcast_in_dim3A_217, %or3A_56 : vector<16xi1>, vector<16xi32>
    %eq3A_219 = arith.cmpi eq, %or3A_68, %max3A_202 : vector<16xi32>
    %jit3A_220 = arith.constant -1 : i32
    %broadcast_in_dim3A_221 = vector.broadcast %jit3A_220 : i32 to vector<16xi32>
    %select_n3A_222 = arith.select %eq3A_219, %broadcast_in_dim3A_221, %or3A_68 : vector<16xi1>, vector<16xi32>
    %eq3A_223 = arith.cmpi eq, %or3A_80, %max3A_202 : vector<16xi32>
    %jit3A_224 = arith.constant -1 : i32
    %broadcast_in_dim3A_225 = vector.broadcast %jit3A_224 : i32 to vector<16xi32>
    %select_n3A_226 = arith.select %eq3A_223, %broadcast_in_dim3A_225, %or3A_80 : vector<16xi1>, vector<16xi32>
    %eq3A_227 = arith.cmpi eq, %or3A_92, %max3A_202 : vector<16xi32>
    %jit3A_228 = arith.constant -1 : i32
    %broadcast_in_dim3A_229 = vector.broadcast %jit3A_228 : i32 to vector<16xi32>
    %select_n3A_230 = arith.select %eq3A_227, %broadcast_in_dim3A_229, %or3A_92 : vector<16xi1>, vector<16xi32>
    %eq3A_231 = arith.cmpi eq, %or3A_104, %max3A_202 : vector<16xi32>
    %jit3A_232 = arith.constant -1 : i32
    %broadcast_in_dim3A_233 = vector.broadcast %jit3A_232 : i32 to vector<16xi32>
    %select_n3A_234 = arith.select %eq3A_231, %broadcast_in_dim3A_233, %or3A_104 : vector<16xi1>, vector<16xi32>
    %eq3A_235 = arith.cmpi eq, %or3A_116, %max3A_202 : vector<16xi32>
    %jit3A_236 = arith.constant -1 : i32
    %broadcast_in_dim3A_237 = vector.broadcast %jit3A_236 : i32 to vector<16xi32>
    %select_n3A_238 = arith.select %eq3A_235, %broadcast_in_dim3A_237, %or3A_116 : vector<16xi1>, vector<16xi32>
    %eq3A_239 = arith.cmpi eq, %or3A_128, %max3A_202 : vector<16xi32>
    %jit3A_240 = arith.constant -1 : i32
    %broadcast_in_dim3A_241 = vector.broadcast %jit3A_240 : i32 to vector<16xi32>
    %select_n3A_242 = arith.select %eq3A_239, %broadcast_in_dim3A_241, %or3A_128 : vector<16xi1>, vector<16xi32>
    %eq3A_243 = arith.cmpi eq, %or3A_140, %max3A_202 : vector<16xi32>
    %jit3A_244 = arith.constant -1 : i32
    %broadcast_in_dim3A_245 = vector.broadcast %jit3A_244 : i32 to vector<16xi32>
    %select_n3A_246 = arith.select %eq3A_243, %broadcast_in_dim3A_245, %or3A_140 : vector<16xi1>, vector<16xi32>
    %eq3A_247 = arith.cmpi eq, %or3A_152, %max3A_202 : vector<16xi32>
    %jit3A_248 = arith.constant -1 : i32
    %broadcast_in_dim3A_249 = vector.broadcast %jit3A_248 : i32 to vector<16xi32>
    %select_n3A_250 = arith.select %eq3A_247, %broadcast_in_dim3A_249, %or3A_152 : vector<16xi1>, vector<16xi32>
    %eq3A_251 = arith.cmpi eq, %or3A_164, %max3A_202 : vector<16xi32>
    %jit3A_252 = arith.constant -1 : i32
    %broadcast_in_dim3A_253 = vector.broadcast %jit3A_252 : i32 to vector<16xi32>
    %select_n3A_254 = arith.select %eq3A_251, %broadcast_in_dim3A_253, %or3A_164 : vector<16xi1>, vector<16xi32>
    %eq3A_255 = arith.cmpi eq, %or3A_176, %max3A_202 : vector<16xi32>
    %jit3A_256 = arith.constant -1 : i32
    %broadcast_in_dim3A_257 = vector.broadcast %jit3A_256 : i32 to vector<16xi32>
    %select_n3A_258 = arith.select %eq3A_255, %broadcast_in_dim3A_257, %or3A_176 : vector<16xi1>, vector<16xi32>
    %eq3A_259 = arith.cmpi eq, %or3A_188, %max3A_202 : vector<16xi32>
    %jit3A_260 = arith.constant -1 : i32
    %broadcast_in_dim3A_261 = vector.broadcast %jit3A_260 : i32 to vector<16xi32>
    %select_n3A_262 = arith.select %eq3A_259, %broadcast_in_dim3A_261, %or3A_188 : vector<16xi1>, vector<16xi32>
    %max3A_263 = arith.maxsi %select_n3A, %select_n3A_206 : vector<16xi32>
    %max3A_264 = arith.maxsi %select_n3A_210, %select_n3A_214 : vector<16xi32>
    %max3A_265 = arith.maxsi %select_n3A_218, %select_n3A_222 : vector<16xi32>
    %max3A_266 = arith.maxsi %select_n3A_226, %select_n3A_230 : vector<16xi32>
    %max3A_267 = arith.maxsi %select_n3A_234, %select_n3A_238 : vector<16xi32>
    %max3A_268 = arith.maxsi %select_n3A_242, %select_n3A_246 : vector<16xi32>
    %max3A_269 = arith.maxsi %select_n3A_250, %select_n3A_254 : vector<16xi32>
    %max3A_270 = arith.maxsi %select_n3A_258, %select_n3A_262 : vector<16xi32>
    %max3A_271 = arith.maxsi %max3A_263, %max3A_264 : vector<16xi32>
    %max3A_272 = arith.maxsi %max3A_265, %max3A_266 : vector<16xi32>
    %max3A_273 = arith.maxsi %max3A_267, %max3A_268 : vector<16xi32>
    %max3A_274 = arith.maxsi %max3A_269, %max3A_270 : vector<16xi32>
    %max3A_275 = arith.maxsi %max3A_271, %max3A_272 : vector<16xi32>
    %max3A_276 = arith.maxsi %max3A_273, %max3A_274 : vector<16xi32>
    %max3A_277 = arith.maxsi %max3A_275, %max3A_276 : vector<16xi32>
    %eq3A_278 = arith.cmpi eq, %select_n3A, %max3A_277 : vector<16xi32>
    %jit3A_279 = arith.constant -1 : i32
    %broadcast_in_dim3A_280 = vector.broadcast %jit3A_279 : i32 to vector<16xi32>
    %select_n3A_281 = arith.select %eq3A_278, %broadcast_in_dim3A_280, %select_n3A : vector<16xi1>, vector<16xi32>
    %eq3A_282 = arith.cmpi eq, %select_n3A_206, %max3A_277 : vector<16xi32>
    %jit3A_283 = arith.constant -1 : i32
    %broadcast_in_dim3A_284 = vector.broadcast %jit3A_283 : i32 to vector<16xi32>
    %select_n3A_285 = arith.select %eq3A_282, %broadcast_in_dim3A_284, %select_n3A_206 : vector<16xi1>, vector<16xi32>
    %eq3A_286 = arith.cmpi eq, %select_n3A_210, %max3A_277 : vector<16xi32>
    %jit3A_287 = arith.constant -1 : i32
    %broadcast_in_dim3A_288 = vector.broadcast %jit3A_287 : i32 to vector<16xi32>
    %select_n3A_289 = arith.select %eq3A_286, %broadcast_in_dim3A_288, %select_n3A_210 : vector<16xi1>, vector<16xi32>
    %eq3A_290 = arith.cmpi eq, %select_n3A_214, %max3A_277 : vector<16xi32>
    %jit3A_291 = arith.constant -1 : i32
    %broadcast_in_dim3A_292 = vector.broadcast %jit3A_291 : i32 to vector<16xi32>
    %select_n3A_293 = arith.select %eq3A_290, %broadcast_in_dim3A_292, %select_n3A_214 : vector<16xi1>, vector<16xi32>
    %eq3A_294 = arith.cmpi eq, %select_n3A_218, %max3A_277 : vector<16xi32>
    %jit3A_295 = arith.constant -1 : i32
    %broadcast_in_dim3A_296 = vector.broadcast %jit3A_295 : i32 to vector<16xi32>
    %select_n3A_297 = arith.select %eq3A_294, %broadcast_in_dim3A_296, %select_n3A_218 : vector<16xi1>, vector<16xi32>
    %eq3A_298 = arith.cmpi eq, %select_n3A_222, %max3A_277 : vector<16xi32>
    %jit3A_299 = arith.constant -1 : i32
    %broadcast_in_dim3A_300 = vector.broadcast %jit3A_299 : i32 to vector<16xi32>
    %select_n3A_301 = arith.select %eq3A_298, %broadcast_in_dim3A_300, %select_n3A_222 : vector<16xi1>, vector<16xi32>
    %eq3A_302 = arith.cmpi eq, %select_n3A_226, %max3A_277 : vector<16xi32>
    %jit3A_303 = arith.constant -1 : i32
    %broadcast_in_dim3A_304 = vector.broadcast %jit3A_303 : i32 to vector<16xi32>
    %select_n3A_305 = arith.select %eq3A_302, %broadcast_in_dim3A_304, %select_n3A_226 : vector<16xi1>, vector<16xi32>
    %eq3A_306 = arith.cmpi eq, %select_n3A_230, %max3A_277 : vector<16xi32>
    %jit3A_307 = arith.constant -1 : i32
    %broadcast_in_dim3A_308 = vector.broadcast %jit3A_307 : i32 to vector<16xi32>
    %select_n3A_309 = arith.select %eq3A_306, %broadcast_in_dim3A_308, %select_n3A_230 : vector<16xi1>, vector<16xi32>
    %eq3A_310 = arith.cmpi eq, %select_n3A_234, %max3A_277 : vector<16xi32>
    %jit3A_311 = arith.constant -1 : i32
    %broadcast_in_dim3A_312 = vector.broadcast %jit3A_311 : i32 to vector<16xi32>
    %select_n3A_313 = arith.select %eq3A_310, %broadcast_in_dim3A_312, %select_n3A_234 : vector<16xi1>, vector<16xi32>
    %eq3A_314 = arith.cmpi eq, %select_n3A_238, %max3A_277 : vector<16xi32>
    %jit3A_315 = arith.constant -1 : i32
    %broadcast_in_dim3A_316 = vector.broadcast %jit3A_315 : i32 to vector<16xi32>
    %select_n3A_317 = arith.select %eq3A_314, %broadcast_in_dim3A_316, %select_n3A_238 : vector<16xi1>, vector<16xi32>
    %eq3A_318 = arith.cmpi eq, %select_n3A_242, %max3A_277 : vector<16xi32>
    %jit3A_319 = arith.constant -1 : i32
    %broadcast_in_dim3A_320 = vector.broadcast %jit3A_319 : i32 to vector<16xi32>
    %select_n3A_321 = arith.select %eq3A_318, %broadcast_in_dim3A_320, %select_n3A_242 : vector<16xi1>, vector<16xi32>
    %eq3A_322 = arith.cmpi eq, %select_n3A_246, %max3A_277 : vector<16xi32>
    %jit3A_323 = arith.constant -1 : i32
    %broadcast_in_dim3A_324 = vector.broadcast %jit3A_323 : i32 to vector<16xi32>
    %select_n3A_325 = arith.select %eq3A_322, %broadcast_in_dim3A_324, %select_n3A_246 : vector<16xi1>, vector<16xi32>
    %eq3A_326 = arith.cmpi eq, %select_n3A_250, %max3A_277 : vector<16xi32>
    %jit3A_327 = arith.constant -1 : i32
    %broadcast_in_dim3A_328 = vector.broadcast %jit3A_327 : i32 to vector<16xi32>
    %select_n3A_329 = arith.select %eq3A_326, %broadcast_in_dim3A_328, %select_n3A_250 : vector<16xi1>, vector<16xi32>
    %eq3A_330 = arith.cmpi eq, %select_n3A_254, %max3A_277 : vector<16xi32>
    %jit3A_331 = arith.constant -1 : i32
    %broadcast_in_dim3A_332 = vector.broadcast %jit3A_331 : i32 to vector<16xi32>
    %select_n3A_333 = arith.select %eq3A_330, %broadcast_in_dim3A_332, %select_n3A_254 : vector<16xi1>, vector<16xi32>
    %eq3A_334 = arith.cmpi eq, %select_n3A_258, %max3A_277 : vector<16xi32>
    %jit3A_335 = arith.constant -1 : i32
    %broadcast_in_dim3A_336 = vector.broadcast %jit3A_335 : i32 to vector<16xi32>
    %select_n3A_337 = arith.select %eq3A_334, %broadcast_in_dim3A_336, %select_n3A_258 : vector<16xi1>, vector<16xi32>
    %eq3A_338 = arith.cmpi eq, %select_n3A_262, %max3A_277 : vector<16xi32>
    %jit3A_339 = arith.constant -1 : i32
    %broadcast_in_dim3A_340 = vector.broadcast %jit3A_339 : i32 to vector<16xi32>
    %select_n3A_341 = arith.select %eq3A_338, %broadcast_in_dim3A_340, %select_n3A_262 : vector<16xi1>, vector<16xi32>
    %max3A_342 = arith.maxsi %select_n3A_281, %select_n3A_285 : vector<16xi32>
    %max3A_343 = arith.maxsi %select_n3A_289, %select_n3A_293 : vector<16xi32>
    %max3A_344 = arith.maxsi %select_n3A_297, %select_n3A_301 : vector<16xi32>
    %max3A_345 = arith.maxsi %select_n3A_305, %select_n3A_309 : vector<16xi32>
    %max3A_346 = arith.maxsi %select_n3A_313, %select_n3A_317 : vector<16xi32>
    %max3A_347 = arith.maxsi %select_n3A_321, %select_n3A_325 : vector<16xi32>
    %max3A_348 = arith.maxsi %select_n3A_329, %select_n3A_333 : vector<16xi32>
    %max3A_349 = arith.maxsi %select_n3A_337, %select_n3A_341 : vector<16xi32>
    %max3A_350 = arith.maxsi %max3A_342, %max3A_343 : vector<16xi32>
    %max3A_351 = arith.maxsi %max3A_344, %max3A_345 : vector<16xi32>
    %max3A_352 = arith.maxsi %max3A_346, %max3A_347 : vector<16xi32>
    %max3A_353 = arith.maxsi %max3A_348, %max3A_349 : vector<16xi32>
    %max3A_354 = arith.maxsi %max3A_350, %max3A_351 : vector<16xi32>
    %max3A_355 = arith.maxsi %max3A_352, %max3A_353 : vector<16xi32>
    %max3A_356 = arith.maxsi %max3A_354, %max3A_355 : vector<16xi32>
    %eq3A_357 = arith.cmpi eq, %select_n3A_281, %max3A_356 : vector<16xi32>
    %jit3A_358 = arith.constant -1 : i32
    %broadcast_in_dim3A_359 = vector.broadcast %jit3A_358 : i32 to vector<16xi32>
    %select_n3A_360 = arith.select %eq3A_357, %broadcast_in_dim3A_359, %select_n3A_281 : vector<16xi1>, vector<16xi32>
    %eq3A_361 = arith.cmpi eq, %select_n3A_285, %max3A_356 : vector<16xi32>
    %jit3A_362 = arith.constant -1 : i32
    %broadcast_in_dim3A_363 = vector.broadcast %jit3A_362 : i32 to vector<16xi32>
    %select_n3A_364 = arith.select %eq3A_361, %broadcast_in_dim3A_363, %select_n3A_285 : vector<16xi1>, vector<16xi32>
    %eq3A_365 = arith.cmpi eq, %select_n3A_289, %max3A_356 : vector<16xi32>
    %jit3A_366 = arith.constant -1 : i32
    %broadcast_in_dim3A_367 = vector.broadcast %jit3A_366 : i32 to vector<16xi32>
    %select_n3A_368 = arith.select %eq3A_365, %broadcast_in_dim3A_367, %select_n3A_289 : vector<16xi1>, vector<16xi32>
    %eq3A_369 = arith.cmpi eq, %select_n3A_293, %max3A_356 : vector<16xi32>
    %jit3A_370 = arith.constant -1 : i32
    %broadcast_in_dim3A_371 = vector.broadcast %jit3A_370 : i32 to vector<16xi32>
    %select_n3A_372 = arith.select %eq3A_369, %broadcast_in_dim3A_371, %select_n3A_293 : vector<16xi1>, vector<16xi32>
    %eq3A_373 = arith.cmpi eq, %select_n3A_297, %max3A_356 : vector<16xi32>
    %jit3A_374 = arith.constant -1 : i32
    %broadcast_in_dim3A_375 = vector.broadcast %jit3A_374 : i32 to vector<16xi32>
    %select_n3A_376 = arith.select %eq3A_373, %broadcast_in_dim3A_375, %select_n3A_297 : vector<16xi1>, vector<16xi32>
    %eq3A_377 = arith.cmpi eq, %select_n3A_301, %max3A_356 : vector<16xi32>
    %jit3A_378 = arith.constant -1 : i32
    %broadcast_in_dim3A_379 = vector.broadcast %jit3A_378 : i32 to vector<16xi32>
    %select_n3A_380 = arith.select %eq3A_377, %broadcast_in_dim3A_379, %select_n3A_301 : vector<16xi1>, vector<16xi32>
    %eq3A_381 = arith.cmpi eq, %select_n3A_305, %max3A_356 : vector<16xi32>
    %jit3A_382 = arith.constant -1 : i32
    %broadcast_in_dim3A_383 = vector.broadcast %jit3A_382 : i32 to vector<16xi32>
    %select_n3A_384 = arith.select %eq3A_381, %broadcast_in_dim3A_383, %select_n3A_305 : vector<16xi1>, vector<16xi32>
    %eq3A_385 = arith.cmpi eq, %select_n3A_309, %max3A_356 : vector<16xi32>
    %jit3A_386 = arith.constant -1 : i32
    %broadcast_in_dim3A_387 = vector.broadcast %jit3A_386 : i32 to vector<16xi32>
    %select_n3A_388 = arith.select %eq3A_385, %broadcast_in_dim3A_387, %select_n3A_309 : vector<16xi1>, vector<16xi32>
    %eq3A_389 = arith.cmpi eq, %select_n3A_313, %max3A_356 : vector<16xi32>
    %jit3A_390 = arith.constant -1 : i32
    %broadcast_in_dim3A_391 = vector.broadcast %jit3A_390 : i32 to vector<16xi32>
    %select_n3A_392 = arith.select %eq3A_389, %broadcast_in_dim3A_391, %select_n3A_313 : vector<16xi1>, vector<16xi32>
    %eq3A_393 = arith.cmpi eq, %select_n3A_317, %max3A_356 : vector<16xi32>
    %jit3A_394 = arith.constant -1 : i32
    %broadcast_in_dim3A_395 = vector.broadcast %jit3A_394 : i32 to vector<16xi32>
    %select_n3A_396 = arith.select %eq3A_393, %broadcast_in_dim3A_395, %select_n3A_317 : vector<16xi1>, vector<16xi32>
    %eq3A_397 = arith.cmpi eq, %select_n3A_321, %max3A_356 : vector<16xi32>
    %jit3A_398 = arith.constant -1 : i32
    %broadcast_in_dim3A_399 = vector.broadcast %jit3A_398 : i32 to vector<16xi32>
    %select_n3A_400 = arith.select %eq3A_397, %broadcast_in_dim3A_399, %select_n3A_321 : vector<16xi1>, vector<16xi32>
    %eq3A_401 = arith.cmpi eq, %select_n3A_325, %max3A_356 : vector<16xi32>
    %jit3A_402 = arith.constant -1 : i32
    %broadcast_in_dim3A_403 = vector.broadcast %jit3A_402 : i32 to vector<16xi32>
    %select_n3A_404 = arith.select %eq3A_401, %broadcast_in_dim3A_403, %select_n3A_325 : vector<16xi1>, vector<16xi32>
    %eq3A_405 = arith.cmpi eq, %select_n3A_329, %max3A_356 : vector<16xi32>
    %jit3A_406 = arith.constant -1 : i32
    %broadcast_in_dim3A_407 = vector.broadcast %jit3A_406 : i32 to vector<16xi32>
    %select_n3A_408 = arith.select %eq3A_405, %broadcast_in_dim3A_407, %select_n3A_329 : vector<16xi1>, vector<16xi32>
    %eq3A_409 = arith.cmpi eq, %select_n3A_333, %max3A_356 : vector<16xi32>
    %jit3A_410 = arith.constant -1 : i32
    %broadcast_in_dim3A_411 = vector.broadcast %jit3A_410 : i32 to vector<16xi32>
    %select_n3A_412 = arith.select %eq3A_409, %broadcast_in_dim3A_411, %select_n3A_333 : vector<16xi1>, vector<16xi32>
    %eq3A_413 = arith.cmpi eq, %select_n3A_337, %max3A_356 : vector<16xi32>
    %jit3A_414 = arith.constant -1 : i32
    %broadcast_in_dim3A_415 = vector.broadcast %jit3A_414 : i32 to vector<16xi32>
    %select_n3A_416 = arith.select %eq3A_413, %broadcast_in_dim3A_415, %select_n3A_337 : vector<16xi1>, vector<16xi32>
    %eq3A_417 = arith.cmpi eq, %select_n3A_341, %max3A_356 : vector<16xi32>
    %jit3A_418 = arith.constant -1 : i32
    %broadcast_in_dim3A_419 = vector.broadcast %jit3A_418 : i32 to vector<16xi32>
    %select_n3A_420 = arith.select %eq3A_417, %broadcast_in_dim3A_419, %select_n3A_341 : vector<16xi1>, vector<16xi32>
    %max3A_421 = arith.maxsi %select_n3A_360, %select_n3A_364 : vector<16xi32>
    %max3A_422 = arith.maxsi %select_n3A_368, %select_n3A_372 : vector<16xi32>
    %max3A_423 = arith.maxsi %select_n3A_376, %select_n3A_380 : vector<16xi32>
    %max3A_424 = arith.maxsi %select_n3A_384, %select_n3A_388 : vector<16xi32>
    %max3A_425 = arith.maxsi %select_n3A_392, %select_n3A_396 : vector<16xi32>
    %max3A_426 = arith.maxsi %select_n3A_400, %select_n3A_404 : vector<16xi32>
    %max3A_427 = arith.maxsi %select_n3A_408, %select_n3A_412 : vector<16xi32>
    %max3A_428 = arith.maxsi %select_n3A_416, %select_n3A_420 : vector<16xi32>
    %max3A_429 = arith.maxsi %max3A_421, %max3A_422 : vector<16xi32>
    %max3A_430 = arith.maxsi %max3A_423, %max3A_424 : vector<16xi32>
    %max3A_431 = arith.maxsi %max3A_425, %max3A_426 : vector<16xi32>
    %max3A_432 = arith.maxsi %max3A_427, %max3A_428 : vector<16xi32>
    %max3A_433 = arith.maxsi %max3A_429, %max3A_430 : vector<16xi32>
    %max3A_434 = arith.maxsi %max3A_431, %max3A_432 : vector<16xi32>
    %max3A_435 = arith.maxsi %max3A_433, %max3A_434 : vector<16xi32>
    %ge3A = arith.cmpi sge, %or3A_8, %max3A_435 : vector<16xi32>
    %jit3A_436 = arith.constant 2.500000e-01 : f32
    %jit3A_437 = arith.constant 0.000000e+00 : f32
    %broadcast_in_dim3A_438 = vector.broadcast %jit3A_436 : f32 to vector<16xf32>
    %broadcast_in_dim3A_439 = vector.broadcast %jit3A_437 : f32 to vector<16xf32>
    %select_n3A_440 = arith.select %ge3A, %broadcast_in_dim3A_438, %broadcast_in_dim3A_439 : vector<16xi1>, vector<16xf32>
    %swap3A = arith.constant 0 : i32
    %swap3A_441 = arith.index_cast %swap3A : i32 to index
    %swap3A_442 = arith.constant 0 : index
    %swap3A_443 = tpu.vector_load %arg5[%swap3A_441, %swap3A_442] {strides = array<i32>} : memref<16x64xf32, #tpu.memory_space<vmem>>, vector<1x16xf32>,
    %swap3A_444 = vector.shape_cast %swap3A_443 : vector<1x16xf32> to vector<16xf32>
    %swap3A_445 = vector.shape_cast %select_n3A_440 : vector<16xf32> to vector<1x16xf32>
    tpu.vector_store %arg5[%swap3A_441, %swap3A_442], %swap3A_445 {strides = array<i32>} : memref<16x64xf32, #tpu.memory_space<vmem>>, vector<1x16xf32>,
    %ge3A_446 = arith.cmpi sge, %or3A_20, %max3A_435 : vector<16xi32>
    %jit3A_447 = arith.constant 2.500000e-01 : f32
    %jit3A_448 = arith.constant 0.000000e+00 : f32
    %broadcast_in_dim3A_449 = vector.broadcast %jit3A_447 : f32 to vector<16xf32>
    %broadcast_in_dim3A_450 = vector.broadcast %jit3A_448 : f32 to vector<16xf32>
    %select_n3A_451 = arith.select %ge3A_446, %broadcast_in_dim3A_449, %broadcast_in_dim3A_450 : vector<16xi1>, vector<16xf32>
    %swap3A_452 = arith.constant 1 : i32
    %swap3A_453 = arith.index_cast %swap3A_452 : i32 to index
    %swap3A_454 = arith.constant 0 : index
    %swap3A_455 = tpu.vector_load %arg5[%swap3A_453, %swap3A_454] {strides = array<i32>} : memref<16x64xf32, #tpu.memory_space<vmem>>, vector<1x16xf32>,
    %swap3A_456 = vector.shape_cast %swap3A_455 : vector<1x16xf32> to vector<16xf32>
    %swap3A_457 = vector.shape_cast %select_n3A_451 : vector<16xf32> to vector<1x16xf32>
    tpu.vector_store %arg5[%swap3A_453, %swap3A_454], %swap3A_457 {strides = array<i32>} : memref<16x64xf32, #tpu.memory_space<vmem>>, vector<1x16xf32>,
    %ge3A_458 = arith.cmpi sge, %or3A_32, %max3A_435 : vector<16xi32>
    %jit3A_459 = arith.constant 2.500000e-01 : f32
    %jit3A_460 = arith.constant 0.000000e+00 : f32
    %broadcast_in_dim3A_461 = vector.broadcast %jit3A_459 : f32 to vector<16xf32>
    %broadcast_in_dim3A_462 = vector.broadcast %jit3A_460 : f32 to vector<16xf32>
    %select_n3A_463 = arith.select %ge3A_458, %broadcast_in_dim3A_461, %broadcast_in_dim3A_462 : vector<16xi1>, vector<16xf32>
    %swap3A_464 = arith.constant 2 : i32
    %swap3A_465 = arith.index_cast %swap3A_464 : i32 to index
    %swap3A_466 = arith.constant 0 : index
    %swap3A_467 = tpu.vector_load %arg5[%swap3A_465, %swap3A_466] {strides = array<i32>} : memref<16x64xf32, #tpu.memory_space<vmem>>, vector<1x16xf32>,
    %swap3A_468 = vector.shape_cast %swap3A_467 : vector<1x16xf32> to vector<16xf32>
    %swap3A_469 = vector.shape_cast %select_n3A_463 : vector<16xf32> to vector<1x16xf32>
    tpu.vector_store %arg5[%swap3A_465, %swap3A_466], %swap3A_469 {strides = array<i32>} : memref<16x64xf32, #tpu.memory_space<vmem>>, vector<1x16xf32>,
    %ge3A_470 = arith.cmpi sge, %or3A_44, %max3A_435 : vector<16xi32>
    %jit3A_471 = arith.constant 2.500000e-01 : f32
    %jit3A_472 = arith.constant 0.000000e+00 : f32
    %broadcast_in_dim3A_473 = vector.broadcast %jit3A_471 : f32 to vector<16xf32>
    %broadcast_in_dim3A_474 = vector.broadcast %jit3A_472 : f32 to vector<16xf32>
    %select_n3A_475 = arith.select %ge3A_470, %broadcast_in_dim3A_473, %broadcast_in_dim3A_474 : vector<16xi1>, vector<16xf32>
    %swap3A_476 = arith.constant 3 : i32
    %swap3A_477 = arith.index_cast %swap3A_476 : i32 to index
    %swap3A_478 = arith.constant 0 : index
    %swap3A_479 = tpu.vector_load %arg5[%swap3A_477, %swap3A_478] {strides = array<i32>} : memref<16x64xf32, #tpu.memory_space<vmem>>, vector<1x16xf32>,
    %swap3A_480 = vector.shape_cast %swap3A_479 : vector<1x16xf32> to vector<16xf32>
    %swap3A_481 = vector.shape_cast %select_n3A_475 : vector<16xf32> to vector<1x16xf32>
    tpu.vector_store %arg5[%swap3A_477, %swap3A_478], %swap3A_481 {strides = array<i32>} : memref<16x64xf32, #tpu.memory_space<vmem>>, vector<1x16xf32>,
    %ge3A_482 = arith.cmpi sge, %or3A_56, %max3A_435 : vector<16xi32>
    %jit3A_483 = arith.constant 2.500000e-01 : f32
    %jit3A_484 = arith.constant 0.000000e+00 : f32
    %broadcast_in_dim3A_485 = vector.broadcast %jit3A_483 : f32 to vector<16xf32>
    %broadcast_in_dim3A_486 = vector.broadcast %jit3A_484 : f32 to vector<16xf32>
    %select_n3A_487 = arith.select %ge3A_482, %broadcast_in_dim3A_485, %broadcast_in_dim3A_486 : vector<16xi1>, vector<16xf32>
    %swap3A_488 = arith.constant 4 : i32
    %swap3A_489 = arith.index_cast %swap3A_488 : i32 to index
    %swap3A_490 = arith.constant 0 : index
    %swap3A_491 = tpu.vector_load %arg5[%swap3A_489, %swap3A_490] {strides = array<i32>} : memref<16x64xf32, #tpu.memory_space<vmem>>, vector<1x16xf32>,
    %swap3A_492 = vector.shape_cast %swap3A_491 : vector<1x16xf32> to vector<16xf32>
    %swap3A_493 = vector.shape_cast %select_n3A_487 : vector<16xf32> to vector<1x16xf32>
    tpu.vector_store %arg5[%swap3A_489, %swap3A_490], %swap3A_493 {strides = array<i32>} : memref<16x64xf32, #tpu.memory_space<vmem>>, vector<1x16xf32>,
    %ge3A_494 = arith.cmpi sge, %or3A_68, %max3A_435 : vector<16xi32>
    %jit3A_495 = arith.constant 2.500000e-01 : f32
    %jit3A_496 = arith.constant 0.000000e+00 : f32
    %broadcast_in_dim3A_497 = vector.broadcast %jit3A_495 : f32 to vector<16xf32>
    %broadcast_in_dim3A_498 = vector.broadcast %jit3A_496 : f32 to vector<16xf32>
    %select_n3A_499 = arith.select %ge3A_494, %broadcast_in_dim3A_497, %broadcast_in_dim3A_498 : vector<16xi1>, vector<16xf32>
    %swap3A_500 = arith.constant 5 : i32
    %swap3A_501 = arith.index_cast %swap3A_500 : i32 to index
    %swap3A_502 = arith.constant 0 : index
    %swap3A_503 = tpu.vector_load %arg5[%swap3A_501, %swap3A_502] {strides = array<i32>} : memref<16x64xf32, #tpu.memory_space<vmem>>, vector<1x16xf32>,
    %swap3A_504 = vector.shape_cast %swap3A_503 : vector<1x16xf32> to vector<16xf32>
    %swap3A_505 = vector.shape_cast %select_n3A_499 : vector<16xf32> to vector<1x16xf32>
    tpu.vector_store %arg5[%swap3A_501, %swap3A_502], %swap3A_505 {strides = array<i32>} : memref<16x64xf32, #tpu.memory_space<vmem>>, vector<1x16xf32>,
    %ge3A_506 = arith.cmpi sge, %or3A_80, %max3A_435 : vector<16xi32>
    %jit3A_507 = arith.constant 2.500000e-01 : f32
    %jit3A_508 = arith.constant 0.000000e+00 : f32
    %broadcast_in_dim3A_509 = vector.broadcast %jit3A_507 : f32 to vector<16xf32>
    %broadcast_in_dim3A_510 = vector.broadcast %jit3A_508 : f32 to vector<16xf32>
    %select_n3A_511 = arith.select %ge3A_506, %broadcast_in_dim3A_509, %broadcast_in_dim3A_510 : vector<16xi1>, vector<16xf32>
    %swap3A_512 = arith.constant 6 : i32
    %swap3A_513 = arith.index_cast %swap3A_512 : i32 to index
    %swap3A_514 = arith.constant 0 : index
    %swap3A_515 = tpu.vector_load %arg5[%swap3A_513, %swap3A_514] {strides = array<i32>} : memref<16x64xf32, #tpu.memory_space<vmem>>, vector<1x16xf32>,
    %swap3A_516 = vector.shape_cast %swap3A_515 : vector<1x16xf32> to vector<16xf32>
    %swap3A_517 = vector.shape_cast %select_n3A_511 : vector<16xf32> to vector<1x16xf32>
    tpu.vector_store %arg5[%swap3A_513, %swap3A_514], %swap3A_517 {strides = array<i32>} : memref<16x64xf32, #tpu.memory_space<vmem>>, vector<1x16xf32>,
    %ge3A_518 = arith.cmpi sge, %or3A_92, %max3A_435 : vector<16xi32>
    %jit3A_519 = arith.constant 2.500000e-01 : f32
    %jit3A_520 = arith.constant 0.000000e+00 : f32
    %broadcast_in_dim3A_521 = vector.broadcast %jit3A_519 : f32 to vector<16xf32>
    %broadcast_in_dim3A_522 = vector.broadcast %jit3A_520 : f32 to vector<16xf32>
    %select_n3A_523 = arith.select %ge3A_518, %broadcast_in_dim3A_521, %broadcast_in_dim3A_522 : vector<16xi1>, vector<16xf32>
    %swap3A_524 = arith.constant 7 : i32
    %swap3A_525 = arith.index_cast %swap3A_524 : i32 to index
    %swap3A_526 = arith.constant 0 : index
    %swap3A_527 = tpu.vector_load %arg5[%swap3A_525, %swap3A_526] {strides = array<i32>} : memref<16x64xf32, #tpu.memory_space<vmem>>, vector<1x16xf32>,
    %swap3A_528 = vector.shape_cast %swap3A_527 : vector<1x16xf32> to vector<16xf32>
    %swap3A_529 = vector.shape_cast %select_n3A_523 : vector<16xf32> to vector<1x16xf32>
    tpu.vector_store %arg5[%swap3A_525, %swap3A_526], %swap3A_529 {strides = array<i32>} : memref<16x64xf32, #tpu.memory_space<vmem>>, vector<1x16xf32>,
    %ge3A_530 = arith.cmpi sge, %or3A_104, %max3A_435 : vector<16xi32>
    %jit3A_531 = arith.constant 2.500000e-01 : f32
    %jit3A_532 = arith.constant 0.000000e+00 : f32
    %broadcast_in_dim3A_533 = vector.broadcast %jit3A_531 : f32 to vector<16xf32>
    %broadcast_in_dim3A_534 = vector.broadcast %jit3A_532 : f32 to vector<16xf32>
    %select_n3A_535 = arith.select %ge3A_530, %broadcast_in_dim3A_533, %broadcast_in_dim3A_534 : vector<16xi1>, vector<16xf32>
    %swap3A_536 = arith.constant 8 : i32
    %swap3A_537 = arith.index_cast %swap3A_536 : i32 to index
    %swap3A_538 = arith.constant 0 : index
    %swap3A_539 = tpu.vector_load %arg5[%swap3A_537, %swap3A_538] {strides = array<i32>} : memref<16x64xf32, #tpu.memory_space<vmem>>, vector<1x16xf32>,
    %swap3A_540 = vector.shape_cast %swap3A_539 : vector<1x16xf32> to vector<16xf32>
    %swap3A_541 = vector.shape_cast %select_n3A_535 : vector<16xf32> to vector<1x16xf32>
    tpu.vector_store %arg5[%swap3A_537, %swap3A_538], %swap3A_541 {strides = array<i32>} : memref<16x64xf32, #tpu.memory_space<vmem>>, vector<1x16xf32>,
    %ge3A_542 = arith.cmpi sge, %or3A_116, %max3A_435 : vector<16xi32>
    %jit3A_543 = arith.constant 2.500000e-01 : f32
    %jit3A_544 = arith.constant 0.000000e+00 : f32
    %broadcast_in_dim3A_545 = vector.broadcast %jit3A_543 : f32 to vector<16xf32>
    %broadcast_in_dim3A_546 = vector.broadcast %jit3A_544 : f32 to vector<16xf32>
    %select_n3A_547 = arith.select %ge3A_542, %broadcast_in_dim3A_545, %broadcast_in_dim3A_546 : vector<16xi1>, vector<16xf32>
    %swap3A_548 = arith.constant 9 : i32
    %swap3A_549 = arith.index_cast %swap3A_548 : i32 to index
    %swap3A_550 = arith.constant 0 : index
    %swap3A_551 = tpu.vector_load %arg5[%swap3A_549, %swap3A_550] {strides = array<i32>} : memref<16x64xf32, #tpu.memory_space<vmem>>, vector<1x16xf32>,
    %swap3A_552 = vector.shape_cast %swap3A_551 : vector<1x16xf32> to vector<16xf32>
    %swap3A_553 = vector.shape_cast %select_n3A_547 : vector<16xf32> to vector<1x16xf32>
    tpu.vector_store %arg5[%swap3A_549, %swap3A_550], %swap3A_553 {strides = array<i32>} : memref<16x64xf32, #tpu.memory_space<vmem>>, vector<1x16xf32>,
    %ge3A_554 = arith.cmpi sge, %or3A_128, %max3A_435 : vector<16xi32>
    %jit3A_555 = arith.constant 2.500000e-01 : f32
    %jit3A_556 = arith.constant 0.000000e+00 : f32
    %broadcast_in_dim3A_557 = vector.broadcast %jit3A_555 : f32 to vector<16xf32>
    %broadcast_in_dim3A_558 = vector.broadcast %jit3A_556 : f32 to vector<16xf32>
    %select_n3A_559 = arith.select %ge3A_554, %broadcast_in_dim3A_557, %broadcast_in_dim3A_558 : vector<16xi1>, vector<16xf32>
    %swap3A_560 = arith.constant 10 : i32
    %swap3A_561 = arith.index_cast %swap3A_560 : i32 to index
    %swap3A_562 = arith.constant 0 : index
    %swap3A_563 = tpu.vector_load %arg5[%swap3A_561, %swap3A_562] {strides = array<i32>} : memref<16x64xf32, #tpu.memory_space<vmem>>, vector<1x16xf32>,
    %swap3A_564 = vector.shape_cast %swap3A_563 : vector<1x16xf32> to vector<16xf32>
    %swap3A_565 = vector.shape_cast %select_n3A_559 : vector<16xf32> to vector<1x16xf32>
    tpu.vector_store %arg5[%swap3A_561, %swap3A_562], %swap3A_565 {strides = array<i32>} : memref<16x64xf32, #tpu.memory_space<vmem>>, vector<1x16xf32>,
    %ge3A_566 = arith.cmpi sge, %or3A_140, %max3A_435 : vector<16xi32>
    %jit3A_567 = arith.constant 2.500000e-01 : f32
    %jit3A_568 = arith.constant 0.000000e+00 : f32
    %broadcast_in_dim3A_569 = vector.broadcast %jit3A_567 : f32 to vector<16xf32>
    %broadcast_in_dim3A_570 = vector.broadcast %jit3A_568 : f32 to vector<16xf32>
    %select_n3A_571 = arith.select %ge3A_566, %broadcast_in_dim3A_569, %broadcast_in_dim3A_570 : vector<16xi1>, vector<16xf32>
    %swap3A_572 = arith.constant 11 : i32
    %swap3A_573 = arith.index_cast %swap3A_572 : i32 to index
    %swap3A_574 = arith.constant 0 : index
    %swap3A_575 = tpu.vector_load %arg5[%swap3A_573, %swap3A_574] {strides = array<i32>} : memref<16x64xf32, #tpu.memory_space<vmem>>, vector<1x16xf32>,
    %swap3A_576 = vector.shape_cast %swap3A_575 : vector<1x16xf32> to vector<16xf32>
    %swap3A_577 = vector.shape_cast %select_n3A_571 : vector<16xf32> to vector<1x16xf32>
    tpu.vector_store %arg5[%swap3A_573, %swap3A_574], %swap3A_577 {strides = array<i32>} : memref<16x64xf32, #tpu.memory_space<vmem>>, vector<1x16xf32>,
    %ge3A_578 = arith.cmpi sge, %or3A_152, %max3A_435 : vector<16xi32>
    %jit3A_579 = arith.constant 2.500000e-01 : f32
    %jit3A_580 = arith.constant 0.000000e+00 : f32
    %broadcast_in_dim3A_581 = vector.broadcast %jit3A_579 : f32 to vector<16xf32>
    %broadcast_in_dim3A_582 = vector.broadcast %jit3A_580 : f32 to vector<16xf32>
    %select_n3A_583 = arith.select %ge3A_578, %broadcast_in_dim3A_581, %broadcast_in_dim3A_582 : vector<16xi1>, vector<16xf32>
    %swap3A_584 = arith.constant 12 : i32
    %swap3A_585 = arith.index_cast %swap3A_584 : i32 to index
    %swap3A_586 = arith.constant 0 : index
    %swap3A_587 = tpu.vector_load %arg5[%swap3A_585, %swap3A_586] {strides = array<i32>} : memref<16x64xf32, #tpu.memory_space<vmem>>, vector<1x16xf32>,
    %swap3A_588 = vector.shape_cast %swap3A_587 : vector<1x16xf32> to vector<16xf32>
    %swap3A_589 = vector.shape_cast %select_n3A_583 : vector<16xf32> to vector<1x16xf32>
    tpu.vector_store %arg5[%swap3A_585, %swap3A_586], %swap3A_589 {strides = array<i32>} : memref<16x64xf32, #tpu.memory_space<vmem>>, vector<1x16xf32>,
    %ge3A_590 = arith.cmpi sge, %or3A_164, %max3A_435 : vector<16xi32>
    %jit3A_591 = arith.constant 2.500000e-01 : f32
    %jit3A_592 = arith.constant 0.000000e+00 : f32
    %broadcast_in_dim3A_593 = vector.broadcast %jit3A_591 : f32 to vector<16xf32>
    %broadcast_in_dim3A_594 = vector.broadcast %jit3A_592 : f32 to vector<16xf32>
    %select_n3A_595 = arith.select %ge3A_590, %broadcast_in_dim3A_593, %broadcast_in_dim3A_594 : vector<16xi1>, vector<16xf32>
    %swap3A_596 = arith.constant 13 : i32
    %swap3A_597 = arith.index_cast %swap3A_596 : i32 to index
    %swap3A_598 = arith.constant 0 : index
    %swap3A_599 = tpu.vector_load %arg5[%swap3A_597, %swap3A_598] {strides = array<i32>} : memref<16x64xf32, #tpu.memory_space<vmem>>, vector<1x16xf32>,
    %swap3A_600 = vector.shape_cast %swap3A_599 : vector<1x16xf32> to vector<16xf32>
    %swap3A_601 = vector.shape_cast %select_n3A_595 : vector<16xf32> to vector<1x16xf32>
    tpu.vector_store %arg5[%swap3A_597, %swap3A_598], %swap3A_601 {strides = array<i32>} : memref<16x64xf32, #tpu.memory_space<vmem>>, vector<1x16xf32>,
    %ge3A_602 = arith.cmpi sge, %or3A_176, %max3A_435 : vector<16xi32>
    %jit3A_603 = arith.constant 2.500000e-01 : f32
    %jit3A_604 = arith.constant 0.000000e+00 : f32
    %broadcast_in_dim3A_605 = vector.broadcast %jit3A_603 : f32 to vector<16xf32>
    %broadcast_in_dim3A_606 = vector.broadcast %jit3A_604 : f32 to vector<16xf32>
    %select_n3A_607 = arith.select %ge3A_602, %broadcast_in_dim3A_605, %broadcast_in_dim3A_606 : vector<16xi1>, vector<16xf32>
    %swap3A_608 = arith.constant 14 : i32
    %swap3A_609 = arith.index_cast %swap3A_608 : i32 to index
    %swap3A_610 = arith.constant 0 : index
    %swap3A_611 = tpu.vector_load %arg5[%swap3A_609, %swap3A_610] {strides = array<i32>} : memref<16x64xf32, #tpu.memory_space<vmem>>, vector<1x16xf32>,
    %swap3A_612 = vector.shape_cast %swap3A_611 : vector<1x16xf32> to vector<16xf32>
    %swap3A_613 = vector.shape_cast %select_n3A_607 : vector<16xf32> to vector<1x16xf32>
    tpu.vector_store %arg5[%swap3A_609, %swap3A_610], %swap3A_613 {strides = array<i32>} : memref<16x64xf32, #tpu.memory_space<vmem>>, vector<1x16xf32>,
    %ge3A_614 = arith.cmpi sge, %or3A_188, %max3A_435 : vector<16xi32>
    %jit3A_615 = arith.constant 2.500000e-01 : f32
    %jit3A_616 = arith.constant 0.000000e+00 : f32
    %broadcast_in_dim3A_617 = vector.broadcast %jit3A_615 : f32 to vector<16xf32>
    %broadcast_in_dim3A_618 = vector.broadcast %jit3A_616 : f32 to vector<16xf32>
    %select_n3A_619 = arith.select %ge3A_614, %broadcast_in_dim3A_617, %broadcast_in_dim3A_618 : vector<16xi1>, vector<16xf32>
    %swap3A_620 = arith.constant 15 : i32
    %swap3A_621 = arith.index_cast %swap3A_620 : i32 to index
    %swap3A_622 = arith.constant 0 : index
    %swap3A_623 = tpu.vector_load %arg5[%swap3A_621, %swap3A_622] {strides = array<i32>} : memref<16x64xf32, #tpu.memory_space<vmem>>, vector<1x16xf32>,
    %swap3A_624 = vector.shape_cast %swap3A_623 : vector<1x16xf32> to vector<16xf32>
    %swap3A_625 = vector.shape_cast %select_n3A_619 : vector<16xf32> to vector<1x16xf32>
    tpu.vector_store %arg5[%swap3A_621, %swap3A_622], %swap3A_625 {strides = array<i32>} : memref<16x64xf32, #tpu.memory_space<vmem>>, vector<1x16xf32>,
    %get3A_626 = arith.constant 0 : i32
    %get3A_627 = arith.index_cast %get3A_626 : i32 to index
    %get3A_628 = arith.constant 16 : index
    %get3A_629 = tpu.vector_load %arg4[%get3A_627, %get3A_628] {strides = array<i32>} : memref<16x64xf32, #tpu.memory_space<vmem>>, vector<1x16xf32>,
    %get3A_630 = vector.shape_cast %get3A_629 : vector<1x16xf32> to vector<16xf32>
    %bitcast_convert_type3A_631 = tpu.bitcast %get3A_630 : vector<16xf32> -> vector<16xi32>
    %and3A_632 = arith.constant -16 : i32
    %and3A_633 = vector.broadcast %and3A_632 : i32 to vector<16xi32>
    %and3A_634 = arith.andi %bitcast_convert_type3A_631, %and3A_633 : vector<16xi32>
    %or3A_635 = arith.constant 15 : i32
    %or3A_636 = vector.broadcast %or3A_635 : i32 to vector<16xi32>
    %or3A_637 = arith.ori %and3A_634, %or3A_636 : vector<16xi32>
    %get3A_638 = arith.constant 1 : i32
    %get3A_639 = arith.index_cast %get3A_638 : i32 to index
    %get3A_640 = arith.constant 16 : index
    %get3A_641 = tpu.vector_load %arg4[%get3A_639, %get3A_640] {strides = array<i32>} : memref<16x64xf32, #tpu.memory_space<vmem>>, vector<1x16xf32>,
    %get3A_642 = vector.shape_cast %get3A_641 : vector<1x16xf32> to vector<16xf32>
    %bitcast_convert_type3A_643 = tpu.bitcast %get3A_642 : vector<16xf32> -> vector<16xi32>
    %and3A_644 = arith.constant -16 : i32
    %and3A_645 = vector.broadcast %and3A_644 : i32 to vector<16xi32>
    %and3A_646 = arith.andi %bitcast_convert_type3A_643, %and3A_645 : vector<16xi32>
    %or3A_647 = arith.constant 14 : i32
    %or3A_648 = vector.broadcast %or3A_647 : i32 to vector<16xi32>
    %or3A_649 = arith.ori %and3A_646, %or3A_648 : vector<16xi32>
    %get3A_650 = arith.constant 2 : i32
    %get3A_651 = arith.index_cast %get3A_650 : i32 to index
    %get3A_652 = arith.constant 16 : index
    %get3A_653 = tpu.vector_load %arg4[%get3A_651, %get3A_652] {strides = array<i32>} : memref<16x64xf32, #tpu.memory_space<vmem>>, vector<1x16xf32>,
    %get3A_654 = vector.shape_cast %get3A_653 : vector<1x16xf32> to vector<16xf32>
    %bitcast_convert_type3A_655 = tpu.bitcast %get3A_654 : vector<16xf32> -> vector<16xi32>
    %and3A_656 = arith.constant -16 : i32
    %and3A_657 = vector.broadcast %and3A_656 : i32 to vector<16xi32>
    %and3A_658 = arith.andi %bitcast_convert_type3A_655, %and3A_657 : vector<16xi32>
    %or3A_659 = arith.constant 13 : i32
    %or3A_660 = vector.broadcast %or3A_659 : i32 to vector<16xi32>
    %or3A_661 = arith.ori %and3A_658, %or3A_660 : vector<16xi32>
    %get3A_662 = arith.constant 3 : i32
    %get3A_663 = arith.index_cast %get3A_662 : i32 to index
    %get3A_664 = arith.constant 16 : index
    %get3A_665 = tpu.vector_load %arg4[%get3A_663, %get3A_664] {strides = array<i32>} : memref<16x64xf32, #tpu.memory_space<vmem>>, vector<1x16xf32>,
    %get3A_666 = vector.shape_cast %get3A_665 : vector<1x16xf32> to vector<16xf32>
    %bitcast_convert_type3A_667 = tpu.bitcast %get3A_666 : vector<16xf32> -> vector<16xi32>
    %and3A_668 = arith.constant -16 : i32
    %and3A_669 = vector.broadcast %and3A_668 : i32 to vector<16xi32>
    %and3A_670 = arith.andi %bitcast_convert_type3A_667, %and3A_669 : vector<16xi32>
    %or3A_671 = arith.constant 12 : i32
    %or3A_672 = vector.broadcast %or3A_671 : i32 to vector<16xi32>
    %or3A_673 = arith.ori %and3A_670, %or3A_672 : vector<16xi32>
    %get3A_674 = arith.constant 4 : i32
    %get3A_675 = arith.index_cast %get3A_674 : i32 to index
    %get3A_676 = arith.constant 16 : index
    %get3A_677 = tpu.vector_load %arg4[%get3A_675, %get3A_676] {strides = array<i32>} : memref<16x64xf32, #tpu.memory_space<vmem>>, vector<1x16xf32>,
    %get3A_678 = vector.shape_cast %get3A_677 : vector<1x16xf32> to vector<16xf32>
    %bitcast_convert_type3A_679 = tpu.bitcast %get3A_678 : vector<16xf32> -> vector<16xi32>
    %and3A_680 = arith.constant -16 : i32
    %and3A_681 = vector.broadcast %and3A_680 : i32 to vector<16xi32>
    %and3A_682 = arith.andi %bitcast_convert_type3A_679, %and3A_681 : vector<16xi32>
    %or3A_683 = arith.constant 11 : i32
    %or3A_684 = vector.broadcast %or3A_683 : i32 to vector<16xi32>
    %or3A_685 = arith.ori %and3A_682, %or3A_684 : vector<16xi32>
    %get3A_686 = arith.constant 5 : i32
    %get3A_687 = arith.index_cast %get3A_686 : i32 to index
    %get3A_688 = arith.constant 16 : index
    %get3A_689 = tpu.vector_load %arg4[%get3A_687, %get3A_688] {strides = array<i32>} : memref<16x64xf32, #tpu.memory_space<vmem>>, vector<1x16xf32>,
    %get3A_690 = vector.shape_cast %get3A_689 : vector<1x16xf32> to vector<16xf32>
    %bitcast_convert_type3A_691 = tpu.bitcast %get3A_690 : vector<16xf32> -> vector<16xi32>
    %and3A_692 = arith.constant -16 : i32
    %and3A_693 = vector.broadcast %and3A_692 : i32 to vector<16xi32>
    %and3A_694 = arith.andi %bitcast_convert_type3A_691, %and3A_693 : vector<16xi32>
    %or3A_695 = arith.constant 10 : i32
    %or3A_696 = vector.broadcast %or3A_695 : i32 to vector<16xi32>
    %or3A_697 = arith.ori %and3A_694, %or3A_696 : vector<16xi32>
    %get3A_698 = arith.constant 6 : i32
    %get3A_699 = arith.index_cast %get3A_698 : i32 to index
    %get3A_700 = arith.constant 16 : index
    %get3A_701 = tpu.vector_load %arg4[%get3A_699, %get3A_700] {strides = array<i32>} : memref<16x64xf32, #tpu.memory_space<vmem>>, vector<1x16xf32>,
    %get3A_702 = vector.shape_cast %get3A_701 : vector<1x16xf32> to vector<16xf32>
    %bitcast_convert_type3A_703 = tpu.bitcast %get3A_702 : vector<16xf32> -> vector<16xi32>
    %and3A_704 = arith.constant -16 : i32
    %and3A_705 = vector.broadcast %and3A_704 : i32 to vector<16xi32>
    %and3A_706 = arith.andi %bitcast_convert_type3A_703, %and3A_705 : vector<16xi32>
    %or3A_707 = arith.constant 9 : i32
    %or3A_708 = vector.broadcast %or3A_707 : i32 to vector<16xi32>
    %or3A_709 = arith.ori %and3A_706, %or3A_708 : vector<16xi32>
    %get3A_710 = arith.constant 7 : i32
    %get3A_711 = arith.index_cast %get3A_710 : i32 to index
    %get3A_712 = arith.constant 16 : index
    %get3A_713 = tpu.vector_load %arg4[%get3A_711, %get3A_712] {strides = array<i32>} : memref<16x64xf32, #tpu.memory_space<vmem>>, vector<1x16xf32>,
    %get3A_714 = vector.shape_cast %get3A_713 : vector<1x16xf32> to vector<16xf32>
    %bitcast_convert_type3A_715 = tpu.bitcast %get3A_714 : vector<16xf32> -> vector<16xi32>
    %and3A_716 = arith.constant -16 : i32
    %and3A_717 = vector.broadcast %and3A_716 : i32 to vector<16xi32>
    %and3A_718 = arith.andi %bitcast_convert_type3A_715, %and3A_717 : vector<16xi32>
    %or3A_719 = arith.constant 8 : i32
    %or3A_720 = vector.broadcast %or3A_719 : i32 to vector<16xi32>
    %or3A_721 = arith.ori %and3A_718, %or3A_720 : vector<16xi32>
    %get3A_722 = arith.constant 8 : i32
    %get3A_723 = arith.index_cast %get3A_722 : i32 to index
    %get3A_724 = arith.constant 16 : index
    %get3A_725 = tpu.vector_load %arg4[%get3A_723, %get3A_724] {strides = array<i32>} : memref<16x64xf32, #tpu.memory_space<vmem>>, vector<1x16xf32>,
    %get3A_726 = vector.shape_cast %get3A_725 : vector<1x16xf32> to vector<16xf32>
    %bitcast_convert_type3A_727 = tpu.bitcast %get3A_726 : vector<16xf32> -> vector<16xi32>
    %and3A_728 = arith.constant -16 : i32
    %and3A_729 = vector.broadcast %and3A_728 : i32 to vector<16xi32>
    %and3A_730 = arith.andi %bitcast_convert_type3A_727, %and3A_729 : vector<16xi32>
    %or3A_731 = arith.constant 7 : i32
    %or3A_732 = vector.broadcast %or3A_731 : i32 to vector<16xi32>
    %or3A_733 = arith.ori %and3A_730, %or3A_732 : vector<16xi32>
    %get3A_734 = arith.constant 9 : i32
    %get3A_735 = arith.index_cast %get3A_734 : i32 to index
    %get3A_736 = arith.constant 16 : index
    %get3A_737 = tpu.vector_load %arg4[%get3A_735, %get3A_736] {strides = array<i32>} : memref<16x64xf32, #tpu.memory_space<vmem>>, vector<1x16xf32>,
    %get3A_738 = vector.shape_cast %get3A_737 : vector<1x16xf32> to vector<16xf32>
    %bitcast_convert_type3A_739 = tpu.bitcast %get3A_738 : vector<16xf32> -> vector<16xi32>
    %and3A_740 = arith.constant -16 : i32
    %and3A_741 = vector.broadcast %and3A_740 : i32 to vector<16xi32>
    %and3A_742 = arith.andi %bitcast_convert_type3A_739, %and3A_741 : vector<16xi32>
    %or3A_743 = arith.constant 6 : i32
    %or3A_744 = vector.broadcast %or3A_743 : i32 to vector<16xi32>
    %or3A_745 = arith.ori %and3A_742, %or3A_744 : vector<16xi32>
    %get3A_746 = arith.constant 10 : i32
    %get3A_747 = arith.index_cast %get3A_746 : i32 to index
    %get3A_748 = arith.constant 16 : index
    %get3A_749 = tpu.vector_load %arg4[%get3A_747, %get3A_748] {strides = array<i32>} : memref<16x64xf32, #tpu.memory_space<vmem>>, vector<1x16xf32>,
    %get3A_750 = vector.shape_cast %get3A_749 : vector<1x16xf32> to vector<16xf32>
    %bitcast_convert_type3A_751 = tpu.bitcast %get3A_750 : vector<16xf32> -> vector<16xi32>
    %and3A_752 = arith.constant -16 : i32
    %and3A_753 = vector.broadcast %and3A_752 : i32 to vector<16xi32>
    %and3A_754 = arith.andi %bitcast_convert_type3A_751, %and3A_753 : vector<16xi32>
    %or3A_755 = arith.constant 5 : i32
    %or3A_756 = vector.broadcast %or3A_755 : i32 to vector<16xi32>
    %or3A_757 = arith.ori %and3A_754, %or3A_756 : vector<16xi32>
    %get3A_758 = arith.constant 11 : i32
    %get3A_759 = arith.index_cast %get3A_758 : i32 to index
    %get3A_760 = arith.constant 16 : index
    %get3A_761 = tpu.vector_load %arg4[%get3A_759, %get3A_760] {strides = array<i32>} : memref<16x64xf32, #tpu.memory_space<vmem>>, vector<1x16xf32>,
    %get3A_762 = vector.shape_cast %get3A_761 : vector<1x16xf32> to vector<16xf32>
    %bitcast_convert_type3A_763 = tpu.bitcast %get3A_762 : vector<16xf32> -> vector<16xi32>
    %and3A_764 = arith.constant -16 : i32
    %and3A_765 = vector.broadcast %and3A_764 : i32 to vector<16xi32>
    %and3A_766 = arith.andi %bitcast_convert_type3A_763, %and3A_765 : vector<16xi32>
    %or3A_767 = arith.constant 4 : i32
    %or3A_768 = vector.broadcast %or3A_767 : i32 to vector<16xi32>
    %or3A_769 = arith.ori %and3A_766, %or3A_768 : vector<16xi32>
    %get3A_770 = arith.constant 12 : i32
    %get3A_771 = arith.index_cast %get3A_770 : i32 to index
    %get3A_772 = arith.constant 16 : index
    %get3A_773 = tpu.vector_load %arg4[%get3A_771, %get3A_772] {strides = array<i32>} : memref<16x64xf32, #tpu.memory_space<vmem>>, vector<1x16xf32>,
    %get3A_774 = vector.shape_cast %get3A_773 : vector<1x16xf32> to vector<16xf32>
    %bitcast_convert_type3A_775 = tpu.bitcast %get3A_774 : vector<16xf32> -> vector<16xi32>
    %and3A_776 = arith.constant -16 : i32
    %and3A_777 = vector.broadcast %and3A_776 : i32 to vector<16xi32>
    %and3A_778 = arith.andi %bitcast_convert_type3A_775, %and3A_777 : vector<16xi32>
    %or3A_779 = arith.constant 3 : i32
    %or3A_780 = vector.broadcast %or3A_779 : i32 to vector<16xi32>
    %or3A_781 = arith.ori %and3A_778, %or3A_780 : vector<16xi32>
    %get3A_782 = arith.constant 13 : i32
    %get3A_783 = arith.index_cast %get3A_782 : i32 to index
    %get3A_784 = arith.constant 16 : index
    %get3A_785 = tpu.vector_load %arg4[%get3A_783, %get3A_784] {strides = array<i32>} : memref<16x64xf32, #tpu.memory_space<vmem>>, vector<1x16xf32>,
    %get3A_786 = vector.shape_cast %get3A_785 : vector<1x16xf32> to vector<16xf32>
    %bitcast_convert_type3A_787 = tpu.bitcast %get3A_786 : vector<16xf32> -> vector<16xi32>
    %and3A_788 = arith.constant -16 : i32
    %and3A_789 = vector.broadcast %and3A_788 : i32 to vector<16xi32>
    %and3A_790 = arith.andi %bitcast_convert_type3A_787, %and3A_789 : vector<16xi32>
    %or3A_791 = arith.constant 2 : i32
    %or3A_792 = vector.broadcast %or3A_791 : i32 to vector<16xi32>
    %or3A_793 = arith.ori %and3A_790, %or3A_792 : vector<16xi32>
    %get3A_794 = arith.constant 14 : i32
    %get3A_795 = arith.index_cast %get3A_794 : i32 to index
    %get3A_796 = arith.constant 16 : index
    %get3A_797 = tpu.vector_load %arg4[%get3A_795, %get3A_796] {strides = array<i32>} : memref<16x64xf32, #tpu.memory_space<vmem>>, vector<1x16xf32>,
    %get3A_798 = vector.shape_cast %get3A_797 : vector<1x16xf32> to vector<16xf32>
    %bitcast_convert_type3A_799 = tpu.bitcast %get3A_798 : vector<16xf32> -> vector<16xi32>
    %and3A_800 = arith.constant -16 : i32
    %and3A_801 = vector.broadcast %and3A_800 : i32 to vector<16xi32>
    %and3A_802 = arith.andi %bitcast_convert_type3A_799, %and3A_801 : vector<16xi32>
    %or3A_803 = arith.constant 1 : i32
    %or3A_804 = vector.broadcast %or3A_803 : i32 to vector<16xi32>
    %or3A_805 = arith.ori %and3A_802, %or3A_804 : vector<16xi32>
    %get3A_806 = arith.constant 15 : i32
    %get3A_807 = arith.index_cast %get3A_806 : i32 to index
    %get3A_808 = arith.constant 16 : index
    %get3A_809 = tpu.vector_load %arg4[%get3A_807, %get3A_808] {strides = array<i32>} : memref<16x64xf32, #tpu.memory_space<vmem>>, vector<1x16xf32>,
    %get3A_810 = vector.shape_cast %get3A_809 : vector<1x16xf32> to vector<16xf32>
    %bitcast_convert_type3A_811 = tpu.bitcast %get3A_810 : vector<16xf32> -> vector<16xi32>
    %and3A_812 = arith.constant -16 : i32
    %and3A_813 = vector.broadcast %and3A_812 : i32 to vector<16xi32>
    %and3A_814 = arith.andi %bitcast_convert_type3A_811, %and3A_813 : vector<16xi32>
    %or3A_815 = arith.constant 0 : i32
    %or3A_816 = vector.broadcast %or3A_815 : i32 to vector<16xi32>
    %or3A_817 = arith.ori %and3A_814, %or3A_816 : vector<16xi32>
    %max3A_818 = arith.maxsi %or3A_637, %or3A_649 : vector<16xi32>
    %max3A_819 = arith.maxsi %or3A_661, %or3A_673 : vector<16xi32>
    %max3A_820 = arith.maxsi %or3A_685, %or3A_697 : vector<16xi32>
    %max3A_821 = arith.maxsi %or3A_709, %or3A_721 : vector<16xi32>
    %max3A_822 = arith.maxsi %or3A_733, %or3A_745 : vector<16xi32>
    %max3A_823 = arith.maxsi %or3A_757, %or3A_769 : vector<16xi32>
    %max3A_824 = arith.maxsi %or3A_781, %or3A_793 : vector<16xi32>
    %max3A_825 = arith.maxsi %or3A_805, %or3A_817 : vector<16xi32>
    %max3A_826 = arith.maxsi %max3A_818, %max3A_819 : vector<16xi32>
    %max3A_827 = arith.maxsi %max3A_820, %max3A_821 : vector<16xi32>
    %max3A_828 = arith.maxsi %max3A_822, %max3A_823 : vector<16xi32>
    %max3A_829 = arith.maxsi %max3A_824, %max3A_825 : vector<16xi32>
    %max3A_830 = arith.maxsi %max3A_826, %max3A_827 : vector<16xi32>
    %max3A_831 = arith.maxsi %max3A_828, %max3A_829 : vector<16xi32>
    %max3A_832 = arith.maxsi %max3A_830, %max3A_831 : vector<16xi32>
    %eq3A_833 = arith.cmpi eq, %or3A_637, %max3A_832 : vector<16xi32>
    %jit3A_834 = arith.constant -1 : i32
    %broadcast_in_dim3A_835 = vector.broadcast %jit3A_834 : i32 to vector<16xi32>
    %select_n3A_836 = arith.select %eq3A_833, %broadcast_in_dim3A_835, %or3A_637 : vector<16xi1>, vector<16xi32>
    %eq3A_837 = arith.cmpi eq, %or3A_649, %max3A_832 : vector<16xi32>
    %jit3A_838 = arith.constant -1 : i32
    %broadcast_in_dim3A_839 = vector.broadcast %jit3A_838 : i32 to vector<16xi32>
    %select_n3A_840 = arith.select %eq3A_837, %broadcast_in_dim3A_839, %or3A_649 : vector<16xi1>, vector<16xi32>
    %eq3A_841 = arith.cmpi eq, %or3A_661, %max3A_832 : vector<16xi32>
    %jit3A_842 = arith.constant -1 : i32
    %broadcast_in_dim3A_843 = vector.broadcast %jit3A_842 : i32 to vector<16xi32>
    %select_n3A_844 = arith.select %eq3A_841, %broadcast_in_dim3A_843, %or3A_661 : vector<16xi1>, vector<16xi32>
    %eq3A_845 = arith.cmpi eq, %or3A_673, %max3A_832 : vector<16xi32>
    %jit3A_846 = arith.constant -1 : i32
    %broadcast_in_dim3A_847 = vector.broadcast %jit3A_846 : i32 to vector<16xi32>
    %select_n3A_848 = arith.select %eq3A_845, %broadcast_in_dim3A_847, %or3A_673 : vector<16xi1>, vector<16xi32>
    %eq3A_849 = arith.cmpi eq, %or3A_685, %max3A_832 : vector<16xi32>
    %jit3A_850 = arith.constant -1 : i32
    %broadcast_in_dim3A_851 = vector.broadcast %jit3A_850 : i32 to vector<16xi32>
    %select_n3A_852 = arith.select %eq3A_849, %broadcast_in_dim3A_851, %or3A_685 : vector<16xi1>, vector<16xi32>
    %eq3A_853 = arith.cmpi eq, %or3A_697, %max3A_832 : vector<16xi32>
    %jit3A_854 = arith.constant -1 : i32
    %broadcast_in_dim3A_855 = vector.broadcast %jit3A_854 : i32 to vector<16xi32>
    %select_n3A_856 = arith.select %eq3A_853, %broadcast_in_dim3A_855, %or3A_697 : vector<16xi1>, vector<16xi32>
    %eq3A_857 = arith.cmpi eq, %or3A_709, %max3A_832 : vector<16xi32>
    %jit3A_858 = arith.constant -1 : i32
    %broadcast_in_dim3A_859 = vector.broadcast %jit3A_858 : i32 to vector<16xi32>
    %select_n3A_860 = arith.select %eq3A_857, %broadcast_in_dim3A_859, %or3A_709 : vector<16xi1>, vector<16xi32>
    %eq3A_861 = arith.cmpi eq, %or3A_721, %max3A_832 : vector<16xi32>
    %jit3A_862 = arith.constant -1 : i32
    %broadcast_in_dim3A_863 = vector.broadcast %jit3A_862 : i32 to vector<16xi32>
    %select_n3A_864 = arith.select %eq3A_861, %broadcast_in_dim3A_863, %or3A_721 : vector<16xi1>, vector<16xi32>
    %eq3A_865 = arith.cmpi eq, %or3A_733, %max3A_832 : vector<16xi32>
    %jit3A_866 = arith.constant -1 : i32
    %broadcast_in_dim3A_867 = vector.broadcast %jit3A_866 : i32 to vector<16xi32>
    %select_n3A_868 = arith.select %eq3A_865, %broadcast_in_dim3A_867, %or3A_733 : vector<16xi1>, vector<16xi32>
    %eq3A_869 = arith.cmpi eq, %or3A_745, %max3A_832 : vector<16xi32>
    %jit3A_870 = arith.constant -1 : i32
    %broadcast_in_dim3A_871 = vector.broadcast %jit3A_870 : i32 to vector<16xi32>
    %select_n3A_872 = arith.select %eq3A_869, %broadcast_in_dim3A_871, %or3A_745 : vector<16xi1>, vector<16xi32>
    %eq3A_873 = arith.cmpi eq, %or3A_757, %max3A_832 : vector<16xi32>
    %jit3A_874 = arith.constant -1 : i32
    %broadcast_in_dim3A_875 = vector.broadcast %jit3A_874 : i32 to vector<16xi32>
    %select_n3A_876 = arith.select %eq3A_873, %broadcast_in_dim3A_875, %or3A_757 : vector<16xi1>, vector<16xi32>
    %eq3A_877 = arith.cmpi eq, %or3A_769, %max3A_832 : vector<16xi32>
    %jit3A_878 = arith.constant -1 : i32
    %broadcast_in_dim3A_879 = vector.broadcast %jit3A_878 : i32 to vector<16xi32>
    %select_n3A_880 = arith.select %eq3A_877, %broadcast_in_dim3A_879, %or3A_769 : vector<16xi1>, vector<16xi32>
    %eq3A_881 = arith.cmpi eq, %or3A_781, %max3A_832 : vector<16xi32>
    %jit3A_882 = arith.constant -1 : i32
    %broadcast_in_dim3A_883 = vector.broadcast %jit3A_882 : i32 to vector<16xi32>
    %select_n3A_884 = arith.select %eq3A_881, %broadcast_in_dim3A_883, %or3A_781 : vector<16xi1>, vector<16xi32>
    %eq3A_885 = arith.cmpi eq, %or3A_793, %max3A_832 : vector<16xi32>
    %jit3A_886 = arith.constant -1 : i32
    %broadcast_in_dim3A_887 = vector.broadcast %jit3A_886 : i32 to vector<16xi32>
    %select_n3A_888 = arith.select %eq3A_885, %broadcast_in_dim3A_887, %or3A_793 : vector<16xi1>, vector<16xi32>
    %eq3A_889 = arith.cmpi eq, %or3A_805, %max3A_832 : vector<16xi32>
    %jit3A_890 = arith.constant -1 : i32
    %broadcast_in_dim3A_891 = vector.broadcast %jit3A_890 : i32 to vector<16xi32>
    %select_n3A_892 = arith.select %eq3A_889, %broadcast_in_dim3A_891, %or3A_805 : vector<16xi1>, vector<16xi32>
    %eq3A_893 = arith.cmpi eq, %or3A_817, %max3A_832 : vector<16xi32>
    %jit3A_894 = arith.constant -1 : i32
    %broadcast_in_dim3A_895 = vector.broadcast %jit3A_894 : i32 to vector<16xi32>
    %select_n3A_896 = arith.select %eq3A_893, %broadcast_in_dim3A_895, %or3A_817 : vector<16xi1>, vector<16xi32>
    %max3A_897 = arith.maxsi %select_n3A_836, %select_n3A_840 : vector<16xi32>
    %max3A_898 = arith.maxsi %select_n3A_844, %select_n3A_848 : vector<16xi32>
    %max3A_899 = arith.maxsi %select_n3A_852, %select_n3A_856 : vector<16xi32>
    %max3A_900 = arith.maxsi %select_n3A_860, %select_n3A_864 : vector<16xi32>
    %max3A_901 = arith.maxsi %select_n3A_868, %select_n3A_872 : vector<16xi32>
    %max3A_902 = arith.maxsi %select_n3A_876, %select_n3A_880 : vector<16xi32>
    %max3A_903 = arith.maxsi %select_n3A_884, %select_n3A_888 : vector<16xi32>
    %max3A_904 = arith.maxsi %select_n3A_892, %select_n3A_896 : vector<16xi32>
    %max3A_905 = arith.maxsi %max3A_897, %max3A_898 : vector<16xi32>
    %max3A_906 = arith.maxsi %max3A_899, %max3A_900 : vector<16xi32>
    %max3A_907 = arith.maxsi %max3A_901, %max3A_902 : vector<16xi32>
    %max3A_908 = arith.maxsi %max3A_903, %max3A_904 : vector<16xi32>
    %max3A_909 = arith.maxsi %max3A_905, %max3A_906 : vector<16xi32>
    %max3A_910 = arith.maxsi %max3A_907, %max3A_908 : vector<16xi32>
    %max3A_911 = arith.maxsi %max3A_909, %max3A_910 : vector<16xi32>
    %eq3A_912 = arith.cmpi eq, %select_n3A_836, %max3A_911 : vector<16xi32>
    %jit3A_913 = arith.constant -1 : i32
    %broadcast_in_dim3A_914 = vector.broadcast %jit3A_913 : i32 to vector<16xi32>
    %select_n3A_915 = arith.select %eq3A_912, %broadcast_in_dim3A_914, %select_n3A_836 : vector<16xi1>, vector<16xi32>
    %eq3A_916 = arith.cmpi eq, %select_n3A_840, %max3A_911 : vector<16xi32>
    %jit3A_917 = arith.constant -1 : i32
    %broadcast_in_dim3A_918 = vector.broadcast %jit3A_917 : i32 to vector<16xi32>
    %select_n3A_919 = arith.select %eq3A_916, %broadcast_in_dim3A_918, %select_n3A_840 : vector<16xi1>, vector<16xi32>
    %eq3A_920 = arith.cmpi eq, %select_n3A_844, %max3A_911 : vector<16xi32>
    %jit3A_921 = arith.constant -1 : i32
    %broadcast_in_dim3A_922 = vector.broadcast %jit3A_921 : i32 to vector<16xi32>
    %select_n3A_923 = arith.select %eq3A_920, %broadcast_in_dim3A_922, %select_n3A_844 : vector<16xi1>, vector<16xi32>
    %eq3A_924 = arith.cmpi eq, %select_n3A_848, %max3A_911 : vector<16xi32>
    %jit3A_925 = arith.constant -1 : i32
    %broadcast_in_dim3A_926 = vector.broadcast %jit3A_925 : i32 to vector<16xi32>
    %select_n3A_927 = arith.select %eq3A_924, %broadcast_in_dim3A_926, %select_n3A_848 : vector<16xi1>, vector<16xi32>
    %eq3A_928 = arith.cmpi eq, %select_n3A_852, %max3A_911 : vector<16xi32>
    %jit3A_929 = arith.constant -1 : i32
    %broadcast_in_dim3A_930 = vector.broadcast %jit3A_929 : i32 to vector<16xi32>
    %select_n3A_931 = arith.select %eq3A_928, %broadcast_in_dim3A_930, %select_n3A_852 : vector<16xi1>, vector<16xi32>
    %eq3A_932 = arith.cmpi eq, %select_n3A_856, %max3A_911 : vector<16xi32>
    %jit3A_933 = arith.constant -1 : i32
    %broadcast_in_dim3A_934 = vector.broadcast %jit3A_933 : i32 to vector<16xi32>
    %select_n3A_935 = arith.select %eq3A_932, %broadcast_in_dim3A_934, %select_n3A_856 : vector<16xi1>, vector<16xi32>
    %eq3A_936 = arith.cmpi eq, %select_n3A_860, %max3A_911 : vector<16xi32>
    %jit3A_937 = arith.constant -1 : i32
    %broadcast_in_dim3A_938 = vector.broadcast %jit3A_937 : i32 to vector<16xi32>
    %select_n3A_939 = arith.select %eq3A_936, %broadcast_in_dim3A_938, %select_n3A_860 : vector<16xi1>, vector<16xi32>
    %eq3A_940 = arith.cmpi eq, %select_n3A_864, %max3A_911 : vector<16xi32>
    %jit3A_941 = arith.constant -1 : i32
    %broadcast_in_dim3A_942 = vector.broadcast %jit3A_941 : i32 to vector<16xi32>
    %select_n3A_943 = arith.select %eq3A_940, %broadcast_in_dim3A_942, %select_n3A_864 : vector<16xi1>, vector<16xi32>
    %eq3A_944 = arith.cmpi eq, %select_n3A_868, %max3A_911 : vector<16xi32>
    %jit3A_945 = arith.constant -1 : i32
    %broadcast_in_dim3A_946 = vector.broadcast %jit3A_945 : i32 to vector<16xi32>
    %select_n3A_947 = arith.select %eq3A_944, %broadcast_in_dim3A_946, %select_n3A_868 : vector<16xi1>, vector<16xi32>
    %eq3A_948 = arith.cmpi eq, %select_n3A_872, %max3A_911 : vector<16xi32>
    %jit3A_949 = arith.constant -1 : i32
    %broadcast_in_dim3A_950 = vector.broadcast %jit3A_949 : i32 to vector<16xi32>
    %select_n3A_951 = arith.select %eq3A_948, %broadcast_in_dim3A_950, %select_n3A_872 : vector<16xi1>, vector<16xi32>
    %eq3A_952 = arith.cmpi eq, %select_n3A_876, %max3A_911 : vector<16xi32>
    %jit3A_953 = arith.constant -1 : i32
    %broadcast_in_dim3A_954 = vector.broadcast %jit3A_953 : i32 to vector<16xi32>
    %select_n3A_955 = arith.select %eq3A_952, %broadcast_in_dim3A_954, %select_n3A_876 : vector<16xi1>, vector<16xi32>
    %eq3A_956 = arith.cmpi eq, %select_n3A_880, %max3A_911 : vector<16xi32>
    %jit3A_957 = arith.constant -1 : i32
    %broadcast_in_dim3A_958 = vector.broadcast %jit3A_957 : i32 to vector<16xi32>
    %select_n3A_959 = arith.select %eq3A_956, %broadcast_in_dim3A_958, %select_n3A_880 : vector<16xi1>, vector<16xi32>
    %eq3A_960 = arith.cmpi eq, %select_n3A_884, %max3A_911 : vector<16xi32>
    %jit3A_961 = arith.constant -1 : i32
    %broadcast_in_dim3A_962 = vector.broadcast %jit3A_961 : i32 to vector<16xi32>
    %select_n3A_963 = arith.select %eq3A_960, %broadcast_in_dim3A_962, %select_n3A_884 : vector<16xi1>, vector<16xi32>
    %eq3A_964 = arith.cmpi eq, %select_n3A_888, %max3A_911 : vector<16xi32>
    %jit3A_965 = arith.constant -1 : i32
    %broadcast_in_dim3A_966 = vector.broadcast %jit3A_965 : i32 to vector<16xi32>
    %select_n3A_967 = arith.select %eq3A_964, %broadcast_in_dim3A_966, %select_n3A_888 : vector<16xi1>, vector<16xi32>
    %eq3A_968 = arith.cmpi eq, %select_n3A_892, %max3A_911 : vector<16xi32>
    %jit3A_969 = arith.constant -1 : i32
    %broadcast_in_dim3A_970 = vector.broadcast %jit3A_969 : i32 to vector<16xi32>
    %select_n3A_971 = arith.select %eq3A_968, %broadcast_in_dim3A_970, %select_n3A_892 : vector<16xi1>, vector<16xi32>
    %eq3A_972 = arith.cmpi eq, %select_n3A_896, %max3A_911 : vector<16xi32>
    %jit3A_973 = arith.constant -1 : i32
    %broadcast_in_dim3A_974 = vector.broadcast %jit3A_973 : i32 to vector<16xi32>
    %select_n3A_975 = arith.select %eq3A_972, %broadcast_in_dim3A_974, %select_n3A_896 : vector<16xi1>, vector<16xi32>
    %max3A_976 = arith.maxsi %select_n3A_915, %select_n3A_919 : vector<16xi32>
    %max3A_977 = arith.maxsi %select_n3A_923, %select_n3A_927 : vector<16xi32>
    %max3A_978 = arith.maxsi %select_n3A_931, %select_n3A_935 : vector<16xi32>
    %max3A_979 = arith.maxsi %select_n3A_939, %select_n3A_943 : vector<16xi32>
    %max3A_980 = arith.maxsi %select_n3A_947, %select_n3A_951 : vector<16xi32>
    %max3A_981 = arith.maxsi %select_n3A_955, %select_n3A_959 : vector<16xi32>
    %max3A_982 = arith.maxsi %select_n3A_963, %select_n3A_967 : vector<16xi32>
    %max3A_983 = arith.maxsi %select_n3A_971, %select_n3A_975 : vector<16xi32>
    %max3A_984 = arith.maxsi %max3A_976, %max3A_977 : vector<16xi32>
    %max3A_985 = arith.maxsi %max3A_978, %max3A_979 : vector<16xi32>
    %max3A_986 = arith.maxsi %max3A_980, %max3A_981 : vector<16xi32>
    %max3A_987 = arith.maxsi %max3A_982, %max3A_983 : vector<16xi32>
    %max3A_988 = arith.maxsi %max3A_984, %max3A_985 : vector<16xi32>
    %max3A_989 = arith.maxsi %max3A_986, %max3A_987 : vector<16xi32>
    %max3A_990 = arith.maxsi %max3A_988, %max3A_989 : vector<16xi32>
    %eq3A_991 = arith.cmpi eq, %select_n3A_915, %max3A_990 : vector<16xi32>
    %jit3A_992 = arith.constant -1 : i32
    %broadcast_in_dim3A_993 = vector.broadcast %jit3A_992 : i32 to vector<16xi32>
    %select_n3A_994 = arith.select %eq3A_991, %broadcast_in_dim3A_993, %select_n3A_915 : vector<16xi1>, vector<16xi32>
    %eq3A_995 = arith.cmpi eq, %select_n3A_919, %max3A_990 : vector<16xi32>
    %jit3A_996 = arith.constant -1 : i32
    %broadcast_in_dim3A_997 = vector.broadcast %jit3A_996 : i32 to vector<16xi32>
    %select_n3A_998 = arith.select %eq3A_995, %broadcast_in_dim3A_997, %select_n3A_919 : vector<16xi1>, vector<16xi32>
    %eq3A_999 = arith.cmpi eq, %select_n3A_923, %max3A_990 : vector<16xi32>
    %jit3A_1000 = arith.constant -1 : i32
    %broadcast_in_dim3A_1001 = vector.broadcast %jit3A_1000 : i32 to vector<16xi32>
    %select_n3A_1002 = arith.select %eq3A_999, %broadcast_in_dim3A_1001, %select_n3A_923 : vector<16xi1>, vector<16xi32>
    %eq3A_1003 = arith.cmpi eq, %select_n3A_927, %max3A_990 : vector<16xi32>
    %jit3A_1004 = arith.constant -1 : i32
    %broadcast_in_dim3A_1005 = vector.broadcast %jit3A_1004 : i32 to vector<16xi32>
    %select_n3A_1006 = arith.select %eq3A_1003, %broadcast_in_dim3A_1005, %select_n3A_927 : vector<16xi1>, vector<16xi32>
    %eq3A_1007 = arith.cmpi eq, %select_n3A_931, %max3A_990 : vector<16xi32>
    %jit3A_1008 = arith.constant -1 : i32
    %broadcast_in_dim3A_1009 = vector.broadcast %jit3A_1008 : i32 to vector<16xi32>
    %select_n3A_1010 = arith.select %eq3A_1007, %broadcast_in_dim3A_1009, %select_n3A_931 : vector<16xi1>, vector<16xi32>
    %eq3A_1011 = arith.cmpi eq, %select_n3A_935, %max3A_990 : vector<16xi32>
    %jit3A_1012 = arith.constant -1 : i32
    %broadcast_in_dim3A_1013 = vector.broadcast %jit3A_1012 : i32 to vector<16xi32>
    %select_n3A_1014 = arith.select %eq3A_1011, %broadcast_in_dim3A_1013, %select_n3A_935 : vector<16xi1>, vector<16xi32>
    %eq3A_1015 = arith.cmpi eq, %select_n3A_939, %max3A_990 : vector<16xi32>
    %jit3A_1016 = arith.constant -1 : i32
    %broadcast_in_dim3A_1017 = vector.broadcast %jit3A_1016 : i32 to vector<16xi32>
    %select_n3A_1018 = arith.select %eq3A_1015, %broadcast_in_dim3A_1017, %select_n3A_939 : vector<16xi1>, vector<16xi32>
    %eq3A_1019 = arith.cmpi eq, %select_n3A_943, %max3A_990 : vector<16xi32>
    %jit3A_1020 = arith.constant -1 : i32
    %broadcast_in_dim3A_1021 = vector.broadcast %jit3A_1020 : i32 to vector<16xi32>
    %select_n3A_1022 = arith.select %eq3A_1019, %broadcast_in_dim3A_1021, %select_n3A_943 : vector<16xi1>, vector<16xi32>
    %eq3A_1023 = arith.cmpi eq, %select_n3A_947, %max3A_990 : vector<16xi32>
    %jit3A_1024 = arith.constant -1 : i32
    %broadcast_in_dim3A_1025 = vector.broadcast %jit3A_1024 : i32 to vector<16xi32>
    %select_n3A_1026 = arith.select %eq3A_1023, %broadcast_in_dim3A_1025, %select_n3A_947 : vector<16xi1>, vector<16xi32>
    %eq3A_1027 = arith.cmpi eq, %select_n3A_951, %max3A_990 : vector<16xi32>
    %jit3A_1028 = arith.constant -1 : i32
    %broadcast_in_dim3A_1029 = vector.broadcast %jit3A_1028 : i32 to vector<16xi32>
    %select_n3A_1030 = arith.select %eq3A_1027, %broadcast_in_dim3A_1029, %select_n3A_951 : vector<16xi1>, vector<16xi32>
    %eq3A_1031 = arith.cmpi eq, %select_n3A_955, %max3A_990 : vector<16xi32>
    %jit3A_1032 = arith.constant -1 : i32
    %broadcast_in_dim3A_1033 = vector.broadcast %jit3A_1032 : i32 to vector<16xi32>
    %select_n3A_1034 = arith.select %eq3A_1031, %broadcast_in_dim3A_1033, %select_n3A_955 : vector<16xi1>, vector<16xi32>
    %eq3A_1035 = arith.cmpi eq, %select_n3A_959, %max3A_990 : vector<16xi32>
    %jit3A_1036 = arith.constant -1 : i32
    %broadcast_in_dim3A_1037 = vector.broadcast %jit3A_1036 : i32 to vector<16xi32>
    %select_n3A_1038 = arith.select %eq3A_1035, %broadcast_in_dim3A_1037, %select_n3A_959 : vector<16xi1>, vector<16xi32>
    %eq3A_1039 = arith.cmpi eq, %select_n3A_963, %max3A_990 : vector<16xi32>
    %jit3A_1040 = arith.constant -1 : i32
    %broadcast_in_dim3A_1041 = vector.broadcast %jit3A_1040 : i32 to vector<16xi32>
    %select_n3A_1042 = arith.select %eq3A_1039, %broadcast_in_dim3A_1041, %select_n3A_963 : vector<16xi1>, vector<16xi32>
    %eq3A_1043 = arith.cmpi eq, %select_n3A_967, %max3A_990 : vector<16xi32>
    %jit3A_1044 = arith.constant -1 : i32
    %broadcast_in_dim3A_1045 = vector.broadcast %jit3A_1044 : i32 to vector<16xi32>
    %select_n3A_1046 = arith.select %eq3A_1043, %broadcast_in_dim3A_1045, %select_n3A_967 : vector<16xi1>, vector<16xi32>
    %eq3A_1047 = arith.cmpi eq, %select_n3A_971, %max3A_990 : vector<16xi32>
    %jit3A_1048 = arith.constant -1 : i32
    %broadcast_in_dim3A_1049 = vector.broadcast %jit3A_1048 : i32 to vector<16xi32>
    %select_n3A_1050 = arith.select %eq3A_1047, %broadcast_in_dim3A_1049, %select_n3A_971 : vector<16xi1>, vector<16xi32>
    %eq3A_1051 = arith.cmpi eq, %select_n3A_975, %max3A_990 : vector<16xi32>
    %jit3A_1052 = arith.constant -1 : i32
    %broadcast_in_dim3A_1053 = vector.broadcast %jit3A_1052 : i32 to vector<16xi32>
    %select_n3A_1054 = arith.select %eq3A_1051, %broadcast_in_dim3A_1053, %select_n3A_975 : vector<16xi1>, vector<16xi32>
    %max3A_1055 = arith.maxsi %select_n3A_994, %select_n3A_998 : vector<16xi32>
    %max3A_1056 = arith.maxsi %select_n3A_1002, %select_n3A_1006 : vector<16xi32>
    %max3A_1057 = arith.maxsi %select_n3A_1010, %select_n3A_1014 : vector<16xi32>
    %max3A_1058 = arith.maxsi %select_n3A_1018, %select_n3A_1022 : vector<16xi32>
    %max3A_1059 = arith.maxsi %select_n3A_1026, %select_n3A_1030 : vector<16xi32>
    %max3A_1060 = arith.maxsi %select_n3A_1034, %select_n3A_1038 : vector<16xi32>
    %max3A_1061 = arith.maxsi %select_n3A_1042, %select_n3A_1046 : vector<16xi32>
    %max3A_1062 = arith.maxsi %select_n3A_1050, %select_n3A_1054 : vector<16xi32>
    %max3A_1063 = arith.maxsi %max3A_1055, %max3A_1056 : vector<16xi32>
    %max3A_1064 = arith.maxsi %max3A_1057, %max3A_1058 : vector<16xi32>
    %max3A_1065 = arith.maxsi %max3A_1059, %max3A_1060 : vector<16xi32>
    %max3A_1066 = arith.maxsi %max3A_1061, %max3A_1062 : vector<16xi32>
    %max3A_1067 = arith.maxsi %max3A_1063, %max3A_1064 : vector<16xi32>
    %max3A_1068 = arith.maxsi %max3A_1065, %max3A_1066 : vector<16xi32>
    %max3A_1069 = arith.maxsi %max3A_1067, %max3A_1068 : vector<16xi32>
    %ge3A_1070 = arith.cmpi sge, %or3A_637, %max3A_1069 : vector<16xi32>
    %jit3A_1071 = arith.constant 2.500000e-01 : f32
    %jit3A_1072 = arith.constant 0.000000e+00 : f32
    %broadcast_in_dim3A_1073 = vector.broadcast %jit3A_1071 : f32 to vector<16xf32>
    %broadcast_in_dim3A_1074 = vector.broadcast %jit3A_1072 : f32 to vector<16xf32>
    %select_n3A_1075 = arith.select %ge3A_1070, %broadcast_in_dim3A_1073, %broadcast_in_dim3A_1074 : vector<16xi1>, vector<16xf32>
    %swap3A_1076 = arith.constant 0 : i32
    %swap3A_1077 = arith.index_cast %swap3A_1076 : i32 to index
    %swap3A_1078 = arith.constant 16 : index
    %swap3A_1079 = tpu.vector_load %arg5[%swap3A_1077, %swap3A_1078] {strides = array<i32>} : memref<16x64xf32, #tpu.memory_space<vmem>>, vector<1x16xf32>,
    %swap3A_1080 = vector.shape_cast %swap3A_1079 : vector<1x16xf32> to vector<16xf32>
    %swap3A_1081 = vector.shape_cast %select_n3A_1075 : vector<16xf32> to vector<1x16xf32>
    tpu.vector_store %arg5[%swap3A_1077, %swap3A_1078], %swap3A_1081 {strides = array<i32>} : memref<16x64xf32, #tpu.memory_space<vmem>>, vector<1x16xf32>,
    %ge3A_1082 = arith.cmpi sge, %or3A_649, %max3A_1069 : vector<16xi32>
    %jit3A_1083 = arith.constant 2.500000e-01 : f32
    %jit3A_1084 = arith.constant 0.000000e+00 : f32
    %broadcast_in_dim3A_1085 = vector.broadcast %jit3A_1083 : f32 to vector<16xf32>
    %broadcast_in_dim3A_1086 = vector.broadcast %jit3A_1084 : f32 to vector<16xf32>
    %select_n3A_1087 = arith.select %ge3A_1082, %broadcast_in_dim3A_1085, %broadcast_in_dim3A_1086 : vector<16xi1>, vector<16xf32>
    %swap3A_1088 = arith.constant 1 : i32
    %swap3A_1089 = arith.index_cast %swap3A_1088 : i32 to index
    %swap3A_1090 = arith.constant 16 : index
    %swap3A_1091 = tpu.vector_load %arg5[%swap3A_1089, %swap3A_1090] {strides = array<i32>} : memref<16x64xf32, #tpu.memory_space<vmem>>, vector<1x16xf32>,
    %swap3A_1092 = vector.shape_cast %swap3A_1091 : vector<1x16xf32> to vector<16xf32>
    %swap3A_1093 = vector.shape_cast %select_n3A_1087 : vector<16xf32> to vector<1x16xf32>
    tpu.vector_store %arg5[%swap3A_1089, %swap3A_1090], %swap3A_1093 {strides = array<i32>} : memref<16x64xf32, #tpu.memory_space<vmem>>, vector<1x16xf32>,
    %ge3A_1094 = arith.cmpi sge, %or3A_661, %max3A_1069 : vector<16xi32>
    %jit3A_1095 = arith.constant 2.500000e-01 : f32
    %jit3A_1096 = arith.constant 0.000000e+00 : f32
    %broadcast_in_dim3A_1097 = vector.broadcast %jit3A_1095 : f32 to vector<16xf32>
    %broadcast_in_dim3A_1098 = vector.broadcast %jit3A_1096 : f32 to vector<16xf32>
    %select_n3A_1099 = arith.select %ge3A_1094, %broadcast_in_dim3A_1097, %broadcast_in_dim3A_1098 : vector<16xi1>, vector<16xf32>
    %swap3A_1100 = arith.constant 2 : i32
    %swap3A_1101 = arith.index_cast %swap3A_1100 : i32 to index
    %swap3A_1102 = arith.constant 16 : index
    %swap3A_1103 = tpu.vector_load %arg5[%swap3A_1101, %swap3A_1102] {strides = array<i32>} : memref<16x64xf32, #tpu.memory_space<vmem>>, vector<1x16xf32>,
    %swap3A_1104 = vector.shape_cast %swap3A_1103 : vector<1x16xf32> to vector<16xf32>
    %swap3A_1105 = vector.shape_cast %select_n3A_1099 : vector<16xf32> to vector<1x16xf32>
    tpu.vector_store %arg5[%swap3A_1101, %swap3A_1102], %swap3A_1105 {strides = array<i32>} : memref<16x64xf32, #tpu.memory_space<vmem>>, vector<1x16xf32>,
    %ge3A_1106 = arith.cmpi sge, %or3A_673, %max3A_1069 : vector<16xi32>
    %jit3A_1107 = arith.constant 2.500000e-01 : f32
    %jit3A_1108 = arith.constant 0.000000e+00 : f32
    %broadcast_in_dim3A_1109 = vector.broadcast %jit3A_1107 : f32 to vector<16xf32>
    %broadcast_in_dim3A_1110 = vector.broadcast %jit3A_1108 : f32 to vector<16xf32>
    %select_n3A_1111 = arith.select %ge3A_1106, %broadcast_in_dim3A_1109, %broadcast_in_dim3A_1110 : vector<16xi1>, vector<16xf32>
    %swap3A_1112 = arith.constant 3 : i32
    %swap3A_1113 = arith.index_cast %swap3A_1112 : i32 to index
    %swap3A_1114 = arith.constant 16 : index
    %swap3A_1115 = tpu.vector_load %arg5[%swap3A_1113, %swap3A_1114] {strides = array<i32>} : memref<16x64xf32, #tpu.memory_space<vmem>>, vector<1x16xf32>,
    %swap3A_1116 = vector.shape_cast %swap3A_1115 : vector<1x16xf32> to vector<16xf32>
    %swap3A_1117 = vector.shape_cast %select_n3A_1111 : vector<16xf32> to vector<1x16xf32>
    tpu.vector_store %arg5[%swap3A_1113, %swap3A_1114], %swap3A_1117 {strides = array<i32>} : memref<16x64xf32, #tpu.memory_space<vmem>>, vector<1x16xf32>,
    %ge3A_1118 = arith.cmpi sge, %or3A_685, %max3A_1069 : vector<16xi32>
    %jit3A_1119 = arith.constant 2.500000e-01 : f32
    %jit3A_1120 = arith.constant 0.000000e+00 : f32
    %broadcast_in_dim3A_1121 = vector.broadcast %jit3A_1119 : f32 to vector<16xf32>
    %broadcast_in_dim3A_1122 = vector.broadcast %jit3A_1120 : f32 to vector<16xf32>
    %select_n3A_1123 = arith.select %ge3A_1118, %broadcast_in_dim3A_1121, %broadcast_in_dim3A_1122 : vector<16xi1>, vector<16xf32>
    %swap3A_1124 = arith.constant 4 : i32
    %swap3A_1125 = arith.index_cast %swap3A_1124 : i32 to index
    %swap3A_1126 = arith.constant 16 : index
    %swap3A_1127 = tpu.vector_load %arg5[%swap3A_1125, %swap3A_1126] {strides = array<i32>} : memref<16x64xf32, #tpu.memory_space<vmem>>, vector<1x16xf32>,
    %swap3A_1128 = vector.shape_cast %swap3A_1127 : vector<1x16xf32> to vector<16xf32>
    %swap3A_1129 = vector.shape_cast %select_n3A_1123 : vector<16xf32> to vector<1x16xf32>
    tpu.vector_store %arg5[%swap3A_1125, %swap3A_1126], %swap3A_1129 {strides = array<i32>} : memref<16x64xf32, #tpu.memory_space<vmem>>, vector<1x16xf32>,
    %ge3A_1130 = arith.cmpi sge, %or3A_697, %max3A_1069 : vector<16xi32>
    %jit3A_1131 = arith.constant 2.500000e-01 : f32
    %jit3A_1132 = arith.constant 0.000000e+00 : f32
    %broadcast_in_dim3A_1133 = vector.broadcast %jit3A_1131 : f32 to vector<16xf32>
    %broadcast_in_dim3A_1134 = vector.broadcast %jit3A_1132 : f32 to vector<16xf32>
    %select_n3A_1135 = arith.select %ge3A_1130, %broadcast_in_dim3A_1133, %broadcast_in_dim3A_1134 : vector<16xi1>, vector<16xf32>
    %swap3A_1136 = arith.constant 5 : i32
    %swap3A_1137 = arith.index_cast %swap3A_1136 : i32 to index
    %swap3A_1138 = arith.constant 16 : index
    %swap3A_1139 = tpu.vector_load %arg5[%swap3A_1137, %swap3A_1138] {strides = array<i32>} : memref<16x64xf32, #tpu.memory_space<vmem>>, vector<1x16xf32>,
    %swap3A_1140 = vector.shape_cast %swap3A_1139 : vector<1x16xf32> to vector<16xf32>
    %swap3A_1141 = vector.shape_cast %select_n3A_1135 : vector<16xf32> to vector<1x16xf32>
    tpu.vector_store %arg5[%swap3A_1137, %swap3A_1138], %swap3A_1141 {strides = array<i32>} : memref<16x64xf32, #tpu.memory_space<vmem>>, vector<1x16xf32>,
    %ge3A_1142 = arith.cmpi sge, %or3A_709, %max3A_1069 : vector<16xi32>
    %jit3A_1143 = arith.constant 2.500000e-01 : f32
    %jit3A_1144 = arith.constant 0.000000e+00 : f32
    %broadcast_in_dim3A_1145 = vector.broadcast %jit3A_1143 : f32 to vector<16xf32>
    %broadcast_in_dim3A_1146 = vector.broadcast %jit3A_1144 : f32 to vector<16xf32>
    %select_n3A_1147 = arith.select %ge3A_1142, %broadcast_in_dim3A_1145, %broadcast_in_dim3A_1146 : vector<16xi1>, vector<16xf32>
    %swap3A_1148 = arith.constant 6 : i32
    %swap3A_1149 = arith.index_cast %swap3A_1148 : i32 to index
    %swap3A_1150 = arith.constant 16 : index
    %swap3A_1151 = tpu.vector_load %arg5[%swap3A_1149, %swap3A_1150] {strides = array<i32>} : memref<16x64xf32, #tpu.memory_space<vmem>>, vector<1x16xf32>,
    %swap3A_1152 = vector.shape_cast %swap3A_1151 : vector<1x16xf32> to vector<16xf32>
    %swap3A_1153 = vector.shape_cast %select_n3A_1147 : vector<16xf32> to vector<1x16xf32>
    tpu.vector_store %arg5[%swap3A_1149, %swap3A_1150], %swap3A_1153 {strides = array<i32>} : memref<16x64xf32, #tpu.memory_space<vmem>>, vector<1x16xf32>,
    %ge3A_1154 = arith.cmpi sge, %or3A_721, %max3A_1069 : vector<16xi32>
    %jit3A_1155 = arith.constant 2.500000e-01 : f32
    %jit3A_1156 = arith.constant 0.000000e+00 : f32
    %broadcast_in_dim3A_1157 = vector.broadcast %jit3A_1155 : f32 to vector<16xf32>
    %broadcast_in_dim3A_1158 = vector.broadcast %jit3A_1156 : f32 to vector<16xf32>
    %select_n3A_1159 = arith.select %ge3A_1154, %broadcast_in_dim3A_1157, %broadcast_in_dim3A_1158 : vector<16xi1>, vector<16xf32>
    %swap3A_1160 = arith.constant 7 : i32
    %swap3A_1161 = arith.index_cast %swap3A_1160 : i32 to index
    %swap3A_1162 = arith.constant 16 : index
    %swap3A_1163 = tpu.vector_load %arg5[%swap3A_1161, %swap3A_1162] {strides = array<i32>} : memref<16x64xf32, #tpu.memory_space<vmem>>, vector<1x16xf32>,
    %swap3A_1164 = vector.shape_cast %swap3A_1163 : vector<1x16xf32> to vector<16xf32>
    %swap3A_1165 = vector.shape_cast %select_n3A_1159 : vector<16xf32> to vector<1x16xf32>
    tpu.vector_store %arg5[%swap3A_1161, %swap3A_1162], %swap3A_1165 {strides = array<i32>} : memref<16x64xf32, #tpu.memory_space<vmem>>, vector<1x16xf32>,
    %ge3A_1166 = arith.cmpi sge, %or3A_733, %max3A_1069 : vector<16xi32>
    %jit3A_1167 = arith.constant 2.500000e-01 : f32
    %jit3A_1168 = arith.constant 0.000000e+00 : f32
    %broadcast_in_dim3A_1169 = vector.broadcast %jit3A_1167 : f32 to vector<16xf32>
    %broadcast_in_dim3A_1170 = vector.broadcast %jit3A_1168 : f32 to vector<16xf32>
    %select_n3A_1171 = arith.select %ge3A_1166, %broadcast_in_dim3A_1169, %broadcast_in_dim3A_1170 : vector<16xi1>, vector<16xf32>
    %swap3A_1172 = arith.constant 8 : i32
    %swap3A_1173 = arith.index_cast %swap3A_1172 : i32 to index
    %swap3A_1174 = arith.constant 16 : index
    %swap3A_1175 = tpu.vector_load %arg5[%swap3A_1173, %swap3A_1174] {strides = array<i32>} : memref<16x64xf32, #tpu.memory_space<vmem>>, vector<1x16xf32>,
    %swap3A_1176 = vector.shape_cast %swap3A_1175 : vector<1x16xf32> to vector<16xf32>
    %swap3A_1177 = vector.shape_cast %select_n3A_1171 : vector<16xf32> to vector<1x16xf32>
    tpu.vector_store %arg5[%swap3A_1173, %swap3A_1174], %swap3A_1177 {strides = array<i32>} : memref<16x64xf32, #tpu.memory_space<vmem>>, vector<1x16xf32>,
    %ge3A_1178 = arith.cmpi sge, %or3A_745, %max3A_1069 : vector<16xi32>
    %jit3A_1179 = arith.constant 2.500000e-01 : f32
    %jit3A_1180 = arith.constant 0.000000e+00 : f32
    %broadcast_in_dim3A_1181 = vector.broadcast %jit3A_1179 : f32 to vector<16xf32>
    %broadcast_in_dim3A_1182 = vector.broadcast %jit3A_1180 : f32 to vector<16xf32>
    %select_n3A_1183 = arith.select %ge3A_1178, %broadcast_in_dim3A_1181, %broadcast_in_dim3A_1182 : vector<16xi1>, vector<16xf32>
    %swap3A_1184 = arith.constant 9 : i32
    %swap3A_1185 = arith.index_cast %swap3A_1184 : i32 to index
    %swap3A_1186 = arith.constant 16 : index
    %swap3A_1187 = tpu.vector_load %arg5[%swap3A_1185, %swap3A_1186] {strides = array<i32>} : memref<16x64xf32, #tpu.memory_space<vmem>>, vector<1x16xf32>,
    %swap3A_1188 = vector.shape_cast %swap3A_1187 : vector<1x16xf32> to vector<16xf32>
    %swap3A_1189 = vector.shape_cast %select_n3A_1183 : vector<16xf32> to vector<1x16xf32>
    tpu.vector_store %arg5[%swap3A_1185, %swap3A_1186], %swap3A_1189 {strides = array<i32>} : memref<16x64xf32, #tpu.memory_space<vmem>>, vector<1x16xf32>,
    %ge3A_1190 = arith.cmpi sge, %or3A_757, %max3A_1069 : vector<16xi32>
    %jit3A_1191 = arith.constant 2.500000e-01 : f32
    %jit3A_1192 = arith.constant 0.000000e+00 : f32
    %broadcast_in_dim3A_1193 = vector.broadcast %jit3A_1191 : f32 to vector<16xf32>
    %broadcast_in_dim3A_1194 = vector.broadcast %jit3A_1192 : f32 to vector<16xf32>
    %select_n3A_1195 = arith.select %ge3A_1190, %broadcast_in_dim3A_1193, %broadcast_in_dim3A_1194 : vector<16xi1>, vector<16xf32>
    %swap3A_1196 = arith.constant 10 : i32
    %swap3A_1197 = arith.index_cast %swap3A_1196 : i32 to index
    %swap3A_1198 = arith.constant 16 : index
    %swap3A_1199 = tpu.vector_load %arg5[%swap3A_1197, %swap3A_1198] {strides = array<i32>} : memref<16x64xf32, #tpu.memory_space<vmem>>, vector<1x16xf32>,
    %swap3A_1200 = vector.shape_cast %swap3A_1199 : vector<1x16xf32> to vector<16xf32>
    %swap3A_1201 = vector.shape_cast %select_n3A_1195 : vector<16xf32> to vector<1x16xf32>
    tpu.vector_store %arg5[%swap3A_1197, %swap3A_1198], %swap3A_1201 {strides = array<i32>} : memref<16x64xf32, #tpu.memory_space<vmem>>, vector<1x16xf32>,
    %ge3A_1202 = arith.cmpi sge, %or3A_769, %max3A_1069 : vector<16xi32>
    %jit3A_1203 = arith.constant 2.500000e-01 : f32
    %jit3A_1204 = arith.constant 0.000000e+00 : f32
    %broadcast_in_dim3A_1205 = vector.broadcast %jit3A_1203 : f32 to vector<16xf32>
    %broadcast_in_dim3A_1206 = vector.broadcast %jit3A_1204 : f32 to vector<16xf32>
    %select_n3A_1207 = arith.select %ge3A_1202, %broadcast_in_dim3A_1205, %broadcast_in_dim3A_1206 : vector<16xi1>, vector<16xf32>
    %swap3A_1208 = arith.constant 11 : i32
    %swap3A_1209 = arith.index_cast %swap3A_1208 : i32 to index
    %swap3A_1210 = arith.constant 16 : index
    %swap3A_1211 = tpu.vector_load %arg5[%swap3A_1209, %swap3A_1210] {strides = array<i32>} : memref<16x64xf32, #tpu.memory_space<vmem>>, vector<1x16xf32>,
    %swap3A_1212 = vector.shape_cast %swap3A_1211 : vector<1x16xf32> to vector<16xf32>
    %swap3A_1213 = vector.shape_cast %select_n3A_1207 : vector<16xf32> to vector<1x16xf32>
    tpu.vector_store %arg5[%swap3A_1209, %swap3A_1210], %swap3A_1213 {strides = array<i32>} : memref<16x64xf32, #tpu.memory_space<vmem>>, vector<1x16xf32>,
    %ge3A_1214 = arith.cmpi sge, %or3A_781, %max3A_1069 : vector<16xi32>
    %jit3A_1215 = arith.constant 2.500000e-01 : f32
    %jit3A_1216 = arith.constant 0.000000e+00 : f32
    %broadcast_in_dim3A_1217 = vector.broadcast %jit3A_1215 : f32 to vector<16xf32>
    %broadcast_in_dim3A_1218 = vector.broadcast %jit3A_1216 : f32 to vector<16xf32>
    %select_n3A_1219 = arith.select %ge3A_1214, %broadcast_in_dim3A_1217, %broadcast_in_dim3A_1218 : vector<16xi1>, vector<16xf32>
    %swap3A_1220 = arith.constant 12 : i32
    %swap3A_1221 = arith.index_cast %swap3A_1220 : i32 to index
    %swap3A_1222 = arith.constant 16 : index
    %swap3A_1223 = tpu.vector_load %arg5[%swap3A_1221, %swap3A_1222] {strides = array<i32>} : memref<16x64xf32, #tpu.memory_space<vmem>>, vector<1x16xf32>,
    %swap3A_1224 = vector.shape_cast %swap3A_1223 : vector<1x16xf32> to vector<16xf32>
    %swap3A_1225 = vector.shape_cast %select_n3A_1219 : vector<16xf32> to vector<1x16xf32>
    tpu.vector_store %arg5[%swap3A_1221, %swap3A_1222], %swap3A_1225 {strides = array<i32>} : memref<16x64xf32, #tpu.memory_space<vmem>>, vector<1x16xf32>,
    %ge3A_1226 = arith.cmpi sge, %or3A_793, %max3A_1069 : vector<16xi32>
    %jit3A_1227 = arith.constant 2.500000e-01 : f32
    %jit3A_1228 = arith.constant 0.000000e+00 : f32
    %broadcast_in_dim3A_1229 = vector.broadcast %jit3A_1227 : f32 to vector<16xf32>
    %broadcast_in_dim3A_1230 = vector.broadcast %jit3A_1228 : f32 to vector<16xf32>
    %select_n3A_1231 = arith.select %ge3A_1226, %broadcast_in_dim3A_1229, %broadcast_in_dim3A_1230 : vector<16xi1>, vector<16xf32>
    %swap3A_1232 = arith.constant 13 : i32
    %swap3A_1233 = arith.index_cast %swap3A_1232 : i32 to index
    %swap3A_1234 = arith.constant 16 : index
    %swap3A_1235 = tpu.vector_load %arg5[%swap3A_1233, %swap3A_1234] {strides = array<i32>} : memref<16x64xf32, #tpu.memory_space<vmem>>, vector<1x16xf32>,
    %swap3A_1236 = vector.shape_cast %swap3A_1235 : vector<1x16xf32> to vector<16xf32>
    %swap3A_1237 = vector.shape_cast %select_n3A_1231 : vector<16xf32> to vector<1x16xf32>
    tpu.vector_store %arg5[%swap3A_1233, %swap3A_1234], %swap3A_1237 {strides = array<i32>} : memref<16x64xf32, #tpu.memory_space<vmem>>, vector<1x16xf32>,
    %ge3A_1238 = arith.cmpi sge, %or3A_805, %max3A_1069 : vector<16xi32>
    %jit3A_1239 = arith.constant 2.500000e-01 : f32
    %jit3A_1240 = arith.constant 0.000000e+00 : f32
    %broadcast_in_dim3A_1241 = vector.broadcast %jit3A_1239 : f32 to vector<16xf32>
    %broadcast_in_dim3A_1242 = vector.broadcast %jit3A_1240 : f32 to vector<16xf32>
    %select_n3A_1243 = arith.select %ge3A_1238, %broadcast_in_dim3A_1241, %broadcast_in_dim3A_1242 : vector<16xi1>, vector<16xf32>
    %swap3A_1244 = arith.constant 14 : i32
    %swap3A_1245 = arith.index_cast %swap3A_1244 : i32 to index
    %swap3A_1246 = arith.constant 16 : index
    %swap3A_1247 = tpu.vector_load %arg5[%swap3A_1245, %swap3A_1246] {strides = array<i32>} : memref<16x64xf32, #tpu.memory_space<vmem>>, vector<1x16xf32>,
    %swap3A_1248 = vector.shape_cast %swap3A_1247 : vector<1x16xf32> to vector<16xf32>
    %swap3A_1249 = vector.shape_cast %select_n3A_1243 : vector<16xf32> to vector<1x16xf32>
    tpu.vector_store %arg5[%swap3A_1245, %swap3A_1246], %swap3A_1249 {strides = array<i32>} : memref<16x64xf32, #tpu.memory_space<vmem>>, vector<1x16xf32>,
    %ge3A_1250 = arith.cmpi sge, %or3A_817, %max3A_1069 : vector<16xi32>
    %jit3A_1251 = arith.constant 2.500000e-01 : f32
    %jit3A_1252 = arith.constant 0.000000e+00 : f32
    %broadcast_in_dim3A_1253 = vector.broadcast %jit3A_1251 : f32 to vector<16xf32>
    %broadcast_in_dim3A_1254 = vector.broadcast %jit3A_1252 : f32 to vector<16xf32>
    %select_n3A_1255 = arith.select %ge3A_1250, %broadcast_in_dim3A_1253, %broadcast_in_dim3A_1254 : vector<16xi1>, vector<16xf32>
    %swap3A_1256 = arith.constant 15 : i32
    %swap3A_1257 = arith.index_cast %swap3A_1256 : i32 to index
    %swap3A_1258 = arith.constant 16 : index
    %swap3A_1259 = tpu.vector_load %arg5[%swap3A_1257, %swap3A_1258] {strides = array<i32>} : memref<16x64xf32, #tpu.memory_space<vmem>>, vector<1x16xf32>,
    %swap3A_1260 = vector.shape_cast %swap3A_1259 : vector<1x16xf32> to vector<16xf32>
    %swap3A_1261 = vector.shape_cast %select_n3A_1255 : vector<16xf32> to vector<1x16xf32>
    tpu.vector_store %arg5[%swap3A_1257, %swap3A_1258], %swap3A_1261 {strides = array<i32>} : memref<16x64xf32, #tpu.memory_space<vmem>>, vector<1x16xf32>,
    %get3A_1262 = arith.constant 0 : i32
    %get3A_1263 = arith.index_cast %get3A_1262 : i32 to index
    %get3A_1264 = arith.constant 32 : index
    %get3A_1265 = tpu.vector_load %arg4[%get3A_1263, %get3A_1264] {strides = array<i32>} : memref<16x64xf32, #tpu.memory_space<vmem>>, vector<1x16xf32>,
    %get3A_1266 = vector.shape_cast %get3A_1265 : vector<1x16xf32> to vector<16xf32>
    %bitcast_convert_type3A_1267 = tpu.bitcast %get3A_1266 : vector<16xf32> -> vector<16xi32>
    %and3A_1268 = arith.constant -16 : i32
    %and3A_1269 = vector.broadcast %and3A_1268 : i32 to vector<16xi32>
    %and3A_1270 = arith.andi %bitcast_convert_type3A_1267, %and3A_1269 : vector<16xi32>
    %or3A_1271 = arith.constant 15 : i32
    %or3A_1272 = vector.broadcast %or3A_1271 : i32 to vector<16xi32>
    %or3A_1273 = arith.ori %and3A_1270, %or3A_1272 : vector<16xi32>
    %get3A_1274 = arith.constant 1 : i32
    %get3A_1275 = arith.index_cast %get3A_1274 : i32 to index
    %get3A_1276 = arith.constant 32 : index
    %get3A_1277 = tpu.vector_load %arg4[%get3A_1275, %get3A_1276] {strides = array<i32>} : memref<16x64xf32, #tpu.memory_space<vmem>>, vector<1x16xf32>,
    %get3A_1278 = vector.shape_cast %get3A_1277 : vector<1x16xf32> to vector<16xf32>
    %bitcast_convert_type3A_1279 = tpu.bitcast %get3A_1278 : vector<16xf32> -> vector<16xi32>
    %and3A_1280 = arith.constant -16 : i32
    %and3A_1281 = vector.broadcast %and3A_1280 : i32 to vector<16xi32>
    %and3A_1282 = arith.andi %bitcast_convert_type3A_1279, %and3A_1281 : vector<16xi32>
    %or3A_1283 = arith.constant 14 : i32
    %or3A_1284 = vector.broadcast %or3A_1283 : i32 to vector<16xi32>
    %or3A_1285 = arith.ori %and3A_1282, %or3A_1284 : vector<16xi32>
    %get3A_1286 = arith.constant 2 : i32
    %get3A_1287 = arith.index_cast %get3A_1286 : i32 to index
    %get3A_1288 = arith.constant 32 : index
    %get3A_1289 = tpu.vector_load %arg4[%get3A_1287, %get3A_1288] {strides = array<i32>} : memref<16x64xf32, #tpu.memory_space<vmem>>, vector<1x16xf32>,
    %get3A_1290 = vector.shape_cast %get3A_1289 : vector<1x16xf32> to vector<16xf32>
    %bitcast_convert_type3A_1291 = tpu.bitcast %get3A_1290 : vector<16xf32> -> vector<16xi32>
    %and3A_1292 = arith.constant -16 : i32
    %and3A_1293 = vector.broadcast %and3A_1292 : i32 to vector<16xi32>
    %and3A_1294 = arith.andi %bitcast_convert_type3A_1291, %and3A_1293 : vector<16xi32>
    %or3A_1295 = arith.constant 13 : i32
    %or3A_1296 = vector.broadcast %or3A_1295 : i32 to vector<16xi32>
    %or3A_1297 = arith.ori %and3A_1294, %or3A_1296 : vector<16xi32>
    %get3A_1298 = arith.constant 3 : i32
    %get3A_1299 = arith.index_cast %get3A_1298 : i32 to index
    %get3A_1300 = arith.constant 32 : index
    %get3A_1301 = tpu.vector_load %arg4[%get3A_1299, %get3A_1300] {strides = array<i32>} : memref<16x64xf32, #tpu.memory_space<vmem>>, vector<1x16xf32>,
    %get3A_1302 = vector.shape_cast %get3A_1301 : vector<1x16xf32> to vector<16xf32>
    %bitcast_convert_type3A_1303 = tpu.bitcast %get3A_1302 : vector<16xf32> -> vector<16xi32>
    %and3A_1304 = arith.constant -16 : i32
    %and3A_1305 = vector.broadcast %and3A_1304 : i32 to vector<16xi32>
    %and3A_1306 = arith.andi %bitcast_convert_type3A_1303, %and3A_1305 : vector<16xi32>
    %or3A_1307 = arith.constant 12 : i32
    %or3A_1308 = vector.broadcast %or3A_1307 : i32 to vector<16xi32>
    %or3A_1309 = arith.ori %and3A_1306, %or3A_1308 : vector<16xi32>
    %get3A_1310 = arith.constant 4 : i32
    %get3A_1311 = arith.index_cast %get3A_1310 : i32 to index
    %get3A_1312 = arith.constant 32 : index
    %get3A_1313 = tpu.vector_load %arg4[%get3A_1311, %get3A_1312] {strides = array<i32>} : memref<16x64xf32, #tpu.memory_space<vmem>>, vector<1x16xf32>,
    %get3A_1314 = vector.shape_cast %get3A_1313 : vector<1x16xf32> to vector<16xf32>
    %bitcast_convert_type3A_1315 = tpu.bitcast %get3A_1314 : vector<16xf32> -> vector<16xi32>
    %and3A_1316 = arith.constant -16 : i32
    %and3A_1317 = vector.broadcast %and3A_1316 : i32 to vector<16xi32>
    %and3A_1318 = arith.andi %bitcast_convert_type3A_1315, %and3A_1317 : vector<16xi32>
    %or3A_1319 = arith.constant 11 : i32
    %or3A_1320 = vector.broadcast %or3A_1319 : i32 to vector<16xi32>
    %or3A_1321 = arith.ori %and3A_1318, %or3A_1320 : vector<16xi32>
    %get3A_1322 = arith.constant 5 : i32
    %get3A_1323 = arith.index_cast %get3A_1322 : i32 to index
    %get3A_1324 = arith.constant 32 : index
    %get3A_1325 = tpu.vector_load %arg4[%get3A_1323, %get3A_1324] {strides = array<i32>} : memref<16x64xf32, #tpu.memory_space<vmem>>, vector<1x16xf32>,
    %get3A_1326 = vector.shape_cast %get3A_1325 : vector<1x16xf32> to vector<16xf32>
    %bitcast_convert_type3A_1327 = tpu.bitcast %get3A_1326 : vector<16xf32> -> vector<16xi32>
    %and3A_1328 = arith.constant -16 : i32
    %and3A_1329 = vector.broadcast %and3A_1328 : i32 to vector<16xi32>
    %and3A_1330 = arith.andi %bitcast_convert_type3A_1327, %and3A_1329 : vector<16xi32>
    %or3A_1331 = arith.constant 10 : i32
    %or3A_1332 = vector.broadcast %or3A_1331 : i32 to vector<16xi32>
    %or3A_1333 = arith.ori %and3A_1330, %or3A_1332 : vector<16xi32>
    %get3A_1334 = arith.constant 6 : i32
    %get3A_1335 = arith.index_cast %get3A_1334 : i32 to index
    %get3A_1336 = arith.constant 32 : index
    %get3A_1337 = tpu.vector_load %arg4[%get3A_1335, %get3A_1336] {strides = array<i32>} : memref<16x64xf32, #tpu.memory_space<vmem>>, vector<1x16xf32>,
    %get3A_1338 = vector.shape_cast %get3A_1337 : vector<1x16xf32> to vector<16xf32>
    %bitcast_convert_type3A_1339 = tpu.bitcast %get3A_1338 : vector<16xf32> -> vector<16xi32>
    %and3A_1340 = arith.constant -16 : i32
    %and3A_1341 = vector.broadcast %and3A_1340 : i32 to vector<16xi32>
    %and3A_1342 = arith.andi %bitcast_convert_type3A_1339, %and3A_1341 : vector<16xi32>
    %or3A_1343 = arith.constant 9 : i32
    %or3A_1344 = vector.broadcast %or3A_1343 : i32 to vector<16xi32>
    %or3A_1345 = arith.ori %and3A_1342, %or3A_1344 : vector<16xi32>
    %get3A_1346 = arith.constant 7 : i32
    %get3A_1347 = arith.index_cast %get3A_1346 : i32 to index
    %get3A_1348 = arith.constant 32 : index
    %get3A_1349 = tpu.vector_load %arg4[%get3A_1347, %get3A_1348] {strides = array<i32>} : memref<16x64xf32, #tpu.memory_space<vmem>>, vector<1x16xf32>,
    %get3A_1350 = vector.shape_cast %get3A_1349 : vector<1x16xf32> to vector<16xf32>
    %bitcast_convert_type3A_1351 = tpu.bitcast %get3A_1350 : vector<16xf32> -> vector<16xi32>
    %and3A_1352 = arith.constant -16 : i32
    %and3A_1353 = vector.broadcast %and3A_1352 : i32 to vector<16xi32>
    %and3A_1354 = arith.andi %bitcast_convert_type3A_1351, %and3A_1353 : vector<16xi32>
    %or3A_1355 = arith.constant 8 : i32
    %or3A_1356 = vector.broadcast %or3A_1355 : i32 to vector<16xi32>
    %or3A_1357 = arith.ori %and3A_1354, %or3A_1356 : vector<16xi32>
    %get3A_1358 = arith.constant 8 : i32
    %get3A_1359 = arith.index_cast %get3A_1358 : i32 to index
    %get3A_1360 = arith.constant 32 : index
    %get3A_1361 = tpu.vector_load %arg4[%get3A_1359, %get3A_1360] {strides = array<i32>} : memref<16x64xf32, #tpu.memory_space<vmem>>, vector<1x16xf32>,
    %get3A_1362 = vector.shape_cast %get3A_1361 : vector<1x16xf32> to vector<16xf32>
    %bitcast_convert_type3A_1363 = tpu.bitcast %get3A_1362 : vector<16xf32> -> vector<16xi32>
    %and3A_1364 = arith.constant -16 : i32
    %and3A_1365 = vector.broadcast %and3A_1364 : i32 to vector<16xi32>
    %and3A_1366 = arith.andi %bitcast_convert_type3A_1363, %and3A_1365 : vector<16xi32>
    %or3A_1367 = arith.constant 7 : i32
    %or3A_1368 = vector.broadcast %or3A_1367 : i32 to vector<16xi32>
    %or3A_1369 = arith.ori %and3A_1366, %or3A_1368 : vector<16xi32>
    %get3A_1370 = arith.constant 9 : i32
    %get3A_1371 = arith.index_cast %get3A_1370 : i32 to index
    %get3A_1372 = arith.constant 32 : index
    %get3A_1373 = tpu.vector_load %arg4[%get3A_1371, %get3A_1372] {strides = array<i32>} : memref<16x64xf32, #tpu.memory_space<vmem>>, vector<1x16xf32>,
    %get3A_1374 = vector.shape_cast %get3A_1373 : vector<1x16xf32> to vector<16xf32>
    %bitcast_convert_type3A_1375 = tpu.bitcast %get3A_1374 : vector<16xf32> -> vector<16xi32>
    %and3A_1376 = arith.constant -16 : i32
    %and3A_1377 = vector.broadcast %and3A_1376 : i32 to vector<16xi32>
    %and3A_1378 = arith.andi %bitcast_convert_type3A_1375, %and3A_1377 : vector<16xi32>
    %or3A_1379 = arith.constant 6 : i32
    %or3A_1380 = vector.broadcast %or3A_1379 : i32 to vector<16xi32>
    %or3A_1381 = arith.ori %and3A_1378, %or3A_1380 : vector<16xi32>
    %get3A_1382 = arith.constant 10 : i32
    %get3A_1383 = arith.index_cast %get3A_1382 : i32 to index
    %get3A_1384 = arith.constant 32 : index
    %get3A_1385 = tpu.vector_load %arg4[%get3A_1383, %get3A_1384] {strides = array<i32>} : memref<16x64xf32, #tpu.memory_space<vmem>>, vector<1x16xf32>,
    %get3A_1386 = vector.shape_cast %get3A_1385 : vector<1x16xf32> to vector<16xf32>
    %bitcast_convert_type3A_1387 = tpu.bitcast %get3A_1386 : vector<16xf32> -> vector<16xi32>
    %and3A_1388 = arith.constant -16 : i32
    %and3A_1389 = vector.broadcast %and3A_1388 : i32 to vector<16xi32>
    %and3A_1390 = arith.andi %bitcast_convert_type3A_1387, %and3A_1389 : vector<16xi32>
    %or3A_1391 = arith.constant 5 : i32
    %or3A_1392 = vector.broadcast %or3A_1391 : i32 to vector<16xi32>
    %or3A_1393 = arith.ori %and3A_1390, %or3A_1392 : vector<16xi32>
    %get3A_1394 = arith.constant 11 : i32
    %get3A_1395 = arith.index_cast %get3A_1394 : i32 to index
    %get3A_1396 = arith.constant 32 : index
    %get3A_1397 = tpu.vector_load %arg4[%get3A_1395, %get3A_1396] {strides = array<i32>} : memref<16x64xf32, #tpu.memory_space<vmem>>, vector<1x16xf32>,
    %get3A_1398 = vector.shape_cast %get3A_1397 : vector<1x16xf32> to vector<16xf32>
    %bitcast_convert_type3A_1399 = tpu.bitcast %get3A_1398 : vector<16xf32> -> vector<16xi32>
    %and3A_1400 = arith.constant -16 : i32
    %and3A_1401 = vector.broadcast %and3A_1400 : i32 to vector<16xi32>
    %and3A_1402 = arith.andi %bitcast_convert_type3A_1399, %and3A_1401 : vector<16xi32>
    %or3A_1403 = arith.constant 4 : i32
    %or3A_1404 = vector.broadcast %or3A_1403 : i32 to vector<16xi32>
    %or3A_1405 = arith.ori %and3A_1402, %or3A_1404 : vector<16xi32>
    %get3A_1406 = arith.constant 12 : i32
    %get3A_1407 = arith.index_cast %get3A_1406 : i32 to index
    %get3A_1408 = arith.constant 32 : index
    %get3A_1409 = tpu.vector_load %arg4[%get3A_1407, %get3A_1408] {strides = array<i32>} : memref<16x64xf32, #tpu.memory_space<vmem>>, vector<1x16xf32>,
    %get3A_1410 = vector.shape_cast %get3A_1409 : vector<1x16xf32> to vector<16xf32>
    %bitcast_convert_type3A_1411 = tpu.bitcast %get3A_1410 : vector<16xf32> -> vector<16xi32>
    %and3A_1412 = arith.constant -16 : i32
    %and3A_1413 = vector.broadcast %and3A_1412 : i32 to vector<16xi32>
    %and3A_1414 = arith.andi %bitcast_convert_type3A_1411, %and3A_1413 : vector<16xi32>
    %or3A_1415 = arith.constant 3 : i32
    %or3A_1416 = vector.broadcast %or3A_1415 : i32 to vector<16xi32>
    %or3A_1417 = arith.ori %and3A_1414, %or3A_1416 : vector<16xi32>
    %get3A_1418 = arith.constant 13 : i32
    %get3A_1419 = arith.index_cast %get3A_1418 : i32 to index
    %get3A_1420 = arith.constant 32 : index
    %get3A_1421 = tpu.vector_load %arg4[%get3A_1419, %get3A_1420] {strides = array<i32>} : memref<16x64xf32, #tpu.memory_space<vmem>>, vector<1x16xf32>,
    %get3A_1422 = vector.shape_cast %get3A_1421 : vector<1x16xf32> to vector<16xf32>
    %bitcast_convert_type3A_1423 = tpu.bitcast %get3A_1422 : vector<16xf32> -> vector<16xi32>
    %and3A_1424 = arith.constant -16 : i32
    %and3A_1425 = vector.broadcast %and3A_1424 : i32 to vector<16xi32>
    %and3A_1426 = arith.andi %bitcast_convert_type3A_1423, %and3A_1425 : vector<16xi32>
    %or3A_1427 = arith.constant 2 : i32
    %or3A_1428 = vector.broadcast %or3A_1427 : i32 to vector<16xi32>
    %or3A_1429 = arith.ori %and3A_1426, %or3A_1428 : vector<16xi32>
    %get3A_1430 = arith.constant 14 : i32
    %get3A_1431 = arith.index_cast %get3A_1430 : i32 to index
    %get3A_1432 = arith.constant 32 : index
    %get3A_1433 = tpu.vector_load %arg4[%get3A_1431, %get3A_1432] {strides = array<i32>} : memref<16x64xf32, #tpu.memory_space<vmem>>, vector<1x16xf32>,
    %get3A_1434 = vector.shape_cast %get3A_1433 : vector<1x16xf32> to vector<16xf32>
    %bitcast_convert_type3A_1435 = tpu.bitcast %get3A_1434 : vector<16xf32> -> vector<16xi32>
    %and3A_1436 = arith.constant -16 : i32
    %and3A_1437 = vector.broadcast %and3A_1436 : i32 to vector<16xi32>
    %and3A_1438 = arith.andi %bitcast_convert_type3A_1435, %and3A_1437 : vector<16xi32>
    %or3A_1439 = arith.constant 1 : i32
    %or3A_1440 = vector.broadcast %or3A_1439 : i32 to vector<16xi32>
    %or3A_1441 = arith.ori %and3A_1438, %or3A_1440 : vector<16xi32>
    %get3A_1442 = arith.constant 15 : i32
    %get3A_1443 = arith.index_cast %get3A_1442 : i32 to index
    %get3A_1444 = arith.constant 32 : index
    %get3A_1445 = tpu.vector_load %arg4[%get3A_1443, %get3A_1444] {strides = array<i32>} : memref<16x64xf32, #tpu.memory_space<vmem>>, vector<1x16xf32>,
    %get3A_1446 = vector.shape_cast %get3A_1445 : vector<1x16xf32> to vector<16xf32>
    %bitcast_convert_type3A_1447 = tpu.bitcast %get3A_1446 : vector<16xf32> -> vector<16xi32>
    %and3A_1448 = arith.constant -16 : i32
    %and3A_1449 = vector.broadcast %and3A_1448 : i32 to vector<16xi32>
    %and3A_1450 = arith.andi %bitcast_convert_type3A_1447, %and3A_1449 : vector<16xi32>
    %or3A_1451 = arith.constant 0 : i32
    %or3A_1452 = vector.broadcast %or3A_1451 : i32 to vector<16xi32>
    %or3A_1453 = arith.ori %and3A_1450, %or3A_1452 : vector<16xi32>
    %max3A_1454 = arith.maxsi %or3A_1273, %or3A_1285 : vector<16xi32>
    %max3A_1455 = arith.maxsi %or3A_1297, %or3A_1309 : vector<16xi32>
    %max3A_1456 = arith.maxsi %or3A_1321, %or3A_1333 : vector<16xi32>
    %max3A_1457 = arith.maxsi %or3A_1345, %or3A_1357 : vector<16xi32>
    %max3A_1458 = arith.maxsi %or3A_1369, %or3A_1381 : vector<16xi32>
    %max3A_1459 = arith.maxsi %or3A_1393, %or3A_1405 : vector<16xi32>
    %max3A_1460 = arith.maxsi %or3A_1417, %or3A_1429 : vector<16xi32>
    %max3A_1461 = arith.maxsi %or3A_1441, %or3A_1453 : vector<16xi32>
    %max3A_1462 = arith.maxsi %max3A_1454, %max3A_1455 : vector<16xi32>
    %max3A_1463 = arith.maxsi %max3A_1456, %max3A_1457 : vector<16xi32>
    %max3A_1464 = arith.maxsi %max3A_1458, %max3A_1459 : vector<16xi32>
    %max3A_1465 = arith.maxsi %max3A_1460, %max3A_1461 : vector<16xi32>
    %max3A_1466 = arith.maxsi %max3A_1462, %max3A_1463 : vector<16xi32>
    %max3A_1467 = arith.maxsi %max3A_1464, %max3A_1465 : vector<16xi32>
    %max3A_1468 = arith.maxsi %max3A_1466, %max3A_1467 : vector<16xi32>
    %eq3A_1469 = arith.cmpi eq, %or3A_1273, %max3A_1468 : vector<16xi32>
    %jit3A_1470 = arith.constant -1 : i32
    %broadcast_in_dim3A_1471 = vector.broadcast %jit3A_1470 : i32 to vector<16xi32>
    %select_n3A_1472 = arith.select %eq3A_1469, %broadcast_in_dim3A_1471, %or3A_1273 : vector<16xi1>, vector<16xi32>
    %eq3A_1473 = arith.cmpi eq, %or3A_1285, %max3A_1468 : vector<16xi32>
    %jit3A_1474 = arith.constant -1 : i32
    %broadcast_in_dim3A_1475 = vector.broadcast %jit3A_1474 : i32 to vector<16xi32>
    %select_n3A_1476 = arith.select %eq3A_1473, %broadcast_in_dim3A_1475, %or3A_1285 : vector<16xi1>, vector<16xi32>
    %eq3A_1477 = arith.cmpi eq, %or3A_1297, %max3A_1468 : vector<16xi32>
    %jit3A_1478 = arith.constant -1 : i32
    %broadcast_in_dim3A_1479 = vector.broadcast %jit3A_1478 : i32 to vector<16xi32>
    %select_n3A_1480 = arith.select %eq3A_1477, %broadcast_in_dim3A_1479, %or3A_1297 : vector<16xi1>, vector<16xi32>
    %eq3A_1481 = arith.cmpi eq, %or3A_1309, %max3A_1468 : vector<16xi32>
    %jit3A_1482 = arith.constant -1 : i32
    %broadcast_in_dim3A_1483 = vector.broadcast %jit3A_1482 : i32 to vector<16xi32>
    %select_n3A_1484 = arith.select %eq3A_1481, %broadcast_in_dim3A_1483, %or3A_1309 : vector<16xi1>, vector<16xi32>
    %eq3A_1485 = arith.cmpi eq, %or3A_1321, %max3A_1468 : vector<16xi32>
    %jit3A_1486 = arith.constant -1 : i32
    %broadcast_in_dim3A_1487 = vector.broadcast %jit3A_1486 : i32 to vector<16xi32>
    %select_n3A_1488 = arith.select %eq3A_1485, %broadcast_in_dim3A_1487, %or3A_1321 : vector<16xi1>, vector<16xi32>
    %eq3A_1489 = arith.cmpi eq, %or3A_1333, %max3A_1468 : vector<16xi32>
    %jit3A_1490 = arith.constant -1 : i32
    %broadcast_in_dim3A_1491 = vector.broadcast %jit3A_1490 : i32 to vector<16xi32>
    %select_n3A_1492 = arith.select %eq3A_1489, %broadcast_in_dim3A_1491, %or3A_1333 : vector<16xi1>, vector<16xi32>
    %eq3A_1493 = arith.cmpi eq, %or3A_1345, %max3A_1468 : vector<16xi32>
    %jit3A_1494 = arith.constant -1 : i32
    %broadcast_in_dim3A_1495 = vector.broadcast %jit3A_1494 : i32 to vector<16xi32>
    %select_n3A_1496 = arith.select %eq3A_1493, %broadcast_in_dim3A_1495, %or3A_1345 : vector<16xi1>, vector<16xi32>
    %eq3A_1497 = arith.cmpi eq, %or3A_1357, %max3A_1468 : vector<16xi32>
    %jit3A_1498 = arith.constant -1 : i32
    %broadcast_in_dim3A_1499 = vector.broadcast %jit3A_1498 : i32 to vector<16xi32>
    %select_n3A_1500 = arith.select %eq3A_1497, %broadcast_in_dim3A_1499, %or3A_1357 : vector<16xi1>, vector<16xi32>
    %eq3A_1501 = arith.cmpi eq, %or3A_1369, %max3A_1468 : vector<16xi32>
    %jit3A_1502 = arith.constant -1 : i32
    %broadcast_in_dim3A_1503 = vector.broadcast %jit3A_1502 : i32 to vector<16xi32>
    %select_n3A_1504 = arith.select %eq3A_1501, %broadcast_in_dim3A_1503, %or3A_1369 : vector<16xi1>, vector<16xi32>
    %eq3A_1505 = arith.cmpi eq, %or3A_1381, %max3A_1468 : vector<16xi32>
    %jit3A_1506 = arith.constant -1 : i32
    %broadcast_in_dim3A_1507 = vector.broadcast %jit3A_1506 : i32 to vector<16xi32>
    %select_n3A_1508 = arith.select %eq3A_1505, %broadcast_in_dim3A_1507, %or3A_1381 : vector<16xi1>, vector<16xi32>
    %eq3A_1509 = arith.cmpi eq, %or3A_1393, %max3A_1468 : vector<16xi32>
    %jit3A_1510 = arith.constant -1 : i32
    %broadcast_in_dim3A_1511 = vector.broadcast %jit3A_1510 : i32 to vector<16xi32>
    %select_n3A_1512 = arith.select %eq3A_1509, %broadcast_in_dim3A_1511, %or3A_1393 : vector<16xi1>, vector<16xi32>
    %eq3A_1513 = arith.cmpi eq, %or3A_1405, %max3A_1468 : vector<16xi32>
    %jit3A_1514 = arith.constant -1 : i32
    %broadcast_in_dim3A_1515 = vector.broadcast %jit3A_1514 : i32 to vector<16xi32>
    %select_n3A_1516 = arith.select %eq3A_1513, %broadcast_in_dim3A_1515, %or3A_1405 : vector<16xi1>, vector<16xi32>
    %eq3A_1517 = arith.cmpi eq, %or3A_1417, %max3A_1468 : vector<16xi32>
    %jit3A_1518 = arith.constant -1 : i32
    %broadcast_in_dim3A_1519 = vector.broadcast %jit3A_1518 : i32 to vector<16xi32>
    %select_n3A_1520 = arith.select %eq3A_1517, %broadcast_in_dim3A_1519, %or3A_1417 : vector<16xi1>, vector<16xi32>
    %eq3A_1521 = arith.cmpi eq, %or3A_1429, %max3A_1468 : vector<16xi32>
    %jit3A_1522 = arith.constant -1 : i32
    %broadcast_in_dim3A_1523 = vector.broadcast %jit3A_1522 : i32 to vector<16xi32>
    %select_n3A_1524 = arith.select %eq3A_1521, %broadcast_in_dim3A_1523, %or3A_1429 : vector<16xi1>, vector<16xi32>
    %eq3A_1525 = arith.cmpi eq, %or3A_1441, %max3A_1468 : vector<16xi32>
    %jit3A_1526 = arith.constant -1 : i32
    %broadcast_in_dim3A_1527 = vector.broadcast %jit3A_1526 : i32 to vector<16xi32>
    %select_n3A_1528 = arith.select %eq3A_1525, %broadcast_in_dim3A_1527, %or3A_1441 : vector<16xi1>, vector<16xi32>
    %eq3A_1529 = arith.cmpi eq, %or3A_1453, %max3A_1468 : vector<16xi32>
    %jit3A_1530 = arith.constant -1 : i32
    %broadcast_in_dim3A_1531 = vector.broadcast %jit3A_1530 : i32 to vector<16xi32>
    %select_n3A_1532 = arith.select %eq3A_1529, %broadcast_in_dim3A_1531, %or3A_1453 : vector<16xi1>, vector<16xi32>
    %max3A_1533 = arith.maxsi %select_n3A_1472, %select_n3A_1476 : vector<16xi32>
    %max3A_1534 = arith.maxsi %select_n3A_1480, %select_n3A_1484 : vector<16xi32>
    %max3A_1535 = arith.maxsi %select_n3A_1488, %select_n3A_1492 : vector<16xi32>
    %max3A_1536 = arith.maxsi %select_n3A_1496, %select_n3A_1500 : vector<16xi32>
    %max3A_1537 = arith.maxsi %select_n3A_1504, %select_n3A_1508 : vector<16xi32>
    %max3A_1538 = arith.maxsi %select_n3A_1512, %select_n3A_1516 : vector<16xi32>
    %max3A_1539 = arith.maxsi %select_n3A_1520, %select_n3A_1524 : vector<16xi32>
    %max3A_1540 = arith.maxsi %select_n3A_1528, %select_n3A_1532 : vector<16xi32>
    %max3A_1541 = arith.maxsi %max3A_1533, %max3A_1534 : vector<16xi32>
    %max3A_1542 = arith.maxsi %max3A_1535, %max3A_1536 : vector<16xi32>
    %max3A_1543 = arith.maxsi %max3A_1537, %max3A_1538 : vector<16xi32>
    %max3A_1544 = arith.maxsi %max3A_1539, %max3A_1540 : vector<16xi32>
    %max3A_1545 = arith.maxsi %max3A_1541, %max3A_1542 : vector<16xi32>
    %max3A_1546 = arith.maxsi %max3A_1543, %max3A_1544 : vector<16xi32>
    %max3A_1547 = arith.maxsi %max3A_1545, %max3A_1546 : vector<16xi32>
    %eq3A_1548 = arith.cmpi eq, %select_n3A_1472, %max3A_1547 : vector<16xi32>
    %jit3A_1549 = arith.constant -1 : i32
    %broadcast_in_dim3A_1550 = vector.broadcast %jit3A_1549 : i32 to vector<16xi32>
    %select_n3A_1551 = arith.select %eq3A_1548, %broadcast_in_dim3A_1550, %select_n3A_1472 : vector<16xi1>, vector<16xi32>
    %eq3A_1552 = arith.cmpi eq, %select_n3A_1476, %max3A_1547 : vector<16xi32>
    %jit3A_1553 = arith.constant -1 : i32
    %broadcast_in_dim3A_1554 = vector.broadcast %jit3A_1553 : i32 to vector<16xi32>
    %select_n3A_1555 = arith.select %eq3A_1552, %broadcast_in_dim3A_1554, %select_n3A_1476 : vector<16xi1>, vector<16xi32>
    %eq3A_1556 = arith.cmpi eq, %select_n3A_1480, %max3A_1547 : vector<16xi32>
    %jit3A_1557 = arith.constant -1 : i32
    %broadcast_in_dim3A_1558 = vector.broadcast %jit3A_1557 : i32 to vector<16xi32>
    %select_n3A_1559 = arith.select %eq3A_1556, %broadcast_in_dim3A_1558, %select_n3A_1480 : vector<16xi1>, vector<16xi32>
    %eq3A_1560 = arith.cmpi eq, %select_n3A_1484, %max3A_1547 : vector<16xi32>
    %jit3A_1561 = arith.constant -1 : i32
    %broadcast_in_dim3A_1562 = vector.broadcast %jit3A_1561 : i32 to vector<16xi32>
    %select_n3A_1563 = arith.select %eq3A_1560, %broadcast_in_dim3A_1562, %select_n3A_1484 : vector<16xi1>, vector<16xi32>
    %eq3A_1564 = arith.cmpi eq, %select_n3A_1488, %max3A_1547 : vector<16xi32>
    %jit3A_1565 = arith.constant -1 : i32
    %broadcast_in_dim3A_1566 = vector.broadcast %jit3A_1565 : i32 to vector<16xi32>
    %select_n3A_1567 = arith.select %eq3A_1564, %broadcast_in_dim3A_1566, %select_n3A_1488 : vector<16xi1>, vector<16xi32>
    %eq3A_1568 = arith.cmpi eq, %select_n3A_1492, %max3A_1547 : vector<16xi32>
    %jit3A_1569 = arith.constant -1 : i32
    %broadcast_in_dim3A_1570 = vector.broadcast %jit3A_1569 : i32 to vector<16xi32>
    %select_n3A_1571 = arith.select %eq3A_1568, %broadcast_in_dim3A_1570, %select_n3A_1492 : vector<16xi1>, vector<16xi32>
    %eq3A_1572 = arith.cmpi eq, %select_n3A_1496, %max3A_1547 : vector<16xi32>
    %jit3A_1573 = arith.constant -1 : i32
    %broadcast_in_dim3A_1574 = vector.broadcast %jit3A_1573 : i32 to vector<16xi32>
    %select_n3A_1575 = arith.select %eq3A_1572, %broadcast_in_dim3A_1574, %select_n3A_1496 : vector<16xi1>, vector<16xi32>
    %eq3A_1576 = arith.cmpi eq, %select_n3A_1500, %max3A_1547 : vector<16xi32>
    %jit3A_1577 = arith.constant -1 : i32
    %broadcast_in_dim3A_1578 = vector.broadcast %jit3A_1577 : i32 to vector<16xi32>
    %select_n3A_1579 = arith.select %eq3A_1576, %broadcast_in_dim3A_1578, %select_n3A_1500 : vector<16xi1>, vector<16xi32>
    %eq3A_1580 = arith.cmpi eq, %select_n3A_1504, %max3A_1547 : vector<16xi32>
    %jit3A_1581 = arith.constant -1 : i32
    %broadcast_in_dim3A_1582 = vector.broadcast %jit3A_1581 : i32 to vector<16xi32>
    %select_n3A_1583 = arith.select %eq3A_1580, %broadcast_in_dim3A_1582, %select_n3A_1504 : vector<16xi1>, vector<16xi32>
    %eq3A_1584 = arith.cmpi eq, %select_n3A_1508, %max3A_1547 : vector<16xi32>
    %jit3A_1585 = arith.constant -1 : i32
    %broadcast_in_dim3A_1586 = vector.broadcast %jit3A_1585 : i32 to vector<16xi32>
    %select_n3A_1587 = arith.select %eq3A_1584, %broadcast_in_dim3A_1586, %select_n3A_1508 : vector<16xi1>, vector<16xi32>
    %eq3A_1588 = arith.cmpi eq, %select_n3A_1512, %max3A_1547 : vector<16xi32>
    %jit3A_1589 = arith.constant -1 : i32
    %broadcast_in_dim3A_1590 = vector.broadcast %jit3A_1589 : i32 to vector<16xi32>
    %select_n3A_1591 = arith.select %eq3A_1588, %broadcast_in_dim3A_1590, %select_n3A_1512 : vector<16xi1>, vector<16xi32>
    %eq3A_1592 = arith.cmpi eq, %select_n3A_1516, %max3A_1547 : vector<16xi32>
    %jit3A_1593 = arith.constant -1 : i32
    %broadcast_in_dim3A_1594 = vector.broadcast %jit3A_1593 : i32 to vector<16xi32>
    %select_n3A_1595 = arith.select %eq3A_1592, %broadcast_in_dim3A_1594, %select_n3A_1516 : vector<16xi1>, vector<16xi32>
    %eq3A_1596 = arith.cmpi eq, %select_n3A_1520, %max3A_1547 : vector<16xi32>
    %jit3A_1597 = arith.constant -1 : i32
    %broadcast_in_dim3A_1598 = vector.broadcast %jit3A_1597 : i32 to vector<16xi32>
    %select_n3A_1599 = arith.select %eq3A_1596, %broadcast_in_dim3A_1598, %select_n3A_1520 : vector<16xi1>, vector<16xi32>
    %eq3A_1600 = arith.cmpi eq, %select_n3A_1524, %max3A_1547 : vector<16xi32>
    %jit3A_1601 = arith.constant -1 : i32
    %broadcast_in_dim3A_1602 = vector.broadcast %jit3A_1601 : i32 to vector<16xi32>
    %select_n3A_1603 = arith.select %eq3A_1600, %broadcast_in_dim3A_1602, %select_n3A_1524 : vector<16xi1>, vector<16xi32>
    %eq3A_1604 = arith.cmpi eq, %select_n3A_1528, %max3A_1547 : vector<16xi32>
    %jit3A_1605 = arith.constant -1 : i32
    %broadcast_in_dim3A_1606 = vector.broadcast %jit3A_1605 : i32 to vector<16xi32>
    %select_n3A_1607 = arith.select %eq3A_1604, %broadcast_in_dim3A_1606, %select_n3A_1528 : vector<16xi1>, vector<16xi32>
    %eq3A_1608 = arith.cmpi eq, %select_n3A_1532, %max3A_1547 : vector<16xi32>
    %jit3A_1609 = arith.constant -1 : i32
    %broadcast_in_dim3A_1610 = vector.broadcast %jit3A_1609 : i32 to vector<16xi32>
    %select_n3A_1611 = arith.select %eq3A_1608, %broadcast_in_dim3A_1610, %select_n3A_1532 : vector<16xi1>, vector<16xi32>
    %max3A_1612 = arith.maxsi %select_n3A_1551, %select_n3A_1555 : vector<16xi32>
    %max3A_1613 = arith.maxsi %select_n3A_1559, %select_n3A_1563 : vector<16xi32>
    %max3A_1614 = arith.maxsi %select_n3A_1567, %select_n3A_1571 : vector<16xi32>
    %max3A_1615 = arith.maxsi %select_n3A_1575, %select_n3A_1579 : vector<16xi32>
    %max3A_1616 = arith.maxsi %select_n3A_1583, %select_n3A_1587 : vector<16xi32>
    %max3A_1617 = arith.maxsi %select_n3A_1591, %select_n3A_1595 : vector<16xi32>
    %max3A_1618 = arith.maxsi %select_n3A_1599, %select_n3A_1603 : vector<16xi32>
    %max3A_1619 = arith.maxsi %select_n3A_1607, %select_n3A_1611 : vector<16xi32>
    %max3A_1620 = arith.maxsi %max3A_1612, %max3A_1613 : vector<16xi32>
    %max3A_1621 = arith.maxsi %max3A_1614, %max3A_1615 : vector<16xi32>
    %max3A_1622 = arith.maxsi %max3A_1616, %max3A_1617 : vector<16xi32>
    %max3A_1623 = arith.maxsi %max3A_1618, %max3A_1619 : vector<16xi32>
    %max3A_1624 = arith.maxsi %max3A_1620, %max3A_1621 : vector<16xi32>
    %max3A_1625 = arith.maxsi %max3A_1622, %max3A_1623 : vector<16xi32>
    %max3A_1626 = arith.maxsi %max3A_1624, %max3A_1625 : vector<16xi32>
    %eq3A_1627 = arith.cmpi eq, %select_n3A_1551, %max3A_1626 : vector<16xi32>
    %jit3A_1628 = arith.constant -1 : i32
    %broadcast_in_dim3A_1629 = vector.broadcast %jit3A_1628 : i32 to vector<16xi32>
    %select_n3A_1630 = arith.select %eq3A_1627, %broadcast_in_dim3A_1629, %select_n3A_1551 : vector<16xi1>, vector<16xi32>
    %eq3A_1631 = arith.cmpi eq, %select_n3A_1555, %max3A_1626 : vector<16xi32>
    %jit3A_1632 = arith.constant -1 : i32
    %broadcast_in_dim3A_1633 = vector.broadcast %jit3A_1632 : i32 to vector<16xi32>
    %select_n3A_1634 = arith.select %eq3A_1631, %broadcast_in_dim3A_1633, %select_n3A_1555 : vector<16xi1>, vector<16xi32>
    %eq3A_1635 = arith.cmpi eq, %select_n3A_1559, %max3A_1626 : vector<16xi32>
    %jit3A_1636 = arith.constant -1 : i32
    %broadcast_in_dim3A_1637 = vector.broadcast %jit3A_1636 : i32 to vector<16xi32>
    %select_n3A_1638 = arith.select %eq3A_1635, %broadcast_in_dim3A_1637, %select_n3A_1559 : vector<16xi1>, vector<16xi32>
    %eq3A_1639 = arith.cmpi eq, %select_n3A_1563, %max3A_1626 : vector<16xi32>
    %jit3A_1640 = arith.constant -1 : i32
    %broadcast_in_dim3A_1641 = vector.broadcast %jit3A_1640 : i32 to vector<16xi32>
    %select_n3A_1642 = arith.select %eq3A_1639, %broadcast_in_dim3A_1641, %select_n3A_1563 : vector<16xi1>, vector<16xi32>
    %eq3A_1643 = arith.cmpi eq, %select_n3A_1567, %max3A_1626 : vector<16xi32>
    %jit3A_1644 = arith.constant -1 : i32
    %broadcast_in_dim3A_1645 = vector.broadcast %jit3A_1644 : i32 to vector<16xi32>
    %select_n3A_1646 = arith.select %eq3A_1643, %broadcast_in_dim3A_1645, %select_n3A_1567 : vector<16xi1>, vector<16xi32>
    %eq3A_1647 = arith.cmpi eq, %select_n3A_1571, %max3A_1626 : vector<16xi32>
    %jit3A_1648 = arith.constant -1 : i32
    %broadcast_in_dim3A_1649 = vector.broadcast %jit3A_1648 : i32 to vector<16xi32>
    %select_n3A_1650 = arith.select %eq3A_1647, %broadcast_in_dim3A_1649, %select_n3A_1571 : vector<16xi1>, vector<16xi32>
    %eq3A_1651 = arith.cmpi eq, %select_n3A_1575, %max3A_1626 : vector<16xi32>
    %jit3A_1652 = arith.constant -1 : i32
    %broadcast_in_dim3A_1653 = vector.broadcast %jit3A_1652 : i32 to vector<16xi32>
    %select_n3A_1654 = arith.select %eq3A_1651, %broadcast_in_dim3A_1653, %select_n3A_1575 : vector<16xi1>, vector<16xi32>
    %eq3A_1655 = arith.cmpi eq, %select_n3A_1579, %max3A_1626 : vector<16xi32>
    %jit3A_1656 = arith.constant -1 : i32
    %broadcast_in_dim3A_1657 = vector.broadcast %jit3A_1656 : i32 to vector<16xi32>
    %select_n3A_1658 = arith.select %eq3A_1655, %broadcast_in_dim3A_1657, %select_n3A_1579 : vector<16xi1>, vector<16xi32>
    %eq3A_1659 = arith.cmpi eq, %select_n3A_1583, %max3A_1626 : vector<16xi32>
    %jit3A_1660 = arith.constant -1 : i32
    %broadcast_in_dim3A_1661 = vector.broadcast %jit3A_1660 : i32 to vector<16xi32>
    %select_n3A_1662 = arith.select %eq3A_1659, %broadcast_in_dim3A_1661, %select_n3A_1583 : vector<16xi1>, vector<16xi32>
    %eq3A_1663 = arith.cmpi eq, %select_n3A_1587, %max3A_1626 : vector<16xi32>
    %jit3A_1664 = arith.constant -1 : i32
    %broadcast_in_dim3A_1665 = vector.broadcast %jit3A_1664 : i32 to vector<16xi32>
    %select_n3A_1666 = arith.select %eq3A_1663, %broadcast_in_dim3A_1665, %select_n3A_1587 : vector<16xi1>, vector<16xi32>
    %eq3A_1667 = arith.cmpi eq, %select_n3A_1591, %max3A_1626 : vector<16xi32>
    %jit3A_1668 = arith.constant -1 : i32
    %broadcast_in_dim3A_1669 = vector.broadcast %jit3A_1668 : i32 to vector<16xi32>
    %select_n3A_1670 = arith.select %eq3A_1667, %broadcast_in_dim3A_1669, %select_n3A_1591 : vector<16xi1>, vector<16xi32>
    %eq3A_1671 = arith.cmpi eq, %select_n3A_1595, %max3A_1626 : vector<16xi32>
    %jit3A_1672 = arith.constant -1 : i32
    %broadcast_in_dim3A_1673 = vector.broadcast %jit3A_1672 : i32 to vector<16xi32>
    %select_n3A_1674 = arith.select %eq3A_1671, %broadcast_in_dim3A_1673, %select_n3A_1595 : vector<16xi1>, vector<16xi32>
    %eq3A_1675 = arith.cmpi eq, %select_n3A_1599, %max3A_1626 : vector<16xi32>
    %jit3A_1676 = arith.constant -1 : i32
    %broadcast_in_dim3A_1677 = vector.broadcast %jit3A_1676 : i32 to vector<16xi32>
    %select_n3A_1678 = arith.select %eq3A_1675, %broadcast_in_dim3A_1677, %select_n3A_1599 : vector<16xi1>, vector<16xi32>
    %eq3A_1679 = arith.cmpi eq, %select_n3A_1603, %max3A_1626 : vector<16xi32>
    %jit3A_1680 = arith.constant -1 : i32
    %broadcast_in_dim3A_1681 = vector.broadcast %jit3A_1680 : i32 to vector<16xi32>
    %select_n3A_1682 = arith.select %eq3A_1679, %broadcast_in_dim3A_1681, %select_n3A_1603 : vector<16xi1>, vector<16xi32>
    %eq3A_1683 = arith.cmpi eq, %select_n3A_1607, %max3A_1626 : vector<16xi32>
    %jit3A_1684 = arith.constant -1 : i32
    %broadcast_in_dim3A_1685 = vector.broadcast %jit3A_1684 : i32 to vector<16xi32>
    %select_n3A_1686 = arith.select %eq3A_1683, %broadcast_in_dim3A_1685, %select_n3A_1607 : vector<16xi1>, vector<16xi32>
    %eq3A_1687 = arith.cmpi eq, %select_n3A_1611, %max3A_1626 : vector<16xi32>
    %jit3A_1688 = arith.constant -1 : i32
    %broadcast_in_dim3A_1689 = vector.broadcast %jit3A_1688 : i32 to vector<16xi32>
    %select_n3A_1690 = arith.select %eq3A_1687, %broadcast_in_dim3A_1689, %select_n3A_1611 : vector<16xi1>, vector<16xi32>
    %max3A_1691 = arith.maxsi %select_n3A_1630, %select_n3A_1634 : vector<16xi32>
    %max3A_1692 = arith.maxsi %select_n3A_1638, %select_n3A_1642 : vector<16xi32>
    %max3A_1693 = arith.maxsi %select_n3A_1646, %select_n3A_1650 : vector<16xi32>
    %max3A_1694 = arith.maxsi %select_n3A_1654, %select_n3A_1658 : vector<16xi32>
    %max3A_1695 = arith.maxsi %select_n3A_1662, %select_n3A_1666 : vector<16xi32>
    %max3A_1696 = arith.maxsi %select_n3A_1670, %select_n3A_1674 : vector<16xi32>
    %max3A_1697 = arith.maxsi %select_n3A_1678, %select_n3A_1682 : vector<16xi32>
    %max3A_1698 = arith.maxsi %select_n3A_1686, %select_n3A_1690 : vector<16xi32>
    %max3A_1699 = arith.maxsi %max3A_1691, %max3A_1692 : vector<16xi32>
    %max3A_1700 = arith.maxsi %max3A_1693, %max3A_1694 : vector<16xi32>
    %max3A_1701 = arith.maxsi %max3A_1695, %max3A_1696 : vector<16xi32>
    %max3A_1702 = arith.maxsi %max3A_1697, %max3A_1698 : vector<16xi32>
    %max3A_1703 = arith.maxsi %max3A_1699, %max3A_1700 : vector<16xi32>
    %max3A_1704 = arith.maxsi %max3A_1701, %max3A_1702 : vector<16xi32>
    %max3A_1705 = arith.maxsi %max3A_1703, %max3A_1704 : vector<16xi32>
    %ge3A_1706 = arith.cmpi sge, %or3A_1273, %max3A_1705 : vector<16xi32>
    %jit3A_1707 = arith.constant 2.500000e-01 : f32
    %jit3A_1708 = arith.constant 0.000000e+00 : f32
    %broadcast_in_dim3A_1709 = vector.broadcast %jit3A_1707 : f32 to vector<16xf32>
    %broadcast_in_dim3A_1710 = vector.broadcast %jit3A_1708 : f32 to vector<16xf32>
    %select_n3A_1711 = arith.select %ge3A_1706, %broadcast_in_dim3A_1709, %broadcast_in_dim3A_1710 : vector<16xi1>, vector<16xf32>
    %swap3A_1712 = arith.constant 0 : i32
    %swap3A_1713 = arith.index_cast %swap3A_1712 : i32 to index
    %swap3A_1714 = arith.constant 32 : index
    %swap3A_1715 = tpu.vector_load %arg5[%swap3A_1713, %swap3A_1714] {strides = array<i32>} : memref<16x64xf32, #tpu.memory_space<vmem>>, vector<1x16xf32>,
    %swap3A_1716 = vector.shape_cast %swap3A_1715 : vector<1x16xf32> to vector<16xf32>
    %swap3A_1717 = vector.shape_cast %select_n3A_1711 : vector<16xf32> to vector<1x16xf32>
    tpu.vector_store %arg5[%swap3A_1713, %swap3A_1714], %swap3A_1717 {strides = array<i32>} : memref<16x64xf32, #tpu.memory_space<vmem>>, vector<1x16xf32>,
    %ge3A_1718 = arith.cmpi sge, %or3A_1285, %max3A_1705 : vector<16xi32>
    %jit3A_1719 = arith.constant 2.500000e-01 : f32
    %jit3A_1720 = arith.constant 0.000000e+00 : f32
    %broadcast_in_dim3A_1721 = vector.broadcast %jit3A_1719 : f32 to vector<16xf32>
    %broadcast_in_dim3A_1722 = vector.broadcast %jit3A_1720 : f32 to vector<16xf32>
    %select_n3A_1723 = arith.select %ge3A_1718, %broadcast_in_dim3A_1721, %broadcast_in_dim3A_1722 : vector<16xi1>, vector<16xf32>
    %swap3A_1724 = arith.constant 1 : i32
    %swap3A_1725 = arith.index_cast %swap3A_1724 : i32 to index
    %swap3A_1726 = arith.constant 32 : index
    %swap3A_1727 = tpu.vector_load %arg5[%swap3A_1725, %swap3A_1726] {strides = array<i32>} : memref<16x64xf32, #tpu.memory_space<vmem>>, vector<1x16xf32>,
    %swap3A_1728 = vector.shape_cast %swap3A_1727 : vector<1x16xf32> to vector<16xf32>
    %swap3A_1729 = vector.shape_cast %select_n3A_1723 : vector<16xf32> to vector<1x16xf32>
    tpu.vector_store %arg5[%swap3A_1725, %swap3A_1726], %swap3A_1729 {strides = array<i32>} : memref<16x64xf32, #tpu.memory_space<vmem>>, vector<1x16xf32>,
    %ge3A_1730 = arith.cmpi sge, %or3A_1297, %max3A_1705 : vector<16xi32>
    %jit3A_1731 = arith.constant 2.500000e-01 : f32
    %jit3A_1732 = arith.constant 0.000000e+00 : f32
    %broadcast_in_dim3A_1733 = vector.broadcast %jit3A_1731 : f32 to vector<16xf32>
    %broadcast_in_dim3A_1734 = vector.broadcast %jit3A_1732 : f32 to vector<16xf32>
    %select_n3A_1735 = arith.select %ge3A_1730, %broadcast_in_dim3A_1733, %broadcast_in_dim3A_1734 : vector<16xi1>, vector<16xf32>
    %swap3A_1736 = arith.constant 2 : i32
    %swap3A_1737 = arith.index_cast %swap3A_1736 : i32 to index
    %swap3A_1738 = arith.constant 32 : index
    %swap3A_1739 = tpu.vector_load %arg5[%swap3A_1737, %swap3A_1738] {strides = array<i32>} : memref<16x64xf32, #tpu.memory_space<vmem>>, vector<1x16xf32>,
    %swap3A_1740 = vector.shape_cast %swap3A_1739 : vector<1x16xf32> to vector<16xf32>
    %swap3A_1741 = vector.shape_cast %select_n3A_1735 : vector<16xf32> to vector<1x16xf32>
    tpu.vector_store %arg5[%swap3A_1737, %swap3A_1738], %swap3A_1741 {strides = array<i32>} : memref<16x64xf32, #tpu.memory_space<vmem>>, vector<1x16xf32>,
    %ge3A_1742 = arith.cmpi sge, %or3A_1309, %max3A_1705 : vector<16xi32>
    %jit3A_1743 = arith.constant 2.500000e-01 : f32
    %jit3A_1744 = arith.constant 0.000000e+00 : f32
    %broadcast_in_dim3A_1745 = vector.broadcast %jit3A_1743 : f32 to vector<16xf32>
    %broadcast_in_dim3A_1746 = vector.broadcast %jit3A_1744 : f32 to vector<16xf32>
    %select_n3A_1747 = arith.select %ge3A_1742, %broadcast_in_dim3A_1745, %broadcast_in_dim3A_1746 : vector<16xi1>, vector<16xf32>
    %swap3A_1748 = arith.constant 3 : i32
    %swap3A_1749 = arith.index_cast %swap3A_1748 : i32 to index
    %swap3A_1750 = arith.constant 32 : index
    %swap3A_1751 = tpu.vector_load %arg5[%swap3A_1749, %swap3A_1750] {strides = array<i32>} : memref<16x64xf32, #tpu.memory_space<vmem>>, vector<1x16xf32>,
    %swap3A_1752 = vector.shape_cast %swap3A_1751 : vector<1x16xf32> to vector<16xf32>
    %swap3A_1753 = vector.shape_cast %select_n3A_1747 : vector<16xf32> to vector<1x16xf32>
    tpu.vector_store %arg5[%swap3A_1749, %swap3A_1750], %swap3A_1753 {strides = array<i32>} : memref<16x64xf32, #tpu.memory_space<vmem>>, vector<1x16xf32>,
    %ge3A_1754 = arith.cmpi sge, %or3A_1321, %max3A_1705 : vector<16xi32>
    %jit3A_1755 = arith.constant 2.500000e-01 : f32
    %jit3A_1756 = arith.constant 0.000000e+00 : f32
    %broadcast_in_dim3A_1757 = vector.broadcast %jit3A_1755 : f32 to vector<16xf32>
    %broadcast_in_dim3A_1758 = vector.broadcast %jit3A_1756 : f32 to vector<16xf32>
    %select_n3A_1759 = arith.select %ge3A_1754, %broadcast_in_dim3A_1757, %broadcast_in_dim3A_1758 : vector<16xi1>, vector<16xf32>
    %swap3A_1760 = arith.constant 4 : i32
    %swap3A_1761 = arith.index_cast %swap3A_1760 : i32 to index
    %swap3A_1762 = arith.constant 32 : index
    %swap3A_1763 = tpu.vector_load %arg5[%swap3A_1761, %swap3A_1762] {strides = array<i32>} : memref<16x64xf32, #tpu.memory_space<vmem>>, vector<1x16xf32>,
    %swap3A_1764 = vector.shape_cast %swap3A_1763 : vector<1x16xf32> to vector<16xf32>
    %swap3A_1765 = vector.shape_cast %select_n3A_1759 : vector<16xf32> to vector<1x16xf32>
    tpu.vector_store %arg5[%swap3A_1761, %swap3A_1762], %swap3A_1765 {strides = array<i32>} : memref<16x64xf32, #tpu.memory_space<vmem>>, vector<1x16xf32>,
    %ge3A_1766 = arith.cmpi sge, %or3A_1333, %max3A_1705 : vector<16xi32>
    %jit3A_1767 = arith.constant 2.500000e-01 : f32
    %jit3A_1768 = arith.constant 0.000000e+00 : f32
    %broadcast_in_dim3A_1769 = vector.broadcast %jit3A_1767 : f32 to vector<16xf32>
    %broadcast_in_dim3A_1770 = vector.broadcast %jit3A_1768 : f32 to vector<16xf32>
    %select_n3A_1771 = arith.select %ge3A_1766, %broadcast_in_dim3A_1769, %broadcast_in_dim3A_1770 : vector<16xi1>, vector<16xf32>
    %swap3A_1772 = arith.constant 5 : i32
    %swap3A_1773 = arith.index_cast %swap3A_1772 : i32 to index
    %swap3A_1774 = arith.constant 32 : index
    %swap3A_1775 = tpu.vector_load %arg5[%swap3A_1773, %swap3A_1774] {strides = array<i32>} : memref<16x64xf32, #tpu.memory_space<vmem>>, vector<1x16xf32>,
    %swap3A_1776 = vector.shape_cast %swap3A_1775 : vector<1x16xf32> to vector<16xf32>
    %swap3A_1777 = vector.shape_cast %select_n3A_1771 : vector<16xf32> to vector<1x16xf32>
    tpu.vector_store %arg5[%swap3A_1773, %swap3A_1774], %swap3A_1777 {strides = array<i32>} : memref<16x64xf32, #tpu.memory_space<vmem>>, vector<1x16xf32>,
    %ge3A_1778 = arith.cmpi sge, %or3A_1345, %max3A_1705 : vector<16xi32>
    %jit3A_1779 = arith.constant 2.500000e-01 : f32
    %jit3A_1780 = arith.constant 0.000000e+00 : f32
    %broadcast_in_dim3A_1781 = vector.broadcast %jit3A_1779 : f32 to vector<16xf32>
    %broadcast_in_dim3A_1782 = vector.broadcast %jit3A_1780 : f32 to vector<16xf32>
    %select_n3A_1783 = arith.select %ge3A_1778, %broadcast_in_dim3A_1781, %broadcast_in_dim3A_1782 : vector<16xi1>, vector<16xf32>
    %swap3A_1784 = arith.constant 6 : i32
    %swap3A_1785 = arith.index_cast %swap3A_1784 : i32 to index
    %swap3A_1786 = arith.constant 32 : index
    %swap3A_1787 = tpu.vector_load %arg5[%swap3A_1785, %swap3A_1786] {strides = array<i32>} : memref<16x64xf32, #tpu.memory_space<vmem>>, vector<1x16xf32>,
    %swap3A_1788 = vector.shape_cast %swap3A_1787 : vector<1x16xf32> to vector<16xf32>
    %swap3A_1789 = vector.shape_cast %select_n3A_1783 : vector<16xf32> to vector<1x16xf32>
    tpu.vector_store %arg5[%swap3A_1785, %swap3A_1786], %swap3A_1789 {strides = array<i32>} : memref<16x64xf32, #tpu.memory_space<vmem>>, vector<1x16xf32>,
    %ge3A_1790 = arith.cmpi sge, %or3A_1357, %max3A_1705 : vector<16xi32>
    %jit3A_1791 = arith.constant 2.500000e-01 : f32
    %jit3A_1792 = arith.constant 0.000000e+00 : f32
    %broadcast_in_dim3A_1793 = vector.broadcast %jit3A_1791 : f32 to vector<16xf32>
    %broadcast_in_dim3A_1794 = vector.broadcast %jit3A_1792 : f32 to vector<16xf32>
    %select_n3A_1795 = arith.select %ge3A_1790, %broadcast_in_dim3A_1793, %broadcast_in_dim3A_1794 : vector<16xi1>, vector<16xf32>
    %swap3A_1796 = arith.constant 7 : i32
    %swap3A_1797 = arith.index_cast %swap3A_1796 : i32 to index
    %swap3A_1798 = arith.constant 32 : index
    %swap3A_1799 = tpu.vector_load %arg5[%swap3A_1797, %swap3A_1798] {strides = array<i32>} : memref<16x64xf32, #tpu.memory_space<vmem>>, vector<1x16xf32>,
    %swap3A_1800 = vector.shape_cast %swap3A_1799 : vector<1x16xf32> to vector<16xf32>
    %swap3A_1801 = vector.shape_cast %select_n3A_1795 : vector<16xf32> to vector<1x16xf32>
    tpu.vector_store %arg5[%swap3A_1797, %swap3A_1798], %swap3A_1801 {strides = array<i32>} : memref<16x64xf32, #tpu.memory_space<vmem>>, vector<1x16xf32>,
    %ge3A_1802 = arith.cmpi sge, %or3A_1369, %max3A_1705 : vector<16xi32>
    %jit3A_1803 = arith.constant 2.500000e-01 : f32
    %jit3A_1804 = arith.constant 0.000000e+00 : f32
    %broadcast_in_dim3A_1805 = vector.broadcast %jit3A_1803 : f32 to vector<16xf32>
    %broadcast_in_dim3A_1806 = vector.broadcast %jit3A_1804 : f32 to vector<16xf32>
    %select_n3A_1807 = arith.select %ge3A_1802, %broadcast_in_dim3A_1805, %broadcast_in_dim3A_1806 : vector<16xi1>, vector<16xf32>
    %swap3A_1808 = arith.constant 8 : i32
    %swap3A_1809 = arith.index_cast %swap3A_1808 : i32 to index
    %swap3A_1810 = arith.constant 32 : index
    %swap3A_1811 = tpu.vector_load %arg5[%swap3A_1809, %swap3A_1810] {strides = array<i32>} : memref<16x64xf32, #tpu.memory_space<vmem>>, vector<1x16xf32>,
    %swap3A_1812 = vector.shape_cast %swap3A_1811 : vector<1x16xf32> to vector<16xf32>
    %swap3A_1813 = vector.shape_cast %select_n3A_1807 : vector<16xf32> to vector<1x16xf32>
    tpu.vector_store %arg5[%swap3A_1809, %swap3A_1810], %swap3A_1813 {strides = array<i32>} : memref<16x64xf32, #tpu.memory_space<vmem>>, vector<1x16xf32>,
    %ge3A_1814 = arith.cmpi sge, %or3A_1381, %max3A_1705 : vector<16xi32>
    %jit3A_1815 = arith.constant 2.500000e-01 : f32
    %jit3A_1816 = arith.constant 0.000000e+00 : f32
    %broadcast_in_dim3A_1817 = vector.broadcast %jit3A_1815 : f32 to vector<16xf32>
    %broadcast_in_dim3A_1818 = vector.broadcast %jit3A_1816 : f32 to vector<16xf32>
    %select_n3A_1819 = arith.select %ge3A_1814, %broadcast_in_dim3A_1817, %broadcast_in_dim3A_1818 : vector<16xi1>, vector<16xf32>
    %swap3A_1820 = arith.constant 9 : i32
    %swap3A_1821 = arith.index_cast %swap3A_1820 : i32 to index
    %swap3A_1822 = arith.constant 32 : index
    %swap3A_1823 = tpu.vector_load %arg5[%swap3A_1821, %swap3A_1822] {strides = array<i32>} : memref<16x64xf32, #tpu.memory_space<vmem>>, vector<1x16xf32>,
    %swap3A_1824 = vector.shape_cast %swap3A_1823 : vector<1x16xf32> to vector<16xf32>
    %swap3A_1825 = vector.shape_cast %select_n3A_1819 : vector<16xf32> to vector<1x16xf32>
    tpu.vector_store %arg5[%swap3A_1821, %swap3A_1822], %swap3A_1825 {strides = array<i32>} : memref<16x64xf32, #tpu.memory_space<vmem>>, vector<1x16xf32>,
    %ge3A_1826 = arith.cmpi sge, %or3A_1393, %max3A_1705 : vector<16xi32>
    %jit3A_1827 = arith.constant 2.500000e-01 : f32
    %jit3A_1828 = arith.constant 0.000000e+00 : f32
    %broadcast_in_dim3A_1829 = vector.broadcast %jit3A_1827 : f32 to vector<16xf32>
    %broadcast_in_dim3A_1830 = vector.broadcast %jit3A_1828 : f32 to vector<16xf32>
    %select_n3A_1831 = arith.select %ge3A_1826, %broadcast_in_dim3A_1829, %broadcast_in_dim3A_1830 : vector<16xi1>, vector<16xf32>
    %swap3A_1832 = arith.constant 10 : i32
    %swap3A_1833 = arith.index_cast %swap3A_1832 : i32 to index
    %swap3A_1834 = arith.constant 32 : index
    %swap3A_1835 = tpu.vector_load %arg5[%swap3A_1833, %swap3A_1834] {strides = array<i32>} : memref<16x64xf32, #tpu.memory_space<vmem>>, vector<1x16xf32>,
    %swap3A_1836 = vector.shape_cast %swap3A_1835 : vector<1x16xf32> to vector<16xf32>
    %swap3A_1837 = vector.shape_cast %select_n3A_1831 : vector<16xf32> to vector<1x16xf32>
    tpu.vector_store %arg5[%swap3A_1833, %swap3A_1834], %swap3A_1837 {strides = array<i32>} : memref<16x64xf32, #tpu.memory_space<vmem>>, vector<1x16xf32>,
    %ge3A_1838 = arith.cmpi sge, %or3A_1405, %max3A_1705 : vector<16xi32>
    %jit3A_1839 = arith.constant 2.500000e-01 : f32
    %jit3A_1840 = arith.constant 0.000000e+00 : f32
    %broadcast_in_dim3A_1841 = vector.broadcast %jit3A_1839 : f32 to vector<16xf32>
    %broadcast_in_dim3A_1842 = vector.broadcast %jit3A_1840 : f32 to vector<16xf32>
    %select_n3A_1843 = arith.select %ge3A_1838, %broadcast_in_dim3A_1841, %broadcast_in_dim3A_1842 : vector<16xi1>, vector<16xf32>
    %swap3A_1844 = arith.constant 11 : i32
    %swap3A_1845 = arith.index_cast %swap3A_1844 : i32 to index
    %swap3A_1846 = arith.constant 32 : index
    %swap3A_1847 = tpu.vector_load %arg5[%swap3A_1845, %swap3A_1846] {strides = array<i32>} : memref<16x64xf32, #tpu.memory_space<vmem>>, vector<1x16xf32>,
    %swap3A_1848 = vector.shape_cast %swap3A_1847 : vector<1x16xf32> to vector<16xf32>
    %swap3A_1849 = vector.shape_cast %select_n3A_1843 : vector<16xf32> to vector<1x16xf32>
    tpu.vector_store %arg5[%swap3A_1845, %swap3A_1846], %swap3A_1849 {strides = array<i32>} : memref<16x64xf32, #tpu.memory_space<vmem>>, vector<1x16xf32>,
    %ge3A_1850 = arith.cmpi sge, %or3A_1417, %max3A_1705 : vector<16xi32>
    %jit3A_1851 = arith.constant 2.500000e-01 : f32
    %jit3A_1852 = arith.constant 0.000000e+00 : f32
    %broadcast_in_dim3A_1853 = vector.broadcast %jit3A_1851 : f32 to vector<16xf32>
    %broadcast_in_dim3A_1854 = vector.broadcast %jit3A_1852 : f32 to vector<16xf32>
    %select_n3A_1855 = arith.select %ge3A_1850, %broadcast_in_dim3A_1853, %broadcast_in_dim3A_1854 : vector<16xi1>, vector<16xf32>
    %swap3A_1856 = arith.constant 12 : i32
    %swap3A_1857 = arith.index_cast %swap3A_1856 : i32 to index
    %swap3A_1858 = arith.constant 32 : index
    %swap3A_1859 = tpu.vector_load %arg5[%swap3A_1857, %swap3A_1858] {strides = array<i32>} : memref<16x64xf32, #tpu.memory_space<vmem>>, vector<1x16xf32>,
    %swap3A_1860 = vector.shape_cast %swap3A_1859 : vector<1x16xf32> to vector<16xf32>
    %swap3A_1861 = vector.shape_cast %select_n3A_1855 : vector<16xf32> to vector<1x16xf32>
    tpu.vector_store %arg5[%swap3A_1857, %swap3A_1858], %swap3A_1861 {strides = array<i32>} : memref<16x64xf32, #tpu.memory_space<vmem>>, vector<1x16xf32>,
    %ge3A_1862 = arith.cmpi sge, %or3A_1429, %max3A_1705 : vector<16xi32>
    %jit3A_1863 = arith.constant 2.500000e-01 : f32
    %jit3A_1864 = arith.constant 0.000000e+00 : f32
    %broadcast_in_dim3A_1865 = vector.broadcast %jit3A_1863 : f32 to vector<16xf32>
    %broadcast_in_dim3A_1866 = vector.broadcast %jit3A_1864 : f32 to vector<16xf32>
    %select_n3A_1867 = arith.select %ge3A_1862, %broadcast_in_dim3A_1865, %broadcast_in_dim3A_1866 : vector<16xi1>, vector<16xf32>
    %swap3A_1868 = arith.constant 13 : i32
    %swap3A_1869 = arith.index_cast %swap3A_1868 : i32 to index
    %swap3A_1870 = arith.constant 32 : index
    %swap3A_1871 = tpu.vector_load %arg5[%swap3A_1869, %swap3A_1870] {strides = array<i32>} : memref<16x64xf32, #tpu.memory_space<vmem>>, vector<1x16xf32>,
    %swap3A_1872 = vector.shape_cast %swap3A_1871 : vector<1x16xf32> to vector<16xf32>
    %swap3A_1873 = vector.shape_cast %select_n3A_1867 : vector<16xf32> to vector<1x16xf32>
    tpu.vector_store %arg5[%swap3A_1869, %swap3A_1870], %swap3A_1873 {strides = array<i32>} : memref<16x64xf32, #tpu.memory_space<vmem>>, vector<1x16xf32>,
    %ge3A_1874 = arith.cmpi sge, %or3A_1441, %max3A_1705 : vector<16xi32>
    %jit3A_1875 = arith.constant 2.500000e-01 : f32
    %jit3A_1876 = arith.constant 0.000000e+00 : f32
    %broadcast_in_dim3A_1877 = vector.broadcast %jit3A_1875 : f32 to vector<16xf32>
    %broadcast_in_dim3A_1878 = vector.broadcast %jit3A_1876 : f32 to vector<16xf32>
    %select_n3A_1879 = arith.select %ge3A_1874, %broadcast_in_dim3A_1877, %broadcast_in_dim3A_1878 : vector<16xi1>, vector<16xf32>
    %swap3A_1880 = arith.constant 14 : i32
    %swap3A_1881 = arith.index_cast %swap3A_1880 : i32 to index
    %swap3A_1882 = arith.constant 32 : index
    %swap3A_1883 = tpu.vector_load %arg5[%swap3A_1881, %swap3A_1882] {strides = array<i32>} : memref<16x64xf32, #tpu.memory_space<vmem>>, vector<1x16xf32>,
    %swap3A_1884 = vector.shape_cast %swap3A_1883 : vector<1x16xf32> to vector<16xf32>
    %swap3A_1885 = vector.shape_cast %select_n3A_1879 : vector<16xf32> to vector<1x16xf32>
    tpu.vector_store %arg5[%swap3A_1881, %swap3A_1882], %swap3A_1885 {strides = array<i32>} : memref<16x64xf32, #tpu.memory_space<vmem>>, vector<1x16xf32>,
    %ge3A_1886 = arith.cmpi sge, %or3A_1453, %max3A_1705 : vector<16xi32>
    %jit3A_1887 = arith.constant 2.500000e-01 : f32
    %jit3A_1888 = arith.constant 0.000000e+00 : f32
    %broadcast_in_dim3A_1889 = vector.broadcast %jit3A_1887 : f32 to vector<16xf32>
    %broadcast_in_dim3A_1890 = vector.broadcast %jit3A_1888 : f32 to vector<16xf32>
    %select_n3A_1891 = arith.select %ge3A_1886, %broadcast_in_dim3A_1889, %broadcast_in_dim3A_1890 : vector<16xi1>, vector<16xf32>
    %swap3A_1892 = arith.constant 15 : i32
    %swap3A_1893 = arith.index_cast %swap3A_1892 : i32 to index
    %swap3A_1894 = arith.constant 32 : index
    %swap3A_1895 = tpu.vector_load %arg5[%swap3A_1893, %swap3A_1894] {strides = array<i32>} : memref<16x64xf32, #tpu.memory_space<vmem>>, vector<1x16xf32>,
    %swap3A_1896 = vector.shape_cast %swap3A_1895 : vector<1x16xf32> to vector<16xf32>
    %swap3A_1897 = vector.shape_cast %select_n3A_1891 : vector<16xf32> to vector<1x16xf32>
    tpu.vector_store %arg5[%swap3A_1893, %swap3A_1894], %swap3A_1897 {strides = array<i32>} : memref<16x64xf32, #tpu.memory_space<vmem>>, vector<1x16xf32>,
    %get3A_1898 = arith.constant 0 : i32
    %get3A_1899 = arith.index_cast %get3A_1898 : i32 to index
    %get3A_1900 = arith.constant 48 : index
    %get3A_1901 = tpu.vector_load %arg4[%get3A_1899, %get3A_1900] {strides = array<i32>} : memref<16x64xf32, #tpu.memory_space<vmem>>, vector<1x16xf32>,
    %get3A_1902 = vector.shape_cast %get3A_1901 : vector<1x16xf32> to vector<16xf32>
    %bitcast_convert_type3A_1903 = tpu.bitcast %get3A_1902 : vector<16xf32> -> vector<16xi32>
    %and3A_1904 = arith.constant -16 : i32
    %and3A_1905 = vector.broadcast %and3A_1904 : i32 to vector<16xi32>
    %and3A_1906 = arith.andi %bitcast_convert_type3A_1903, %and3A_1905 : vector<16xi32>
    %or3A_1907 = arith.constant 15 : i32
    %or3A_1908 = vector.broadcast %or3A_1907 : i32 to vector<16xi32>
    %or3A_1909 = arith.ori %and3A_1906, %or3A_1908 : vector<16xi32>
    %get3A_1910 = arith.constant 1 : i32
    %get3A_1911 = arith.index_cast %get3A_1910 : i32 to index
    %get3A_1912 = arith.constant 48 : index
    %get3A_1913 = tpu.vector_load %arg4[%get3A_1911, %get3A_1912] {strides = array<i32>} : memref<16x64xf32, #tpu.memory_space<vmem>>, vector<1x16xf32>,
    %get3A_1914 = vector.shape_cast %get3A_1913 : vector<1x16xf32> to vector<16xf32>
    %bitcast_convert_type3A_1915 = tpu.bitcast %get3A_1914 : vector<16xf32> -> vector<16xi32>
    %and3A_1916 = arith.constant -16 : i32
    %and3A_1917 = vector.broadcast %and3A_1916 : i32 to vector<16xi32>
    %and3A_1918 = arith.andi %bitcast_convert_type3A_1915, %and3A_1917 : vector<16xi32>
    %or3A_1919 = arith.constant 14 : i32
    %or3A_1920 = vector.broadcast %or3A_1919 : i32 to vector<16xi32>
    %or3A_1921 = arith.ori %and3A_1918, %or3A_1920 : vector<16xi32>
    %get3A_1922 = arith.constant 2 : i32
    %get3A_1923 = arith.index_cast %get3A_1922 : i32 to index
    %get3A_1924 = arith.constant 48 : index
    %get3A_1925 = tpu.vector_load %arg4[%get3A_1923, %get3A_1924] {strides = array<i32>} : memref<16x64xf32, #tpu.memory_space<vmem>>, vector<1x16xf32>,
    %get3A_1926 = vector.shape_cast %get3A_1925 : vector<1x16xf32> to vector<16xf32>
    %bitcast_convert_type3A_1927 = tpu.bitcast %get3A_1926 : vector<16xf32> -> vector<16xi32>
    %and3A_1928 = arith.constant -16 : i32
    %and3A_1929 = vector.broadcast %and3A_1928 : i32 to vector<16xi32>
    %and3A_1930 = arith.andi %bitcast_convert_type3A_1927, %and3A_1929 : vector<16xi32>
    %or3A_1931 = arith.constant 13 : i32
    %or3A_1932 = vector.broadcast %or3A_1931 : i32 to vector<16xi32>
    %or3A_1933 = arith.ori %and3A_1930, %or3A_1932 : vector<16xi32>
    %get3A_1934 = arith.constant 3 : i32
    %get3A_1935 = arith.index_cast %get3A_1934 : i32 to index
    %get3A_1936 = arith.constant 48 : index
    %get3A_1937 = tpu.vector_load %arg4[%get3A_1935, %get3A_1936] {strides = array<i32>} : memref<16x64xf32, #tpu.memory_space<vmem>>, vector<1x16xf32>,
    %get3A_1938 = vector.shape_cast %get3A_1937 : vector<1x16xf32> to vector<16xf32>
    %bitcast_convert_type3A_1939 = tpu.bitcast %get3A_1938 : vector<16xf32> -> vector<16xi32>
    %and3A_1940 = arith.constant -16 : i32
    %and3A_1941 = vector.broadcast %and3A_1940 : i32 to vector<16xi32>
    %and3A_1942 = arith.andi %bitcast_convert_type3A_1939, %and3A_1941 : vector<16xi32>
    %or3A_1943 = arith.constant 12 : i32
    %or3A_1944 = vector.broadcast %or3A_1943 : i32 to vector<16xi32>
    %or3A_1945 = arith.ori %and3A_1942, %or3A_1944 : vector<16xi32>
    %get3A_1946 = arith.constant 4 : i32
    %get3A_1947 = arith.index_cast %get3A_1946 : i32 to index
    %get3A_1948 = arith.constant 48 : index
    %get3A_1949 = tpu.vector_load %arg4[%get3A_1947, %get3A_1948] {strides = array<i32>} : memref<16x64xf32, #tpu.memory_space<vmem>>, vector<1x16xf32>,
    %get3A_1950 = vector.shape_cast %get3A_1949 : vector<1x16xf32> to vector<16xf32>
    %bitcast_convert_type3A_1951 = tpu.bitcast %get3A_1950 : vector<16xf32> -> vector<16xi32>
    %and3A_1952 = arith.constant -16 : i32
    %and3A_1953 = vector.broadcast %and3A_1952 : i32 to vector<16xi32>
    %and3A_1954 = arith.andi %bitcast_convert_type3A_1951, %and3A_1953 : vector<16xi32>
    %or3A_1955 = arith.constant 11 : i32
    %or3A_1956 = vector.broadcast %or3A_1955 : i32 to vector<16xi32>
    %or3A_1957 = arith.ori %and3A_1954, %or3A_1956 : vector<16xi32>
    %get3A_1958 = arith.constant 5 : i32
    %get3A_1959 = arith.index_cast %get3A_1958 : i32 to index
    %get3A_1960 = arith.constant 48 : index
    %get3A_1961 = tpu.vector_load %arg4[%get3A_1959, %get3A_1960] {strides = array<i32>} : memref<16x64xf32, #tpu.memory_space<vmem>>, vector<1x16xf32>,
    %get3A_1962 = vector.shape_cast %get3A_1961 : vector<1x16xf32> to vector<16xf32>
    %bitcast_convert_type3A_1963 = tpu.bitcast %get3A_1962 : vector<16xf32> -> vector<16xi32>
    %and3A_1964 = arith.constant -16 : i32
    %and3A_1965 = vector.broadcast %and3A_1964 : i32 to vector<16xi32>
    %and3A_1966 = arith.andi %bitcast_convert_type3A_1963, %and3A_1965 : vector<16xi32>
    %or3A_1967 = arith.constant 10 : i32
    %or3A_1968 = vector.broadcast %or3A_1967 : i32 to vector<16xi32>
    %or3A_1969 = arith.ori %and3A_1966, %or3A_1968 : vector<16xi32>
    %get3A_1970 = arith.constant 6 : i32
    %get3A_1971 = arith.index_cast %get3A_1970 : i32 to index
    %get3A_1972 = arith.constant 48 : index
    %get3A_1973 = tpu.vector_load %arg4[%get3A_1971, %get3A_1972] {strides = array<i32>} : memref<16x64xf32, #tpu.memory_space<vmem>>, vector<1x16xf32>,
    %get3A_1974 = vector.shape_cast %get3A_1973 : vector<1x16xf32> to vector<16xf32>
    %bitcast_convert_type3A_1975 = tpu.bitcast %get3A_1974 : vector<16xf32> -> vector<16xi32>
    %and3A_1976 = arith.constant -16 : i32
    %and3A_1977 = vector.broadcast %and3A_1976 : i32 to vector<16xi32>
    %and3A_1978 = arith.andi %bitcast_convert_type3A_1975, %and3A_1977 : vector<16xi32>
    %or3A_1979 = arith.constant 9 : i32
    %or3A_1980 = vector.broadcast %or3A_1979 : i32 to vector<16xi32>
    %or3A_1981 = arith.ori %and3A_1978, %or3A_1980 : vector<16xi32>
    %get3A_1982 = arith.constant 7 : i32
    %get3A_1983 = arith.index_cast %get3A_1982 : i32 to index
    %get3A_1984 = arith.constant 48 : index
    %get3A_1985 = tpu.vector_load %arg4[%get3A_1983, %get3A_1984] {strides = array<i32>} : memref<16x64xf32, #tpu.memory_space<vmem>>, vector<1x16xf32>,
    %get3A_1986 = vector.shape_cast %get3A_1985 : vector<1x16xf32> to vector<16xf32>
    %bitcast_convert_type3A_1987 = tpu.bitcast %get3A_1986 : vector<16xf32> -> vector<16xi32>
    %and3A_1988 = arith.constant -16 : i32
    %and3A_1989 = vector.broadcast %and3A_1988 : i32 to vector<16xi32>
    %and3A_1990 = arith.andi %bitcast_convert_type3A_1987, %and3A_1989 : vector<16xi32>
    %or3A_1991 = arith.constant 8 : i32
    %or3A_1992 = vector.broadcast %or3A_1991 : i32 to vector<16xi32>
    %or3A_1993 = arith.ori %and3A_1990, %or3A_1992 : vector<16xi32>
    %get3A_1994 = arith.constant 8 : i32
    %get3A_1995 = arith.index_cast %get3A_1994 : i32 to index
    %get3A_1996 = arith.constant 48 : index
    %get3A_1997 = tpu.vector_load %arg4[%get3A_1995, %get3A_1996] {strides = array<i32>} : memref<16x64xf32, #tpu.memory_space<vmem>>, vector<1x16xf32>,
    %get3A_1998 = vector.shape_cast %get3A_1997 : vector<1x16xf32> to vector<16xf32>
    %bitcast_convert_type3A_1999 = tpu.bitcast %get3A_1998 : vector<16xf32> -> vector<16xi32>
    %and3A_2000 = arith.constant -16 : i32
    %and3A_2001 = vector.broadcast %and3A_2000 : i32 to vector<16xi32>
    %and3A_2002 = arith.andi %bitcast_convert_type3A_1999, %and3A_2001 : vector<16xi32>
    %or3A_2003 = arith.constant 7 : i32
    %or3A_2004 = vector.broadcast %or3A_2003 : i32 to vector<16xi32>
    %or3A_2005 = arith.ori %and3A_2002, %or3A_2004 : vector<16xi32>
    %get3A_2006 = arith.constant 9 : i32
    %get3A_2007 = arith.index_cast %get3A_2006 : i32 to index
    %get3A_2008 = arith.constant 48 : index
    %get3A_2009 = tpu.vector_load %arg4[%get3A_2007, %get3A_2008] {strides = array<i32>} : memref<16x64xf32, #tpu.memory_space<vmem>>, vector<1x16xf32>,
    %get3A_2010 = vector.shape_cast %get3A_2009 : vector<1x16xf32> to vector<16xf32>
    %bitcast_convert_type3A_2011 = tpu.bitcast %get3A_2010 : vector<16xf32> -> vector<16xi32>
    %and3A_2012 = arith.constant -16 : i32
    %and3A_2013 = vector.broadcast %and3A_2012 : i32 to vector<16xi32>
    %and3A_2014 = arith.andi %bitcast_convert_type3A_2011, %and3A_2013 : vector<16xi32>
    %or3A_2015 = arith.constant 6 : i32
    %or3A_2016 = vector.broadcast %or3A_2015 : i32 to vector<16xi32>
    %or3A_2017 = arith.ori %and3A_2014, %or3A_2016 : vector<16xi32>
    %get3A_2018 = arith.constant 10 : i32
    %get3A_2019 = arith.index_cast %get3A_2018 : i32 to index
    %get3A_2020 = arith.constant 48 : index
    %get3A_2021 = tpu.vector_load %arg4[%get3A_2019, %get3A_2020] {strides = array<i32>} : memref<16x64xf32, #tpu.memory_space<vmem>>, vector<1x16xf32>,
    %get3A_2022 = vector.shape_cast %get3A_2021 : vector<1x16xf32> to vector<16xf32>
    %bitcast_convert_type3A_2023 = tpu.bitcast %get3A_2022 : vector<16xf32> -> vector<16xi32>
    %and3A_2024 = arith.constant -16 : i32
    %and3A_2025 = vector.broadcast %and3A_2024 : i32 to vector<16xi32>
    %and3A_2026 = arith.andi %bitcast_convert_type3A_2023, %and3A_2025 : vector<16xi32>
    %or3A_2027 = arith.constant 5 : i32
    %or3A_2028 = vector.broadcast %or3A_2027 : i32 to vector<16xi32>
    %or3A_2029 = arith.ori %and3A_2026, %or3A_2028 : vector<16xi32>
    %get3A_2030 = arith.constant 11 : i32
    %get3A_2031 = arith.index_cast %get3A_2030 : i32 to index
    %get3A_2032 = arith.constant 48 : index
    %get3A_2033 = tpu.vector_load %arg4[%get3A_2031, %get3A_2032] {strides = array<i32>} : memref<16x64xf32, #tpu.memory_space<vmem>>, vector<1x16xf32>,
    %get3A_2034 = vector.shape_cast %get3A_2033 : vector<1x16xf32> to vector<16xf32>
    %bitcast_convert_type3A_2035 = tpu.bitcast %get3A_2034 : vector<16xf32> -> vector<16xi32>
    %and3A_2036 = arith.constant -16 : i32
    %and3A_2037 = vector.broadcast %and3A_2036 : i32 to vector<16xi32>
    %and3A_2038 = arith.andi %bitcast_convert_type3A_2035, %and3A_2037 : vector<16xi32>
    %or3A_2039 = arith.constant 4 : i32
    %or3A_2040 = vector.broadcast %or3A_2039 : i32 to vector<16xi32>
    %or3A_2041 = arith.ori %and3A_2038, %or3A_2040 : vector<16xi32>
    %get3A_2042 = arith.constant 12 : i32
    %get3A_2043 = arith.index_cast %get3A_2042 : i32 to index
    %get3A_2044 = arith.constant 48 : index
    %get3A_2045 = tpu.vector_load %arg4[%get3A_2043, %get3A_2044] {strides = array<i32>} : memref<16x64xf32, #tpu.memory_space<vmem>>, vector<1x16xf32>,
    %get3A_2046 = vector.shape_cast %get3A_2045 : vector<1x16xf32> to vector<16xf32>
    %bitcast_convert_type3A_2047 = tpu.bitcast %get3A_2046 : vector<16xf32> -> vector<16xi32>
    %and3A_2048 = arith.constant -16 : i32
    %and3A_2049 = vector.broadcast %and3A_2048 : i32 to vector<16xi32>
    %and3A_2050 = arith.andi %bitcast_convert_type3A_2047, %and3A_2049 : vector<16xi32>
    %or3A_2051 = arith.constant 3 : i32
    %or3A_2052 = vector.broadcast %or3A_2051 : i32 to vector<16xi32>
    %or3A_2053 = arith.ori %and3A_2050, %or3A_2052 : vector<16xi32>
    %get3A_2054 = arith.constant 13 : i32
    %get3A_2055 = arith.index_cast %get3A_2054 : i32 to index
    %get3A_2056 = arith.constant 48 : index
    %get3A_2057 = tpu.vector_load %arg4[%get3A_2055, %get3A_2056] {strides = array<i32>} : memref<16x64xf32, #tpu.memory_space<vmem>>, vector<1x16xf32>,
    %get3A_2058 = vector.shape_cast %get3A_2057 : vector<1x16xf32> to vector<16xf32>
    %bitcast_convert_type3A_2059 = tpu.bitcast %get3A_2058 : vector<16xf32> -> vector<16xi32>
    %and3A_2060 = arith.constant -16 : i32
    %and3A_2061 = vector.broadcast %and3A_2060 : i32 to vector<16xi32>
    %and3A_2062 = arith.andi %bitcast_convert_type3A_2059, %and3A_2061 : vector<16xi32>
    %or3A_2063 = arith.constant 2 : i32
    %or3A_2064 = vector.broadcast %or3A_2063 : i32 to vector<16xi32>
    %or3A_2065 = arith.ori %and3A_2062, %or3A_2064 : vector<16xi32>
    %get3A_2066 = arith.constant 14 : i32
    %get3A_2067 = arith.index_cast %get3A_2066 : i32 to index
    %get3A_2068 = arith.constant 48 : index
    %get3A_2069 = tpu.vector_load %arg4[%get3A_2067, %get3A_2068] {strides = array<i32>} : memref<16x64xf32, #tpu.memory_space<vmem>>, vector<1x16xf32>,
    %get3A_2070 = vector.shape_cast %get3A_2069 : vector<1x16xf32> to vector<16xf32>
    %bitcast_convert_type3A_2071 = tpu.bitcast %get3A_2070 : vector<16xf32> -> vector<16xi32>
    %and3A_2072 = arith.constant -16 : i32
    %and3A_2073 = vector.broadcast %and3A_2072 : i32 to vector<16xi32>
    %and3A_2074 = arith.andi %bitcast_convert_type3A_2071, %and3A_2073 : vector<16xi32>
    %or3A_2075 = arith.constant 1 : i32
    %or3A_2076 = vector.broadcast %or3A_2075 : i32 to vector<16xi32>
    %or3A_2077 = arith.ori %and3A_2074, %or3A_2076 : vector<16xi32>
    %get3A_2078 = arith.constant 15 : i32
    %get3A_2079 = arith.index_cast %get3A_2078 : i32 to index
    %get3A_2080 = arith.constant 48 : index
    %get3A_2081 = tpu.vector_load %arg4[%get3A_2079, %get3A_2080] {strides = array<i32>} : memref<16x64xf32, #tpu.memory_space<vmem>>, vector<1x16xf32>,
    %get3A_2082 = vector.shape_cast %get3A_2081 : vector<1x16xf32> to vector<16xf32>
    %bitcast_convert_type3A_2083 = tpu.bitcast %get3A_2082 : vector<16xf32> -> vector<16xi32>
    %and3A_2084 = arith.constant -16 : i32
    %and3A_2085 = vector.broadcast %and3A_2084 : i32 to vector<16xi32>
    %and3A_2086 = arith.andi %bitcast_convert_type3A_2083, %and3A_2085 : vector<16xi32>
    %or3A_2087 = arith.constant 0 : i32
    %or3A_2088 = vector.broadcast %or3A_2087 : i32 to vector<16xi32>
    %or3A_2089 = arith.ori %and3A_2086, %or3A_2088 : vector<16xi32>
    %max3A_2090 = arith.maxsi %or3A_1909, %or3A_1921 : vector<16xi32>
    %max3A_2091 = arith.maxsi %or3A_1933, %or3A_1945 : vector<16xi32>
    %max3A_2092 = arith.maxsi %or3A_1957, %or3A_1969 : vector<16xi32>
    %max3A_2093 = arith.maxsi %or3A_1981, %or3A_1993 : vector<16xi32>
    %max3A_2094 = arith.maxsi %or3A_2005, %or3A_2017 : vector<16xi32>
    %max3A_2095 = arith.maxsi %or3A_2029, %or3A_2041 : vector<16xi32>
    %max3A_2096 = arith.maxsi %or3A_2053, %or3A_2065 : vector<16xi32>
    %max3A_2097 = arith.maxsi %or3A_2077, %or3A_2089 : vector<16xi32>
    %max3A_2098 = arith.maxsi %max3A_2090, %max3A_2091 : vector<16xi32>
    %max3A_2099 = arith.maxsi %max3A_2092, %max3A_2093 : vector<16xi32>
    %max3A_2100 = arith.maxsi %max3A_2094, %max3A_2095 : vector<16xi32>
    %max3A_2101 = arith.maxsi %max3A_2096, %max3A_2097 : vector<16xi32>
    %max3A_2102 = arith.maxsi %max3A_2098, %max3A_2099 : vector<16xi32>
    %max3A_2103 = arith.maxsi %max3A_2100, %max3A_2101 : vector<16xi32>
    %max3A_2104 = arith.maxsi %max3A_2102, %max3A_2103 : vector<16xi32>
    %eq3A_2105 = arith.cmpi eq, %or3A_1909, %max3A_2104 : vector<16xi32>
    %jit3A_2106 = arith.constant -1 : i32
    %broadcast_in_dim3A_2107 = vector.broadcast %jit3A_2106 : i32 to vector<16xi32>
    %select_n3A_2108 = arith.select %eq3A_2105, %broadcast_in_dim3A_2107, %or3A_1909 : vector<16xi1>, vector<16xi32>
    %eq3A_2109 = arith.cmpi eq, %or3A_1921, %max3A_2104 : vector<16xi32>
    %jit3A_2110 = arith.constant -1 : i32
    %broadcast_in_dim3A_2111 = vector.broadcast %jit3A_2110 : i32 to vector<16xi32>
    %select_n3A_2112 = arith.select %eq3A_2109, %broadcast_in_dim3A_2111, %or3A_1921 : vector<16xi1>, vector<16xi32>
    %eq3A_2113 = arith.cmpi eq, %or3A_1933, %max3A_2104 : vector<16xi32>
    %jit3A_2114 = arith.constant -1 : i32
    %broadcast_in_dim3A_2115 = vector.broadcast %jit3A_2114 : i32 to vector<16xi32>
    %select_n3A_2116 = arith.select %eq3A_2113, %broadcast_in_dim3A_2115, %or3A_1933 : vector<16xi1>, vector<16xi32>
    %eq3A_2117 = arith.cmpi eq, %or3A_1945, %max3A_2104 : vector<16xi32>
    %jit3A_2118 = arith.constant -1 : i32
    %broadcast_in_dim3A_2119 = vector.broadcast %jit3A_2118 : i32 to vector<16xi32>
    %select_n3A_2120 = arith.select %eq3A_2117, %broadcast_in_dim3A_2119, %or3A_1945 : vector<16xi1>, vector<16xi32>
    %eq3A_2121 = arith.cmpi eq, %or3A_1957, %max3A_2104 : vector<16xi32>
    %jit3A_2122 = arith.constant -1 : i32
    %broadcast_in_dim3A_2123 = vector.broadcast %jit3A_2122 : i32 to vector<16xi32>
    %select_n3A_2124 = arith.select %eq3A_2121, %broadcast_in_dim3A_2123, %or3A_1957 : vector<16xi1>, vector<16xi32>
    %eq3A_2125 = arith.cmpi eq, %or3A_1969, %max3A_2104 : vector<16xi32>
    %jit3A_2126 = arith.constant -1 : i32
    %broadcast_in_dim3A_2127 = vector.broadcast %jit3A_2126 : i32 to vector<16xi32>
    %select_n3A_2128 = arith.select %eq3A_2125, %broadcast_in_dim3A_2127, %or3A_1969 : vector<16xi1>, vector<16xi32>
    %eq3A_2129 = arith.cmpi eq, %or3A_1981, %max3A_2104 : vector<16xi32>
    %jit3A_2130 = arith.constant -1 : i32
    %broadcast_in_dim3A_2131 = vector.broadcast %jit3A_2130 : i32 to vector<16xi32>
    %select_n3A_2132 = arith.select %eq3A_2129, %broadcast_in_dim3A_2131, %or3A_1981 : vector<16xi1>, vector<16xi32>
    %eq3A_2133 = arith.cmpi eq, %or3A_1993, %max3A_2104 : vector<16xi32>
    %jit3A_2134 = arith.constant -1 : i32
    %broadcast_in_dim3A_2135 = vector.broadcast %jit3A_2134 : i32 to vector<16xi32>
    %select_n3A_2136 = arith.select %eq3A_2133, %broadcast_in_dim3A_2135, %or3A_1993 : vector<16xi1>, vector<16xi32>
    %eq3A_2137 = arith.cmpi eq, %or3A_2005, %max3A_2104 : vector<16xi32>
    %jit3A_2138 = arith.constant -1 : i32
    %broadcast_in_dim3A_2139 = vector.broadcast %jit3A_2138 : i32 to vector<16xi32>
    %select_n3A_2140 = arith.select %eq3A_2137, %broadcast_in_dim3A_2139, %or3A_2005 : vector<16xi1>, vector<16xi32>
    %eq3A_2141 = arith.cmpi eq, %or3A_2017, %max3A_2104 : vector<16xi32>
    %jit3A_2142 = arith.constant -1 : i32
    %broadcast_in_dim3A_2143 = vector.broadcast %jit3A_2142 : i32 to vector<16xi32>
    %select_n3A_2144 = arith.select %eq3A_2141, %broadcast_in_dim3A_2143, %or3A_2017 : vector<16xi1>, vector<16xi32>
    %eq3A_2145 = arith.cmpi eq, %or3A_2029, %max3A_2104 : vector<16xi32>
    %jit3A_2146 = arith.constant -1 : i32
    %broadcast_in_dim3A_2147 = vector.broadcast %jit3A_2146 : i32 to vector<16xi32>
    %select_n3A_2148 = arith.select %eq3A_2145, %broadcast_in_dim3A_2147, %or3A_2029 : vector<16xi1>, vector<16xi32>
    %eq3A_2149 = arith.cmpi eq, %or3A_2041, %max3A_2104 : vector<16xi32>
    %jit3A_2150 = arith.constant -1 : i32
    %broadcast_in_dim3A_2151 = vector.broadcast %jit3A_2150 : i32 to vector<16xi32>
    %select_n3A_2152 = arith.select %eq3A_2149, %broadcast_in_dim3A_2151, %or3A_2041 : vector<16xi1>, vector<16xi32>
    %eq3A_2153 = arith.cmpi eq, %or3A_2053, %max3A_2104 : vector<16xi32>
    %jit3A_2154 = arith.constant -1 : i32
    %broadcast_in_dim3A_2155 = vector.broadcast %jit3A_2154 : i32 to vector<16xi32>
    %select_n3A_2156 = arith.select %eq3A_2153, %broadcast_in_dim3A_2155, %or3A_2053 : vector<16xi1>, vector<16xi32>
    %eq3A_2157 = arith.cmpi eq, %or3A_2065, %max3A_2104 : vector<16xi32>
    %jit3A_2158 = arith.constant -1 : i32
    %broadcast_in_dim3A_2159 = vector.broadcast %jit3A_2158 : i32 to vector<16xi32>
    %select_n3A_2160 = arith.select %eq3A_2157, %broadcast_in_dim3A_2159, %or3A_2065 : vector<16xi1>, vector<16xi32>
    %eq3A_2161 = arith.cmpi eq, %or3A_2077, %max3A_2104 : vector<16xi32>
    %jit3A_2162 = arith.constant -1 : i32
    %broadcast_in_dim3A_2163 = vector.broadcast %jit3A_2162 : i32 to vector<16xi32>
    %select_n3A_2164 = arith.select %eq3A_2161, %broadcast_in_dim3A_2163, %or3A_2077 : vector<16xi1>, vector<16xi32>
    %eq3A_2165 = arith.cmpi eq, %or3A_2089, %max3A_2104 : vector<16xi32>
    %jit3A_2166 = arith.constant -1 : i32
    %broadcast_in_dim3A_2167 = vector.broadcast %jit3A_2166 : i32 to vector<16xi32>
    %select_n3A_2168 = arith.select %eq3A_2165, %broadcast_in_dim3A_2167, %or3A_2089 : vector<16xi1>, vector<16xi32>
    %max3A_2169 = arith.maxsi %select_n3A_2108, %select_n3A_2112 : vector<16xi32>
    %max3A_2170 = arith.maxsi %select_n3A_2116, %select_n3A_2120 : vector<16xi32>
    %max3A_2171 = arith.maxsi %select_n3A_2124, %select_n3A_2128 : vector<16xi32>
    %max3A_2172 = arith.maxsi %select_n3A_2132, %select_n3A_2136 : vector<16xi32>
    %max3A_2173 = arith.maxsi %select_n3A_2140, %select_n3A_2144 : vector<16xi32>
    %max3A_2174 = arith.maxsi %select_n3A_2148, %select_n3A_2152 : vector<16xi32>
    %max3A_2175 = arith.maxsi %select_n3A_2156, %select_n3A_2160 : vector<16xi32>
    %max3A_2176 = arith.maxsi %select_n3A_2164, %select_n3A_2168 : vector<16xi32>
    %max3A_2177 = arith.maxsi %max3A_2169, %max3A_2170 : vector<16xi32>
    %max3A_2178 = arith.maxsi %max3A_2171, %max3A_2172 : vector<16xi32>
    %max3A_2179 = arith.maxsi %max3A_2173, %max3A_2174 : vector<16xi32>
    %max3A_2180 = arith.maxsi %max3A_2175, %max3A_2176 : vector<16xi32>
    %max3A_2181 = arith.maxsi %max3A_2177, %max3A_2178 : vector<16xi32>
    %max3A_2182 = arith.maxsi %max3A_2179, %max3A_2180 : vector<16xi32>
    %max3A_2183 = arith.maxsi %max3A_2181, %max3A_2182 : vector<16xi32>
    %eq3A_2184 = arith.cmpi eq, %select_n3A_2108, %max3A_2183 : vector<16xi32>
    %jit3A_2185 = arith.constant -1 : i32
    %broadcast_in_dim3A_2186 = vector.broadcast %jit3A_2185 : i32 to vector<16xi32>
    %select_n3A_2187 = arith.select %eq3A_2184, %broadcast_in_dim3A_2186, %select_n3A_2108 : vector<16xi1>, vector<16xi32>
    %eq3A_2188 = arith.cmpi eq, %select_n3A_2112, %max3A_2183 : vector<16xi32>
    %jit3A_2189 = arith.constant -1 : i32
    %broadcast_in_dim3A_2190 = vector.broadcast %jit3A_2189 : i32 to vector<16xi32>
    %select_n3A_2191 = arith.select %eq3A_2188, %broadcast_in_dim3A_2190, %select_n3A_2112 : vector<16xi1>, vector<16xi32>
    %eq3A_2192 = arith.cmpi eq, %select_n3A_2116, %max3A_2183 : vector<16xi32>
    %jit3A_2193 = arith.constant -1 : i32
    %broadcast_in_dim3A_2194 = vector.broadcast %jit3A_2193 : i32 to vector<16xi32>
    %select_n3A_2195 = arith.select %eq3A_2192, %broadcast_in_dim3A_2194, %select_n3A_2116 : vector<16xi1>, vector<16xi32>
    %eq3A_2196 = arith.cmpi eq, %select_n3A_2120, %max3A_2183 : vector<16xi32>
    %jit3A_2197 = arith.constant -1 : i32
    %broadcast_in_dim3A_2198 = vector.broadcast %jit3A_2197 : i32 to vector<16xi32>
    %select_n3A_2199 = arith.select %eq3A_2196, %broadcast_in_dim3A_2198, %select_n3A_2120 : vector<16xi1>, vector<16xi32>
    %eq3A_2200 = arith.cmpi eq, %select_n3A_2124, %max3A_2183 : vector<16xi32>
    %jit3A_2201 = arith.constant -1 : i32
    %broadcast_in_dim3A_2202 = vector.broadcast %jit3A_2201 : i32 to vector<16xi32>
    %select_n3A_2203 = arith.select %eq3A_2200, %broadcast_in_dim3A_2202, %select_n3A_2124 : vector<16xi1>, vector<16xi32>
    %eq3A_2204 = arith.cmpi eq, %select_n3A_2128, %max3A_2183 : vector<16xi32>
    %jit3A_2205 = arith.constant -1 : i32
    %broadcast_in_dim3A_2206 = vector.broadcast %jit3A_2205 : i32 to vector<16xi32>
    %select_n3A_2207 = arith.select %eq3A_2204, %broadcast_in_dim3A_2206, %select_n3A_2128 : vector<16xi1>, vector<16xi32>
    %eq3A_2208 = arith.cmpi eq, %select_n3A_2132, %max3A_2183 : vector<16xi32>
    %jit3A_2209 = arith.constant -1 : i32
    %broadcast_in_dim3A_2210 = vector.broadcast %jit3A_2209 : i32 to vector<16xi32>
    %select_n3A_2211 = arith.select %eq3A_2208, %broadcast_in_dim3A_2210, %select_n3A_2132 : vector<16xi1>, vector<16xi32>
    %eq3A_2212 = arith.cmpi eq, %select_n3A_2136, %max3A_2183 : vector<16xi32>
    %jit3A_2213 = arith.constant -1 : i32
    %broadcast_in_dim3A_2214 = vector.broadcast %jit3A_2213 : i32 to vector<16xi32>
    %select_n3A_2215 = arith.select %eq3A_2212, %broadcast_in_dim3A_2214, %select_n3A_2136 : vector<16xi1>, vector<16xi32>
    %eq3A_2216 = arith.cmpi eq, %select_n3A_2140, %max3A_2183 : vector<16xi32>
    %jit3A_2217 = arith.constant -1 : i32
    %broadcast_in_dim3A_2218 = vector.broadcast %jit3A_2217 : i32 to vector<16xi32>
    %select_n3A_2219 = arith.select %eq3A_2216, %broadcast_in_dim3A_2218, %select_n3A_2140 : vector<16xi1>, vector<16xi32>
    %eq3A_2220 = arith.cmpi eq, %select_n3A_2144, %max3A_2183 : vector<16xi32>
    %jit3A_2221 = arith.constant -1 : i32
    %broadcast_in_dim3A_2222 = vector.broadcast %jit3A_2221 : i32 to vector<16xi32>
    %select_n3A_2223 = arith.select %eq3A_2220, %broadcast_in_dim3A_2222, %select_n3A_2144 : vector<16xi1>, vector<16xi32>
    %eq3A_2224 = arith.cmpi eq, %select_n3A_2148, %max3A_2183 : vector<16xi32>
    %jit3A_2225 = arith.constant -1 : i32
    %broadcast_in_dim3A_2226 = vector.broadcast %jit3A_2225 : i32 to vector<16xi32>
    %select_n3A_2227 = arith.select %eq3A_2224, %broadcast_in_dim3A_2226, %select_n3A_2148 : vector<16xi1>, vector<16xi32>
    %eq3A_2228 = arith.cmpi eq, %select_n3A_2152, %max3A_2183 : vector<16xi32>
    %jit3A_2229 = arith.constant -1 : i32
    %broadcast_in_dim3A_2230 = vector.broadcast %jit3A_2229 : i32 to vector<16xi32>
    %select_n3A_2231 = arith.select %eq3A_2228, %broadcast_in_dim3A_2230, %select_n3A_2152 : vector<16xi1>, vector<16xi32>
    %eq3A_2232 = arith.cmpi eq, %select_n3A_2156, %max3A_2183 : vector<16xi32>
    %jit3A_2233 = arith.constant -1 : i32
    %broadcast_in_dim3A_2234 = vector.broadcast %jit3A_2233 : i32 to vector<16xi32>
    %select_n3A_2235 = arith.select %eq3A_2232, %broadcast_in_dim3A_2234, %select_n3A_2156 : vector<16xi1>, vector<16xi32>
    %eq3A_2236 = arith.cmpi eq, %select_n3A_2160, %max3A_2183 : vector<16xi32>
    %jit3A_2237 = arith.constant -1 : i32
    %broadcast_in_dim3A_2238 = vector.broadcast %jit3A_2237 : i32 to vector<16xi32>
    %select_n3A_2239 = arith.select %eq3A_2236, %broadcast_in_dim3A_2238, %select_n3A_2160 : vector<16xi1>, vector<16xi32>
    %eq3A_2240 = arith.cmpi eq, %select_n3A_2164, %max3A_2183 : vector<16xi32>
    %jit3A_2241 = arith.constant -1 : i32
    %broadcast_in_dim3A_2242 = vector.broadcast %jit3A_2241 : i32 to vector<16xi32>
    %select_n3A_2243 = arith.select %eq3A_2240, %broadcast_in_dim3A_2242, %select_n3A_2164 : vector<16xi1>, vector<16xi32>
    %eq3A_2244 = arith.cmpi eq, %select_n3A_2168, %max3A_2183 : vector<16xi32>
    %jit3A_2245 = arith.constant -1 : i32
    %broadcast_in_dim3A_2246 = vector.broadcast %jit3A_2245 : i32 to vector<16xi32>
    %select_n3A_2247 = arith.select %eq3A_2244, %broadcast_in_dim3A_2246, %select_n3A_2168 : vector<16xi1>, vector<16xi32>
    %max3A_2248 = arith.maxsi %select_n3A_2187, %select_n3A_2191 : vector<16xi32>
    %max3A_2249 = arith.maxsi %select_n3A_2195, %select_n3A_2199 : vector<16xi32>
    %max3A_2250 = arith.maxsi %select_n3A_2203, %select_n3A_2207 : vector<16xi32>
    %max3A_2251 = arith.maxsi %select_n3A_2211, %select_n3A_2215 : vector<16xi32>
    %max3A_2252 = arith.maxsi %select_n3A_2219, %select_n3A_2223 : vector<16xi32>
    %max3A_2253 = arith.maxsi %select_n3A_2227, %select_n3A_2231 : vector<16xi32>
    %max3A_2254 = arith.maxsi %select_n3A_2235, %select_n3A_2239 : vector<16xi32>
    %max3A_2255 = arith.maxsi %select_n3A_2243, %select_n3A_2247 : vector<16xi32>
    %max3A_2256 = arith.maxsi %max3A_2248, %max3A_2249 : vector<16xi32>
    %max3A_2257 = arith.maxsi %max3A_2250, %max3A_2251 : vector<16xi32>
    %max3A_2258 = arith.maxsi %max3A_2252, %max3A_2253 : vector<16xi32>
    %max3A_2259 = arith.maxsi %max3A_2254, %max3A_2255 : vector<16xi32>
    %max3A_2260 = arith.maxsi %max3A_2256, %max3A_2257 : vector<16xi32>
    %max3A_2261 = arith.maxsi %max3A_2258, %max3A_2259 : vector<16xi32>
    %max3A_2262 = arith.maxsi %max3A_2260, %max3A_2261 : vector<16xi32>
    %eq3A_2263 = arith.cmpi eq, %select_n3A_2187, %max3A_2262 : vector<16xi32>
    %jit3A_2264 = arith.constant -1 : i32
    %broadcast_in_dim3A_2265 = vector.broadcast %jit3A_2264 : i32 to vector<16xi32>
    %select_n3A_2266 = arith.select %eq3A_2263, %broadcast_in_dim3A_2265, %select_n3A_2187 : vector<16xi1>, vector<16xi32>
    %eq3A_2267 = arith.cmpi eq, %select_n3A_2191, %max3A_2262 : vector<16xi32>
    %jit3A_2268 = arith.constant -1 : i32
    %broadcast_in_dim3A_2269 = vector.broadcast %jit3A_2268 : i32 to vector<16xi32>
    %select_n3A_2270 = arith.select %eq3A_2267, %broadcast_in_dim3A_2269, %select_n3A_2191 : vector<16xi1>, vector<16xi32>
    %eq3A_2271 = arith.cmpi eq, %select_n3A_2195, %max3A_2262 : vector<16xi32>
    %jit3A_2272 = arith.constant -1 : i32
    %broadcast_in_dim3A_2273 = vector.broadcast %jit3A_2272 : i32 to vector<16xi32>
    %select_n3A_2274 = arith.select %eq3A_2271, %broadcast_in_dim3A_2273, %select_n3A_2195 : vector<16xi1>, vector<16xi32>
    %eq3A_2275 = arith.cmpi eq, %select_n3A_2199, %max3A_2262 : vector<16xi32>
    %jit3A_2276 = arith.constant -1 : i32
    %broadcast_in_dim3A_2277 = vector.broadcast %jit3A_2276 : i32 to vector<16xi32>
    %select_n3A_2278 = arith.select %eq3A_2275, %broadcast_in_dim3A_2277, %select_n3A_2199 : vector<16xi1>, vector<16xi32>
    %eq3A_2279 = arith.cmpi eq, %select_n3A_2203, %max3A_2262 : vector<16xi32>
    %jit3A_2280 = arith.constant -1 : i32
    %broadcast_in_dim3A_2281 = vector.broadcast %jit3A_2280 : i32 to vector<16xi32>
    %select_n3A_2282 = arith.select %eq3A_2279, %broadcast_in_dim3A_2281, %select_n3A_2203 : vector<16xi1>, vector<16xi32>
    %eq3A_2283 = arith.cmpi eq, %select_n3A_2207, %max3A_2262 : vector<16xi32>
    %jit3A_2284 = arith.constant -1 : i32
    %broadcast_in_dim3A_2285 = vector.broadcast %jit3A_2284 : i32 to vector<16xi32>
    %select_n3A_2286 = arith.select %eq3A_2283, %broadcast_in_dim3A_2285, %select_n3A_2207 : vector<16xi1>, vector<16xi32>
    %eq3A_2287 = arith.cmpi eq, %select_n3A_2211, %max3A_2262 : vector<16xi32>
    %jit3A_2288 = arith.constant -1 : i32
    %broadcast_in_dim3A_2289 = vector.broadcast %jit3A_2288 : i32 to vector<16xi32>
    %select_n3A_2290 = arith.select %eq3A_2287, %broadcast_in_dim3A_2289, %select_n3A_2211 : vector<16xi1>, vector<16xi32>
    %eq3A_2291 = arith.cmpi eq, %select_n3A_2215, %max3A_2262 : vector<16xi32>
    %jit3A_2292 = arith.constant -1 : i32
    %broadcast_in_dim3A_2293 = vector.broadcast %jit3A_2292 : i32 to vector<16xi32>
    %select_n3A_2294 = arith.select %eq3A_2291, %broadcast_in_dim3A_2293, %select_n3A_2215 : vector<16xi1>, vector<16xi32>
    %eq3A_2295 = arith.cmpi eq, %select_n3A_2219, %max3A_2262 : vector<16xi32>
    %jit3A_2296 = arith.constant -1 : i32
    %broadcast_in_dim3A_2297 = vector.broadcast %jit3A_2296 : i32 to vector<16xi32>
    %select_n3A_2298 = arith.select %eq3A_2295, %broadcast_in_dim3A_2297, %select_n3A_2219 : vector<16xi1>, vector<16xi32>
    %eq3A_2299 = arith.cmpi eq, %select_n3A_2223, %max3A_2262 : vector<16xi32>
    %jit3A_2300 = arith.constant -1 : i32
    %broadcast_in_dim3A_2301 = vector.broadcast %jit3A_2300 : i32 to vector<16xi32>
    %select_n3A_2302 = arith.select %eq3A_2299, %broadcast_in_dim3A_2301, %select_n3A_2223 : vector<16xi1>, vector<16xi32>
    %eq3A_2303 = arith.cmpi eq, %select_n3A_2227, %max3A_2262 : vector<16xi32>
    %jit3A_2304 = arith.constant -1 : i32
    %broadcast_in_dim3A_2305 = vector.broadcast %jit3A_2304 : i32 to vector<16xi32>
    %select_n3A_2306 = arith.select %eq3A_2303, %broadcast_in_dim3A_2305, %select_n3A_2227 : vector<16xi1>, vector<16xi32>
    %eq3A_2307 = arith.cmpi eq, %select_n3A_2231, %max3A_2262 : vector<16xi32>
    %jit3A_2308 = arith.constant -1 : i32
    %broadcast_in_dim3A_2309 = vector.broadcast %jit3A_2308 : i32 to vector<16xi32>
    %select_n3A_2310 = arith.select %eq3A_2307, %broadcast_in_dim3A_2309, %select_n3A_2231 : vector<16xi1>, vector<16xi32>
    %eq3A_2311 = arith.cmpi eq, %select_n3A_2235, %max3A_2262 : vector<16xi32>
    %jit3A_2312 = arith.constant -1 : i32
    %broadcast_in_dim3A_2313 = vector.broadcast %jit3A_2312 : i32 to vector<16xi32>
    %select_n3A_2314 = arith.select %eq3A_2311, %broadcast_in_dim3A_2313, %select_n3A_2235 : vector<16xi1>, vector<16xi32>
    %eq3A_2315 = arith.cmpi eq, %select_n3A_2239, %max3A_2262 : vector<16xi32>
    %jit3A_2316 = arith.constant -1 : i32
    %broadcast_in_dim3A_2317 = vector.broadcast %jit3A_2316 : i32 to vector<16xi32>
    %select_n3A_2318 = arith.select %eq3A_2315, %broadcast_in_dim3A_2317, %select_n3A_2239 : vector<16xi1>, vector<16xi32>
    %eq3A_2319 = arith.cmpi eq, %select_n3A_2243, %max3A_2262 : vector<16xi32>
    %jit3A_2320 = arith.constant -1 : i32
    %broadcast_in_dim3A_2321 = vector.broadcast %jit3A_2320 : i32 to vector<16xi32>
    %select_n3A_2322 = arith.select %eq3A_2319, %broadcast_in_dim3A_2321, %select_n3A_2243 : vector<16xi1>, vector<16xi32>
    %eq3A_2323 = arith.cmpi eq, %select_n3A_2247, %max3A_2262 : vector<16xi32>
    %jit3A_2324 = arith.constant -1 : i32
    %broadcast_in_dim3A_2325 = vector.broadcast %jit3A_2324 : i32 to vector<16xi32>
    %select_n3A_2326 = arith.select %eq3A_2323, %broadcast_in_dim3A_2325, %select_n3A_2247 : vector<16xi1>, vector<16xi32>
    %max3A_2327 = arith.maxsi %select_n3A_2266, %select_n3A_2270 : vector<16xi32>
    %max3A_2328 = arith.maxsi %select_n3A_2274, %select_n3A_2278 : vector<16xi32>
    %max3A_2329 = arith.maxsi %select_n3A_2282, %select_n3A_2286 : vector<16xi32>
    %max3A_2330 = arith.maxsi %select_n3A_2290, %select_n3A_2294 : vector<16xi32>
    %max3A_2331 = arith.maxsi %select_n3A_2298, %select_n3A_2302 : vector<16xi32>
    %max3A_2332 = arith.maxsi %select_n3A_2306, %select_n3A_2310 : vector<16xi32>
    %max3A_2333 = arith.maxsi %select_n3A_2314, %select_n3A_2318 : vector<16xi32>
    %max3A_2334 = arith.maxsi %select_n3A_2322, %select_n3A_2326 : vector<16xi32>
    %max3A_2335 = arith.maxsi %max3A_2327, %max3A_2328 : vector<16xi32>
    %max3A_2336 = arith.maxsi %max3A_2329, %max3A_2330 : vector<16xi32>
    %max3A_2337 = arith.maxsi %max3A_2331, %max3A_2332 : vector<16xi32>
    %max3A_2338 = arith.maxsi %max3A_2333, %max3A_2334 : vector<16xi32>
    %max3A_2339 = arith.maxsi %max3A_2335, %max3A_2336 : vector<16xi32>
    %max3A_2340 = arith.maxsi %max3A_2337, %max3A_2338 : vector<16xi32>
    %max3A_2341 = arith.maxsi %max3A_2339, %max3A_2340 : vector<16xi32>
    %ge3A_2342 = arith.cmpi sge, %or3A_1909, %max3A_2341 : vector<16xi32>
    %jit3A_2343 = arith.constant 2.500000e-01 : f32
    %jit3A_2344 = arith.constant 0.000000e+00 : f32
    %broadcast_in_dim3A_2345 = vector.broadcast %jit3A_2343 : f32 to vector<16xf32>
    %broadcast_in_dim3A_2346 = vector.broadcast %jit3A_2344 : f32 to vector<16xf32>
    %select_n3A_2347 = arith.select %ge3A_2342, %broadcast_in_dim3A_2345, %broadcast_in_dim3A_2346 : vector<16xi1>, vector<16xf32>
    %swap3A_2348 = arith.constant 0 : i32
    %swap3A_2349 = arith.index_cast %swap3A_2348 : i32 to index
    %swap3A_2350 = arith.constant 48 : index
    %swap3A_2351 = tpu.vector_load %arg5[%swap3A_2349, %swap3A_2350] {strides = array<i32>} : memref<16x64xf32, #tpu.memory_space<vmem>>, vector<1x16xf32>,
    %swap3A_2352 = vector.shape_cast %swap3A_2351 : vector<1x16xf32> to vector<16xf32>
    %swap3A_2353 = vector.shape_cast %select_n3A_2347 : vector<16xf32> to vector<1x16xf32>
    tpu.vector_store %arg5[%swap3A_2349, %swap3A_2350], %swap3A_2353 {strides = array<i32>} : memref<16x64xf32, #tpu.memory_space<vmem>>, vector<1x16xf32>,
    %ge3A_2354 = arith.cmpi sge, %or3A_1921, %max3A_2341 : vector<16xi32>
    %jit3A_2355 = arith.constant 2.500000e-01 : f32
    %jit3A_2356 = arith.constant 0.000000e+00 : f32
    %broadcast_in_dim3A_2357 = vector.broadcast %jit3A_2355 : f32 to vector<16xf32>
    %broadcast_in_dim3A_2358 = vector.broadcast %jit3A_2356 : f32 to vector<16xf32>
    %select_n3A_2359 = arith.select %ge3A_2354, %broadcast_in_dim3A_2357, %broadcast_in_dim3A_2358 : vector<16xi1>, vector<16xf32>
    %swap3A_2360 = arith.constant 1 : i32
    %swap3A_2361 = arith.index_cast %swap3A_2360 : i32 to index
    %swap3A_2362 = arith.constant 48 : index
    %swap3A_2363 = tpu.vector_load %arg5[%swap3A_2361, %swap3A_2362] {strides = array<i32>} : memref<16x64xf32, #tpu.memory_space<vmem>>, vector<1x16xf32>,
    %swap3A_2364 = vector.shape_cast %swap3A_2363 : vector<1x16xf32> to vector<16xf32>
    %swap3A_2365 = vector.shape_cast %select_n3A_2359 : vector<16xf32> to vector<1x16xf32>
    tpu.vector_store %arg5[%swap3A_2361, %swap3A_2362], %swap3A_2365 {strides = array<i32>} : memref<16x64xf32, #tpu.memory_space<vmem>>, vector<1x16xf32>,
    %ge3A_2366 = arith.cmpi sge, %or3A_1933, %max3A_2341 : vector<16xi32>
    %jit3A_2367 = arith.constant 2.500000e-01 : f32
    %jit3A_2368 = arith.constant 0.000000e+00 : f32
    %broadcast_in_dim3A_2369 = vector.broadcast %jit3A_2367 : f32 to vector<16xf32>
    %broadcast_in_dim3A_2370 = vector.broadcast %jit3A_2368 : f32 to vector<16xf32>
    %select_n3A_2371 = arith.select %ge3A_2366, %broadcast_in_dim3A_2369, %broadcast_in_dim3A_2370 : vector<16xi1>, vector<16xf32>
    %swap3A_2372 = arith.constant 2 : i32
    %swap3A_2373 = arith.index_cast %swap3A_2372 : i32 to index
    %swap3A_2374 = arith.constant 48 : index
    %swap3A_2375 = tpu.vector_load %arg5[%swap3A_2373, %swap3A_2374] {strides = array<i32>} : memref<16x64xf32, #tpu.memory_space<vmem>>, vector<1x16xf32>,
    %swap3A_2376 = vector.shape_cast %swap3A_2375 : vector<1x16xf32> to vector<16xf32>
    %swap3A_2377 = vector.shape_cast %select_n3A_2371 : vector<16xf32> to vector<1x16xf32>
    tpu.vector_store %arg5[%swap3A_2373, %swap3A_2374], %swap3A_2377 {strides = array<i32>} : memref<16x64xf32, #tpu.memory_space<vmem>>, vector<1x16xf32>,
    %ge3A_2378 = arith.cmpi sge, %or3A_1945, %max3A_2341 : vector<16xi32>
    %jit3A_2379 = arith.constant 2.500000e-01 : f32
    %jit3A_2380 = arith.constant 0.000000e+00 : f32
    %broadcast_in_dim3A_2381 = vector.broadcast %jit3A_2379 : f32 to vector<16xf32>
    %broadcast_in_dim3A_2382 = vector.broadcast %jit3A_2380 : f32 to vector<16xf32>
    %select_n3A_2383 = arith.select %ge3A_2378, %broadcast_in_dim3A_2381, %broadcast_in_dim3A_2382 : vector<16xi1>, vector<16xf32>
    %swap3A_2384 = arith.constant 3 : i32
    %swap3A_2385 = arith.index_cast %swap3A_2384 : i32 to index
    %swap3A_2386 = arith.constant 48 : index
    %swap3A_2387 = tpu.vector_load %arg5[%swap3A_2385, %swap3A_2386] {strides = array<i32>} : memref<16x64xf32, #tpu.memory_space<vmem>>, vector<1x16xf32>,
    %swap3A_2388 = vector.shape_cast %swap3A_2387 : vector<1x16xf32> to vector<16xf32>
    %swap3A_2389 = vector.shape_cast %select_n3A_2383 : vector<16xf32> to vector<1x16xf32>
    tpu.vector_store %arg5[%swap3A_2385, %swap3A_2386], %swap3A_2389 {strides = array<i32>} : memref<16x64xf32, #tpu.memory_space<vmem>>, vector<1x16xf32>,
    %ge3A_2390 = arith.cmpi sge, %or3A_1957, %max3A_2341 : vector<16xi32>
    %jit3A_2391 = arith.constant 2.500000e-01 : f32
    %jit3A_2392 = arith.constant 0.000000e+00 : f32
    %broadcast_in_dim3A_2393 = vector.broadcast %jit3A_2391 : f32 to vector<16xf32>
    %broadcast_in_dim3A_2394 = vector.broadcast %jit3A_2392 : f32 to vector<16xf32>
    %select_n3A_2395 = arith.select %ge3A_2390, %broadcast_in_dim3A_2393, %broadcast_in_dim3A_2394 : vector<16xi1>, vector<16xf32>
    %swap3A_2396 = arith.constant 4 : i32
    %swap3A_2397 = arith.index_cast %swap3A_2396 : i32 to index
    %swap3A_2398 = arith.constant 48 : index
    %swap3A_2399 = tpu.vector_load %arg5[%swap3A_2397, %swap3A_2398] {strides = array<i32>} : memref<16x64xf32, #tpu.memory_space<vmem>>, vector<1x16xf32>,
    %swap3A_2400 = vector.shape_cast %swap3A_2399 : vector<1x16xf32> to vector<16xf32>
    %swap3A_2401 = vector.shape_cast %select_n3A_2395 : vector<16xf32> to vector<1x16xf32>
    tpu.vector_store %arg5[%swap3A_2397, %swap3A_2398], %swap3A_2401 {strides = array<i32>} : memref<16x64xf32, #tpu.memory_space<vmem>>, vector<1x16xf32>,
    %ge3A_2402 = arith.cmpi sge, %or3A_1969, %max3A_2341 : vector<16xi32>
    %jit3A_2403 = arith.constant 2.500000e-01 : f32
    %jit3A_2404 = arith.constant 0.000000e+00 : f32
    %broadcast_in_dim3A_2405 = vector.broadcast %jit3A_2403 : f32 to vector<16xf32>
    %broadcast_in_dim3A_2406 = vector.broadcast %jit3A_2404 : f32 to vector<16xf32>
    %select_n3A_2407 = arith.select %ge3A_2402, %broadcast_in_dim3A_2405, %broadcast_in_dim3A_2406 : vector<16xi1>, vector<16xf32>
    %swap3A_2408 = arith.constant 5 : i32
    %swap3A_2409 = arith.index_cast %swap3A_2408 : i32 to index
    %swap3A_2410 = arith.constant 48 : index
    %swap3A_2411 = tpu.vector_load %arg5[%swap3A_2409, %swap3A_2410] {strides = array<i32>} : memref<16x64xf32, #tpu.memory_space<vmem>>, vector<1x16xf32>,
    %swap3A_2412 = vector.shape_cast %swap3A_2411 : vector<1x16xf32> to vector<16xf32>
    %swap3A_2413 = vector.shape_cast %select_n3A_2407 : vector<16xf32> to vector<1x16xf32>
    tpu.vector_store %arg5[%swap3A_2409, %swap3A_2410], %swap3A_2413 {strides = array<i32>} : memref<16x64xf32, #tpu.memory_space<vmem>>, vector<1x16xf32>,
    %ge3A_2414 = arith.cmpi sge, %or3A_1981, %max3A_2341 : vector<16xi32>
    %jit3A_2415 = arith.constant 2.500000e-01 : f32
    %jit3A_2416 = arith.constant 0.000000e+00 : f32
    %broadcast_in_dim3A_2417 = vector.broadcast %jit3A_2415 : f32 to vector<16xf32>
    %broadcast_in_dim3A_2418 = vector.broadcast %jit3A_2416 : f32 to vector<16xf32>
    %select_n3A_2419 = arith.select %ge3A_2414, %broadcast_in_dim3A_2417, %broadcast_in_dim3A_2418 : vector<16xi1>, vector<16xf32>
    %swap3A_2420 = arith.constant 6 : i32
    %swap3A_2421 = arith.index_cast %swap3A_2420 : i32 to index
    %swap3A_2422 = arith.constant 48 : index
    %swap3A_2423 = tpu.vector_load %arg5[%swap3A_2421, %swap3A_2422] {strides = array<i32>} : memref<16x64xf32, #tpu.memory_space<vmem>>, vector<1x16xf32>,
    %swap3A_2424 = vector.shape_cast %swap3A_2423 : vector<1x16xf32> to vector<16xf32>
    %swap3A_2425 = vector.shape_cast %select_n3A_2419 : vector<16xf32> to vector<1x16xf32>
    tpu.vector_store %arg5[%swap3A_2421, %swap3A_2422], %swap3A_2425 {strides = array<i32>} : memref<16x64xf32, #tpu.memory_space<vmem>>, vector<1x16xf32>,
    %ge3A_2426 = arith.cmpi sge, %or3A_1993, %max3A_2341 : vector<16xi32>
    %jit3A_2427 = arith.constant 2.500000e-01 : f32
    %jit3A_2428 = arith.constant 0.000000e+00 : f32
    %broadcast_in_dim3A_2429 = vector.broadcast %jit3A_2427 : f32 to vector<16xf32>
    %broadcast_in_dim3A_2430 = vector.broadcast %jit3A_2428 : f32 to vector<16xf32>
    %select_n3A_2431 = arith.select %ge3A_2426, %broadcast_in_dim3A_2429, %broadcast_in_dim3A_2430 : vector<16xi1>, vector<16xf32>
    %swap3A_2432 = arith.constant 7 : i32
    %swap3A_2433 = arith.index_cast %swap3A_2432 : i32 to index
    %swap3A_2434 = arith.constant 48 : index
    %swap3A_2435 = tpu.vector_load %arg5[%swap3A_2433, %swap3A_2434] {strides = array<i32>} : memref<16x64xf32, #tpu.memory_space<vmem>>, vector<1x16xf32>,
    %swap3A_2436 = vector.shape_cast %swap3A_2435 : vector<1x16xf32> to vector<16xf32>
    %swap3A_2437 = vector.shape_cast %select_n3A_2431 : vector<16xf32> to vector<1x16xf32>
    tpu.vector_store %arg5[%swap3A_2433, %swap3A_2434], %swap3A_2437 {strides = array<i32>} : memref<16x64xf32, #tpu.memory_space<vmem>>, vector<1x16xf32>,
    %ge3A_2438 = arith.cmpi sge, %or3A_2005, %max3A_2341 : vector<16xi32>
    %jit3A_2439 = arith.constant 2.500000e-01 : f32
    %jit3A_2440 = arith.constant 0.000000e+00 : f32
    %broadcast_in_dim3A_2441 = vector.broadcast %jit3A_2439 : f32 to vector<16xf32>
    %broadcast_in_dim3A_2442 = vector.broadcast %jit3A_2440 : f32 to vector<16xf32>
    %select_n3A_2443 = arith.select %ge3A_2438, %broadcast_in_dim3A_2441, %broadcast_in_dim3A_2442 : vector<16xi1>, vector<16xf32>
    %swap3A_2444 = arith.constant 8 : i32
    %swap3A_2445 = arith.index_cast %swap3A_2444 : i32 to index
    %swap3A_2446 = arith.constant 48 : index
    %swap3A_2447 = tpu.vector_load %arg5[%swap3A_2445, %swap3A_2446] {strides = array<i32>} : memref<16x64xf32, #tpu.memory_space<vmem>>, vector<1x16xf32>,
    %swap3A_2448 = vector.shape_cast %swap3A_2447 : vector<1x16xf32> to vector<16xf32>
    %swap3A_2449 = vector.shape_cast %select_n3A_2443 : vector<16xf32> to vector<1x16xf32>
    tpu.vector_store %arg5[%swap3A_2445, %swap3A_2446], %swap3A_2449 {strides = array<i32>} : memref<16x64xf32, #tpu.memory_space<vmem>>, vector<1x16xf32>,
    %ge3A_2450 = arith.cmpi sge, %or3A_2017, %max3A_2341 : vector<16xi32>
    %jit3A_2451 = arith.constant 2.500000e-01 : f32
    %jit3A_2452 = arith.constant 0.000000e+00 : f32
    %broadcast_in_dim3A_2453 = vector.broadcast %jit3A_2451 : f32 to vector<16xf32>
    %broadcast_in_dim3A_2454 = vector.broadcast %jit3A_2452 : f32 to vector<16xf32>
    %select_n3A_2455 = arith.select %ge3A_2450, %broadcast_in_dim3A_2453, %broadcast_in_dim3A_2454 : vector<16xi1>, vector<16xf32>
    %swap3A_2456 = arith.constant 9 : i32
    %swap3A_2457 = arith.index_cast %swap3A_2456 : i32 to index
    %swap3A_2458 = arith.constant 48 : index
    %swap3A_2459 = tpu.vector_load %arg5[%swap3A_2457, %swap3A_2458] {strides = array<i32>} : memref<16x64xf32, #tpu.memory_space<vmem>>, vector<1x16xf32>,
    %swap3A_2460 = vector.shape_cast %swap3A_2459 : vector<1x16xf32> to vector<16xf32>
    %swap3A_2461 = vector.shape_cast %select_n3A_2455 : vector<16xf32> to vector<1x16xf32>
    tpu.vector_store %arg5[%swap3A_2457, %swap3A_2458], %swap3A_2461 {strides = array<i32>} : memref<16x64xf32, #tpu.memory_space<vmem>>, vector<1x16xf32>,
    %ge3A_2462 = arith.cmpi sge, %or3A_2029, %max3A_2341 : vector<16xi32>
    %jit3A_2463 = arith.constant 2.500000e-01 : f32
    %jit3A_2464 = arith.constant 0.000000e+00 : f32
    %broadcast_in_dim3A_2465 = vector.broadcast %jit3A_2463 : f32 to vector<16xf32>
    %broadcast_in_dim3A_2466 = vector.broadcast %jit3A_2464 : f32 to vector<16xf32>
    %select_n3A_2467 = arith.select %ge3A_2462, %broadcast_in_dim3A_2465, %broadcast_in_dim3A_2466 : vector<16xi1>, vector<16xf32>
    %swap3A_2468 = arith.constant 10 : i32
    %swap3A_2469 = arith.index_cast %swap3A_2468 : i32 to index
    %swap3A_2470 = arith.constant 48 : index
    %swap3A_2471 = tpu.vector_load %arg5[%swap3A_2469, %swap3A_2470] {strides = array<i32>} : memref<16x64xf32, #tpu.memory_space<vmem>>, vector<1x16xf32>,
    %swap3A_2472 = vector.shape_cast %swap3A_2471 : vector<1x16xf32> to vector<16xf32>
    %swap3A_2473 = vector.shape_cast %select_n3A_2467 : vector<16xf32> to vector<1x16xf32>
    tpu.vector_store %arg5[%swap3A_2469, %swap3A_2470], %swap3A_2473 {strides = array<i32>} : memref<16x64xf32, #tpu.memory_space<vmem>>, vector<1x16xf32>,
    %ge3A_2474 = arith.cmpi sge, %or3A_2041, %max3A_2341 : vector<16xi32>
    %jit3A_2475 = arith.constant 2.500000e-01 : f32
    %jit3A_2476 = arith.constant 0.000000e+00 : f32
    %broadcast_in_dim3A_2477 = vector.broadcast %jit3A_2475 : f32 to vector<16xf32>
    %broadcast_in_dim3A_2478 = vector.broadcast %jit3A_2476 : f32 to vector<16xf32>
    %select_n3A_2479 = arith.select %ge3A_2474, %broadcast_in_dim3A_2477, %broadcast_in_dim3A_2478 : vector<16xi1>, vector<16xf32>
    %swap3A_2480 = arith.constant 11 : i32
    %swap3A_2481 = arith.index_cast %swap3A_2480 : i32 to index
    %swap3A_2482 = arith.constant 48 : index
    %swap3A_2483 = tpu.vector_load %arg5[%swap3A_2481, %swap3A_2482] {strides = array<i32>} : memref<16x64xf32, #tpu.memory_space<vmem>>, vector<1x16xf32>,
    %swap3A_2484 = vector.shape_cast %swap3A_2483 : vector<1x16xf32> to vector<16xf32>
    %swap3A_2485 = vector.shape_cast %select_n3A_2479 : vector<16xf32> to vector<1x16xf32>
    tpu.vector_store %arg5[%swap3A_2481, %swap3A_2482], %swap3A_2485 {strides = array<i32>} : memref<16x64xf32, #tpu.memory_space<vmem>>, vector<1x16xf32>,
    %ge3A_2486 = arith.cmpi sge, %or3A_2053, %max3A_2341 : vector<16xi32>
    %jit3A_2487 = arith.constant 2.500000e-01 : f32
    %jit3A_2488 = arith.constant 0.000000e+00 : f32
    %broadcast_in_dim3A_2489 = vector.broadcast %jit3A_2487 : f32 to vector<16xf32>
    %broadcast_in_dim3A_2490 = vector.broadcast %jit3A_2488 : f32 to vector<16xf32>
    %select_n3A_2491 = arith.select %ge3A_2486, %broadcast_in_dim3A_2489, %broadcast_in_dim3A_2490 : vector<16xi1>, vector<16xf32>
    %swap3A_2492 = arith.constant 12 : i32
    %swap3A_2493 = arith.index_cast %swap3A_2492 : i32 to index
    %swap3A_2494 = arith.constant 48 : index
    %swap3A_2495 = tpu.vector_load %arg5[%swap3A_2493, %swap3A_2494] {strides = array<i32>} : memref<16x64xf32, #tpu.memory_space<vmem>>, vector<1x16xf32>,
    %swap3A_2496 = vector.shape_cast %swap3A_2495 : vector<1x16xf32> to vector<16xf32>
    %swap3A_2497 = vector.shape_cast %select_n3A_2491 : vector<16xf32> to vector<1x16xf32>
    tpu.vector_store %arg5[%swap3A_2493, %swap3A_2494], %swap3A_2497 {strides = array<i32>} : memref<16x64xf32, #tpu.memory_space<vmem>>, vector<1x16xf32>,
    %ge3A_2498 = arith.cmpi sge, %or3A_2065, %max3A_2341 : vector<16xi32>
    %jit3A_2499 = arith.constant 2.500000e-01 : f32
    %jit3A_2500 = arith.constant 0.000000e+00 : f32
    %broadcast_in_dim3A_2501 = vector.broadcast %jit3A_2499 : f32 to vector<16xf32>
    %broadcast_in_dim3A_2502 = vector.broadcast %jit3A_2500 : f32 to vector<16xf32>
    %select_n3A_2503 = arith.select %ge3A_2498, %broadcast_in_dim3A_2501, %broadcast_in_dim3A_2502 : vector<16xi1>, vector<16xf32>
    %swap3A_2504 = arith.constant 13 : i32
    %swap3A_2505 = arith.index_cast %swap3A_2504 : i32 to index
    %swap3A_2506 = arith.constant 48 : index
    %swap3A_2507 = tpu.vector_load %arg5[%swap3A_2505, %swap3A_2506] {strides = array<i32>} : memref<16x64xf32, #tpu.memory_space<vmem>>, vector<1x16xf32>,
    %swap3A_2508 = vector.shape_cast %swap3A_2507 : vector<1x16xf32> to vector<16xf32>
    %swap3A_2509 = vector.shape_cast %select_n3A_2503 : vector<16xf32> to vector<1x16xf32>
    tpu.vector_store %arg5[%swap3A_2505, %swap3A_2506], %swap3A_2509 {strides = array<i32>} : memref<16x64xf32, #tpu.memory_space<vmem>>, vector<1x16xf32>,
    %ge3A_2510 = arith.cmpi sge, %or3A_2077, %max3A_2341 : vector<16xi32>
    %jit3A_2511 = arith.constant 2.500000e-01 : f32
    %jit3A_2512 = arith.constant 0.000000e+00 : f32
    %broadcast_in_dim3A_2513 = vector.broadcast %jit3A_2511 : f32 to vector<16xf32>
    %broadcast_in_dim3A_2514 = vector.broadcast %jit3A_2512 : f32 to vector<16xf32>
    %select_n3A_2515 = arith.select %ge3A_2510, %broadcast_in_dim3A_2513, %broadcast_in_dim3A_2514 : vector<16xi1>, vector<16xf32>
    %swap3A_2516 = arith.constant 14 : i32
    %swap3A_2517 = arith.index_cast %swap3A_2516 : i32 to index
    %swap3A_2518 = arith.constant 48 : index
    %swap3A_2519 = tpu.vector_load %arg5[%swap3A_2517, %swap3A_2518] {strides = array<i32>} : memref<16x64xf32, #tpu.memory_space<vmem>>, vector<1x16xf32>,
    %swap3A_2520 = vector.shape_cast %swap3A_2519 : vector<1x16xf32> to vector<16xf32>
    %swap3A_2521 = vector.shape_cast %select_n3A_2515 : vector<16xf32> to vector<1x16xf32>
    tpu.vector_store %arg5[%swap3A_2517, %swap3A_2518], %swap3A_2521 {strides = array<i32>} : memref<16x64xf32, #tpu.memory_space<vmem>>, vector<1x16xf32>,
    %ge3A_2522 = arith.cmpi sge, %or3A_2089, %max3A_2341 : vector<16xi32>
    %jit3A_2523 = arith.constant 2.500000e-01 : f32
    %jit3A_2524 = arith.constant 0.000000e+00 : f32
    %broadcast_in_dim3A_2525 = vector.broadcast %jit3A_2523 : f32 to vector<16xf32>
    %broadcast_in_dim3A_2526 = vector.broadcast %jit3A_2524 : f32 to vector<16xf32>
    %select_n3A_2527 = arith.select %ge3A_2522, %broadcast_in_dim3A_2525, %broadcast_in_dim3A_2526 : vector<16xi1>, vector<16xf32>
    %swap3A_2528 = arith.constant 15 : i32
    %swap3A_2529 = arith.index_cast %swap3A_2528 : i32 to index
    %swap3A_2530 = arith.constant 48 : index
    %swap3A_2531 = tpu.vector_load %arg5[%swap3A_2529, %swap3A_2530] {strides = array<i32>} : memref<16x64xf32, #tpu.memory_space<vmem>>, vector<1x16xf32>,
    %swap3A_2532 = vector.shape_cast %swap3A_2531 : vector<1x16xf32> to vector<16xf32>
    %swap3A_2533 = vector.shape_cast %select_n3A_2527 : vector<16xf32> to vector<1x16xf32>
    tpu.vector_store %arg5[%swap3A_2529, %swap3A_2530], %swap3A_2533 {strides = array<i32>} : memref<16x64xf32, #tpu.memory_space<vmem>>, vector<1x16xf32>,
    "tpu.region"() ({
      %run_scoped3A = tpu.sem_alloc : memref<!tpu.dma_semaphore, #tpu.memory_space<semaphore_mem>>
      %dma_start3A = arith.constant 0 : i32
      %dma_start3A_2534 = arith.constant 0 : i32
      %dma_start3A_2535 = tpu.memref_slice %arg3[%add3A, %dma_start3A, %dma_start3A_2534] : memref<32x16x64xf32, #tpu.memory_space<hbm>> -> memref<1x16x64xf32, #tpu.memory_space<hbm>>
      %dma_start3A_2536 = tpu.memref_squeeze %dma_start3A_2535 : memref<1x16x64xf32, #tpu.memory_space<hbm>> -> memref<16x64xf32, #tpu.memory_space<hbm>>
      %dma_start3A_2537 = arith.constant 0 : i32
      %dma_start3A_2538 = arith.constant 0 : i32
      %dma_start3A_2539 = tpu.memref_slice %arg3[%add3A, %dma_start3A_2537, %dma_start3A_2538] : memref<32x16x64xf32, #tpu.memory_space<hbm>> -> memref<1x16x64xf32, #tpu.memory_space<hbm>>
      %dma_start3A_2540 = tpu.memref_squeeze %dma_start3A_2539 : memref<1x16x64xf32, #tpu.memory_space<hbm>> -> memref<16x64xf32, #tpu.memory_space<hbm>>
      tpu.enqueue_dma source(%arg5 : memref<16x64xf32, #tpu.memory_space<vmem>>) target(%dma_start3A_2540 : memref<16x64xf32, #tpu.memory_space<hbm>>) target_semaphore(%run_scoped3A : memref<!tpu.dma_semaphore, #tpu.memory_space<semaphore_mem>>)
      %dma_wait3A = arith.constant 0 : i32
      %dma_wait3A_2541 = arith.constant 0 : i32
      %dma_wait3A_2542 = tpu.memref_slice %arg3[%add3A, %dma_wait3A, %dma_wait3A_2541] : memref<32x16x64xf32, #tpu.memory_space<hbm>> -> memref<1x16x64xf32, #tpu.memory_space<hbm>>
      %dma_wait3A_2543 = tpu.memref_squeeze %dma_wait3A_2542 : memref<1x16x64xf32, #tpu.memory_space<hbm>> -> memref<16x64xf32, #tpu.memory_space<hbm>>
      %dma_wait3A_2544 = arith.constant 0 : i32
      %dma_wait3A_2545 = arith.constant 0 : i32
      %dma_wait3A_2546 = tpu.memref_slice %arg3[%add3A, %dma_wait3A_2544, %dma_wait3A_2545] : memref<32x16x64xf32, #tpu.memory_space<hbm>> -> memref<1x16x64xf32, #tpu.memory_space<hbm>>
      %dma_wait3A_2547 = tpu.memref_squeeze %dma_wait3A_2546 : memref<1x16x64xf32, #tpu.memory_space<hbm>> -> memref<16x64xf32, #tpu.memory_space<hbm>>
      tpu.wait_dma2 semaphore(%run_scoped3A : memref<!tpu.dma_semaphore, #tpu.memory_space<semaphore_mem>>) src(%arg5 : memref<16x64xf32, #tpu.memory_space<vmem>>) dst(%dma_wait3A_2547 : memref<16x64xf32, #tpu.memory_space<hbm>>)
      tpu.yield
    }) : () -> ()
    return
  }
}

module attributes {stable_mosaic.version = 14 : i64} {
  func.func @_vn_kernel(%arg0: i32, %arg1: memref<1024x1024xf32, #tpu.memory_space<vmem>>, %arg2: memref<256x1024xf32, #tpu.memory_space<vmem>>, %arg3: memref<256x16xf32, #tpu.memory_space<vmem>>, %arg4: memref<1024x256xbf16, #tpu.memory_space<vmem>>, %arg5: memref<16x16x64xf32, #tpu.memory_space<vmem>>) attributes {dimension_semantics = [#tpu.dimension_semantics<arbitrary>], iteration_bounds = array<i64: 2>, scalar_prefetch = 0 : i64, scratch_operands = 0 : i64, tpu.core_type = #tpu.core_type<tc>, window_params = [{transform_indices = @transform_0, window_bounds = array<i64: 1024, 1024>}, {pipeline_mode = #tpu.pipeline_mode<synchronous>, transform_indices = @transform_1, window_bounds = array<i64: 256, 1024>}, {pipeline_mode = #tpu.pipeline_mode<synchronous>, transform_indices = @transform_2, window_bounds = array<i64: 256, 16>}, {transform_indices = @transform_3, window_bounds = array<i64: 1024, 256>}, {transform_indices = @transform_4, window_bounds = array<i64: 16, 16, 64>}]} {
    %get3A = arith.constant 0 : index
    %get3A_0 = arith.constant 0 : index
    %get3A_1 = vector.load %arg1[%get3A, %get3A_0] : memref<1024x1024xf32, #tpu.memory_space<vmem>>, vector<1024x1024xf32>
    %convert_element_type3A = arith.truncf %get3A_1 : vector<1024x1024xf32> to vector<1024x1024xbf16>
    %get3A_2 = arith.constant 0 : index
    %get3A_3 = arith.constant 0 : index
    %get3A_4 = vector.load %arg2[%get3A_2, %get3A_3] : memref<256x1024xf32, #tpu.memory_space<vmem>>, vector<256x1024xf32>
    %convert_element_type3A_5 = arith.truncf %get3A_4 : vector<256x1024xf32> to vector<256x1024xbf16>
    %dot_general3A = arith.constant dense<0.000000e+00> : vector<1024x256xf32>
    %dot_general3A_6 = tpu.matmul %convert_element_type3A, %convert_element_type3A_5, %dot_general3A {dimension_numbers = #tpu.dot_dimension_numbers<[1], [1], [0], [0], [0, 0, 1, 0], [], []>, transpose_lhs_hint = false} : vector<1024x1024xbf16>, vector<256x1024xbf16>, vector<1024x256xf32> -> vector<1024x256xf32>
    %convert_element_type3A_7 = arith.truncf %dot_general3A_6 : vector<1024x256xf32> to vector<1024x256xbf16>
    %swap3A = arith.constant 0 : index
    %swap3A_8 = arith.constant 0 : index
    %swap3A_9 = vector.load %arg4[%swap3A, %swap3A_8] : memref<1024x256xbf16, #tpu.memory_space<vmem>>, vector<1024x256xbf16>
    tpu.vector_store %arg4[%swap3A, %swap3A_8], %convert_element_type3A_7 {strides = array<i32>} : memref<1024x256xbf16, #tpu.memory_space<vmem>>, vector<1024x256xbf16>,
    %mul3A = arith.mulf %dot_general3A_6, %dot_general3A_6 : vector<1024x256xf32>
    %get3A_10 = arith.constant 0 : index
    %get3A_11 = arith.constant 0 : index
    %get3A_12 = vector.load %arg3[%get3A_10, %get3A_11] : memref<256x16xf32, #tpu.memory_space<vmem>>, vector<256x16xf32>
    %slice3A = vector.extract_strided_slice %mul3A {offsets = [0, 0], sizes = [64, 256], strides = [1, 1]} : vector<1024x256xf32> to vector<64x256xf32>
    %dot_general3A_13 = arith.constant dense<0.000000e+00> : vector<16x64xf32>
    %dot_general3A_14 = tpu.matmul %get3A_12, %slice3A, %dot_general3A_13 {dimension_numbers = #tpu.dot_dimension_numbers<[0], [1], [1], [0], [0, 1, 1, 0], [], []>, transpose_lhs_hint = false} : vector<256x16xf32>, vector<64x256xf32>, vector<16x64xf32> -> vector<16x64xf32>
    %swap3A_15 = arith.constant 0 : index
    %swap3A_16 = arith.constant 0 : index
    %swap3A_17 = arith.constant 0 : index
    %swap3A_18 = vector.load %arg5[%swap3A_15, %swap3A_16, %swap3A_17] : memref<16x16x64xf32, #tpu.memory_space<vmem>>, vector<1x16x64xf32>
    %swap3A_19 = vector.shape_cast %swap3A_18 : vector<1x16x64xf32> to vector<16x64xf32>
    %swap3A_20 = vector.shape_cast %dot_general3A_14 : vector<16x64xf32> to vector<1x16x64xf32>
    tpu.vector_store %arg5[%swap3A_15, %swap3A_16, %swap3A_17], %swap3A_20 {strides = array<i32>} : memref<16x16x64xf32, #tpu.memory_space<vmem>>, vector<1x16x64xf32>,
    %get3A_21 = arith.constant 0 : index
    %get3A_22 = arith.constant 0 : index
    %get3A_23 = vector.load %arg3[%get3A_21, %get3A_22] : memref<256x16xf32, #tpu.memory_space<vmem>>, vector<256x16xf32>
    %slice3A_24 = vector.extract_strided_slice %mul3A {offsets = [64, 0], sizes = [64, 256], strides = [1, 1]} : vector<1024x256xf32> to vector<64x256xf32>
    %dot_general3A_25 = arith.constant dense<0.000000e+00> : vector<16x64xf32>
    %dot_general3A_26 = tpu.matmul %get3A_23, %slice3A_24, %dot_general3A_25 {dimension_numbers = #tpu.dot_dimension_numbers<[0], [1], [1], [0], [0, 1, 1, 0], [], []>, transpose_lhs_hint = false} : vector<256x16xf32>, vector<64x256xf32>, vector<16x64xf32> -> vector<16x64xf32>
    %swap3A_27 = arith.constant 1 : index
    %swap3A_28 = arith.constant 0 : index
    %swap3A_29 = arith.constant 0 : index
    %swap3A_30 = vector.load %arg5[%swap3A_27, %swap3A_28, %swap3A_29] : memref<16x16x64xf32, #tpu.memory_space<vmem>>, vector<1x16x64xf32>
    %swap3A_31 = vector.shape_cast %swap3A_30 : vector<1x16x64xf32> to vector<16x64xf32>
    %swap3A_32 = vector.shape_cast %dot_general3A_26 : vector<16x64xf32> to vector<1x16x64xf32>
    tpu.vector_store %arg5[%swap3A_27, %swap3A_28, %swap3A_29], %swap3A_32 {strides = array<i32>} : memref<16x16x64xf32, #tpu.memory_space<vmem>>, vector<1x16x64xf32>,
    %get3A_33 = arith.constant 0 : index
    %get3A_34 = arith.constant 0 : index
    %get3A_35 = vector.load %arg3[%get3A_33, %get3A_34] : memref<256x16xf32, #tpu.memory_space<vmem>>, vector<256x16xf32>
    %slice3A_36 = vector.extract_strided_slice %mul3A {offsets = [128, 0], sizes = [64, 256], strides = [1, 1]} : vector<1024x256xf32> to vector<64x256xf32>
    %dot_general3A_37 = arith.constant dense<0.000000e+00> : vector<16x64xf32>
    %dot_general3A_38 = tpu.matmul %get3A_35, %slice3A_36, %dot_general3A_37 {dimension_numbers = #tpu.dot_dimension_numbers<[0], [1], [1], [0], [0, 1, 1, 0], [], []>, transpose_lhs_hint = false} : vector<256x16xf32>, vector<64x256xf32>, vector<16x64xf32> -> vector<16x64xf32>
    %swap3A_39 = arith.constant 2 : index
    %swap3A_40 = arith.constant 0 : index
    %swap3A_41 = arith.constant 0 : index
    %swap3A_42 = vector.load %arg5[%swap3A_39, %swap3A_40, %swap3A_41] : memref<16x16x64xf32, #tpu.memory_space<vmem>>, vector<1x16x64xf32>
    %swap3A_43 = vector.shape_cast %swap3A_42 : vector<1x16x64xf32> to vector<16x64xf32>
    %swap3A_44 = vector.shape_cast %dot_general3A_38 : vector<16x64xf32> to vector<1x16x64xf32>
    tpu.vector_store %arg5[%swap3A_39, %swap3A_40, %swap3A_41], %swap3A_44 {strides = array<i32>} : memref<16x16x64xf32, #tpu.memory_space<vmem>>, vector<1x16x64xf32>,
    %get3A_45 = arith.constant 0 : index
    %get3A_46 = arith.constant 0 : index
    %get3A_47 = vector.load %arg3[%get3A_45, %get3A_46] : memref<256x16xf32, #tpu.memory_space<vmem>>, vector<256x16xf32>
    %slice3A_48 = vector.extract_strided_slice %mul3A {offsets = [192, 0], sizes = [64, 256], strides = [1, 1]} : vector<1024x256xf32> to vector<64x256xf32>
    %dot_general3A_49 = arith.constant dense<0.000000e+00> : vector<16x64xf32>
    %dot_general3A_50 = tpu.matmul %get3A_47, %slice3A_48, %dot_general3A_49 {dimension_numbers = #tpu.dot_dimension_numbers<[0], [1], [1], [0], [0, 1, 1, 0], [], []>, transpose_lhs_hint = false} : vector<256x16xf32>, vector<64x256xf32>, vector<16x64xf32> -> vector<16x64xf32>
    %swap3A_51 = arith.constant 3 : index
    %swap3A_52 = arith.constant 0 : index
    %swap3A_53 = arith.constant 0 : index
    %swap3A_54 = vector.load %arg5[%swap3A_51, %swap3A_52, %swap3A_53] : memref<16x16x64xf32, #tpu.memory_space<vmem>>, vector<1x16x64xf32>
    %swap3A_55 = vector.shape_cast %swap3A_54 : vector<1x16x64xf32> to vector<16x64xf32>
    %swap3A_56 = vector.shape_cast %dot_general3A_50 : vector<16x64xf32> to vector<1x16x64xf32>
    tpu.vector_store %arg5[%swap3A_51, %swap3A_52, %swap3A_53], %swap3A_56 {strides = array<i32>} : memref<16x16x64xf32, #tpu.memory_space<vmem>>, vector<1x16x64xf32>,
    %get3A_57 = arith.constant 0 : index
    %get3A_58 = arith.constant 0 : index
    %get3A_59 = vector.load %arg3[%get3A_57, %get3A_58] : memref<256x16xf32, #tpu.memory_space<vmem>>, vector<256x16xf32>
    %slice3A_60 = vector.extract_strided_slice %mul3A {offsets = [256, 0], sizes = [64, 256], strides = [1, 1]} : vector<1024x256xf32> to vector<64x256xf32>
    %dot_general3A_61 = arith.constant dense<0.000000e+00> : vector<16x64xf32>
    %dot_general3A_62 = tpu.matmul %get3A_59, %slice3A_60, %dot_general3A_61 {dimension_numbers = #tpu.dot_dimension_numbers<[0], [1], [1], [0], [0, 1, 1, 0], [], []>, transpose_lhs_hint = false} : vector<256x16xf32>, vector<64x256xf32>, vector<16x64xf32> -> vector<16x64xf32>
    %swap3A_63 = arith.constant 4 : index
    %swap3A_64 = arith.constant 0 : index
    %swap3A_65 = arith.constant 0 : index
    %swap3A_66 = vector.load %arg5[%swap3A_63, %swap3A_64, %swap3A_65] : memref<16x16x64xf32, #tpu.memory_space<vmem>>, vector<1x16x64xf32>
    %swap3A_67 = vector.shape_cast %swap3A_66 : vector<1x16x64xf32> to vector<16x64xf32>
    %swap3A_68 = vector.shape_cast %dot_general3A_62 : vector<16x64xf32> to vector<1x16x64xf32>
    tpu.vector_store %arg5[%swap3A_63, %swap3A_64, %swap3A_65], %swap3A_68 {strides = array<i32>} : memref<16x16x64xf32, #tpu.memory_space<vmem>>, vector<1x16x64xf32>,
    %get3A_69 = arith.constant 0 : index
    %get3A_70 = arith.constant 0 : index
    %get3A_71 = vector.load %arg3[%get3A_69, %get3A_70] : memref<256x16xf32, #tpu.memory_space<vmem>>, vector<256x16xf32>
    %slice3A_72 = vector.extract_strided_slice %mul3A {offsets = [320, 0], sizes = [64, 256], strides = [1, 1]} : vector<1024x256xf32> to vector<64x256xf32>
    %dot_general3A_73 = arith.constant dense<0.000000e+00> : vector<16x64xf32>
    %dot_general3A_74 = tpu.matmul %get3A_71, %slice3A_72, %dot_general3A_73 {dimension_numbers = #tpu.dot_dimension_numbers<[0], [1], [1], [0], [0, 1, 1, 0], [], []>, transpose_lhs_hint = false} : vector<256x16xf32>, vector<64x256xf32>, vector<16x64xf32> -> vector<16x64xf32>
    %swap3A_75 = arith.constant 5 : index
    %swap3A_76 = arith.constant 0 : index
    %swap3A_77 = arith.constant 0 : index
    %swap3A_78 = vector.load %arg5[%swap3A_75, %swap3A_76, %swap3A_77] : memref<16x16x64xf32, #tpu.memory_space<vmem>>, vector<1x16x64xf32>
    %swap3A_79 = vector.shape_cast %swap3A_78 : vector<1x16x64xf32> to vector<16x64xf32>
    %swap3A_80 = vector.shape_cast %dot_general3A_74 : vector<16x64xf32> to vector<1x16x64xf32>
    tpu.vector_store %arg5[%swap3A_75, %swap3A_76, %swap3A_77], %swap3A_80 {strides = array<i32>} : memref<16x16x64xf32, #tpu.memory_space<vmem>>, vector<1x16x64xf32>,
    %get3A_81 = arith.constant 0 : index
    %get3A_82 = arith.constant 0 : index
    %get3A_83 = vector.load %arg3[%get3A_81, %get3A_82] : memref<256x16xf32, #tpu.memory_space<vmem>>, vector<256x16xf32>
    %slice3A_84 = vector.extract_strided_slice %mul3A {offsets = [384, 0], sizes = [64, 256], strides = [1, 1]} : vector<1024x256xf32> to vector<64x256xf32>
    %dot_general3A_85 = arith.constant dense<0.000000e+00> : vector<16x64xf32>
    %dot_general3A_86 = tpu.matmul %get3A_83, %slice3A_84, %dot_general3A_85 {dimension_numbers = #tpu.dot_dimension_numbers<[0], [1], [1], [0], [0, 1, 1, 0], [], []>, transpose_lhs_hint = false} : vector<256x16xf32>, vector<64x256xf32>, vector<16x64xf32> -> vector<16x64xf32>
    %swap3A_87 = arith.constant 6 : index
    %swap3A_88 = arith.constant 0 : index
    %swap3A_89 = arith.constant 0 : index
    %swap3A_90 = vector.load %arg5[%swap3A_87, %swap3A_88, %swap3A_89] : memref<16x16x64xf32, #tpu.memory_space<vmem>>, vector<1x16x64xf32>
    %swap3A_91 = vector.shape_cast %swap3A_90 : vector<1x16x64xf32> to vector<16x64xf32>
    %swap3A_92 = vector.shape_cast %dot_general3A_86 : vector<16x64xf32> to vector<1x16x64xf32>
    tpu.vector_store %arg5[%swap3A_87, %swap3A_88, %swap3A_89], %swap3A_92 {strides = array<i32>} : memref<16x16x64xf32, #tpu.memory_space<vmem>>, vector<1x16x64xf32>,
    %get3A_93 = arith.constant 0 : index
    %get3A_94 = arith.constant 0 : index
    %get3A_95 = vector.load %arg3[%get3A_93, %get3A_94] : memref<256x16xf32, #tpu.memory_space<vmem>>, vector<256x16xf32>
    %slice3A_96 = vector.extract_strided_slice %mul3A {offsets = [448, 0], sizes = [64, 256], strides = [1, 1]} : vector<1024x256xf32> to vector<64x256xf32>
    %dot_general3A_97 = arith.constant dense<0.000000e+00> : vector<16x64xf32>
    %dot_general3A_98 = tpu.matmul %get3A_95, %slice3A_96, %dot_general3A_97 {dimension_numbers = #tpu.dot_dimension_numbers<[0], [1], [1], [0], [0, 1, 1, 0], [], []>, transpose_lhs_hint = false} : vector<256x16xf32>, vector<64x256xf32>, vector<16x64xf32> -> vector<16x64xf32>
    %swap3A_99 = arith.constant 7 : index
    %swap3A_100 = arith.constant 0 : index
    %swap3A_101 = arith.constant 0 : index
    %swap3A_102 = vector.load %arg5[%swap3A_99, %swap3A_100, %swap3A_101] : memref<16x16x64xf32, #tpu.memory_space<vmem>>, vector<1x16x64xf32>
    %swap3A_103 = vector.shape_cast %swap3A_102 : vector<1x16x64xf32> to vector<16x64xf32>
    %swap3A_104 = vector.shape_cast %dot_general3A_98 : vector<16x64xf32> to vector<1x16x64xf32>
    tpu.vector_store %arg5[%swap3A_99, %swap3A_100, %swap3A_101], %swap3A_104 {strides = array<i32>} : memref<16x16x64xf32, #tpu.memory_space<vmem>>, vector<1x16x64xf32>,
    %get3A_105 = arith.constant 0 : index
    %get3A_106 = arith.constant 0 : index
    %get3A_107 = vector.load %arg3[%get3A_105, %get3A_106] : memref<256x16xf32, #tpu.memory_space<vmem>>, vector<256x16xf32>
    %slice3A_108 = vector.extract_strided_slice %mul3A {offsets = [512, 0], sizes = [64, 256], strides = [1, 1]} : vector<1024x256xf32> to vector<64x256xf32>
    %dot_general3A_109 = arith.constant dense<0.000000e+00> : vector<16x64xf32>
    %dot_general3A_110 = tpu.matmul %get3A_107, %slice3A_108, %dot_general3A_109 {dimension_numbers = #tpu.dot_dimension_numbers<[0], [1], [1], [0], [0, 1, 1, 0], [], []>, transpose_lhs_hint = false} : vector<256x16xf32>, vector<64x256xf32>, vector<16x64xf32> -> vector<16x64xf32>
    %swap3A_111 = arith.constant 8 : index
    %swap3A_112 = arith.constant 0 : index
    %swap3A_113 = arith.constant 0 : index
    %swap3A_114 = vector.load %arg5[%swap3A_111, %swap3A_112, %swap3A_113] : memref<16x16x64xf32, #tpu.memory_space<vmem>>, vector<1x16x64xf32>
    %swap3A_115 = vector.shape_cast %swap3A_114 : vector<1x16x64xf32> to vector<16x64xf32>
    %swap3A_116 = vector.shape_cast %dot_general3A_110 : vector<16x64xf32> to vector<1x16x64xf32>
    tpu.vector_store %arg5[%swap3A_111, %swap3A_112, %swap3A_113], %swap3A_116 {strides = array<i32>} : memref<16x16x64xf32, #tpu.memory_space<vmem>>, vector<1x16x64xf32>,
    %get3A_117 = arith.constant 0 : index
    %get3A_118 = arith.constant 0 : index
    %get3A_119 = vector.load %arg3[%get3A_117, %get3A_118] : memref<256x16xf32, #tpu.memory_space<vmem>>, vector<256x16xf32>
    %slice3A_120 = vector.extract_strided_slice %mul3A {offsets = [576, 0], sizes = [64, 256], strides = [1, 1]} : vector<1024x256xf32> to vector<64x256xf32>
    %dot_general3A_121 = arith.constant dense<0.000000e+00> : vector<16x64xf32>
    %dot_general3A_122 = tpu.matmul %get3A_119, %slice3A_120, %dot_general3A_121 {dimension_numbers = #tpu.dot_dimension_numbers<[0], [1], [1], [0], [0, 1, 1, 0], [], []>, transpose_lhs_hint = false} : vector<256x16xf32>, vector<64x256xf32>, vector<16x64xf32> -> vector<16x64xf32>
    %swap3A_123 = arith.constant 9 : index
    %swap3A_124 = arith.constant 0 : index
    %swap3A_125 = arith.constant 0 : index
    %swap3A_126 = vector.load %arg5[%swap3A_123, %swap3A_124, %swap3A_125] : memref<16x16x64xf32, #tpu.memory_space<vmem>>, vector<1x16x64xf32>
    %swap3A_127 = vector.shape_cast %swap3A_126 : vector<1x16x64xf32> to vector<16x64xf32>
    %swap3A_128 = vector.shape_cast %dot_general3A_122 : vector<16x64xf32> to vector<1x16x64xf32>
    tpu.vector_store %arg5[%swap3A_123, %swap3A_124, %swap3A_125], %swap3A_128 {strides = array<i32>} : memref<16x16x64xf32, #tpu.memory_space<vmem>>, vector<1x16x64xf32>,
    %get3A_129 = arith.constant 0 : index
    %get3A_130 = arith.constant 0 : index
    %get3A_131 = vector.load %arg3[%get3A_129, %get3A_130] : memref<256x16xf32, #tpu.memory_space<vmem>>, vector<256x16xf32>
    %slice3A_132 = vector.extract_strided_slice %mul3A {offsets = [640, 0], sizes = [64, 256], strides = [1, 1]} : vector<1024x256xf32> to vector<64x256xf32>
    %dot_general3A_133 = arith.constant dense<0.000000e+00> : vector<16x64xf32>
    %dot_general3A_134 = tpu.matmul %get3A_131, %slice3A_132, %dot_general3A_133 {dimension_numbers = #tpu.dot_dimension_numbers<[0], [1], [1], [0], [0, 1, 1, 0], [], []>, transpose_lhs_hint = false} : vector<256x16xf32>, vector<64x256xf32>, vector<16x64xf32> -> vector<16x64xf32>
    %swap3A_135 = arith.constant 10 : index
    %swap3A_136 = arith.constant 0 : index
    %swap3A_137 = arith.constant 0 : index
    %swap3A_138 = vector.load %arg5[%swap3A_135, %swap3A_136, %swap3A_137] : memref<16x16x64xf32, #tpu.memory_space<vmem>>, vector<1x16x64xf32>
    %swap3A_139 = vector.shape_cast %swap3A_138 : vector<1x16x64xf32> to vector<16x64xf32>
    %swap3A_140 = vector.shape_cast %dot_general3A_134 : vector<16x64xf32> to vector<1x16x64xf32>
    tpu.vector_store %arg5[%swap3A_135, %swap3A_136, %swap3A_137], %swap3A_140 {strides = array<i32>} : memref<16x16x64xf32, #tpu.memory_space<vmem>>, vector<1x16x64xf32>,
    %get3A_141 = arith.constant 0 : index
    %get3A_142 = arith.constant 0 : index
    %get3A_143 = vector.load %arg3[%get3A_141, %get3A_142] : memref<256x16xf32, #tpu.memory_space<vmem>>, vector<256x16xf32>
    %slice3A_144 = vector.extract_strided_slice %mul3A {offsets = [704, 0], sizes = [64, 256], strides = [1, 1]} : vector<1024x256xf32> to vector<64x256xf32>
    %dot_general3A_145 = arith.constant dense<0.000000e+00> : vector<16x64xf32>
    %dot_general3A_146 = tpu.matmul %get3A_143, %slice3A_144, %dot_general3A_145 {dimension_numbers = #tpu.dot_dimension_numbers<[0], [1], [1], [0], [0, 1, 1, 0], [], []>, transpose_lhs_hint = false} : vector<256x16xf32>, vector<64x256xf32>, vector<16x64xf32> -> vector<16x64xf32>
    %swap3A_147 = arith.constant 11 : index
    %swap3A_148 = arith.constant 0 : index
    %swap3A_149 = arith.constant 0 : index
    %swap3A_150 = vector.load %arg5[%swap3A_147, %swap3A_148, %swap3A_149] : memref<16x16x64xf32, #tpu.memory_space<vmem>>, vector<1x16x64xf32>
    %swap3A_151 = vector.shape_cast %swap3A_150 : vector<1x16x64xf32> to vector<16x64xf32>
    %swap3A_152 = vector.shape_cast %dot_general3A_146 : vector<16x64xf32> to vector<1x16x64xf32>
    tpu.vector_store %arg5[%swap3A_147, %swap3A_148, %swap3A_149], %swap3A_152 {strides = array<i32>} : memref<16x16x64xf32, #tpu.memory_space<vmem>>, vector<1x16x64xf32>,
    %get3A_153 = arith.constant 0 : index
    %get3A_154 = arith.constant 0 : index
    %get3A_155 = vector.load %arg3[%get3A_153, %get3A_154] : memref<256x16xf32, #tpu.memory_space<vmem>>, vector<256x16xf32>
    %slice3A_156 = vector.extract_strided_slice %mul3A {offsets = [768, 0], sizes = [64, 256], strides = [1, 1]} : vector<1024x256xf32> to vector<64x256xf32>
    %dot_general3A_157 = arith.constant dense<0.000000e+00> : vector<16x64xf32>
    %dot_general3A_158 = tpu.matmul %get3A_155, %slice3A_156, %dot_general3A_157 {dimension_numbers = #tpu.dot_dimension_numbers<[0], [1], [1], [0], [0, 1, 1, 0], [], []>, transpose_lhs_hint = false} : vector<256x16xf32>, vector<64x256xf32>, vector<16x64xf32> -> vector<16x64xf32>
    %swap3A_159 = arith.constant 12 : index
    %swap3A_160 = arith.constant 0 : index
    %swap3A_161 = arith.constant 0 : index
    %swap3A_162 = vector.load %arg5[%swap3A_159, %swap3A_160, %swap3A_161] : memref<16x16x64xf32, #tpu.memory_space<vmem>>, vector<1x16x64xf32>
    %swap3A_163 = vector.shape_cast %swap3A_162 : vector<1x16x64xf32> to vector<16x64xf32>
    %swap3A_164 = vector.shape_cast %dot_general3A_158 : vector<16x64xf32> to vector<1x16x64xf32>
    tpu.vector_store %arg5[%swap3A_159, %swap3A_160, %swap3A_161], %swap3A_164 {strides = array<i32>} : memref<16x16x64xf32, #tpu.memory_space<vmem>>, vector<1x16x64xf32>,
    %get3A_165 = arith.constant 0 : index
    %get3A_166 = arith.constant 0 : index
    %get3A_167 = vector.load %arg3[%get3A_165, %get3A_166] : memref<256x16xf32, #tpu.memory_space<vmem>>, vector<256x16xf32>
    %slice3A_168 = vector.extract_strided_slice %mul3A {offsets = [832, 0], sizes = [64, 256], strides = [1, 1]} : vector<1024x256xf32> to vector<64x256xf32>
    %dot_general3A_169 = arith.constant dense<0.000000e+00> : vector<16x64xf32>
    %dot_general3A_170 = tpu.matmul %get3A_167, %slice3A_168, %dot_general3A_169 {dimension_numbers = #tpu.dot_dimension_numbers<[0], [1], [1], [0], [0, 1, 1, 0], [], []>, transpose_lhs_hint = false} : vector<256x16xf32>, vector<64x256xf32>, vector<16x64xf32> -> vector<16x64xf32>
    %swap3A_171 = arith.constant 13 : index
    %swap3A_172 = arith.constant 0 : index
    %swap3A_173 = arith.constant 0 : index
    %swap3A_174 = vector.load %arg5[%swap3A_171, %swap3A_172, %swap3A_173] : memref<16x16x64xf32, #tpu.memory_space<vmem>>, vector<1x16x64xf32>
    %swap3A_175 = vector.shape_cast %swap3A_174 : vector<1x16x64xf32> to vector<16x64xf32>
    %swap3A_176 = vector.shape_cast %dot_general3A_170 : vector<16x64xf32> to vector<1x16x64xf32>
    tpu.vector_store %arg5[%swap3A_171, %swap3A_172, %swap3A_173], %swap3A_176 {strides = array<i32>} : memref<16x16x64xf32, #tpu.memory_space<vmem>>, vector<1x16x64xf32>,
    %get3A_177 = arith.constant 0 : index
    %get3A_178 = arith.constant 0 : index
    %get3A_179 = vector.load %arg3[%get3A_177, %get3A_178] : memref<256x16xf32, #tpu.memory_space<vmem>>, vector<256x16xf32>
    %slice3A_180 = vector.extract_strided_slice %mul3A {offsets = [896, 0], sizes = [64, 256], strides = [1, 1]} : vector<1024x256xf32> to vector<64x256xf32>
    %dot_general3A_181 = arith.constant dense<0.000000e+00> : vector<16x64xf32>
    %dot_general3A_182 = tpu.matmul %get3A_179, %slice3A_180, %dot_general3A_181 {dimension_numbers = #tpu.dot_dimension_numbers<[0], [1], [1], [0], [0, 1, 1, 0], [], []>, transpose_lhs_hint = false} : vector<256x16xf32>, vector<64x256xf32>, vector<16x64xf32> -> vector<16x64xf32>
    %swap3A_183 = arith.constant 14 : index
    %swap3A_184 = arith.constant 0 : index
    %swap3A_185 = arith.constant 0 : index
    %swap3A_186 = vector.load %arg5[%swap3A_183, %swap3A_184, %swap3A_185] : memref<16x16x64xf32, #tpu.memory_space<vmem>>, vector<1x16x64xf32>
    %swap3A_187 = vector.shape_cast %swap3A_186 : vector<1x16x64xf32> to vector<16x64xf32>
    %swap3A_188 = vector.shape_cast %dot_general3A_182 : vector<16x64xf32> to vector<1x16x64xf32>
    tpu.vector_store %arg5[%swap3A_183, %swap3A_184, %swap3A_185], %swap3A_188 {strides = array<i32>} : memref<16x16x64xf32, #tpu.memory_space<vmem>>, vector<1x16x64xf32>,
    %get3A_189 = arith.constant 0 : index
    %get3A_190 = arith.constant 0 : index
    %get3A_191 = vector.load %arg3[%get3A_189, %get3A_190] : memref<256x16xf32, #tpu.memory_space<vmem>>, vector<256x16xf32>
    %slice3A_192 = vector.extract_strided_slice %mul3A {offsets = [960, 0], sizes = [64, 256], strides = [1, 1]} : vector<1024x256xf32> to vector<64x256xf32>
    %dot_general3A_193 = arith.constant dense<0.000000e+00> : vector<16x64xf32>
    %dot_general3A_194 = tpu.matmul %get3A_191, %slice3A_192, %dot_general3A_193 {dimension_numbers = #tpu.dot_dimension_numbers<[0], [1], [1], [0], [0, 1, 1, 0], [], []>, transpose_lhs_hint = false} : vector<256x16xf32>, vector<64x256xf32>, vector<16x64xf32> -> vector<16x64xf32>
    %swap3A_195 = arith.constant 15 : index
    %swap3A_196 = arith.constant 0 : index
    %swap3A_197 = arith.constant 0 : index
    %swap3A_198 = vector.load %arg5[%swap3A_195, %swap3A_196, %swap3A_197] : memref<16x16x64xf32, #tpu.memory_space<vmem>>, vector<1x16x64xf32>
    %swap3A_199 = vector.shape_cast %swap3A_198 : vector<1x16x64xf32> to vector<16x64xf32>
    %swap3A_200 = vector.shape_cast %dot_general3A_194 : vector<16x64xf32> to vector<1x16x64xf32>
    tpu.vector_store %arg5[%swap3A_195, %swap3A_196, %swap3A_197], %swap3A_200 {strides = array<i32>} : memref<16x16x64xf32, #tpu.memory_space<vmem>>, vector<1x16x64xf32>,
    return
  }
  func.func @transform_0(%arg0: i32) -> (i32, i32) {
    %c0_i32 = arith.constant 0 : i32
    %c0_i32_0 = arith.constant 0 : i32
    return %arg0, %c0_i32 : i32, i32
  }
  func.func @transform_1(%arg0: i32) -> (i32, i32) {
    %c0_i32 = arith.constant 0 : i32
    %c0_i32_0 = arith.constant 0 : i32
    %c0_i32_1 = arith.constant 0 : i32
    return %c0_i32, %c0_i32_0 : i32, i32
  }
  func.func @transform_2(%arg0: i32) -> (i32, i32) {
    %c0_i32 = arith.constant 0 : i32
    %c0_i32_0 = arith.constant 0 : i32
    %c0_i32_1 = arith.constant 0 : i32
    return %c0_i32, %c0_i32_0 : i32, i32
  }
  func.func @transform_3(%arg0: i32) -> (i32, i32) {
    %c0_i32 = arith.constant 0 : i32
    %c0_i32_0 = arith.constant 0 : i32
    return %arg0, %c0_i32 : i32, i32
  }
  func.func @transform_4(%arg0: i32) -> (i32, i32, i32) {
    %c0_i32 = arith.constant 0 : i32
    %c0_i32_0 = arith.constant 0 : i32
    %c0_i32_1 = arith.constant 0 : i32
    return %arg0, %c0_i32, %c0_i32_0 : i32, i32, i32
  }
}

module attributes {stable_mosaic.version = 14 : i64} {
  func.func @_out_kernel(%arg0: i32, %arg1: memref<1024x1024xf32, #tpu.memory_space<vmem>>, %arg2: memref<1024x1024xf32, #tpu.memory_space<vmem>>, %arg3: memref<256x1024xf32, #tpu.memory_space<vmem>>, %arg4: memref<1x1024xf32, #tpu.memory_space<vmem>>, %arg5: memref<1024x256xbf16, #tpu.memory_space<vmem>>, %arg6: memref<16x16x64xf32, #tpu.memory_space<vmem>>, %arg7: memref<16x256xf32, #tpu.memory_space<vmem>>, %arg8: memref<256x16xbf16, #tpu.memory_space<vmem>>, %arg9: memref<16x256xbf16, #tpu.memory_space<vmem>>, %arg10: memref<1024x1024xf32, #tpu.memory_space<vmem>>) attributes {dimension_semantics = [#tpu.dimension_semantics<arbitrary>], iteration_bounds = array<i64: 2>, scalar_prefetch = 0 : i64, scratch_operands = 0 : i64, tpu.core_type = #tpu.core_type<tc>, window_params = [{transform_indices = @transform_0, window_bounds = array<i64: 1024, 1024>}, {pipeline_mode = #tpu.pipeline_mode<synchronous>, transform_indices = @transform_1, window_bounds = array<i64: 1024, 1024>}, {pipeline_mode = #tpu.pipeline_mode<synchronous>, transform_indices = @transform_2, window_bounds = array<i64: 256, 1024>}, {pipeline_mode = #tpu.pipeline_mode<synchronous>, transform_indices = @transform_3, window_bounds = array<i64: 1, 1024>}, {transform_indices = @transform_4, window_bounds = array<i64: 1024, 256>}, {transform_indices = @transform_5, window_bounds = array<i64: 16, 16, 64>}, {pipeline_mode = #tpu.pipeline_mode<synchronous>, transform_indices = @transform_6, window_bounds = array<i64: 16, 256>}, {pipeline_mode = #tpu.pipeline_mode<synchronous>, transform_indices = @transform_7, window_bounds = array<i64: 256, 16>}, {pipeline_mode = #tpu.pipeline_mode<synchronous>, transform_indices = @transform_8, window_bounds = array<i64: 16, 256>}, {transform_indices = @transform_9, window_bounds = array<i64: 1024, 1024>}]} {
    %get3A = arith.constant 0 : index
    %get3A_0 = arith.constant 0 : index
    %get3A_1 = vector.load %arg1[%get3A, %get3A_0] : memref<1024x1024xf32, #tpu.memory_space<vmem>>, vector<1024x1024xf32>
    %convert_element_type3A = arith.truncf %get3A_1 : vector<1024x1024xf32> to vector<1024x1024xbf16>
    %get3A_2 = arith.constant 0 : index
    %get3A_3 = arith.constant 0 : index
    %get3A_4 = vector.load %arg5[%get3A_2, %get3A_3] : memref<1024x256xbf16, #tpu.memory_space<vmem>>, vector<1024x256xbf16>
    %get3A_5 = arith.constant 0 : index
    %get3A_6 = arith.constant 0 : index
    %get3A_7 = arith.constant 0 : index
    %get3A_8 = vector.load %arg6[%get3A_5, %get3A_6, %get3A_7] : memref<16x16x64xf32, #tpu.memory_space<vmem>>, vector<1x16x64xf32>
    %get3A_9 = vector.shape_cast %get3A_8 : vector<1x16x64xf32> to vector<16x64xf32>
    %get3A_10 = arith.constant 0 : index
    %get3A_11 = arith.constant 0 : index
    %get3A_12 = vector.load %arg7[%get3A_10, %get3A_11] : memref<16x256xf32, #tpu.memory_space<vmem>>, vector<16x256xf32>
    %dot_general3A = arith.constant dense<0.000000e+00> : vector<64x256xf32>
    %dot_general3A_13 = tpu.matmul %get3A_9, %get3A_12, %dot_general3A {dimension_numbers = #tpu.dot_dimension_numbers<[0], [0], [1], [1], [0, 1, 1, 1], [], []>, transpose_lhs_hint = false} : vector<16x64xf32>, vector<16x256xf32>, vector<64x256xf32> -> vector<64x256xf32>
    %get3A_14 = arith.constant 1 : index
    %get3A_15 = arith.constant 0 : index
    %get3A_16 = arith.constant 0 : index
    %get3A_17 = vector.load %arg6[%get3A_14, %get3A_15, %get3A_16] : memref<16x16x64xf32, #tpu.memory_space<vmem>>, vector<1x16x64xf32>
    %get3A_18 = vector.shape_cast %get3A_17 : vector<1x16x64xf32> to vector<16x64xf32>
    %get3A_19 = arith.constant 0 : index
    %get3A_20 = arith.constant 0 : index
    %get3A_21 = vector.load %arg7[%get3A_19, %get3A_20] : memref<16x256xf32, #tpu.memory_space<vmem>>, vector<16x256xf32>
    %dot_general3A_22 = arith.constant dense<0.000000e+00> : vector<64x256xf32>
    %dot_general3A_23 = tpu.matmul %get3A_18, %get3A_21, %dot_general3A_22 {dimension_numbers = #tpu.dot_dimension_numbers<[0], [0], [1], [1], [0, 1, 1, 1], [], []>, transpose_lhs_hint = false} : vector<16x64xf32>, vector<16x256xf32>, vector<64x256xf32> -> vector<64x256xf32>
    %get3A_24 = arith.constant 2 : index
    %get3A_25 = arith.constant 0 : index
    %get3A_26 = arith.constant 0 : index
    %get3A_27 = vector.load %arg6[%get3A_24, %get3A_25, %get3A_26] : memref<16x16x64xf32, #tpu.memory_space<vmem>>, vector<1x16x64xf32>
    %get3A_28 = vector.shape_cast %get3A_27 : vector<1x16x64xf32> to vector<16x64xf32>
    %get3A_29 = arith.constant 0 : index
    %get3A_30 = arith.constant 0 : index
    %get3A_31 = vector.load %arg7[%get3A_29, %get3A_30] : memref<16x256xf32, #tpu.memory_space<vmem>>, vector<16x256xf32>
    %dot_general3A_32 = arith.constant dense<0.000000e+00> : vector<64x256xf32>
    %dot_general3A_33 = tpu.matmul %get3A_28, %get3A_31, %dot_general3A_32 {dimension_numbers = #tpu.dot_dimension_numbers<[0], [0], [1], [1], [0, 1, 1, 1], [], []>, transpose_lhs_hint = false} : vector<16x64xf32>, vector<16x256xf32>, vector<64x256xf32> -> vector<64x256xf32>
    %get3A_34 = arith.constant 3 : index
    %get3A_35 = arith.constant 0 : index
    %get3A_36 = arith.constant 0 : index
    %get3A_37 = vector.load %arg6[%get3A_34, %get3A_35, %get3A_36] : memref<16x16x64xf32, #tpu.memory_space<vmem>>, vector<1x16x64xf32>
    %get3A_38 = vector.shape_cast %get3A_37 : vector<1x16x64xf32> to vector<16x64xf32>
    %get3A_39 = arith.constant 0 : index
    %get3A_40 = arith.constant 0 : index
    %get3A_41 = vector.load %arg7[%get3A_39, %get3A_40] : memref<16x256xf32, #tpu.memory_space<vmem>>, vector<16x256xf32>
    %dot_general3A_42 = arith.constant dense<0.000000e+00> : vector<64x256xf32>
    %dot_general3A_43 = tpu.matmul %get3A_38, %get3A_41, %dot_general3A_42 {dimension_numbers = #tpu.dot_dimension_numbers<[0], [0], [1], [1], [0, 1, 1, 1], [], []>, transpose_lhs_hint = false} : vector<16x64xf32>, vector<16x256xf32>, vector<64x256xf32> -> vector<64x256xf32>
    %get3A_44 = arith.constant 4 : index
    %get3A_45 = arith.constant 0 : index
    %get3A_46 = arith.constant 0 : index
    %get3A_47 = vector.load %arg6[%get3A_44, %get3A_45, %get3A_46] : memref<16x16x64xf32, #tpu.memory_space<vmem>>, vector<1x16x64xf32>
    %get3A_48 = vector.shape_cast %get3A_47 : vector<1x16x64xf32> to vector<16x64xf32>
    %get3A_49 = arith.constant 0 : index
    %get3A_50 = arith.constant 0 : index
    %get3A_51 = vector.load %arg7[%get3A_49, %get3A_50] : memref<16x256xf32, #tpu.memory_space<vmem>>, vector<16x256xf32>
    %dot_general3A_52 = arith.constant dense<0.000000e+00> : vector<64x256xf32>
    %dot_general3A_53 = tpu.matmul %get3A_48, %get3A_51, %dot_general3A_52 {dimension_numbers = #tpu.dot_dimension_numbers<[0], [0], [1], [1], [0, 1, 1, 1], [], []>, transpose_lhs_hint = false} : vector<16x64xf32>, vector<16x256xf32>, vector<64x256xf32> -> vector<64x256xf32>
    %get3A_54 = arith.constant 5 : index
    %get3A_55 = arith.constant 0 : index
    %get3A_56 = arith.constant 0 : index
    %get3A_57 = vector.load %arg6[%get3A_54, %get3A_55, %get3A_56] : memref<16x16x64xf32, #tpu.memory_space<vmem>>, vector<1x16x64xf32>
    %get3A_58 = vector.shape_cast %get3A_57 : vector<1x16x64xf32> to vector<16x64xf32>
    %get3A_59 = arith.constant 0 : index
    %get3A_60 = arith.constant 0 : index
    %get3A_61 = vector.load %arg7[%get3A_59, %get3A_60] : memref<16x256xf32, #tpu.memory_space<vmem>>, vector<16x256xf32>
    %dot_general3A_62 = arith.constant dense<0.000000e+00> : vector<64x256xf32>
    %dot_general3A_63 = tpu.matmul %get3A_58, %get3A_61, %dot_general3A_62 {dimension_numbers = #tpu.dot_dimension_numbers<[0], [0], [1], [1], [0, 1, 1, 1], [], []>, transpose_lhs_hint = false} : vector<16x64xf32>, vector<16x256xf32>, vector<64x256xf32> -> vector<64x256xf32>
    %get3A_64 = arith.constant 6 : index
    %get3A_65 = arith.constant 0 : index
    %get3A_66 = arith.constant 0 : index
    %get3A_67 = vector.load %arg6[%get3A_64, %get3A_65, %get3A_66] : memref<16x16x64xf32, #tpu.memory_space<vmem>>, vector<1x16x64xf32>
    %get3A_68 = vector.shape_cast %get3A_67 : vector<1x16x64xf32> to vector<16x64xf32>
    %get3A_69 = arith.constant 0 : index
    %get3A_70 = arith.constant 0 : index
    %get3A_71 = vector.load %arg7[%get3A_69, %get3A_70] : memref<16x256xf32, #tpu.memory_space<vmem>>, vector<16x256xf32>
    %dot_general3A_72 = arith.constant dense<0.000000e+00> : vector<64x256xf32>
    %dot_general3A_73 = tpu.matmul %get3A_68, %get3A_71, %dot_general3A_72 {dimension_numbers = #tpu.dot_dimension_numbers<[0], [0], [1], [1], [0, 1, 1, 1], [], []>, transpose_lhs_hint = false} : vector<16x64xf32>, vector<16x256xf32>, vector<64x256xf32> -> vector<64x256xf32>
    %get3A_74 = arith.constant 7 : index
    %get3A_75 = arith.constant 0 : index
    %get3A_76 = arith.constant 0 : index
    %get3A_77 = vector.load %arg6[%get3A_74, %get3A_75, %get3A_76] : memref<16x16x64xf32, #tpu.memory_space<vmem>>, vector<1x16x64xf32>
    %get3A_78 = vector.shape_cast %get3A_77 : vector<1x16x64xf32> to vector<16x64xf32>
    %get3A_79 = arith.constant 0 : index
    %get3A_80 = arith.constant 0 : index
    %get3A_81 = vector.load %arg7[%get3A_79, %get3A_80] : memref<16x256xf32, #tpu.memory_space<vmem>>, vector<16x256xf32>
    %dot_general3A_82 = arith.constant dense<0.000000e+00> : vector<64x256xf32>
    %dot_general3A_83 = tpu.matmul %get3A_78, %get3A_81, %dot_general3A_82 {dimension_numbers = #tpu.dot_dimension_numbers<[0], [0], [1], [1], [0, 1, 1, 1], [], []>, transpose_lhs_hint = false} : vector<16x64xf32>, vector<16x256xf32>, vector<64x256xf32> -> vector<64x256xf32>
    %get3A_84 = arith.constant 8 : index
    %get3A_85 = arith.constant 0 : index
    %get3A_86 = arith.constant 0 : index
    %get3A_87 = vector.load %arg6[%get3A_84, %get3A_85, %get3A_86] : memref<16x16x64xf32, #tpu.memory_space<vmem>>, vector<1x16x64xf32>
    %get3A_88 = vector.shape_cast %get3A_87 : vector<1x16x64xf32> to vector<16x64xf32>
    %get3A_89 = arith.constant 0 : index
    %get3A_90 = arith.constant 0 : index
    %get3A_91 = vector.load %arg7[%get3A_89, %get3A_90] : memref<16x256xf32, #tpu.memory_space<vmem>>, vector<16x256xf32>
    %dot_general3A_92 = arith.constant dense<0.000000e+00> : vector<64x256xf32>
    %dot_general3A_93 = tpu.matmul %get3A_88, %get3A_91, %dot_general3A_92 {dimension_numbers = #tpu.dot_dimension_numbers<[0], [0], [1], [1], [0, 1, 1, 1], [], []>, transpose_lhs_hint = false} : vector<16x64xf32>, vector<16x256xf32>, vector<64x256xf32> -> vector<64x256xf32>
    %get3A_94 = arith.constant 9 : index
    %get3A_95 = arith.constant 0 : index
    %get3A_96 = arith.constant 0 : index
    %get3A_97 = vector.load %arg6[%get3A_94, %get3A_95, %get3A_96] : memref<16x16x64xf32, #tpu.memory_space<vmem>>, vector<1x16x64xf32>
    %get3A_98 = vector.shape_cast %get3A_97 : vector<1x16x64xf32> to vector<16x64xf32>
    %get3A_99 = arith.constant 0 : index
    %get3A_100 = arith.constant 0 : index
    %get3A_101 = vector.load %arg7[%get3A_99, %get3A_100] : memref<16x256xf32, #tpu.memory_space<vmem>>, vector<16x256xf32>
    %dot_general3A_102 = arith.constant dense<0.000000e+00> : vector<64x256xf32>
    %dot_general3A_103 = tpu.matmul %get3A_98, %get3A_101, %dot_general3A_102 {dimension_numbers = #tpu.dot_dimension_numbers<[0], [0], [1], [1], [0, 1, 1, 1], [], []>, transpose_lhs_hint = false} : vector<16x64xf32>, vector<16x256xf32>, vector<64x256xf32> -> vector<64x256xf32>
    %get3A_104 = arith.constant 10 : index
    %get3A_105 = arith.constant 0 : index
    %get3A_106 = arith.constant 0 : index
    %get3A_107 = vector.load %arg6[%get3A_104, %get3A_105, %get3A_106] : memref<16x16x64xf32, #tpu.memory_space<vmem>>, vector<1x16x64xf32>
    %get3A_108 = vector.shape_cast %get3A_107 : vector<1x16x64xf32> to vector<16x64xf32>
    %get3A_109 = arith.constant 0 : index
    %get3A_110 = arith.constant 0 : index
    %get3A_111 = vector.load %arg7[%get3A_109, %get3A_110] : memref<16x256xf32, #tpu.memory_space<vmem>>, vector<16x256xf32>
    %dot_general3A_112 = arith.constant dense<0.000000e+00> : vector<64x256xf32>
    %dot_general3A_113 = tpu.matmul %get3A_108, %get3A_111, %dot_general3A_112 {dimension_numbers = #tpu.dot_dimension_numbers<[0], [0], [1], [1], [0, 1, 1, 1], [], []>, transpose_lhs_hint = false} : vector<16x64xf32>, vector<16x256xf32>, vector<64x256xf32> -> vector<64x256xf32>
    %get3A_114 = arith.constant 11 : index
    %get3A_115 = arith.constant 0 : index
    %get3A_116 = arith.constant 0 : index
    %get3A_117 = vector.load %arg6[%get3A_114, %get3A_115, %get3A_116] : memref<16x16x64xf32, #tpu.memory_space<vmem>>, vector<1x16x64xf32>
    %get3A_118 = vector.shape_cast %get3A_117 : vector<1x16x64xf32> to vector<16x64xf32>
    %get3A_119 = arith.constant 0 : index
    %get3A_120 = arith.constant 0 : index
    %get3A_121 = vector.load %arg7[%get3A_119, %get3A_120] : memref<16x256xf32, #tpu.memory_space<vmem>>, vector<16x256xf32>
    %dot_general3A_122 = arith.constant dense<0.000000e+00> : vector<64x256xf32>
    %dot_general3A_123 = tpu.matmul %get3A_118, %get3A_121, %dot_general3A_122 {dimension_numbers = #tpu.dot_dimension_numbers<[0], [0], [1], [1], [0, 1, 1, 1], [], []>, transpose_lhs_hint = false} : vector<16x64xf32>, vector<16x256xf32>, vector<64x256xf32> -> vector<64x256xf32>
    %get3A_124 = arith.constant 12 : index
    %get3A_125 = arith.constant 0 : index
    %get3A_126 = arith.constant 0 : index
    %get3A_127 = vector.load %arg6[%get3A_124, %get3A_125, %get3A_126] : memref<16x16x64xf32, #tpu.memory_space<vmem>>, vector<1x16x64xf32>
    %get3A_128 = vector.shape_cast %get3A_127 : vector<1x16x64xf32> to vector<16x64xf32>
    %get3A_129 = arith.constant 0 : index
    %get3A_130 = arith.constant 0 : index
    %get3A_131 = vector.load %arg7[%get3A_129, %get3A_130] : memref<16x256xf32, #tpu.memory_space<vmem>>, vector<16x256xf32>
    %dot_general3A_132 = arith.constant dense<0.000000e+00> : vector<64x256xf32>
    %dot_general3A_133 = tpu.matmul %get3A_128, %get3A_131, %dot_general3A_132 {dimension_numbers = #tpu.dot_dimension_numbers<[0], [0], [1], [1], [0, 1, 1, 1], [], []>, transpose_lhs_hint = false} : vector<16x64xf32>, vector<16x256xf32>, vector<64x256xf32> -> vector<64x256xf32>
    %get3A_134 = arith.constant 13 : index
    %get3A_135 = arith.constant 0 : index
    %get3A_136 = arith.constant 0 : index
    %get3A_137 = vector.load %arg6[%get3A_134, %get3A_135, %get3A_136] : memref<16x16x64xf32, #tpu.memory_space<vmem>>, vector<1x16x64xf32>
    %get3A_138 = vector.shape_cast %get3A_137 : vector<1x16x64xf32> to vector<16x64xf32>
    %get3A_139 = arith.constant 0 : index
    %get3A_140 = arith.constant 0 : index
    %get3A_141 = vector.load %arg7[%get3A_139, %get3A_140] : memref<16x256xf32, #tpu.memory_space<vmem>>, vector<16x256xf32>
    %dot_general3A_142 = arith.constant dense<0.000000e+00> : vector<64x256xf32>
    %dot_general3A_143 = tpu.matmul %get3A_138, %get3A_141, %dot_general3A_142 {dimension_numbers = #tpu.dot_dimension_numbers<[0], [0], [1], [1], [0, 1, 1, 1], [], []>, transpose_lhs_hint = false} : vector<16x64xf32>, vector<16x256xf32>, vector<64x256xf32> -> vector<64x256xf32>
    %get3A_144 = arith.constant 14 : index
    %get3A_145 = arith.constant 0 : index
    %get3A_146 = arith.constant 0 : index
    %get3A_147 = vector.load %arg6[%get3A_144, %get3A_145, %get3A_146] : memref<16x16x64xf32, #tpu.memory_space<vmem>>, vector<1x16x64xf32>
    %get3A_148 = vector.shape_cast %get3A_147 : vector<1x16x64xf32> to vector<16x64xf32>
    %get3A_149 = arith.constant 0 : index
    %get3A_150 = arith.constant 0 : index
    %get3A_151 = vector.load %arg7[%get3A_149, %get3A_150] : memref<16x256xf32, #tpu.memory_space<vmem>>, vector<16x256xf32>
    %dot_general3A_152 = arith.constant dense<0.000000e+00> : vector<64x256xf32>
    %dot_general3A_153 = tpu.matmul %get3A_148, %get3A_151, %dot_general3A_152 {dimension_numbers = #tpu.dot_dimension_numbers<[0], [0], [1], [1], [0, 1, 1, 1], [], []>, transpose_lhs_hint = false} : vector<16x64xf32>, vector<16x256xf32>, vector<64x256xf32> -> vector<64x256xf32>
    %get3A_154 = arith.constant 15 : index
    %get3A_155 = arith.constant 0 : index
    %get3A_156 = arith.constant 0 : index
    %get3A_157 = vector.load %arg6[%get3A_154, %get3A_155, %get3A_156] : memref<16x16x64xf32, #tpu.memory_space<vmem>>, vector<1x16x64xf32>
    %get3A_158 = vector.shape_cast %get3A_157 : vector<1x16x64xf32> to vector<16x64xf32>
    %get3A_159 = arith.constant 0 : index
    %get3A_160 = arith.constant 0 : index
    %get3A_161 = vector.load %arg7[%get3A_159, %get3A_160] : memref<16x256xf32, #tpu.memory_space<vmem>>, vector<16x256xf32>
    %dot_general3A_162 = arith.constant dense<0.000000e+00> : vector<64x256xf32>
    %dot_general3A_163 = tpu.matmul %get3A_158, %get3A_161, %dot_general3A_162 {dimension_numbers = #tpu.dot_dimension_numbers<[0], [0], [1], [1], [0, 1, 1, 1], [], []>, transpose_lhs_hint = false} : vector<16x64xf32>, vector<16x256xf32>, vector<64x256xf32> -> vector<64x256xf32>
    %concatenate3A = tpu.concatenate %dot_general3A_13, %dot_general3A_23, %dot_general3A_33, %dot_general3A_43, %dot_general3A_53, %dot_general3A_63, %dot_general3A_73, %dot_general3A_83, %dot_general3A_93, %dot_general3A_103, %dot_general3A_113, %dot_general3A_123, %dot_general3A_133, %dot_general3A_143, %dot_general3A_153, %dot_general3A_163 in 0 : vector<64x256xf32>, vector<64x256xf32>, vector<64x256xf32>, vector<64x256xf32>, vector<64x256xf32>, vector<64x256xf32>, vector<64x256xf32>, vector<64x256xf32>, vector<64x256xf32>, vector<64x256xf32>, vector<64x256xf32>, vector<64x256xf32>, vector<64x256xf32>, vector<64x256xf32>, vector<64x256xf32>, vector<64x256xf32> -> vector<1024x256xf32>
    %convert_element_type3A_164 = arith.truncf %concatenate3A : vector<1024x256xf32> to vector<1024x256xbf16>
    %mul3A = arith.mulf %convert_element_type3A_164, %get3A_4 : vector<1024x256xbf16>
    %get3A_165 = arith.constant 0 : index
    %get3A_166 = arith.constant 0 : index
    %get3A_167 = vector.load %arg8[%get3A_165, %get3A_166] : memref<256x16xbf16, #tpu.memory_space<vmem>>, vector<256x16xbf16>
    %dot_general3A_168 = arith.constant dense<0.000000e+00> : vector<1024x16xf32>
    %dot_general3A_169 = tpu.matmul %mul3A, %get3A_167, %dot_general3A_168 {dimension_numbers = #tpu.dot_dimension_numbers<[1], [0], [0], [1], [0, 0, 1, 1], [], []>, transpose_lhs_hint = false} : vector<1024x256xbf16>, vector<256x16xbf16>, vector<1024x16xf32> -> vector<1024x16xf32>
    %convert_element_type3A_170 = arith.truncf %dot_general3A_169 : vector<1024x16xf32> to vector<1024x16xbf16>
    %get3A_171 = arith.constant 0 : index
    %get3A_172 = arith.constant 0 : index
    %get3A_173 = vector.load %arg9[%get3A_171, %get3A_172] : memref<16x256xbf16, #tpu.memory_space<vmem>>, vector<16x256xbf16>
    %dot_general3A_174 = arith.constant dense<0.000000e+00> : vector<1024x256xf32>
    %dot_general3A_175 = tpu.matmul %convert_element_type3A_170, %get3A_173, %dot_general3A_174 {dimension_numbers = #tpu.dot_dimension_numbers<[1], [0], [0], [1], [0, 0, 1, 1], [], []>, transpose_lhs_hint = false} : vector<1024x16xbf16>, vector<16x256xbf16>, vector<1024x256xf32> -> vector<1024x256xf32>
    %convert_element_type3A_176 = arith.truncf %dot_general3A_175 : vector<1024x256xf32> to vector<1024x256xbf16>
    %mul3A_177 = arith.mulf %convert_element_type3A_164, %convert_element_type3A_176 : vector<1024x256xbf16>
    %get3A_178 = arith.constant 0 : index
    %get3A_179 = arith.constant 0 : index
    %get3A_180 = vector.load %arg2[%get3A_178, %get3A_179] : memref<1024x1024xf32, #tpu.memory_space<vmem>>, vector<1024x1024xf32>
    %convert_element_type3A_181 = arith.truncf %get3A_180 : vector<1024x1024xf32> to vector<1024x1024xbf16>
    %dot_general3A_182 = arith.constant dense<0.000000e+00> : vector<1024x1024xf32>
    %dot_general3A_183 = tpu.matmul %convert_element_type3A, %convert_element_type3A_181, %dot_general3A_182 {dimension_numbers = #tpu.dot_dimension_numbers<[1], [1], [0], [0], [0, 0, 1, 0], [], []>, transpose_lhs_hint = false} : vector<1024x1024xbf16>, vector<1024x1024xbf16>, vector<1024x1024xf32> -> vector<1024x1024xf32>
    %get3A_184 = arith.constant 0 : index
    %get3A_185 = arith.constant 0 : index
    %get3A_186 = vector.load %arg3[%get3A_184, %get3A_185] : memref<256x1024xf32, #tpu.memory_space<vmem>>, vector<256x1024xf32>
    %convert_element_type3A_187 = arith.truncf %get3A_186 : vector<256x1024xf32> to vector<256x1024xbf16>
    %dot_general3A_188 = arith.constant dense<0.000000e+00> : vector<1024x1024xf32>
    %dot_general3A_189 = tpu.matmul %mul3A_177, %convert_element_type3A_187, %dot_general3A_188 {dimension_numbers = #tpu.dot_dimension_numbers<[1], [0], [0], [1], [0, 0, 1, 1], [], []>, transpose_lhs_hint = false} : vector<1024x256xbf16>, vector<256x1024xbf16>, vector<1024x1024xf32> -> vector<1024x1024xf32>
    %add3A = arith.addf %dot_general3A_183, %dot_general3A_189 : vector<1024x1024xf32>
    %get3A_190 = arith.constant 0 : index
    %get3A_191 = arith.constant 0 : index
    %get3A_192 = vector.load %arg4[%get3A_190, %get3A_191] : memref<1x1024xf32, #tpu.memory_space<vmem>>, vector<1x1024xf32>
    %add3A_193 = vector.broadcast %get3A_192 : vector<1x1024xf32> to vector<1024x1024xf32>
    %add3A_194 = arith.addf %add3A, %add3A_193 : vector<1024x1024xf32>
    %swap3A = arith.constant 0 : index
    %swap3A_195 = arith.constant 0 : index
    %swap3A_196 = vector.load %arg10[%swap3A, %swap3A_195] : memref<1024x1024xf32, #tpu.memory_space<vmem>>, vector<1024x1024xf32>
    tpu.vector_store %arg10[%swap3A, %swap3A_195], %add3A_194 {strides = array<i32>} : memref<1024x1024xf32, #tpu.memory_space<vmem>>, vector<1024x1024xf32>,
    return
  }
  func.func @transform_0(%arg0: i32) -> (i32, i32) {
    %c0_i32 = arith.constant 0 : i32
    %c0_i32_0 = arith.constant 0 : i32
    return %arg0, %c0_i32 : i32, i32
  }
  func.func @transform_1(%arg0: i32) -> (i32, i32) {
    %c0_i32 = arith.constant 0 : i32
    %c0_i32_0 = arith.constant 0 : i32
    %c0_i32_1 = arith.constant 0 : i32
    return %c0_i32, %c0_i32_0 : i32, i32
  }
  func.func @transform_2(%arg0: i32) -> (i32, i32) {
    %c0_i32 = arith.constant 0 : i32
    %c0_i32_0 = arith.constant 0 : i32
    %c0_i32_1 = arith.constant 0 : i32
    return %c0_i32, %c0_i32_0 : i32, i32
  }
  func.func @transform_3(%arg0: i32) -> (i32, i32) {
    %c0_i32 = arith.constant 0 : i32
    %c0_i32_0 = arith.constant 0 : i32
    %c0_i32_1 = arith.constant 0 : i32
    return %c0_i32, %c0_i32_0 : i32, i32
  }
  func.func @transform_4(%arg0: i32) -> (i32, i32) {
    %c0_i32 = arith.constant 0 : i32
    %c0_i32_0 = arith.constant 0 : i32
    return %arg0, %c0_i32 : i32, i32
  }
  func.func @transform_5(%arg0: i32) -> (i32, i32, i32) {
    %c0_i32 = arith.constant 0 : i32
    %c0_i32_0 = arith.constant 0 : i32
    %c0_i32_1 = arith.constant 0 : i32
    return %arg0, %c0_i32, %c0_i32_0 : i32, i32, i32
  }
  func.func @transform_6(%arg0: i32) -> (i32, i32) {
    %c0_i32 = arith.constant 0 : i32
    %c0_i32_0 = arith.constant 0 : i32
    %c0_i32_1 = arith.constant 0 : i32
    return %c0_i32, %c0_i32_0 : i32, i32
  }
  func.func @transform_7(%arg0: i32) -> (i32, i32) {
    %c0_i32 = arith.constant 0 : i32
    %c0_i32_0 = arith.constant 0 : i32
    %c0_i32_1 = arith.constant 0 : i32
    return %c0_i32, %c0_i32_0 : i32, i32
  }
  func.func @transform_8(%arg0: i32) -> (i32, i32) {
    %c0_i32 = arith.constant 0 : i32
    %c0_i32_0 = arith.constant 0 : i32
    %c0_i32_1 = arith.constant 0 : i32
    return %c0_i32, %c0_i32_0 : i32, i32
  }
  func.func @transform_9(%arg0: i32) -> (i32, i32) {
    %c0_i32 = arith.constant 0 : i32
    %c0_i32_0 = arith.constant 0 : i32
    return %arg0, %c0_i32 : i32, i32
  }
}

</mosaic_0001>

<sc_bundles>
// kernel: kernel.5.cloned.1.call-start
scs
__scs_entry_jumppad:
0x0: {  	(pc) =	sbr.rel $0x88, $3  }
0x1: {  	(tag) =	ssettag $0x0;
	lr =	simm.s32 $0x1  }
0x2: {  	[smem:$0x3F9C] =	sst lr;
	_ =	strace $0xD0000000  }
0x3: {  	_ = 	snop  }
0x4: {  	_ = 	snop  }
0x5: {  	_ = 	snop  }
0x6: {  	_ = 	snop  }
0x7: {  	_ = 	snop  }
__scs_overlays_trampoline_lowered:
0x8: {  	[smem:$0x3FAB] =	sst s0  }
0x9: {  	[smem:$0x3FAC] =	sst s1  }
0xa: {  	[smem:$0x3FAD] =	sst s2  }
0xb: {  	[smem:$0x3FAE] =	sst s3  }
0xc: {  	[smem:$0x3FAF] =	sst s4  }
0xd: {  	[smem:$0x3FB0] =	sst s5  }
0xe: {  	[smem:$0x3FB1] =	sst s6  }
0xf: {  	[smem:$0x3FB2] =	sst s7  }
0x10: {  	[smem:$0x3FB3] =	sst s8  }
0x11: {  	[smem:$0x3FB4] =	sst s9;
	s0 =	simm.s32 @!p0 $0x0  }
0x12: {  	s1 =	sld [smem:$0x3F9A];
	s0 =	simm.s32 @p0 $0x1  }
0x13: {  	[smem:$0x3FB5] =	sst s0;
	s0 =	simm.s32 @!p1 $0x0  }
0x14: {  	s2 =	sld [smem:$0x3F99];
	s0 =	simm.s32 @p1 $0x1  }
0x15: {  	[smem:$0x3FB6] =	sst s0;
	s0 =	simm.s32 @!p2 $0x0  }
0x16: {  	s3 =	sld [smem:$0x3FDB];
	s0 =	simm.s32 @p2 $0x1  }
0x17: {  	s4 =	simm.s32 $0x1BF5;
	[smem:$0x3FB8] =	sst s0  }
0x18: {  	s0 =	sld [smem:$0x3F9B];
	_ =	swait.ge [sflag:s4], $0x0  }
0x19: {  	s7 =	sld [smem:$0x3F9C]  }
0x1a: {  	s8 =	sadd.s32 $0xFFFFE003, lr  }
0x1b: {  	s9 =	sadd.s32 $0xFFFFFEF7, lr;
	s5 =	simm.s32 $0xFFFFFFFF;
	p2 =	slt.u32 s8, $0xFFFFF086  }
0x1c: {  	p1 =	slt.u32 s9, $0xF7A;
	s5 =	simm.s32 @!p2 $0x0  }
0x1d: {  	s5 =	simm.s32 @p1 $0x1;
	p0 =	seq.s32 s7, s2  }
0x1e: {  	s7 =	smul.u32 @!p0 $0xF7A, s2;
	p2 =	seq.s32 @!p0 s5, $0x0  }
0x1f: {  	s9 =	smul.u32 $0xF7A, s1;
	s8 =	simm.s32 @!p0 $0x1BF5;
	p2 =	por !p2, p0  }
0x20: {  	[sflag:s8] =	ssyncset.s32 @!p0 $0xFFFFF086;
	s6 =	sadd.s32 @!p0 s3, s7;
	s7 =	simm.s32 @!p0 $0x108  }
0x21: {  	s3 =	sadd.s32 s3, s9;
	s6 =	sadd.s32 @!p0 $0x88, s6;
	s7 =	simm.s32 @p2 $0x1082  }
0x22: {  	[simem:s7], [sflag:s8] =	dma.local @!p0 [hbm:s6], $0xF7A  }
0x23: {  	s9 =	sor.u32 $0xD0000000, s2;
	s6 =	simm.s32 $0x108;
	_ =	swait.ge @!p0 [sflag:s8], $0x0  }
0x24: {  	s3 =	sadd.s32 $0x88, s3;
	s6 =	simm.s32 @!p1 $0x1082;
	[sflag:s4] =	ssyncset.s32 $0xFFFFF086  }
0x25: {  	[simem:s6], [sflag:s4] =	dma.local [hbm:s3], $0xF7A  }
0x26: {  	[smem:$0x3F9C] =	sst s1;
	(tag) =	ssettag s2;
	_ =	strace s9  }
0x27: {  	s1 =	sld [smem:$0x3FAC]  }
0x28: {  	s2 =	sld [smem:$0x3FAD]  }
0x29: {  	s4 =	sld [smem:$0x3FAF]  }
0x2a: {  	p0 =	seq.s32 s5, $0x0;
	s5 =	sld [smem:$0x3FB0]  }
0x2b: {  	s6 =	sld [smem:$0x3FB1]  }
0x2c: {  	s7 =	sld [smem:$0x3FB2]  }
0x2d: {  	s3 =	simm.s32 $0x108;
	s8 =	sld [smem:$0x3FB3]  }
0x2e: {  	s3 =	simm.s32 @!p0 $0x1082;
	s9 =	sld [smem:$0x3FB4]  }
0x2f: {  	lr =	sadd.s32 s0, s3;
	s0 =	sld [smem:$0x3FAB]  }
0x30: {  	s3 =	sld [smem:$0x3FAE]  }
0x31: {  	[smem:$0x3FB7] =	sst s10  }
0x32: {  	s10 =	sld [smem:$0x3FB5];
	_ =	sdelay $0x3  }
0x33: {  	p0 =	seq.s32 s10, $0x1;
	s10 =	sld [smem:$0x3FB7];
	_ =	sdelay $0x3  }
0x34: {  	[smem:$0x3FB7] =	sst s10  }
0x35: {  	s10 =	sld [smem:$0x3FB6];
	_ =	sdelay $0x3  }
0x36: {  	p1 =	seq.s32 s10, $0x1;
	s10 =	sld [smem:$0x3FB7];
	_ =	sdelay $0x3  }
0x37: {  	[smem:$0x3FB7] =	sst s10  }
0x38: {  	s10 =	sld [smem:$0x3FB8]  }
0x39: {  	_ = 	snop;
	(pc) =	sbr.ind lr, $3  }
0x3a: {  	_ = 	snop  }
0x3b: {  	_ = 	snop  }
0x3c: {  	p2 =	seq.s32 s10, $0x1;
	s10 =	sld [smem:$0x3FB7]  }
0x3d: {  	_ =	shalt  }
0x3e: {  	_ =	shalt  }
0x3f: {  	_ =	shalt  }
0x40: {  	_ =	shalt  }
0x41: {  	_ =	shalt  }
0x42: {  	_ =	shalt  }
0x43: {  	_ =	shalt  }
0x44: {  	_ =	shalt  }
0x45: {  	_ =	shalt  }
0x46: {  	_ =	shalt  }
0x47: {  	_ =	shalt  }
0x48: {  	_ =	shalt  }
0x49: {  	_ =	shalt  }
0x4a: {  	_ =	shalt  }
0x4b: {  	_ =	shalt  }
0x4c: {  	_ =	shalt  }
0x4d: {  	_ =	shalt  }
0x4e: {  	_ =	shalt  }
0x4f: {  	_ =	shalt  }
0x50: {  	_ =	shalt  }
0x51: {  	_ =	shalt  }
0x52: {  	_ =	shalt  }
0x53: {  	_ =	shalt  }
0x54: {  	_ =	shalt  }
0x55: {  	_ =	shalt  }
0x56: {  	_ =	shalt  }
0x57: {  	_ =	shalt  }
0x58: {  	_ =	shalt  }
0x59: {  	_ =	shalt  }
0x5a: {  	_ =	shalt  }
0x5b: {  	_ =	shalt  }
0x5c: {  	_ =	shalt  }
0x5d: {  	_ =	shalt  }
0x5e: {  	_ =	shalt  }
0x5f: {  	_ =	shalt  }
0x60: {  	_ =	shalt  }
0x61: {  	_ =	shalt  }
0x62: {  	_ =	shalt  }
0x63: {  	_ =	shalt  }
0x64: {  	_ =	shalt  }
0x65: {  	_ =	shalt  }
0x66: {  	_ =	shalt  }
0x67: {  	_ =	shalt  }
0x68: {  	_ =	shalt  }
0x69: {  	_ =	shalt  }
0x6a: {  	_ =	shalt  }
0x6b: {  	_ =	shalt  }
0x6c: {  	_ =	shalt  }
0x6d: {  	_ =	shalt  }
0x6e: {  	_ =	shalt  }
0x6f: {  	_ =	shalt  }
0x70: {  	_ =	shalt  }
0x71: {  	_ =	shalt  }
0x72: {  	_ =	shalt  }
0x73: {  	_ =	shalt  }
0x74: {  	_ =	shalt  }
0x75: {  	_ =	shalt  }
0x76: {  	_ =	shalt  }
0x77: {  	_ =	shalt  }
0x78: {  	_ =	shalt  }
0x79: {  	_ =	shalt  }
0x7a: {  	_ =	shalt  }
0x7b: {  	_ =	shalt  }
0x7c: {  	_ =	shalt  }
0x7d: {  	_ =	shalt  }
0x7e: {  	_ =	shalt  }
0x7f: {  	_ =	shalt  }
0x80: {  	_ =	shalt  }
0x81: {  	_ =	shalt  }
0x82: {  	_ =	shalt  }
0x83: {  	_ =	shalt  }
0x84: {  	_ =	shalt  }
0x85: {  	_ =	shalt  }
0x86: {  	_ =	shalt  }
0x87: {  	_ =	shalt  }
.Lfunc_end0:
.L_simem_size_0:
called_computation_lowered:
.L_overlay_start_0:
0x88: {  	s2 =	sld [smem:$0x3FD9]  }
0x89: {  	s3 =	sld [smem:$0x3FFE];
	_ =	sdelay $0x1  }
0x8a: {  	s1 =	srdreg.scid  }
0x8b: {  	s0 =	sand.u32 $0x1, s1  }
0x8c: {  	s17 =	sshll.u32 s0, $0xA;
	s2 =	sadd.s32 s3, s2  }
0x8d: {  	s2 =	sadd.s32 s2, s17  }
0x8e: {  	[smem:$0x3FC3] =	sst s2  }
0x8f: {  	_ = 	snop  }
0x90: {  	s2 =	sld [smem:$0x3FD0];
	(tm) =	ssettm $0x1  }
0x91: {  	s18 =	sld [smem:$0x3FFB];
	_ =	sdelay $0x3  }
0x92: {  	_ =	strace s18  }
0x93: {  	s3 =	sld [smem:$0x3FFC];
	_ =	sdelay $0x3  }
0x94: {  	_ =	strace s3  }
0x95: {  	s3 =	sld [smem:$0x3FFD];
	_ =	sdelay $0x3  }
0x96: {  	_ =	strace s3  }
0x97: {  	_ =	strace $0x8FFFFFFF  }
0x98: {  	s19 =	sld [smem:$0x3FDB];
	_ =	sdelay $0x1  }
0x99: {  	s4 =	simm.s32 $_scs_section_size  }
0x9a: {  	s5 =	simm.s32 $_size__tile_overlayer_lowered;
	s6 =	simm.s32 $_tile_overlayer_lowered  }
0x9b: {  	s22 =	simm.s32 $0x1BFF;
	s21 =	sshll.u32 s6, $0x1;
	s3 =	sadd.s32 s4, s19  }
0x9c: {  	s7 =	simm.s32 $0x0;
	s20 =	sshll.u32 s5, $0x1;
	s5 =	sadd.s32 s21, s3  }
0x9d: {  	[timem:s7], [sflag:s22] =	dma.local [hbm:s5], s20  }
0x9e: {  	_ =	swait.ge [sflag:s22], s20  }
0x9f: {  	s4 =	ssub.s32 $0x0, s20;
	[sflag:s22] =	ssyncset.done $0x0  }
0xa0: {  	[sflag:s22] =	ssyncadd.s32 s4;
	_ =	sdelay $0x1  }
0xa1: {  	s23 =	simm.s32 $0x1B8B  }
0xa2: {  	_ =	swait.ge [sflag:s23], $0x1  }
0xa3: {  	[sflag:s23] =	ssyncset.done $0x0  }
0xa4: {  	s25 =	simm.s32 $0x1B8E;
	s24 =	sld [smem:$0x3FFE];
	[sflag:s23] =	ssyncadd.s32 $0xFFFFFFFF  }
0xa5: {  	s26 =	simm.s32 $execute0_lowered;
	[smem:$0x3FD2] =	sst s25  }
0xa6: {  	s5 =	sshll.u32 s26, $0x1;
	_ =	strace $0x80000046;
	[dreg:$0x1] =	wrdreg $0xFFFFFFFF  }
0xa7: {  	s28 =	simm.s32 $_size_execute0_lowered;
	s3 =	sadd.s32 s3, s5;
	[dreg:$0x0] =	wrdreg $0x0  }
0xa8: {  	s5 =	sshll.u32 s28, $0x1;
	[dreg:$0x2] =	wrdreg s3  }
0xa9: {  	[dreg:$0x3] =	wrdreg s5  }
0xaa: {  	[dreg:$0x4] =	wrdreg $0xC0  }
0xab: {  	_ =	task [dreg:s7], $0x5FFFF  }
0xac: {  	[dreg:$0x1] =	wrdreg $0xFFFFFFFF  }
0xad: {  	[dreg:$0x0] =	wrdreg $0x60  }
0xae: {  	[dreg:$0x2] =	wrdreg s2  }
0xaf: {  	[dreg:$0x3] =	wrdreg s24  }
0xb0: {  	[dreg:$0x4] =	wrdreg $0x9  }
0xb1: {  	_ =	task.clear_ibuf [dreg:s7], $0x5FFFF;
	_ =	strace $0x90000046  }
0xb2: {  	s29 =	simm.s32 $0x9;
	_ =	strace $0x80000048  }
0xb3: {  	_ =	swait.ge [sflag:s29], $0x1  }
0xb4: {  	[sflag:s29] =	ssyncadd.s32 $0xFFFFFFFF  }
0xb5: {  	_ =	strace $0x90000048  }
0xb6: {  	_ =	sfence  }
0xb7: {  	s30 =	sld [smem:$0x0];
	_ =	sdelay $0x2  }
0xb8: {  	s31 =	sshll.u32 s1, $0xD;
	s1 =	sshrl.u32 s1, $0x2  }
0xb9: {  	s3 =	sand.u32 $0x4000, s31;
	s1 =	sadd.s32 s1, s30  }
0xba: {  	s0 =	sor.u32 s3, s0;
	s1 =	sshll.u32 s1, $0x11  }
0xbb: {  	s0 =	sor.u32 s1, s0  }
0xbc: {  	s0 =	sadd.s32 $0x8F2B, s0  }
0xbd: {  	[sflag:s0] =	ssyncadd.remote.s32 $0x1  }
0xbe: {  	_ =	sfence.sel $0xFFFF  }
0xbf: {  	[dreg:$0x0] =	wrdreg $0xFFFFFFFF;
	(pc) =	sbr.abs _section_cstart, $3  }
0xc0: {  	[dreg:$0x1] =	wrdreg $0xFFFFFFFF  }
0xc1: {  	_ =	task.clear_ibuf [dreg:s7], $0x2FFFF;
	_ =	strace $0x9FFFFFFF  }
0xc2: {  	(tm) =	ssettm $0x7FFFFFFF  }
0xc3: {  	_ =	shalt  }
tec
execute0_lowered:
.L_overlay_start_1:
0x0: {  	(tag) =	ssettag $0x1  }
0x1: {  	s3 =	rddreg [dreg:$0x0]  }
0x2: {  	s4 =	rddreg [dreg:$0x1];
	s2 =	srdreg.scid  }
0x3: {  	s0 =	rddreg [dreg:$0x2];
	s1 =	stileid.u32;
	s5 =	sand.u32 $0x1, s2  }
0x4: {  	s2 =	simm.s32 $0x0;
	s6 =	sshll.u32 s1, $0x9;
	s7 =	sshll.u32 s5, $0x8  }
0x5: {  	[smem:$0x7FF] =	sst s2;
	s5 =	ssub.s32 $0x2, s5;
	s6 =	sor.u32 s7, s6  }
0x6: {  	_ =	strace $0x80000047;
	s31 =	sshrl.u32 s5, $0x1;
	s7 =	simm.s32 $0x800  }
0x7: {  	s4 =	sadd.s32 s6, s4;
	s5 =	ssub.s32 s5, s31;
	s3 =	sadd.s32 s3, s6  }
0x8: {  	s6 =	simm.s32 $0x1;
	s4 =	sadd.s32 $0x1C00, s4;
	s5 =	smax.u32 s5, $0x1  }
.LBB2_1:
0x9: {  	[tilespmem:s2], [sflag:$0x1] =	stream.linear.gather [hbm4b:s3+s2], $0x800, $0x38;
	[tilespmem:$0x1000] =	vst v63  }
0xa: {  	_ =	swait.ge [sflag:s6], $0x800  }
0xb: {  	[sflag:s6] =	ssyncset.done $0x0  }
0xc: {  	[sflag:s6] =	ssyncadd.s32 $0xFFFFF800  }
0xd: {  	v0 =	vld [tilespmem:$0x0]  }
0xe: {  	v1 =	vld [tilespmem:$0x80]  }
0xf: {  	v2 =	vld [tilespmem:$0x100]  }
0x10: {  	v3 =	vld [tilespmem:$0x180]  }
0x11: {  	v5 =	vld [tilespmem:$0x200]  }
0x12: {  	v6 =	vld [tilespmem:$0x280]  }
0x13: {  	v7 =	vld [tilespmem:$0x300]  }
0x14: {  	v8 =	vld [tilespmem:$0x380]  }
0x15: {  	v9 =	vld [tilespmem:$0x400]  }
0x16: {  	v10 =	vld [tilespmem:$0x480]  }
0x17: {  	v11 =	vld [tilespmem:$0x500]  }
0x18: {  	v60 =	vld [tilespmem:$0x580]  }
0x19: {  	v62 =	vld [tilespmem:$0x600]  }
0x1a: {  	v13 =	vld [tilespmem:$0x680]  }
0x1b: {  	v15 =	vld [tilespmem:$0x700]  }
0x1c: {  	v38 =	vld [tilespmem:$0x780];
	v26 =	vor.u32 $0xF, v0;
	v58 =	vand.u32 $0xFFFFFFF0, v1;
	v59 =	vand.u32 $0xFFFFFFF0, v2  }
0x1d: {  	v61 =	vand.u32 $0xFFFFFFF0, v3;
	v63 =	vand.u32 $0xFFFFFFF0, v5;
	v12 =	vand.u32 $0xFFFFFFF0, v6  }
0x1e: {  	v14 =	vand.u32 $0xFFFFFFF0, v7;
	v36 =	vand.u32 $0xFFFFFFF0, v8;
	v37 =	vand.u32 $0xFFFFFFF0, v9  }
0x1f: {  	v39 =	vand.u32 $0xFFFFFFF0, v10;
	v40 =	vand.u32 $0xFFFFFFF0, v11;
	v2 =	vand.u32 $0xFFFFFFF0, v60  }
0x20: {  	v41 =	vand.u32 $0xFFFFFFF0, v62;
	v42 =	vand.u32 $0xFFFFFFF0, v13;
	v43 =	vand.u32 $0xFFFFFFF0, v15  }
0x21: {  	v16 =	vand.u32 $0xFFFFFFF0, v38;
	v27 =	vor.u32 $0xE, v58;
	v28 =	vor.u32 $0xD, v59  }
0x22: {  	v29 =	vor.u32 $0xC, v61;
	v31 =	vor.u32 $0xB, v63;
	v30 =	vor.u32 $0xA, v12  }
0x23: {  	v32 =	vor.u32 $0x9, v14;
	v25 =	vor.u32 $0x8, v36;
	v23 =	vor.u32 $0x7, v37  }
0x24: {  	v19 =	vor.u32 $0x6, v39;
	v24 =	vor.u32 $0x5, v40;
	v20 =	vor.u32 $0x4, v2  }
0x25: {  	v21 =	vor.u32 $0x3, v41;
	v22 =	vor.u32 $0x2, v42;
	v15 =	vor.u32 $0x1, v43  }
0x26: {  	vm0 =	vgt.s32 v26, v27;
	vm1 =	vgt.s32 v28, v29;
	vm2 =	vgt.s32 v31, v30  }
0x27: {  	vm11 =	vgt.s32 v32, v25;
	vm12 =	vgt.s32 v23, v19;
	vm13 =	vgt.s32 v24, v20  }
0x28: {  	vm14 =	vgt.s32 v21, v22;
	vm15 =	vgt.s32 v15, v16;
	v44 =	vsel vm0, v26, v27  }
0x29: {  	v45 =	vsel vm1, v28, v29;
	v46 =	vsel vm2, v31, v30;
	v47 =	vsel vm11, v32, v25  }
0x2a: {  	v48 =	vsel vm12, v23, v19;
	v49 =	vsel vm13, v24, v20;
	v50 =	vsel vm14, v21, v22  }
0x2b: {  	v51 =	vsel vm15, v15, v16;
	vm4 =	vgt.s32 v44, v45;
	vm5 =	vgt.s32 v46, v47  }
0x2c: {  	vm6 =	vgt.s32 v48, v49;
	vm7 =	vgt.s32 v50, v51;
	v0 =	vsel vm4, v44, v45  }
0x2d: {  	v52 =	vsel vm5, v46, v47;
	v53 =	vsel vm6, v48, v49;
	v54 =	vsel vm7, v50, v51  }
0x2e: {  	vm0 =	vgt.s32 v0, v52;
	vm1 =	vgt.s32 v53, v54  }
0x2f: {  	v0 =	vsel vm0, v0, v52;
	v55 =	vsel vm1, v53, v54  }
0x30: {  	vm0 =	vgt.s32 v0, v55  }
0x31: {  	v0 =	vsel vm0, v0, v55  }
0x32: {  	vm0 =	veq.s32 v26, v0;
	vm8 =	veq.s32 v27, v0  }
0x33: {  	vm9 =	veq.s32 v28, v0;
	vm10 =	veq.s32 v29, v0;
	vm11 =	veq.s32 v31, v0  }
0x34: {  	vm12 =	veq.s32 v30, v0;
	vm13 =	veq.s32 v32, v0;
	vm14 =	veq.s32 v25, v0  }
0x35: {  	vm15 =	veq.s32 v23, v0;
	vm4 =	veq.s32 v19, v0;
	vm5 =	veq.s32 v24, v0  }
0x36: {  	vm6 =	veq.s32 v20, v0;
	vm7 =	veq.s32 v21, v0;
	v56 =	vsel vm0, $0xFFFFFFFF, v26  }
0x37: {  	v57 =	vsel vm8, $0xFFFFFFFF, v27;
	v58 =	vsel vm9, $0xFFFFFFFF, v28;
	v59 =	vsel vm10, $0xFFFFFFFF, v29  }
0x38: {  	v60 =	vsel vm11, $0xFFFFFFFF, v31;
	v61 =	vsel vm12, $0xFFFFFFFF, v30;
	v62 =	vsel vm13, $0xFFFFFFFF, v32  }
0x39: {  	v63 =	vsel vm14, $0xFFFFFFFF, v25;
	v40 =	vsel vm15, $0xFFFFFFFF, v23;
	v41 =	vsel vm4, $0xFFFFFFFF, v19  }
0x3a: {  	v12 =	vsel vm5, $0xFFFFFFFF, v24;
	v13 =	vsel vm6, $0xFFFFFFFF, v20;
	v14 =	vsel vm7, $0xFFFFFFFF, v21  }
0x3b: {  	[tilespmem:$0x1FEA0] =	vst v16;
	vm8 =	veq.s32 v22, v0;
	vm9 =	veq.s32 v15, v0;
	vm10 =	veq.s32 v16, v0  }
0x3c: {  	[tilespmem:$0x1FE90] =	vst v15;
	v42 =	vsel vm8, $0xFFFFFFFF, v22;
	v15 =	vsel vm9, $0xFFFFFFFF, v15;
	v16 =	vsel vm10, $0xFFFFFFFF, v16  }
0x3d: {  	vm11 =	vgt.s32 v56, v57;
	vm12 =	vgt.s32 v58, v59;
	vm13 =	vgt.s32 v60, v61  }
0x3e: {  	vm14 =	vgt.s32 v62, v63;
	vm15 =	vgt.s32 v40, v41;
	vm4 =	vgt.s32 v12, v13  }
0x3f: {  	v17 =	vsel vm11, v56, v57;
	v18 =	vsel vm12, v58, v59;
	v33 =	vsel vm13, v60, v61  }
0x40: {  	v34 =	vsel vm14, v62, v63;
	v35 =	vsel vm15, v40, v41;
	v36 =	vsel vm4, v12, v13  }
0x41: {  	vm5 =	vgt.s32 v14, v42;
	vm6 =	vgt.s32 v15, v16;
	vm7 =	vgt.s32 v17, v18  }
0x42: {  	v37 =	vsel vm5, v14, v42;
	v38 =	vsel vm6, v15, v16;
	vm8 =	vgt.s32 v33, v34  }
0x43: {  	vm9 =	vgt.s32 v35, v36;
	v17 =	vsel vm7, v17, v18;
	vm10 =	vgt.s32 v37, v38  }
0x44: {  	v43 =	vsel vm8, v33, v34;
	v44 =	vsel vm9, v35, v36;
	v45 =	vsel vm10, v37, v38  }
0x45: {  	vm0 =	vgt.s32 v17, v43;
	vm1 =	vgt.s32 v44, v45  }
0x46: {  	v17 =	vsel vm0, v17, v43;
	v46 =	vsel vm1, v44, v45  }
0x47: {  	vm0 =	vgt.s32 v17, v46  }
0x48: {  	v17 =	vsel vm0, v17, v46  }
0x49: {  	vm0 =	veq.s32 v56, v17;
	vm11 =	veq.s32 v57, v17;
	vm12 =	veq.s32 v58, v17  }
0x4a: {  	vm13 =	veq.s32 v59, v17;
	vm14 =	veq.s32 v60, v17;
	vm15 =	veq.s32 v61, v17  }
0x4b: {  	vm4 =	veq.s32 v62, v17;
	vm5 =	veq.s32 v63, v17;
	vm6 =	veq.s32 v40, v17  }
0x4c: {  	vm7 =	veq.s32 v41, v17;
	vm8 =	veq.s32 v12, v17;
	vm9 =	veq.s32 v13, v17  }
0x4d: {  	vm10 =	veq.s32 v14, v17;
	v1 =	vsel vm0, $0xFFFFFFFF, v56;
	v2 =	vsel vm11, $0xFFFFFFFF, v57  }
0x4e: {  	v3 =	vsel vm12, $0xFFFFFFFF, v58;
	v5 =	vsel vm13, $0xFFFFFFFF, v59;
	v6 =	vsel vm14, $0xFFFFFFFF, v60  }
0x4f: {  	v7 =	vsel vm15, $0xFFFFFFFF, v61;
	v8 =	vsel vm4, $0xFFFFFFFF, v62;
	v9 =	vsel vm5, $0xFFFFFFFF, v63  }
0x50: {  	v10 =	vsel vm6, $0xFFFFFFFF, v40;
	v11 =	vsel vm7, $0xFFFFFFFF, v41;
	v12 =	vsel vm8, $0xFFFFFFFF, v12  }
0x51: {  	v13 =	vsel vm9, $0xFFFFFFFF, v13;
	v14 =	vsel vm10, $0xFFFFFFFF, v14;
	vm11 =	veq.s32 v42, v17  }
0x52: {  	vm12 =	veq.s32 v15, v17;
	vm13 =	veq.s32 v16, v17;
	v0 =	vsel vm11, $0xFFFFFFFF, v42  }
0x53: {  	v15 =	vsel vm12, $0xFFFFFFFF, v15;
	v16 =	vsel vm13, $0xFFFFFFFF, v16;
	vm14 =	vgt.s32 v1, v2  }
0x54: {  	vm15 =	vgt.s32 v3, v5;
	vm4 =	vgt.s32 v6, v7;
	vm5 =	vgt.s32 v8, v9  }
0x55: {  	v59 =	vld [tilespmem:$0x10];
	vm6 =	vgt.s32 v10, v11;
	vm7 =	vgt.s32 v12, v13;
	v47 =	vsel vm14, v1, v2  }
0x56: {  	v60 =	vld [tilespmem:$0x90];
	v48 =	vsel vm15, v3, v5;
	v49 =	vsel vm4, v6, v7;
	v50 =	vsel vm5, v8, v9  }
0x57: {  	v61 =	vld [tilespmem:$0x110];
	v51 =	vsel vm6, v10, v11;
	v52 =	vsel vm7, v12, v13;
	vm8 =	vgt.s32 v14, v0  }
0x58: {  	v63 =	vld [tilespmem:$0x210];
	vm9 =	vgt.s32 v15, v16;
	vm10 =	vgt.s32 v47, v48;
	v53 =	vsel vm8, v14, v0  }
0x59: {  	v42 =	vld [tilespmem:$0x790];
	v54 =	vsel vm9, v15, v16;
	vm11 =	vgt.s32 v49, v50;
	vm12 =	vgt.s32 v51, v52  }
0x5a: {  	v62 =	vld [tilespmem:$0x190];
	v17 =	vsel vm10, v47, v48;
	vm13 =	vgt.s32 v53, v54;
	v55 =	vsel vm11, v49, v50  }
0x5b: {  	v56 =	vsel vm12, v51, v52;
	v48 =	vld [tilespmem:$0x290];
	v57 =	vsel vm13, v53, v54;
	vm0 =	vgt.s32 v17, v55  }
0x5c: {  	v18 =	vor.u32 $0xF, v59;
	vm1 =	vgt.s32 v56, v57;
	v17 =	vsel vm0, v17, v55  }
0x5d: {  	v55 =	vand.u32 $0xFFFFFFF0, v60;
	v60 =	vand.u32 $0xFFFFFFF0, v63;
	v58 =	vsel vm1, v56, v57  }
0x5e: {  	v4 =	vand.u32 $0xFFFFFFF0, v42;
	v56 =	vand.u32 $0xFFFFFFF0, v61;
	vm0 =	vgt.s32 v17, v58  }
0x5f: {  	v53 =	vld [tilespmem:$0x490];
	v44 =	vor.u32 $0xE, v55;
	v17 =	vsel vm0, v17, v58;
	v58 =	vand.u32 $0xFFFFFFF0, v62  }
0x60: {  	v59 =	vld [tilespmem:$0x610];
	v61 =	vand.u32 $0xFFFFFFF0, v48;
	vm0 =	veq.s32 v1, v17;
	vm14 =	veq.s32 v2, v17  }
0x61: {  	vm15 =	veq.s32 v3, v17;
	vm4 =	veq.s32 v5, v17;
	vm5 =	veq.s32 v6, v17  }
0x62: {  	vm6 =	veq.s32 v7, v17;
	vm7 =	veq.s32 v8, v17;
	vm8 =	veq.s32 v9, v17  }
0x63: {  	vm9 =	veq.s32 v10, v17;
	vm10 =	veq.s32 v11, v17;
	vm11 =	veq.s32 v12, v17  }
0x64: {  	vm12 =	veq.s32 v13, v17;
	vm13 =	veq.s32 v14, v17;
	v43 =	vand.u32 $0xFFFFFFF0, v53  }
0x65: {  	v47 =	vand.u32 $0xFFFFFFF0, v59;
	v1 =	vsel vm0, $0xFFFFFFFF, v1;
	v2 =	vsel vm14, $0xFFFFFFFF, v2  }
0x66: {  	v3 =	vsel vm15, $0xFFFFFFFF, v3;
	v5 =	vsel vm4, $0xFFFFFFFF, v5;
	v6 =	vsel vm5, $0xFFFFFFFF, v6  }
0x67: {  	v7 =	vsel vm6, $0xFFFFFFFF, v7;
	v8 =	vsel vm7, $0xFFFFFFFF, v8;
	v9 =	vsel vm8, $0xFFFFFFFF, v9  }
0x68: {  	v10 =	vsel vm9, $0xFFFFFFFF, v10;
	v11 =	vsel vm10, $0xFFFFFFFF, v11;
	v12 =	vsel vm11, $0xFFFFFFFF, v12  }
0x69: {  	v57 =	vld [tilespmem:$0x590];
	v13 =	vsel vm12, $0xFFFFFFFF, v13;
	v14 =	vsel vm13, $0xFFFFFFFF, v14;
	vm14 =	veq.s32 v0, v17  }
0x6a: {  	v50 =	vld [tilespmem:$0x310];
	vm15 =	veq.s32 v15, v17;
	vm4 =	veq.s32 v16, v17;
	v17 =	vor.u32 $0xC, v58  }
0x6b: {  	v51 =	vld [tilespmem:$0x390];
	v48 =	vor.u32 $0x3, v47;
	v0 =	vsel vm14, $0xFFFFFFFF, v0;
	v15 =	vsel vm15, $0xFFFFFFFF, v15  }
0x6c: {  	v52 =	vld [tilespmem:$0x410];
	v16 =	vsel vm4, $0xFFFFFFFF, v16;
	vm5 =	vgt.s32 v1, v2;
	vm6 =	vgt.s32 v3, v5  }
0x6d: {  	v54 =	vld [tilespmem:$0x510];
	vm7 =	vgt.s32 v6, v7;
	vm8 =	vgt.s32 v8, v9;
	vm9 =	vgt.s32 v10, v11  }
0x6e: {  	v63 =	vld [tilespmem:$0x710];
	vm10 =	vgt.s32 v12, v13;
	v45 =	vand.u32 $0xFFFFFFF0, v57;
	vm14 =	vgt.s32 v18, v44  }
0x6f: {  	v1 =	vsel vm5, v1, v2;
	v49 =	vsel vm6, v3, v5;
	v3 =	vsel vm7, v6, v7  }
0x70: {  	v38 =	vsel vm8, v8, v9;
	v39 =	vsel vm9, v10, v11;
	v40 =	vsel vm10, v12, v13  }
0x71: {  	vm11 =	vgt.s32 v14, v0;
	vm12 =	vgt.s32 v15, v16;
	v5 =	vand.u32 $0xFFFFFFF0, v50  }
0x72: {  	v10 =	vand.u32 $0xFFFFFFF0, v51;
	v11 =	vand.u32 $0xFFFFFFF0, v52;
	v9 =	vor.u32 $0x6, v43  }
0x73: {  	v62 =	vld [tilespmem:$0x690];
	v2 =	vand.u32 $0xFFFFFFF0, v54;
	v6 =	vor.u32 $0x4, v45;
	v50 =	vand.u32 $0xFFFFFFF0, v63  }
0x74: {  	v53 =	vsel vm14, v18, v44;
	vm13 =	vgt.s32 v1, v49;
	v0 =	vsel vm11, v14, v0  }
0x75: {  	v41 =	vsel vm12, v15, v16;
	v16 =	vor.u32 $0xD, v56;
	v15 =	vor.u32 $0xB, v60  }
0x76: {  	v14 =	vor.u32 $0xA, v61;
	v13 =	vor.u32 $0x9, v5;
	v12 =	vor.u32 $0x8, v10  }
0x77: {  	v10 =	vor.u32 $0x7, v11;
	v46 =	vor.u32 $0x5, v2;
	v52 =	vor.u32 $0x1, v50  }
0x78: {  	vm14 =	vgt.s32 v3, v38;
	v1 =	vsel vm13, v1, v49;
	v49 =	vand.u32 $0xFFFFFFF0, v62  }
0x79: {  	vm15 =	vgt.s32 v16, v17;
	vm4 =	vgt.s32 v15, v14;
	vm5 =	vgt.s32 v13, v12  }
0x7a: {  	vm6 =	vgt.s32 v10, v9;
	vm7 =	vgt.s32 v46, v6;
	vm9 =	vgt.s32 v52, v4  }
0x7b: {  	v3 =	vsel vm14, v3, v38;
	v51 =	vor.u32 $0x2, v49;
	v54 =	vsel vm15, v16, v17  }
0x7c: {  	v55 =	vsel vm4, v15, v14;
	v56 =	vsel vm5, v13, v12;
	v57 =	vsel vm6, v10, v9  }
0x7d: {  	v58 =	vsel vm7, v46, v6;
	v43 =	vsel vm9, v52, v4;
	vm8 =	vgt.s32 v48, v51  }
0x7e: {  	vm10 =	vgt.s32 v53, v54;
	vm11 =	vgt.s32 v55, v56;
	v42 =	vsel vm8, v48, v51  }
0x7f: {  	vm12 =	vgt.s32 v57, v58;
	v2 =	vsel vm10, v53, v54;
	vm13 =	vgt.s32 v42, v43  }
0x80: {  	v59 =	vsel vm11, v55, v56;
	v60 =	vsel vm12, v57, v58;
	v61 =	vsel vm13, v42, v43  }
0x81: {  	vm4 =	vgt.s32 v39, v40;
	vm15 =	vgt.s32 v2, v59;
	vm2 =	vgt.s32 v60, v61  }
0x82: {  	vm5 =	vgt.s32 v0, v41;
	v2 =	vsel vm15, v2, v59;
	v62 =	vsel vm2, v60, v61  }
0x83: {  	v63 =	vsel vm4, v39, v40;
	v0 =	vsel vm5, v0, v41;
	vm2 =	vgt.s32 v2, v62  }
0x84: {  	vm6 =	vgt.s32 v1, v3;
	vm1 =	vgt.s32 v63, v0;
	v2 =	vsel vm2, v2, v62  }
0x85: {  	v1 =	vsel vm6, v1, v3;
	v0 =	vsel vm1, v63, v0;
	vm2 =	veq.s32 v18, v2  }
0x86: {  	vm7 =	veq.s32 v44, v2;
	vm8 =	veq.s32 v16, v2;
	vm9 =	veq.s32 v17, v2  }
0x87: {  	vm10 =	veq.s32 v15, v2;
	vm11 =	veq.s32 v14, v2;
	vm12 =	veq.s32 v13, v2  }
0x88: {  	vm13 =	veq.s32 v12, v2;
	vm14 =	veq.s32 v10, v2;
	vm15 =	veq.s32 v9, v2  }
0x89: {  	vm4 =	veq.s32 v46, v2;
	vm5 =	veq.s32 v6, v2;
	vm6 =	veq.s32 v48, v2  }
0x8a: {  	[tilespmem:$0x1FED0] =	vst v16;
	v3 =	vsel vm2, $0xFFFFFFFF, v18;
	v33 =	vsel vm7, $0xFFFFFFFF, v44;
	v16 =	vsel vm8, $0xFFFFFFFF, v16  }
0x8b: {  	[tilespmem:$0x1FEB0] =	vst v18;
	v18 =	vsel vm9, $0xFFFFFFFF, v17;
	v57 =	vsel vm10, $0xFFFFFFFF, v15;
	v58 =	vsel vm11, $0xFFFFFFFF, v14  }
0x8c: {  	v59 =	vsel vm12, $0xFFFFFFFF, v13;
	v60 =	vsel vm13, $0xFFFFFFFF, v12;
	v61 =	vsel vm14, $0xFFFFFFFF, v10  }
0x8d: {  	v62 =	vsel vm15, $0xFFFFFFFF, v9;
	v63 =	vsel vm4, $0xFFFFFFFF, v46;
	v45 =	vsel vm5, $0xFFFFFFFF, v6  }
0x8e: {  	[tilespmem:$0x1FF50] =	vst v46;
	v46 =	vsel vm6, $0xFFFFFFFF, v48;
	vm7 =	veq.s32 v51, v2;
	vm8 =	veq.s32 v52, v2  }
0x8f: {  	[tilespmem:$0x1FF60] =	vst v6;
	vm9 =	veq.s32 v4, v2;
	v6 =	vsel vm7, $0xFFFFFFFF, v51;
	v47 =	vsel vm8, $0xFFFFFFFF, v52  }
0x90: {  	[tilespmem:$0x1FF70] =	vst v48;
	v48 =	vsel vm9, $0xFFFFFFFF, v4;
	vm10 =	vgt.s32 v3, v33;
	vm11 =	vgt.s32 v16, v18  }
0x91: {  	vm12 =	vgt.s32 v57, v58;
	vm13 =	vgt.s32 v59, v60;
	vm14 =	vgt.s32 v61, v62  }
0x92: {  	vm15 =	vgt.s32 v63, v45;
	v7 =	vsel vm10, v3, v33;
	v8 =	vsel vm11, v16, v18  }
0x93: {  	[tilespmem:$0x1FF80] =	vst v51;
	v49 =	vsel vm12, v57, v58;
	v50 =	vsel vm13, v59, v60;
	v51 =	vsel vm14, v61, v62  }
0x94: {  	[tilespmem:$0x1FF90] =	vst v52;
	v52 =	vsel vm15, v63, v45;
	vm4 =	vgt.s32 v46, v6;
	vm5 =	vgt.s32 v47, v48  }
0x95: {  	vm10 =	vgt.s32 v1, v0;
	vm6 =	vgt.s32 v7, v8;
	v53 =	vsel vm4, v46, v6  }
0x96: {  	v54 =	vsel vm5, v47, v48;
	vm7 =	vgt.s32 v49, v50;
	vm8 =	vgt.s32 v51, v52  }
0x97: {  	v35 =	vsel vm10, v1, v0;
	v42 =	vsel vm6, v7, v8;
	vm9 =	vgt.s32 v53, v54  }
0x98: {  	[tilespmem:$0x1FF40] =	vst v9;
	v49 =	vsel vm7, v49, v50;
	v9 =	vsel vm8, v51, v52;
	vm6 =	vlt.s32 v26, v35  }
0x99: {  	[tilespmem:$0x1FF30] =	vst v10;
	vm5 =	vlt.s32 v27, v35;
	vm4 =	vlt.s32 v28, v35;
	v10 =	vsel vm9, v53, v54  }
0x9a: {  	vm3 =	vlt.s32 v29, v35;
	vm11 =	vgt.s32 v42, v49;
	vm2 =	vgt.s32 v9, v10  }
0x9b: {  	[tilespmem:$0x1FF20] =	vst v12;
	vm1 =	vlt.s32 v30, v35;
	v11 =	vsel vm11, v42, v49;
	v12 =	vsel vm2, v9, v10  }
0x9c: {  	vm0 =	vlt.s32 v32, v35;
	vm10 =	vlt.s32 v24, v35;
	vm12 =	vgt.s32 v11, v12  }
0x9d: {  	vm11 =	vlt.s32 v25, v35;
	vm2 =	vlt.s32 v31, v35;
	v0 =	vsel vm12, v11, v12  }
0x9e: {  	vm7 =	veq.s32 v3, v0;
	vm13 =	veq.s32 v33, v0;
	vm8 =	veq.s32 v16, v0  }
0x9f: {  	[tilespmem:$0x1FF00] =	vst v14;
	vm9 =	veq.s32 v18, v0;
	vm14 =	veq.s32 v57, v0;
	vm15 =	veq.s32 v58, v0  }
0xa0: {  	[tilespmem:$0x1FF10] =	vst v13;
	vm12 =	veq.s32 v59, v0;
	v13 =	vsel vm7, $0xFFFFFFFF, v3;
	v14 =	vsel vm13, $0xFFFFFFFF, v33  }
0xa1: {  	[tilespmem:$0x1FEF0] =	vst v15;
	v15 =	vsel vm8, $0xFFFFFFFF, v16;
	v49 =	vsel vm9, $0xFFFFFFFF, v18;
	v50 =	vsel vm14, $0xFFFFFFFF, v57  }
0xa2: {  	v51 =	vsel vm15, $0xFFFFFFFF, v58;
	v30 =	vsel vm12, $0xFFFFFFFF, v59;
	vm13 =	veq.s32 v60, v0  }
0xa3: {  	vm14 =	veq.s32 v61, v0;
	vm15 =	veq.s32 v62, v0;
	vm12 =	veq.s32 v63, v0  }
0xa4: {  	vm9 =	vlt.s32 v22, v35;
	v52 =	vsel vm13, $0xFFFFFFFF, v60;
	v42 =	vsel vm14, $0xFFFFFFFF, v61  }
0xa5: {  	v43 =	vsel vm15, $0xFFFFFFFF, v62;
	vm13 =	veq.s32 v45, v0;
	vm14 =	veq.s32 v46, v0  }
0xa6: {  	v39 =	vsel vm12, $0xFFFFFFFF, v63;
	vm15 =	veq.s32 v6, v0;
	vm12 =	veq.s32 v47, v0  }
0xa7: {  	v40 =	vsel vm13, $0xFFFFFFFF, v45;
	v36 =	vsel vm14, $0xFFFFFFFF, v46;
	vm13 =	veq.s32 v48, v0  }
0xa8: {  	v41 =	vsel vm15, $0xFFFFFFFF, v6;
	v37 =	vsel vm12, $0xFFFFFFFF, v47;
	vm14 =	vgt.s32 v13, v14  }
0xa9: {  	vm15 =	vgt.s32 v15, v49;
	vm12 =	vgt.s32 v50, v51;
	v38 =	vsel vm13, $0xFFFFFFFF, v48  }
0xaa: {  	v8 =	vld [tilespmem:$0x120];
	v53 =	vsel vm14, v13, v14;
	v54 =	vsel vm15, v15, v49;
	v55 =	vsel vm12, v50, v51  }
0xab: {  	v9 =	vld [tilespmem:$0x1A0];
	vm13 =	vgt.s32 v30, v52;
	vm14 =	vgt.s32 v42, v43;
	vm15 =	vgt.s32 v39, v40  }
0xac: {  	v63 =	vld [tilespmem:$0x20];
	vm12 =	vgt.s32 v36, v41;
	v56 =	vsel vm13, v30, v52;
	v57 =	vsel vm14, v42, v43  }
0xad: {  	[tilespmem:$0x1FEC0] =	vst v44;
	v6 =	vld [tilespmem:$0xA0];
	v44 =	vsel vm15, v39, v40;
	vm13 =	vgt.s32 v37, v38;
	vm14 =	vgt.s32 v53, v54  }
0xae: {  	v11 =	vld [tilespmem:$0x2A0];
	v58 =	vsel vm12, v36, v41;
	v59 =	vsel vm13, v37, v38;
	v0 =	vsel vm14, v53, v54  }
0xaf: {  	vm15 =	vgt.s32 v55, v56;
	vm12 =	vgt.s32 v57, v44;
	vm13 =	vgt.s32 v58, v59  }
0xb0: {  	v60 =	vsel vm15, v55, v56;
	v61 =	vsel vm12, v57, v44;
	vm12 =	vlt.s32 v23, v35  }
0xb1: {  	v12 =	vld [tilespmem:$0x320];
	v32 =	vor.u32 $0xF, v63;
	v23 =	vand.u32 $0xFFFFFFF0, v8;
	v62 =	vsel vm13, v58, v59  }
0xb2: {  	v10 =	vld [tilespmem:$0x220];
	vm7 =	vgt.s32 v0, v60;
	vm13 =	vlt.s32 v19, v35;
	v25 =	vand.u32 $0xFFFFFFF0, v6  }
0xb3: {  	v63 =	vld [tilespmem:$0x720];
	v28 =	vor.u32 $0xD, v23;
	v19 =	vand.u32 $0xFFFFFFF0, v9;
	v59 =	vand.u32 $0xFFFFFFF0, v11  }
0xb4: {  	v58 =	vld [tilespmem:$0x620];
	vm8 =	vgt.s32 v61, v62;
	v0 =	vsel vm7, v0, v60;
	vm7 =	vlt.s32 v21, v35  }
0xb5: {  	v25 =	vor.u32 $0xE, v25;
	v33 =	vor.u32 $0xC, v19;
	v7 =	vsel vm8, v61, v62  }
0xb6: {  	v60 =	vld [tilespmem:$0x6A0];
	v29 =	vor.u32 $0xA, v59;
	v61 =	vand.u32 $0xFFFFFFF0, v12;
	vm14 =	vgt.s32 v0, v7  }
0xb7: {  	vm8 =	vlt.s32 v20, v35;
	v34 =	vor.u32 $0x9, v61;
	v44 =	vsel vm14, v0, v7  }
0xb8: {  	[tilespmem:$0x1FEE0] =	vst v17;
	v0 =	vand.u32 $0xFFFFFFF0, v10;
	v17 =	vand.u32 $0xFFFFFFF0, v63;
	vm14 =	veq.s32 v13, v44  }
0xb9: {  	vm15 =	veq.s32 v14, v44;
	v26 =	vor.u32 $0xB, v0;
	v16 =	vand.u32 $0xFFFFFFF0, v58  }
0xba: {  	v12 =	vld [tilespmem:$0x7A0];
	v18 =	vor.u32 $0x1, v17;
	v1 =	vsel vm14, $0xFFFFFFFF, v13;
	v3 =	vsel vm15, $0xFFFFFFFF, v14  }
0xbb: {  	vm14 =	veq.s32 v15, v44;
	vm15 =	veq.s32 v50, v44;
	v13 =	vld [tilespmem:$0x3A0];
	v2 =	vand.u32 $0xFFFFFFF0, v60  }
0xbc: {  	v14 =	vld [tilespmem:$0x420];
	v8 =	vor.u32 $0x3, v16;
	v45 =	vsel vm14, $0xFFFFFFFF, v15;
	vm14 =	veq.s32 v49, v44  }
0xbd: {  	v56 =	vld [tilespmem:$0x520];
	v47 =	vsel vm15, $0xFFFFFFFF, v50;
	vm15 =	veq.s32 v52, v44;
	v7 =	vor.u32 $0x2, v2  }
0xbe: {  	v15 =	vld [tilespmem:$0x4A0];
	v46 =	vsel vm14, $0xFFFFFFFF, v49;
	vm14 =	veq.s32 v51, v44;
	v50 =	vsel vm15, $0xFFFFFFFF, v52  }
0xbf: {  	v57 =	vld [tilespmem:$0x5A0];
	vm15 =	vgt.s32 v26, v29;
	v48 =	vsel vm14, $0xFFFFFFFF, v51;
	vm14 =	veq.s32 v30, v44  }
0xc0: {  	v19 =	vand.u32 $0xFFFFFFF0, v12;
	v22 =	vsel vm15, v26, v29;
	v49 =	vsel vm14, $0xFFFFFFFF, v30  }
0xc1: {  	vm14 =	vgt.s32 v32, v25;
	v62 =	vand.u32 $0xFFFFFFF0, v13;
	v11 =	vand.u32 $0xFFFFFFF0, v14  }
0xc2: {  	v14 =	vand.u32 $0xFFFFFFF0, v56;
	v20 =	vsel vm14, v32, v25;
	vm14 =	vgt.s32 v28, v33  }
0xc3: {  	v27 =	vor.u32 $0x8, v62;
	v30 =	vor.u32 $0x7, v11;
	v13 =	vand.u32 $0xFFFFFFF0, v15  }
0xc4: {  	v9 =	vor.u32 $0x5, v14;
	v15 =	vand.u32 $0xFFFFFFF0, v57;
	v21 =	vsel vm14, v28, v33  }
0xc5: {  	v31 =	vor.u32 $0x6, v13;
	v24 =	vor.u32 $0x4, v15;
	vm14 =	vgt.s32 v34, v27  }
0xc6: {  	v23 =	vsel vm14, v34, v27;
	vm14 =	vgt.s32 v30, v31;
	vm15 =	vgt.s32 v9, v24  }
0xc7: {  	v60 =	vsel vm14, v30, v31;
	v61 =	vsel vm15, v9, v24;
	vm14 =	vgt.s32 v8, v7  }
0xc8: {  	vm15 =	vgt.s32 v20, v21;
	v55 =	vsel vm14, v8, v7;
	vm14 =	vgt.s32 v18, v19  }
0xc9: {  	v0 =	vsel vm15, v20, v21;
	v56 =	vsel vm14, v18, v19;
	vm14 =	vgt.s32 v22, v23  }
0xca: {  	v62 =	vsel vm14, v22, v23;
	vm14 =	vgt.s32 v60, v61;
	vm15 =	vgt.s32 v55, v56  }
0xcb: {  	v63 =	vsel vm14, v60, v61;
	vm14 =	vgt.s32 v1, v3;
	v10 =	vsel vm15, v55, v56  }
0xcc: {  	v5 =	vsel vm14, v1, v3;
	vm14 =	vgt.s32 v0, v62;
	vm15 =	vgt.s32 v63, v10  }
0xcd: {  	v0 =	vsel vm14, v0, v62;
	vm14 =	vgt.s32 v45, v46;
	v11 =	vsel vm15, v63, v10  }
0xce: {  	v3 =	vsel vm14, v45, v46;
	vm14 =	vgt.s32 v47, v48;
	vm15 =	vgt.s32 v0, v11  }
0xcf: {  	v45 =	vsel vm14, v47, v48;
	vm14 =	vgt.s32 v49, v50;
	v0 =	vsel vm15, v0, v11  }
0xd0: {  	v46 =	vsel vm14, v49, v50;
	vm14 =	veq.s32 v32, v0;
	vm15 =	veq.s32 v25, v0  }
0xd1: {  	v2 =	vsel vm14, $0xFFFFFFFF, v32;
	v47 =	vsel vm15, $0xFFFFFFFF, v25;
	vm14 =	veq.s32 v28, v0  }
0xd2: {  	vm15 =	veq.s32 v26, v0;
	v12 =	vsel vm14, $0xFFFFFFFF, v28;
	vm14 =	veq.s32 v33, v0  }
0xd3: {  	v14 =	vsel vm15, $0xFFFFFFFF, v26;
	vm15 =	veq.s32 v27, v0;
	v13 =	vsel vm14, $0xFFFFFFFF, v33  }
0xd4: {  	vm14 =	veq.s32 v29, v0;
	v53 =	vsel vm15, $0xFFFFFFFF, v27;
	vm15 =	veq.s32 v9, v0  }
0xd5: {  	v10 =	vsel vm14, $0xFFFFFFFF, v29;
	vm14 =	veq.s32 v34, v0;
	v15 =	vsel vm15, $0xFFFFFFFF, v9  }
0xd6: {  	v11 =	vsel vm14, $0xFFFFFFFF, v34;
	vm14 =	veq.s32 v30, v0;
	vm15 =	vgt.s32 v14, v10  }
0xd7: {  	v54 =	vsel vm14, $0xFFFFFFFF, v30;
	vm14 =	veq.s32 v31, v0;
	v59 =	vsel vm15, v14, v10  }
0xd8: {  	vm15 =	veq.s32 v24, v0;
	v55 =	vsel vm14, $0xFFFFFFFF, v31;
	vm14 =	vgt.s32 v2, v47  }
0xd9: {  	v16 =	vsel vm15, $0xFFFFFFFF, v24;
	v57 =	vsel vm14, v2, v47;
	vm14 =	vgt.s32 v12, v13  }
0xda: {  	vm15 =	veq.s32 v8, v0;
	v58 =	vsel vm14, v12, v13;
	vm14 =	vgt.s32 v11, v53  }
0xdb: {  	v17 =	vsel vm15, $0xFFFFFFFF, v8;
	v60 =	vsel vm14, v11, v53;
	vm14 =	vgt.s32 v57, v58  }
0xdc: {  	vm15 =	veq.s32 v18, v0;
	v57 =	vsel vm14, v57, v58;
	vm14 =	vgt.s32 v59, v60  }
0xdd: {  	v62 =	vsel vm15, $0xFFFFFFFF, v18;
	v59 =	vsel vm14, v59, v60;
	vm14 =	veq.s32 v7, v0  }
0xde: {  	vm15 =	vgt.s32 v15, v16;
	v61 =	vsel vm14, $0xFFFFFFFF, v7;
	vm14 =	vgt.s32 v54, v55  }
0xdf: {  	[tilespmem:$0x1FFE0] =	vst v18;
	v18 =	vsel vm15, v15, v16;
	v63 =	vsel vm14, v54, v55;
	vm14 =	veq.s32 v19, v0  }
0xe0: {  	[tilespmem:$0x1FFA0] =	vst v4;
	vm15 =	vgt.s32 v17, v61;
	v4 =	vsel vm14, $0xFFFFFFFF, v19;
	vm14 =	vgt.s32 v63, v18  }
0xe1: {  	[tilespmem:$0x1FFF0] =	vst v19;
	v20 =	vsel vm15, v17, v61;
	v19 =	vsel vm14, v63, v18;
	vm14 =	vgt.s32 v62, v4  }
0xe2: {  	vm15 =	veq.s32 v42, v44;
	v21 =	vsel vm14, v62, v4;
	vm14 =	veq.s32 v43, v44  }
0xe3: {  	v42 =	vsel vm15, $0xFFFFFFFF, v42;
	v43 =	vsel vm14, $0xFFFFFFFF, v43;
	vm14 =	vgt.s32 v20, v21  }
0xe4: {  	vm15 =	vgt.s32 v57, v59;
	v0 =	vsel vm14, v20, v21;
	vm14 =	vgt.s32 v42, v43  }
0xe5: {  	v22 =	vsel vm15, v57, v59;
	v42 =	vsel vm14, v42, v43;
	vm14 =	vgt.s32 v19, v0  }
0xe6: {  	vm15 =	veq.s32 v40, v44;
	v0 =	vsel vm14, v19, v0;
	vm14 =	veq.s32 v39, v44  }
0xe7: {  	v57 =	vsel vm15, $0xFFFFFFFF, v40;
	v23 =	vsel vm14, $0xFFFFFFFF, v39;
	vm14 =	veq.s32 v36, v44  }
0xe8: {  	vm15 =	veq.s32 v37, v44;
	v36 =	vsel vm14, $0xFFFFFFFF, v36;
	vm14 =	veq.s32 v41, v44  }
0xe9: {  	v37 =	vsel vm15, $0xFFFFFFFF, v37;
	v59 =	vsel vm14, $0xFFFFFFFF, v41;
	vm14 =	veq.s32 v38, v44  }
0xea: {  	v38 =	vsel vm14, $0xFFFFFFFF, v38;
	vm14 =	vgt.s32 v23, v57;
	vm15 =	vgt.s32 v36, v59  }
0xeb: {  	v39 =	vsel vm14, v23, v57;
	v36 =	vsel vm15, v36, v59;
	vm14 =	vgt.s32 v22, v0  }
0xec: {  	vm15 =	vgt.s32 v37, v38;
	v63 =	vsel vm14, v22, v0;
	vm14 =	vgt.s32 v5, v3  }
0xed: {  	v37 =	vsel vm15, v37, v38;
	v5 =	vsel vm14, v5, v3;
	vm14 =	veq.s32 v2, v63  }
0xee: {  	vm15 =	veq.s32 v12, v63;
	v0 =	vsel vm14, $0xFFFFFFFF, v2;
	vm14 =	veq.s32 v47, v63  }
0xef: {  	v2 =	vsel vm15, $0xFFFFFFFF, v12;
	v1 =	vsel vm14, $0xFFFFFFFF, v47;
	vm14 =	veq.s32 v13, v63  }
0xf0: {  	vm15 =	veq.s32 v10, v63;
	v12 =	vsel vm14, $0xFFFFFFFF, v13;
	vm14 =	veq.s32 v14, v63  }
0xf1: {  	v13 =	vsel vm14, $0xFFFFFFFF, v14;
	v14 =	vsel vm15, $0xFFFFFFFF, v10;
	vm14 =	veq.s32 v11, v63  }
0xf2: {  	[tilespmem:$0x1FFC0] =	vst v8;
	vm15 =	veq.s32 v54, v63;
	v8 =	vsel vm14, $0xFFFFFFFF, v11;
	vm14 =	veq.s32 v53, v63  }
0xf3: {  	[tilespmem:$0x1FFB0] =	vst v9;
	v9 =	vsel vm15, $0xFFFFFFFF, v54;
	v6 =	vsel vm14, $0xFFFFFFFF, v53;
	vm14 =	veq.s32 v55, v63  }
0xf4: {  	[tilespmem:$0x1FFD0] =	vst v7;
	vm15 =	veq.s32 v16, v63;
	v7 =	vsel vm14, $0xFFFFFFFF, v55;
	vm14 =	veq.s32 v15, v63  }
0xf5: {  	v58 =	vsel vm15, $0xFFFFFFFF, v16;
	v59 =	vsel vm14, $0xFFFFFFFF, v15;
	vm14 =	veq.s32 v17, v63  }
0xf6: {  	vm15 =	veq.s32 v62, v63;
	v55 =	vsel vm14, $0xFFFFFFFF, v17;
	vm14 =	veq.s32 v61, v63  }
0xf7: {  	v54 =	vsel vm15, $0xFFFFFFFF, v62;
	v56 =	vsel vm14, $0xFFFFFFFF, v61;
	vm14 =	veq.s32 v4, v63  }
0xf8: {  	vm15 =	vgt.s32 v2, v12;
	v57 =	vsel vm14, $0xFFFFFFFF, v4;
	vm14 =	vgt.s32 v0, v1  }
0xf9: {  	v16 =	vsel vm15, v2, v12;
	v15 =	vsel vm14, v0, v1;
	vm14 =	vgt.s32 v13, v14  }
0xfa: {  	vm15 =	vgt.s32 v9, v7;
	v17 =	vsel vm14, v13, v14;
	vm14 =	vgt.s32 v8, v6  }
0xfb: {  	v19 =	vsel vm15, v9, v7;
	v18 =	vsel vm14, v8, v6;
	vm14 =	vgt.s32 v59, v58  }
0xfc: {  	v10 =	vld [tilespmem:$0x230];
	vm15 =	vgt.s32 v15, v16;
	v20 =	vsel vm14, v59, v58;
	vm14 =	vgt.s32 v55, v56  }
0xfd: {  	v4 =	vsel vm15, v15, v16;
	vm15 =	vgt.s32 v17, v18;
	v21 =	vsel vm14, v55, v56  }
0xfe: {  	v51 =	vld [tilespmem:$0x130];
	vm14 =	vgt.s32 v54, v57;
	v49 =	vsel vm15, v17, v18;
	vm15 =	vgt.s32 v45, v46  }
0xff: {  	v16 =	vld [tilespmem:$0x2B0];
	v22 =	vsel vm14, v54, v57;
	vm14 =	vgt.s32 v19, v20;
	v45 =	vsel vm15, v45, v46  }
0x100: {  	vm15 =	vgt.s32 v42, v39;
	v23 =	vsel vm14, v19, v20;
	vm14 =	vgt.s32 v21, v22  }
0x101: {  	v11 =	vld [tilespmem:$0x530];
	v39 =	vsel vm15, v42, v39;
	vm15 =	vgt.s32 v5, v45;
	v42 =	vand.u32 $0xFFFFFFF0, v10  }
0x102: {  	v50 =	vld [tilespmem:$0xB0];
	v40 =	vsel vm14, v21, v22;
	vm14 =	vgt.s32 v4, v49;
	v52 =	vsel vm15, v5, v45  }
0x103: {  	v20 =	vld [tilespmem:$0x3B0];
	v5 =	vand.u32 $0xFFFFFFF0, v51;
	v4 =	vsel vm14, v4, v49;
	vm14 =	vgt.s32 v23, v40  }
0x104: {  	v22 =	vld [tilespmem:$0x430];
	v16 =	vand.u32 $0xFFFFFFF0, v16;
	v40 =	vsel vm14, v23, v40;
	vm14 =	vgt.s32 v36, v37  }
0x105: {  	v38 =	vor.u32 $0xD, v5;
	v36 =	vsel vm14, v36, v37;
	vm14 =	vgt.s32 v4, v40  }
0x106: {  	v49 =	vld [tilespmem:$0x30];
	v5 =	vand.u32 $0xFFFFFFF0, v11;
	v60 =	vsel vm14, v4, v40;
	vm14 =	vgt.s32 v39, v36  }
0x107: {  	v4 =	vand.u32 $0xFFFFFFF0, v50;
	v50 =	vor.u32 $0xA, v16;
	v53 =	vsel vm14, v39, v36  }
0x108: {  	vm14 =	veq.s32 v0, v60;
	vm15 =	veq.s32 v2, v60;
	v40 =	vor.u32 $0xE, v4  }
0x109: {  	v10 =	vld [tilespmem:$0x7B0];
	v39 =	vand.u32 $0xFFFFFFF0, v20;
	v3 =	vand.u32 $0xFFFFFFF0, v22;
	v22 =	vor.u32 $0x5, v5  }
0x10a: {  	v63 =	vsel vm14, $0xFFFFFFFF, v0;
	vm14 =	veq.s32 v1, v60;
	v2 =	vsel vm15, $0xFFFFFFFF, v2  }
0x10b: {  	v0 =	vld [tilespmem:$0x1B0];
	vm15 =	veq.s32 v14, v60;
	v37 =	vor.u32 $0xF, v49;
	v49 =	vor.u32 $0xB, v42  }
0x10c: {  	v46 =	vor.u32 $0x8, v39;
	v1 =	vsel vm14, $0xFFFFFFFF, v1;
	vm14 =	veq.s32 v12, v60  }
0x10d: {  	v23 =	vld [tilespmem:$0x4B0];
	v47 =	vor.u32 $0x7, v3;
	v15 =	vsel vm14, $0xFFFFFFFF, v12;
	vm14 =	veq.s32 v13, v60  }
0x10e: {  	v19 =	vld [tilespmem:$0x330];
	v39 =	vand.u32 $0xFFFFFFF0, v10;
	v17 =	vsel vm14, $0xFFFFFFFF, v13;
	vm14 =	vgt.s32 v63, v1  }
0x10f: {  	v18 =	vsel vm15, $0xFFFFFFFF, v14;
	v13 =	vld [tilespmem:$0x5B0];
	v61 =	vsel vm14, v63, v1;
	vm14 =	vgt.s32 v2, v15  }
0x110: {  	v21 =	vand.u32 $0xFFFFFFF0, v0;
	v63 =	vsel vm14, v2, v15;
	vm14 =	vgt.s32 v37, v40  }
0x111: {  	v15 =	vld [tilespmem:$0x630];
	v36 =	vor.u32 $0xC, v21;
	v12 =	vsel vm14, v37, v40;
	vm14 =	vgt.s32 v17, v18  }
0x112: {  	v4 =	vand.u32 $0xFFFFFFF0, v23;
	vm15 =	vgt.s32 v38, v36;
	v62 =	vsel vm14, v17, v18;
	v17 =	vld [tilespmem:$0x6B0]  }
0x113: {  	v48 =	vor.u32 $0x6, v4;
	v18 =	vand.u32 $0xFFFFFFF0, v19;
	v19 =	vld [tilespmem:$0x730];
	v14 =	vsel vm15, v38, v36  }
0x114: {  	v51 =	vor.u32 $0x9, v18;
	v11 =	vand.u32 $0xFFFFFFF0, v13;
	vm14 =	vgt.s32 v12, v14  }
0x115: {  	v43 =	vor.u32 $0x4, v11;
	vm15 =	vgt.s32 v51, v46;
	v41 =	vsel vm14, v12, v14  }
0x116: {  	v12 =	vand.u32 $0xFFFFFFF0, v15;
	vm14 =	vgt.s32 v49, v50;
	v15 =	vsel vm15, v51, v46  }
0x117: {  	vm15 =	vgt.s32 v22, v43;
	v44 =	vor.u32 $0x3, v12;
	v14 =	vsel vm14, v49, v50  }
0x118: {  	vm14 =	vgt.s32 v47, v48;
	v13 =	vand.u32 $0xFFFFFFF0, v17;
	v0 =	vand.u32 $0xFFFFFFF0, v19  }
0x119: {  	v16 =	vsel vm14, v47, v48;
	v45 =	vor.u32 $0x2, v13;
	v23 =	vor.u32 $0x1, v0  }
0x11a: {  	v17 =	vsel vm15, v22, v43;
	vm14 =	vgt.s32 v44, v45;
	vm15 =	vgt.s32 v23, v39  }
0x11b: {  	v18 =	vsel vm14, v44, v45;
	vm14 =	vgt.s32 v14, v15;
	v0 =	vsel vm15, v23, v39  }
0x11c: {  	v4 =	vsel vm14, v14, v15;
	vm14 =	vgt.s32 v16, v17;
	vm15 =	vgt.s32 v18, v0  }
0x11d: {  	v2 =	vsel vm14, v16, v17;
	v0 =	vsel vm15, v18, v0;
	vm14 =	vgt.s32 v41, v4  }
0x11e: {  	v19 =	vsel vm14, v41, v4;
	vm14 =	veq.s32 v8, v60;
	vm15 =	vgt.s32 v2, v0  }
0x11f: {  	v0 =	vsel vm15, v2, v0;
	v20 =	vsel vm14, $0xFFFFFFFF, v8;
	vm14 =	veq.s32 v6, v60  }
0x120: {  	vm15 =	veq.s32 v7, v60;
	v21 =	vsel vm14, $0xFFFFFFFF, v6;
	vm14 =	veq.s32 v9, v60  }
0x121: {  	v42 =	vsel vm15, $0xFFFFFFFF, v7;
	v41 =	vsel vm14, $0xFFFFFFFF, v9;
	vm14 =	vgt.s32 v19, v0  }
0x122: {  	v0 =	vsel vm14, v19, v0;
	vm14 =	vgt.s32 v20, v21;
	vm15 =	vgt.s32 v41, v42  }
0x123: {  	v20 =	vsel vm14, v20, v21;
	v21 =	vsel vm15, v41, v42;
	vm14 =	veq.s32 v37, v0  }
0x124: {  	vm15 =	veq.s32 v40, v0;
	v13 =	vsel vm14, $0xFFFFFFFF, v37;
	vm14 =	veq.s32 v38, v0  }
0x125: {  	v14 =	vsel vm15, $0xFFFFFFFF, v40;
	vm15 =	veq.s32 v36, v0;
	v16 =	vsel vm14, $0xFFFFFFFF, v38  }
0x126: {  	vm14 =	veq.s32 v49, v0;
	v17 =	vsel vm15, $0xFFFFFFFF, v36;
	vm15 =	veq.s32 v50, v0  }
0x127: {  	v18 =	vsel vm14, $0xFFFFFFFF, v49;
	vm14 =	veq.s32 v51, v0;
	v19 =	vsel vm15, $0xFFFFFFFF, v50  }
0x128: {  	vm15 =	veq.s32 v46, v0;
	v41 =	vsel vm14, $0xFFFFFFFF, v51;
	vm14 =	vgt.s32 v13, v14  }
0x129: {  	v42 =	vsel vm15, $0xFFFFFFFF, v46;
	vm15 =	vgt.s32 v16, v17;
	v8 =	vsel vm14, v13, v14  }
0x12a: {  	vm14 =	vgt.s32 v18, v19;
	v9 =	vsel vm15, v16, v17;
	vm15 =	vgt.s32 v41, v42  }
0x12b: {  	v10 =	vsel vm14, v18, v19;
	vm14 =	vgt.s32 v8, v9;
	v11 =	vsel vm15, v41, v42  }
0x12c: {  	v15 =	vsel vm14, v8, v9;
	vm14 =	veq.s32 v59, v60;
	vm15 =	vgt.s32 v10, v11  }
0x12d: {  	v5 =	vsel vm15, v10, v11;
	v4 =	vsel vm14, $0xFFFFFFFF, v59;
	vm14 =	veq.s32 v47, v0  }
0x12e: {  	vm15 =	veq.s32 v48, v0;
	v12 =	vsel vm14, $0xFFFFFFFF, v47;
	vm14 =	veq.s32 v22, v0  }
0x12f: {  	v59 =	vsel vm15, $0xFFFFFFFF, v48;
	vm15 =	veq.s32 v43, v0;
	v7 =	vsel vm14, $0xFFFFFFFF, v22  }
0x130: {  	vm14 =	veq.s32 v44, v0;
	v10 =	vsel vm15, $0xFFFFFFFF, v43;
	vm15 =	veq.s32 v45, v0  }
0x131: {  	v8 =	vsel vm14, $0xFFFFFFFF, v44;
	vm14 =	veq.s32 v23, v0;
	v9 =	vsel vm15, $0xFFFFFFFF, v45  }
0x132: {  	vm15 =	veq.s32 v39, v0;
	v11 =	vsel vm14, $0xFFFFFFFF, v23;
	vm14 =	vgt.s32 v12, v59  }
0x133: {  	v6 =	vsel vm15, $0xFFFFFFFF, v39;
	vm15 =	vgt.s32 v7, v10;
	v3 =	vsel vm14, v12, v59  }
0x134: {  	vm14 =	vgt.s32 v8, v9;
	v2 =	vsel vm15, v7, v10;
	vm15 =	vgt.s32 v11, v6  }
0x135: {  	v1 =	vsel vm14, v8, v9;
	vm14 =	veq.s32 v58, v60;
	v0 =	vsel vm15, v11, v6  }
0x136: {  	v58 =	vsel vm14, $0xFFFFFFFF, v58;
	vm14 =	vgt.s32 v3, v2;
	vm15 =	vgt.s32 v1, v0  }
0x137: {  	v2 =	vsel vm14, v3, v2;
	v0 =	vsel vm15, v1, v0;
	vm14 =	vgt.s32 v4, v58  }
0x138: {  	v1 =	vsel vm14, v4, v58;
	vm14 =	vgt.s32 v15, v5;
	vm15 =	vgt.s32 v2, v0  }
0x139: {  	v3 =	vsel vm14, v15, v5;
	v0 =	vsel vm15, v2, v0;
	vm14 =	veq.s32 v55, v60  }
0x13a: {  	vm15 =	veq.s32 v54, v60;
	v2 =	vsel vm14, $0xFFFFFFFF, v55;
	vm14 =	veq.s32 v56, v60  }
0x13b: {  	v55 =	vsel vm14, $0xFFFFFFFF, v56;
	vm14 =	veq.s32 v57, v60;
	v56 =	vsel vm15, $0xFFFFFFFF, v54  }
0x13c: {  	vm15 =	vgt.s32 v3, v0;
	v58 =	vsel vm14, $0xFFFFFFFF, v57;
	vm14 =	vgt.s32 v2, v55  }
0x13d: {  	v0 =	vsel vm15, v3, v0;
	v2 =	vsel vm14, v2, v55;
	vm14 =	vgt.s32 v56, v58  }
0x13e: {  	vm15 =	veq.s32 v13, v0;
	v60 =	vsel vm14, v56, v58;
	vm14 =	vgt.s32 v61, v63  }
0x13f: {  	v5 =	vsel vm15, $0xFFFFFFFF, v13;
	v4 =	vsel vm14, v61, v63;
	vm14 =	veq.s32 v14, v0  }
0x140: {  	vm15 =	veq.s32 v17, v0;
	v13 =	vsel vm14, $0xFFFFFFFF, v14;
	vm14 =	veq.s32 v16, v0  }
0x141: {  	v15 =	vsel vm15, $0xFFFFFFFF, v17;
	v14 =	vsel vm14, $0xFFFFFFFF, v16;
	vm14 =	vgt.s32 v62, v20  }
0x142: {  	v16 =	vsel vm14, v62, v20;
	vm14 =	vgt.s32 v5, v13;
	vm15 =	vgt.s32 v14, v15  }
0x143: {  	v61 =	vsel vm14, v5, v13;
	vm14 =	vgt.s32 v21, v1;
	v62 =	vsel vm15, v14, v15  }
0x144: {  	v1 =	vsel vm14, v21, v1;
	vm14 =	vgt.s32 v2, v60;
	vm15 =	vgt.s32 v61, v62  }
0x145: {  	v2 =	vsel vm14, v2, v60;
	v3 =	vsel vm15, v61, v62;
	vm14 =	veq.s32 v18, v0  }
0x146: {  	vm15 =	veq.s32 v41, v0;
	v17 =	vsel vm14, $0xFFFFFFFF, v18;
	vm14 =	veq.s32 v19, v0  }
0x147: {  	v18 =	vsel vm14, $0xFFFFFFFF, v19;
	v19 =	vsel vm15, $0xFFFFFFFF, v41  }
0x148: {  	vm14 =	veq.s32 v42, v0;
	vm15 =	veq.s32 v59, v0;
	v41 =	vimm.f32 $2.500000000e-01  }
0x149: {  	v20 =	vsel vm14, $0xFFFFFFFF, v42;
	vm14 =	veq.s32 v12, v0;
	v21 =	vsel vm15, $0xFFFFFFFF, v59  }
0x14a: {  	vm15 =	veq.s32 v8, v0;
	v42 =	vsel vm3, $0x0, v41;
	v55 =	vsel vm1, $0x0, v41  }
0x14b: {  	v12 =	vsel vm14, $0xFFFFFFFF, v12;
	vm14 =	veq.s32 v7, v0;
	v8 =	vsel vm15, $0xFFFFFFFF, v8  }
0x14c: {  	vm15 =	veq.s32 v6, v0;
	v7 =	vsel vm14, $0xFFFFFFFF, v7;
	vm14 =	veq.s32 v10, v0  }
0x14d: {  	v54 =	vsel vm15, $0xFFFFFFFF, v6;
	v10 =	vsel vm14, $0xFFFFFFFF, v10;
	vm14 =	veq.s32 v9, v0  }
0x14e: {  	vm15 =	vgt.s32 v19, v20;
	v9 =	vsel vm14, $0xFFFFFFFF, v9;
	vm14 =	veq.s32 v11, v0  }
0x14f: {  	v6 =	vsel vm15, v19, v20;
	v11 =	vsel vm14, $0xFFFFFFFF, v11;
	vm14 =	vgt.s32 v17, v18  }
0x150: {  	vm15 =	vgt.s32 v7, v10;
	v0 =	vsel vm14, v17, v18;
	vm14 =	vgt.s32 v12, v21  }
0x151: {  	v60 =	vsel vm15, v7, v10;
	v63 =	vsel vm14, v12, v21;
	vm14 =	vgt.s32 v8, v9  }
0x152: {  	vm15 =	vgt.s32 v11, v54;
	v61 =	vsel vm14, v8, v9;
	vm14 =	vgt.s32 v0, v6  }
0x153: {  	v62 =	vsel vm15, v11, v54;
	v0 =	vsel vm14, v0, v6;
	vm14 =	vgt.s32 v63, v60  }
0x154: {  	vm15 =	vgt.s32 v61, v62;
	v63 =	vsel vm14, v63, v60;
	vm14 =	vgt.s32 v4, v16  }
0x155: {  	v56 =	vsel vm15, v61, v62;
	v60 =	vsel vm6, $0x0, v41;
	v4 =	vsel vm14, v4, v16  }
0x156: {  	v58 =	vld [tilespmem:$0x1FE90];
	vm14 =	vgt.s32 v3, v0;
	vm15 =	vgt.s32 v63, v56;
	[tilespmem:$0x800] =	vst v60;
	v60 =	vsel vm12, $0x0, v41  }
0x157: {  	v61 =	vld [tilespmem:$0x1FEA0];
	v0 =	vsel vm14, v3, v0;
	v57 =	vsel vm15, v63, v56;
	vm14 =	vgt.s32 v1, v2  }
0x158: {  	[tilespmem:$0x980] =	vst v42;
	v42 =	vld [tilespmem:$0x1FEC0];
	v63 =	vsel vm5, $0x0, v41;
	v56 =	vsel vm0, $0x0, v41;
	v1 =	vsel vm14, v1, v2  }
0x159: {  	vm14 =	vgt.s32 v52, v53;
	vm15 =	vgt.s32 v0, v57;
	[tilespmem:$0x880] =	vst v63;
	v63 =	vsel vm13, $0x0, v41  }
0x15a: {  	v6 =	vsel vm14, v52, v53;
	v0 =	vsel vm15, v0, v57;
	vm14 =	vgt.s32 v4, v1  }
0x15b: {  	v53 =	vsel vm2, $0x0, v41;
	v52 =	vsel vm14, v4, v1;
	vm14 =	vlt.s32 v58, v35  }
0x15c: {  	vm15 =	veq.s32 v5, v0;
	vm6 =	vlt.s32 v61, v35;
	vm5 =	veq.s32 v14, v0  }
0x15d: {  	[tilespmem:$0xB00] =	vst v56;
	vm12 =	vlt.s32 v42, v6;
	v59 =	vsel vm15, $0xFFFFFFFF, v5;
	vm15 =	veq.s32 v13, v0  }
0x15e: {  	v56 =	vld [tilespmem:$0x1FED0];
	[tilespmem:$0xA00] =	vst v53;
	v16 =	vsel vm5, $0xFFFFFFFF, v14;
	vm5 =	veq.s32 v18, v0;
	v53 =	vsel vm6, $0x0, v41  }
0x15f: {  	vm6 =	veq.s32 v7, v0;
	v62 =	vsel vm15, $0xFFFFFFFF, v13;
	vm15 =	veq.s32 v15, v0  }
0x160: {  	[tilespmem:$0xA80] =	vst v55;
	v13 =	vsel vm4, $0x0, v41;
	vm4 =	veq.s32 v17, v0;
	v58 =	vsel vm5, $0xFFFFFFFF, v18  }
0x161: {  	[tilespmem:$0xC80] =	vst v63;
	v63 =	vld [tilespmem:$0x1FF00];
	v18 =	vsel vm7, $0x0, v41;
	v7 =	vsel vm6, $0xFFFFFFFF, v7;
	vm7 =	veq.s32 v10, v0  }
0x162: {  	[tilespmem:$0xC00] =	vst v60;
	v35 =	vsel vm15, $0xFFFFFFFF, v15;
	vm3 =	vgt.s32 v59, v62;
	v57 =	vsel vm4, $0xFFFFFFFF, v17  }
0x163: {  	[tilespmem:$0xF80] =	vst v53;
	vm4 =	veq.s32 v20, v0;
	v17 =	vsel vm8, $0x0, v41;
	vm13 =	vlt.s32 v56, v6  }
0x164: {  	[tilespmem:$0x900] =	vst v13;
	v5 =	vsel vm7, $0xFFFFFFFF, v10;
	vm15 =	vgt.s32 v16, v35;
	v1 =	vsel vm3, v59, v62  }
0x165: {  	[tilespmem:$0xE00] =	vst v18;
	v59 =	vsel vm11, $0x0, v41;
	v62 =	vsel vm4, $0xFFFFFFFF, v20;
	vm5 =	vgt.s32 v57, v58  }
0x166: {  	[tilespmem:$0xD80] =	vst v17;
	v20 =	vsel vm9, $0x0, v41;
	vm4 =	veq.s32 v21, v0;
	vm8 =	vlt.s32 v63, v6  }
0x167: {  	vm9 =	veq.s32 v8, v0;
	v2 =	vsel vm15, v16, v35;
	[tilespmem:$0xB80] =	vst v59;
	vm15 =	veq.s32 v19, v0  }
0x168: {  	v53 =	vld [tilespmem:$0x1FF50];
	v16 =	vsel vm10, $0x0, v41;
	v3 =	vsel vm5, v57, v58;
	v35 =	vsel vm14, $0x0, v41;
	[tilespmem:$0xE80] =	vst v20  }
0x169: {  	v18 =	vld [tilespmem:$0x1FF20];
	v57 =	vsel vm12, $0x0, v41;
	v59 =	vsel vm13, $0x0, v41;
	v13 =	vsel vm4, $0xFFFFFFFF, v21;
	[tilespmem:$0xD00] =	vst v16  }
0x16a: {  	v58 =	vld [tilespmem:$0x1FEE0];
	v8 =	vsel vm9, $0xFFFFFFFF, v8;
	vm10 =	veq.s32 v9, v0;
	vm12 =	veq.s32 v11, v0;
	[tilespmem:$0xF00] =	vst v35  }
0x16b: {  	v61 =	vsel vm15, $0xFFFFFFFF, v19;
	v19 =	vld [tilespmem:$0x1FEB0];
	vm15 =	veq.s32 v12, v0;
	[tilespmem:$0x890] =	vst v57;
	v16 =	vsel vm8, $0x0, v41  }
0x16c: {  	[tilespmem:$0x910] =	vst v59;
	v9 =	vsel vm10, $0xFFFFFFFF, v9;
	v10 =	vsel vm12, $0xFFFFFFFF, v11;
	v35 =	vld [tilespmem:$0x1FF40];
	vm12 =	vlt.s32 v28, v52  }
0x16d: {  	v20 =	vld [tilespmem:$0x1FF30];
	vm10 =	vlt.s32 v32, v52;
	[tilespmem:$0xA90] =	vst v16;
	vm4 =	vlt.s32 v53, v6;
	v53 =	vsel vm12, $0x0, v41  }
0x16e: {  	v17 =	vld [tilespmem:$0x1FF10];
	vm1 =	vgt.s32 v61, v62;
	vm13 =	vlt.s32 v18, v6;
	v57 =	vsel vm4, $0x0, v41;
	[tilespmem:$0x920] =	vst v53  }
0x16f: {  	v12 =	vsel vm15, $0xFFFFFFFF, v12;
	v21 =	vsel vm13, $0x0, v41;
	[tilespmem:$0xD10] =	vst v57;
	vm14 =	vlt.s32 v58, v6  }
0x170: {  	vm12 =	vgt.s32 v7, v5;
	v4 =	vsel vm1, v61, v62;
	v61 =	vld [tilespmem:$0x1FEF0];
	[tilespmem:$0xB90] =	vst v21;
	v60 =	vsel vm14, $0x0, v41  }
0x171: {  	vm11 =	vlt.s32 v19, v6;
	vm15 =	vlt.s32 v35, v6;
	v35 =	vsel vm10, $0x0, v41;
	[tilespmem:$0x990] =	vst v60  }
0x172: {  	v56 =	vld [tilespmem:$0x1FF60];
	vm4 =	vlt.s32 v34, v52;
	vm14 =	vlt.s32 v20, v6;
	v55 =	vsel vm11, $0x0, v41;
	[tilespmem:$0x820] =	vst v35  }
0x173: {  	v5 =	vsel vm12, v7, v5;
	vm11 =	vlt.s32 v17, v6;
	v42 =	vsel vm14, $0x0, v41;
	[tilespmem:$0x810] =	vst v55  }
0x174: {  	vm13 =	vlt.s32 v33, v52;
	v58 =	vld [tilespmem:$0x1FF70];
	vm10 =	veq.s32 v54, v0;
	v19 =	vsel vm11, $0x0, v41;
	[tilespmem:$0xC10] =	vst v42  }
0x175: {  	vm14 =	vlt.s32 v26, v52;
	vm5 =	vlt.s32 v61, v6;
	v55 =	vsel vm15, $0x0, v41;
	[tilespmem:$0xB10] =	vst v19  }
0x176: {  	vm11 =	vlt.s32 v25, v52;
	vm15 =	vlt.s32 v29, v52;
	v62 =	vsel vm5, $0x0, v41;
	[tilespmem:$0xC90] =	vst v55  }
0x177: {  	v20 =	vld [tilespmem:$0x1FFA0];
	vm5 =	vlt.s32 v56, v6;
	v42 =	vsel vm11, $0x0, v41;
	v55 =	vsel vm13, $0x0, v41;
	[tilespmem:$0xA10] =	vst v62  }
0x178: {  	v34 =	vld [tilespmem:$0x1FFE0];
	v56 =	vsel vm14, $0x0, v41;
	v57 =	vsel vm15, $0x0, v41;
	vm11 =	vgt.s32 v12, v13;
	[tilespmem:$0x8A0] =	vst v42  }
0x179: {  	v60 =	vld [tilespmem:$0x1FF80];
	vm13 =	vgt.s32 v8, v9;
	vm15 =	vgt.s32 v1, v2;
	vm6 =	vlt.s32 v58, v6;
	[tilespmem:$0x9A0] =	vst v55  }
0x17a: {  	v59 =	vsel vm5, $0x0, v41;
	vm5 =	vlt.s32 v27, v52;
	v58 =	vsel vm4, $0x0, v41;
	[tilespmem:$0xA20] =	vst v56  }
0x17b: {  	v62 =	vld [tilespmem:$0x1FF90];
	[tilespmem:$0xAA0] =	vst v57;
	v12 =	vsel vm11, v12, v13;
	v1 =	vsel vm15, v1, v2;
	vm4 =	vgt.s32 v3, v4  }
0x17c: {  	v61 =	vsel vm6, $0x0, v41;
	vm9 =	vlt.s32 v20, v6;
	[tilespmem:$0xD90] =	vst v59;
	vm6 =	vlt.s32 v30, v52  }
0x17d: {  	v59 =	vsel vm5, $0x0, v41;
	v20 =	vsel vm10, $0xFFFFFFFF, v54;
	[tilespmem:$0xB20] =	vst v58;
	v25 =	vsel vm4, v3, v4  }
0x17e: {  	v27 =	vld [tilespmem:$0x1FFC0];
	vm5 =	vgt.s32 v12, v5;
	vm10 =	vlt.s32 v34, v52;
	vm7 =	vlt.s32 v60, v6;
	[tilespmem:$0xE10] =	vst v61  }
0x17f: {  	v32 =	vsel vm9, $0x0, v41;
	v60 =	vsel vm6, $0x0, v41;
	v61 =	vld [tilespmem:$0x1FFB0];
	vm9 =	vlt.s32 v24, v52;
	[tilespmem:$0xBA0] =	vst v59  }
0x180: {  	vm14 =	vgt.s32 v10, v20;
	v26 =	vsel vm5, v12, v5;
	[tilespmem:$0xF90] =	vst v32;
	vm8 =	vlt.s32 v62, v6  }
0x181: {  	v3 =	vsel vm10, $0x0, v41;
	v63 =	vsel vm7, $0x0, v41;
	[tilespmem:$0xC20] =	vst v60;
	v21 =	vsel vm8, $0x0, v41  }
0x182: {  	vm7 =	vlt.s32 v31, v52;
	v24 =	vsel vm14, v10, v20;
	v31 =	vld [tilespmem:$0x1FFD0];
	[tilespmem:$0xF10] =	vst v21;
	v21 =	vsel vm13, v8, v9  }
0x183: {  	v35 =	vld [tilespmem:$0x1FFF0];
	v19 =	vsel vm9, $0x0, v41;
	[tilespmem:$0xF20] =	vst v3;
	v62 =	vsel vm7, $0x0, v41;
	vm6 =	vgt.s32 v21, v24  }
0x184: {  	[tilespmem:$0xE90] =	vst v63;
	vm7 =	vlt.s32 v27, v52;
	vm8 =	vlt.s32 v61, v52;
	v28 =	vsel vm6, v21, v24  }
0x185: {  	[tilespmem:$0xDA0] =	vst v19;
	v63 =	vsel vm8, $0x0, v41;
	vm8 =	vgt.s32 v1, v25;
	vm1 =	vgt.s32 v26, v28  }
0x186: {  	[tilespmem:$0xCA0] =	vst v62;
	v29 =	vsel vm7, $0x0, v41;
	v30 =	vsel vm8, v1, v25;
	v32 =	vsel vm1, v26, v28  }
0x187: {  	[tilespmem:$0xE20] =	vst v29;
	vm9 =	vlt.s32 v31, v52;
	vm1 =	vgt.s32 v30, v32  }
0x188: {  	vm11 =	vlt.s32 v35, v52;
	[tilespmem:$0xD20] =	vst v63;
	v33 =	vsel vm9, $0x0, v41;
	v0 =	vsel vm1, v30, v32  }
0x189: {  	v1 =	vsel vm11, $0x0, v41;
	[tilespmem:$0xEA0] =	vst v33;
	vm12 =	vlt.s32 v37, v0  }
0x18a: {  	[tilespmem:$0xFA0] =	vst v1;
	vm13 =	vlt.s32 v40, v0;
	v37 =	vsel vm12, $0x0, v41  }
0x18b: {  	vm14 =	vlt.s32 v38, v0;
	v40 =	vsel vm13, $0x0, v41;
	[tilespmem:$0x830] =	vst v37  }
0x18c: {  	vm15 =	vlt.s32 v36, v0;
	v42 =	vsel vm14, $0x0, v41;
	[tilespmem:$0x8B0] =	vst v40  }
0x18d: {  	vm4 =	vlt.s32 v49, v0;
	v52 =	vsel vm15, $0x0, v41;
	[tilespmem:$0x930] =	vst v42  }
0x18e: {  	vm5 =	vlt.s32 v50, v0;
	v53 =	vsel vm4, $0x0, v41;
	[tilespmem:$0x9B0] =	vst v52  }
0x18f: {  	vm6 =	vlt.s32 v51, v0;
	v54 =	vsel vm5, $0x0, v41;
	[tilespmem:$0xA30] =	vst v53  }
0x190: {  	vm7 =	vlt.s32 v46, v0;
	v55 =	vsel vm6, $0x0, v41;
	[tilespmem:$0xAB0] =	vst v54  }
0x191: {  	vm8 =	vlt.s32 v47, v0;
	v56 =	vsel vm7, $0x0, v41;
	[tilespmem:$0xB30] =	vst v55  }
0x192: {  	vm9 =	vlt.s32 v48, v0;
	v57 =	vsel vm8, $0x0, v41;
	[tilespmem:$0xBB0] =	vst v56  }
0x193: {  	vm10 =	vlt.s32 v22, v0;
	v58 =	vsel vm9, $0x0, v41;
	[tilespmem:$0xC30] =	vst v57  }
0x194: {  	vm11 =	vlt.s32 v43, v0;
	v59 =	vsel vm10, $0x0, v41;
	[tilespmem:$0xCB0] =	vst v58  }
0x195: {  	v60 =	vsel vm11, $0x0, v41;
	vm12 =	vlt.s32 v44, v0;
	[tilespmem:$0xD30] =	vst v59  }
0x196: {  	vm13 =	vlt.s32 v45, v0;
	[tilespmem:$0xDB0] =	vst v60;
	v61 =	vsel vm12, $0x0, v41  }
0x197: {  	vm14 =	vlt.s32 v23, v0;
	v62 =	vsel vm13, $0x0, v41;
	[tilespmem:$0xE30] =	vst v61  }
0x198: {  	vm15 =	vlt.s32 v39, v0;
	v63 =	vsel vm14, $0x0, v41;
	[tilespmem:$0xEB0] =	vst v62  }
0x199: {  	p0 =	sne.s32 s5, $0x1;
	v0 =	vsel vm15, $0x0, v41;
	[tilespmem:$0xF30] =	vst v63  }
.Ltmp0:
0x19a: {  	[tilespmem:$0xFB0] =	vst v0;
	(pc) =	sbr.rel @p0 .LBB2_1-.Ltmp0, $4  }
0x19b: {  	[hbm4b:s4+s2] =	stream.linear.scatter [tilespmem:s7], [sflag:$0x1], $0x800, $0x38;
	[tilespmem:$0x1000] =	vst v63  }
0x19c: {  	_ =	swait.ge [sflag:s6], $0x800  }
0x19d: {  	[sflag:s6] =	ssyncset.done $0x0  }
0x19e: {  	s5 =	sadd.s32 $0xFFFFFFFF, s5;
	[sflag:s6] =	ssyncadd.s32 $0xFFFFF800  }
0x19f: {  	_ =	sfence.sel $0x180000  }
0x1a0: {  	[bflag:$0x0] =	sbarrier.arrive $0xFFFF  }
0x1a1: {  	p0 =	sne.s32 s1, $0x0;
	_ =	strace $0x90000047  }
0x1a2: {  	s0 =	sadd.s32 @!p0 $0x100000, s0;
	[bflag:$0x2] =	sbarrier.arrive $0xFFFF  }
0x1a3: {  	[sflag:s0] =	ssyncadd.tile.s32 @!p0 $0x1;
	_ =	shalt  }
.Lfunc_end2:
_tile_overlayer_lowered:
.L_overlay_start_2:
0x1a4: {  	(tag) =	ssettag $0x2  }
0x1a5: {  	s0 =	rddreg [dreg:$0x0];
	s2 =	stileid.u32  }
0x1a6: {  	s1 =	rddreg [dreg:$0x1];
	p0 =	sne.s32 s2, $0x0  }
0x1a7: {  	s3 =	rddreg [dreg:$0x2];
	[bflag:$0x3] =	sbarrier.arrive $0xFFFF;
	s2 =	simm.s32 @!p0 $0x1C01  }
0x1a8: {  	[timem:s3], [sflag:s2] =	dma.local @!p0 [hbm:s0], s1  }
0x1a9: {  	s0 =	simm.s32 @!p0 $0x1  }
0x1aa: {  	_ =	swait.ge @!p0 [sflag:s0], s1  }
0x1ab: {  	s1 =	ssub.s32 @!p0 $0x0, s1;
	[sflag:s0] =	ssyncset.done @!p0 $0x0  }
0x1ac: {  	[sflag:s0] =	ssyncadd.s32 @!p0 s1  }
0x1ad: {  	[bflag:$0x3] =	sbarrier.arrive $0xFFFF  }
0x1ae: {  	_ =	shalt  }

</sc_bundles>
